<compile_context>
chip_gen: v7x
topology: tpu7x:2x2x1
jax: 0.10.2.dev20260603
libtpu: 0.0.44.dev20260713+nightly
codegen_flags: <defaults>
</compile_context>

<pallas_src>
import functools

import jax
import jax.numpy as jnp
from jax import lax
from jax.experimental import pallas as pl
from jax.experimental.pallas import tpu as pltpu
from jax.experimental.pallas import tpu_sc as plsc

NC, NS, L = 2, 16, 16
N_NNZ = 160000
NE = 10000
P = 10240
SEG = 640
CH = 80
PER_SUB = N_NNZ // NS
NCHUNK = PER_SUB // CH
BLK = 1024
HID = 256
HHID = 128

_mesh = plsc.VectorSubcoreMesh(
    core_axis_name="c", subcore_axis_name="s", num_cores=NC, num_subcores=NS
)


def _rsqrt16(x):
    i = lax.bitcast_convert_type(x, jnp.int32)
    i = jnp.int32(0x5F3759DF) - lax.shift_right_logical(i, 1)
    y = lax.bitcast_convert_type(i, jnp.float32)
    for _ in range(3):
        y = y * (1.5 - 0.5 * x * y * y)
    return y


def _fill1d(ref, n, val):
    def body(j, _):
        ref[pl.ds(j * L, L)] = jnp.full((L,), val, jnp.float32)
        return 0
    lax.fori_loop(0, n // L, body, 0)


def _cards_body(icat, cards_out, acc, didx0, didx1, onesb, workb,
                semd0, semd1):
    c = lax.axis_index("c")
    s = lax.axis_index("s")
    _fill1d(workb, SEG, 0.0)
    pltpu.sync_copy(workb, acc.at[pl.ds(s * SEG, SEG)])
    _fill1d(onesb, CH, 1.0)
    ibase = c * N_NNZ + s * PER_SUB
    plsc.subcore_barrier()
    pltpu.async_copy(icat.at[pl.ds(ibase, CH)], didx0, semd0)

    def chunk(k, _):
        nxt = k + 1

        @pl.when(jnp.logical_and(nxt < NCHUNK, nxt % 2 == 1))
        def _():
            pltpu.async_copy(icat.at[pl.ds(ibase + nxt * CH, CH)], didx1, semd1)

        @pl.when(jnp.logical_and(nxt < NCHUNK, nxt % 2 == 0))
        def _():
            pltpu.async_copy(icat.at[pl.ds(ibase + nxt * CH, CH)], didx0, semd0)

        @pl.when(k % 2 == 0)
        def _():
            pltpu.make_async_copy(icat.at[pl.ds(ibase, CH)], didx0, semd0).wait()
            pltpu.sync_copy(onesb, acc.at[didx0], add=True)

        @pl.when(k % 2 == 1)
        def _():
            pltpu.make_async_copy(icat.at[pl.ds(ibase, CH)], didx1, semd1).wait()
            pltpu.sync_copy(onesb, acc.at[didx1], add=True)

        return 0

    lax.fori_loop(0, NCHUNK, chunk, 0)
    plsc.subcore_barrier()
    pltpu.sync_copy(acc.at[pl.ds(s * SEG, SEG)], workb)
    m = c.astype(jnp.float32)

    def post(j, _):
        x = workb[pl.ds(j * L, L)]
        y = _rsqrt16(x)
        card = y * ((1.0 - m) + m * y * y)
        workb[pl.ds(j * L, L)] = jnp.where(x > 0, card, 0.0)
        return 0

    lax.fori_loop(0, SEG // L, post, 0)
    pltpu.sync_copy(workb, cards_out.at[pl.ds(c * P + s * SEG, SEG)])


_cards_call = pl.kernel(
    _cards_body,
    out_type=jax.ShapeDtypeStruct((2 * P,), jnp.float32),
    mesh=_mesh,
    scratch_types=[
        pltpu.VMEM_SHARED((P,), jnp.float32),
        pltpu.VMEM((CH,), jnp.int32),
        pltpu.VMEM((CH,), jnp.int32),
        pltpu.VMEM((CH,), jnp.float32),
        pltpu.VMEM((SEG,), jnp.float32),
        pltpu.SemaphoreType.DMA,
        pltpu.SemaphoreType.DMA,
    ],
)


def _inv_body(icat, cards, invs_out, acc, gidx, didx0, didx1, val0, val1,
              workb, semg0, semg1, semd0, semd1):
    c = lax.axis_index("c")
    s = lax.axis_index("s")
    _fill1d(workb, SEG, 0.0)
    pltpu.sync_copy(workb, acc.at[pl.ds(s * SEG, SEG)])
    gbase = (1 - c) * N_NNZ + s * PER_SUB
    dbase = c * N_NNZ + s * PER_SUB
    pltpu.sync_copy(icat.at[pl.ds(gbase, PER_SUB)], gidx)
    goff = (1 - c) * P

    def addoff(r, _):
        gidx[pl.ds(r * L, L)] = gidx[pl.ds(r * L, L)] + goff
        return 0

    lax.fori_loop(0, PER_SUB // L, addoff, 0)
    plsc.subcore_barrier()
    pltpu.async_copy(cards.at[gidx.at[pl.ds(0, CH)]], val0, semg0)
    pltpu.async_copy(icat.at[pl.ds(dbase, CH)], didx0, semd0)

    def chunk(k, _):
        nxt = k + 1

        @pl.when(jnp.logical_and(nxt < NCHUNK, nxt % 2 == 1))
        def _():
            pltpu.async_copy(cards.at[gidx.at[pl.ds(nxt * CH, CH)]], val1, semg1)
            pltpu.async_copy(icat.at[pl.ds(dbase + nxt * CH, CH)], didx1, semd1)

        @pl.when(jnp.logical_and(nxt < NCHUNK, nxt % 2 == 0))
        def _():
            pltpu.async_copy(cards.at[gidx.at[pl.ds(nxt * CH, CH)]], val0, semg0)
            pltpu.async_copy(icat.at[pl.ds(dbase + nxt * CH, CH)], didx0, semd0)

        @pl.when(k % 2 == 0)
        def _():
            pltpu.make_async_copy(cards.at[gidx.at[pl.ds(0, CH)]], val0, semg0).wait()
            pltpu.make_async_copy(icat.at[pl.ds(dbase, CH)], didx0, semd0).wait()
            pltpu.sync_copy(val0, acc.at[didx0], add=True)

        @pl.when(k % 2 == 1)
        def _():
            pltpu.make_async_copy(cards.at[gidx.at[pl.ds(0, CH)]], val1, semg1).wait()
            pltpu.make_async_copy(icat.at[pl.ds(dbase, CH)], didx1, semd1).wait()
            pltpu.sync_copy(val1, acc.at[didx1], add=True)

        return 0

    lax.fori_loop(0, NCHUNK, chunk, 0)
    plsc.subcore_barrier()
    pltpu.sync_copy(acc.at[pl.ds(s * SEG, SEG)], workb)

    def post(j, _):
        x = workb[pl.ds(j * L, L)]
        y = _rsqrt16(x)
        workb[pl.ds(j * L, L)] = jnp.where(x > 0, y * y, 0.0)
        return 0

    lax.fori_loop(0, SEG // L, post, 0)
    pltpu.sync_copy(workb, invs_out.at[pl.ds(c * P + s * SEG, SEG)])


_inv_call = pl.kernel(
    _inv_body,
    out_type=jax.ShapeDtypeStruct((2 * P,), jnp.float32),
    mesh=_mesh,
    scratch_types=[
        pltpu.VMEM_SHARED((P,), jnp.float32),
        pltpu.VMEM((PER_SUB,), jnp.int32),
        pltpu.VMEM((CH,), jnp.int32),
        pltpu.VMEM((CH,), jnp.int32),
        pltpu.VMEM((CH,), jnp.float32),
        pltpu.VMEM((CH,), jnp.float32),
        pltpu.VMEM((SEG,), jnp.float32),
        pltpu.SemaphoreType.DMA,
        pltpu.SemaphoreType.DMA,
        pltpu.SemaphoreType.DMA,
        pltpu.SemaphoreType.DMA,
    ],
)


def _spass_body(gbase, dbase, src, icat, out, acc, sidx, didx0, didx1,
                rows0, rows1, semg0, semg1, semd0, semd1):
    c = lax.axis_index("c")
    s = lax.axis_index("s")

    def zrow(r, _):
        for j in range(HHID // L):
            rows0[r, pl.ds(j * L, L)] = jnp.zeros((L,), jnp.float32)
        return 0

    lax.fori_loop(0, CH, zrow, 0)
    for t in range(SEG // CH):
        pltpu.sync_copy(rows0, acc.at[pl.ds(s * SEG + t * CH, CH)])
    gnnz = gbase + s * PER_SUB
    dnnz = dbase + s * PER_SUB
    pltpu.sync_copy(icat.at[pl.ds(gnnz, PER_SUB)], sidx)
    coff = c * P

    def addoff(r, _):
        sidx[pl.ds(r * L, L)] = sidx[pl.ds(r * L, L)] + coff
        return 0

    lax.fori_loop(0, PER_SUB // L, addoff, 0)
    plsc.subcore_barrier()
    pltpu.async_copy(src.at[sidx.at[pl.ds(0, CH)]], rows0, semg0)
    pltpu.async_copy(icat.at[pl.ds(dnnz, CH)], didx0, semd0)

    def chunk(k, _):
        nxt = k + 1

        @pl.when(jnp.logical_and(nxt < NCHUNK, nxt % 2 == 1))
        def _():
            pltpu.async_copy(src.at[sidx.at[pl.ds(nxt * CH, CH)]], rows1, semg1)
            pltpu.async_copy(icat.at[pl.ds(dnnz + nxt * CH, CH)], didx1, semd1)

        @pl.when(jnp.logical_and(nxt < NCHUNK, nxt % 2 == 0))
        def _():
            pltpu.async_copy(src.at[sidx.at[pl.ds(nxt * CH, CH)]], rows0, semg0)
            pltpu.async_copy(icat.at[pl.ds(dnnz + nxt * CH, CH)], didx0, semd0)

        @pl.when(k % 2 == 0)
        def _():
            pltpu.make_async_copy(src.at[sidx.at[pl.ds(0, CH)]], rows0, semg0).wait()
            pltpu.make_async_copy(icat.at[pl.ds(dnnz, CH)], didx0, semd0).wait()
            pltpu.sync_copy(rows0, acc.at[didx0], add=True)

        @pl.when(k % 2 == 1)
        def _():
            pltpu.make_async_copy(src.at[sidx.at[pl.ds(0, CH)]], rows1, semg1).wait()
            pltpu.make_async_copy(icat.at[pl.ds(dnnz, CH)], didx1, semd1).wait()
            pltpu.sync_copy(rows1, acc.at[didx1], add=True)

        return 0

    lax.fori_loop(0, NCHUNK, chunk, 0)
    plsc.subcore_barrier()
    pltpu.sync_copy(
        acc.at[pl.ds(s * SEG, SEG)], out.at[pl.ds(c * P + s * SEG, SEG)]
    )


def _make_spass(gbase, dbase):
    return pl.kernel(
        functools.partial(_spass_body, gbase, dbase),
        out_type=jax.ShapeDtypeStruct((2 * P, HHID), jnp.float32),
        mesh=_mesh,
        scratch_types=[
            pltpu.VMEM_SHARED((P, HHID), jnp.float32),
            pltpu.VMEM((PER_SUB,), jnp.int32),
            pltpu.VMEM((CH,), jnp.int32),
            pltpu.VMEM((CH,), jnp.int32),
            pltpu.VMEM((CH, HHID), jnp.float32),
            pltpu.VMEM((CH, HHID), jnp.float32),
            pltpu.SemaphoreType.DMA,
            pltpu.SemaphoreType.DMA,
            pltpu.SemaphoreType.DMA,
            pltpu.SemaphoreType.DMA,
        ],
    )


_spass_n2e = _make_spass(0, N_NNZ)
_spass_e2n = _make_spass(N_NNZ, 0)


def _mm_split_body(x_ref, sc_ref, w_ref, o_ref):
    res = jnp.dot(x_ref[...], w_ref[...], preferred_element_type=jnp.float32)
    res = res * sc_ref[...]
    o_ref[0] = res[:, :HHID]
    o_ref[1] = res[:, HHID:]


_mm_call = pl.pallas_call(
    _mm_split_body,
    grid=(P // BLK,),
    in_specs=[
        pl.BlockSpec((BLK, HID), lambda i: (i, 0)),
        pl.BlockSpec((BLK, 1), lambda i: (i, 0)),
        pl.BlockSpec((HID, HID), lambda i: (0, 0)),
    ],
    out_specs=pl.BlockSpec((2, BLK, HHID), lambda i: (0, i, 0)),
    out_shape=jax.ShapeDtypeStruct((2, P, HHID), jnp.float32),
)


def _mid_body(raw_ref, d_ref, b_ref, w_ref, p_ref, o_ref):
    lo = jnp.maximum(raw_ref[0] * d_ref[...] + b_ref[:, :HHID], 0.0)
    hi = jnp.maximum(raw_ref[1] * d_ref[...] + b_ref[:, HHID:], 0.0)
    x = jnp.concatenate([lo, hi], axis=1)
    z = jnp.dot(x, w_ref[...], preferred_element_type=jnp.float32)
    z = z * p_ref[...]
    o_ref[0] = z[:, :HHID]
    o_ref[1] = z[:, HHID:]


_mid_call = pl.pallas_call(
    _mid_body,
    grid=(P // BLK,),
    in_specs=[
        pl.BlockSpec((2, BLK, HHID), lambda i: (0, i, 0)),
        pl.BlockSpec((BLK, 1), lambda i: (i, 0)),
        pl.BlockSpec((1, HID), lambda i: (0, 0)),
        pl.BlockSpec((HID, HID), lambda i: (0, 0)),
        pl.BlockSpec((BLK, 1), lambda i: (i, 0)),
    ],
    out_specs=pl.BlockSpec((2, BLK, HHID), lambda i: (0, i, 0)),
    out_shape=jax.ShapeDtypeStruct((2, P, HHID), jnp.float32),
)


def _final_body(raw_ref, d_ref, b_ref, wl_ref, bl_ref, o_ref, mx_ref):
    i = pl.program_id(0)
    lo = jnp.maximum(raw_ref[0] * d_ref[...] + b_ref[:, :HHID], 0.0)
    hi = jnp.maximum(raw_ref[1] * d_ref[...] + b_ref[:, HHID:], 0.0)
    x = jnp.concatenate([lo, hi], axis=1)
    rowid = i * BLK + lax.broadcasted_iota(jnp.int32, (BLK, 1), 0)
    x = jnp.where(rowid < NE, x, -jnp.inf)
    bm = jnp.max(x, axis=0, keepdims=True)

    @pl.when(i == 0)
    def _():
        mx_ref[0:1] = bm

    @pl.when(i > 0)
    def _():
        mx_ref[0:1] = jnp.maximum(mx_ref[0:1], bm)

    @pl.when(i == P // BLK - 1)
    def _():
        prod = mx_ref[0:1] * wl_ref[...].reshape(1, HID)
        o_ref[...] = jnp.sum(prod, axis=1, keepdims=True) + bl_ref[...]


_final_call = pl.pallas_call(
    _final_body,
    grid=(P // BLK,),
    in_specs=[
        pl.BlockSpec((2, BLK, HHID), lambda i: (0, i, 0)),
        pl.BlockSpec((BLK, 1), lambda i: (i, 0)),
        pl.BlockSpec((1, HID), lambda i: (0, 0)),
        pl.BlockSpec((HID, 1), lambda i: (0, 0)),
        pl.BlockSpec((1, 1), lambda i: (0, 0)),
    ],
    out_specs=pl.BlockSpec((1, 1), lambda i: (0, 0)),
    out_shape=jax.ShapeDtypeStruct((1, 1), jnp.float32),
    scratch_shapes=[pltpu.VMEM((8, HID), jnp.float32)],
)


def kernel(x_0, node_idx, edge_idx, W0_l0, b01_l0, W1_l0, b10_l0,
           W0_l1, b01_l1, W1_l1, b10_l1, W_lin, b_lin):
    icat = jnp.concatenate(
        [node_idx.astype(jnp.int32), edge_idx.astype(jnp.int32)]
    )
    cards = _cards_call(icat)
    invs = _inv_call(icat, cards)
    node_card = cards[:P].reshape(P, 1)
    edge_card = cards[P:].reshape(P, 1)
    d0li = invs[:P].reshape(P, 1)
    d1li = invs[P:].reshape(P, 1)

    x0p = jnp.pad(x_0, ((0, P - NE), (0, 0)))
    b01_0 = b01_l0.reshape(1, HID)
    b10_0 = b10_l0.reshape(1, HID)
    b01_1 = b01_l1.reshape(1, HID)
    b10_1 = b10_l1.reshape(1, HID)

    xm = _mm_call(x0p, node_card, W0_l0)
    r1 = _spass_n2e(xm.reshape(2 * P, HHID), icat)
    ym = _mid_call(r1.reshape(2, P, HHID), d1li, b01_0, W1_l0, edge_card)
    r2 = _spass_e2n(ym.reshape(2 * P, HHID), icat)
    xm2 = _mid_call(r2.reshape(2, P, HHID), d0li, b10_0, W0_l1, node_card)
    r3 = _spass_n2e(xm2.reshape(2 * P, HHID), icat)
    ym2 = _mid_call(r3.reshape(2, P, HHID), d1li, b01_1, W1_l1, edge_card)
    r4 = _spass_e2n(ym2.reshape(2 * P, HHID), icat)
    out = _final_call(
        r4.reshape(2, P, HHID), d0li, b10_1, W_lin, b_lin.reshape(1, 1)
    )
    return out.reshape(1)

# --- scband reference (transcript-rebuilt; emitter-appended) ---
"""Pipeline reference for scband-hnhnmodel-70025146794784 (READ-ONLY COPY).

The authoritative reference and input builder live on the scoring server;
editing this copy changes nothing except your own understanding.
"""

import jax, jax.numpy as jnp
import numpy as np

N_NODES = 10000
N_EDGES = 10000
NNZ = 160000
IN_CH = 256
HID = 256
ALPHA = -1.5
BETA = -0.5


def _glorot(k, shape):
    lim = np.sqrt(6.0 / (shape[0] + shape[1]))
    return jax.random.uniform(k, shape, jnp.float32, -lim, lim)


def setup_inputs(seed: int = 0) -> dict:
    key = jax.random.key(seed)
    ks = jax.random.split(key, 16)
    x_0 = jax.random.normal(ks[0], (N_NODES, IN_CH), dtype=jnp.float32)
    node_idx = jax.random.randint(ks[1], (NNZ,), 0, N_NODES, dtype=jnp.int32)
    edge_idx = jax.random.randint(ks[2], (NNZ,), 0, N_EDGES, dtype=jnp.int32)
    return {
        "x_0": x_0,
        "node_idx": node_idx,
        "edge_idx": edge_idx,
        "W0_l0": _glorot(ks[3], (IN_CH, HID)),
        "b01_l0": _glorot(ks[4], (1, HID))[0],
        "W1_l0": _glorot(ks[5], (HID, HID)),
        "b10_l0": _glorot(ks[6], (1, HID))[0],
        "W0_l1": _glorot(ks[7], (HID, HID)),
        "b01_l1": _glorot(ks[8], (1, HID))[0],
        "W1_l1": _glorot(ks[9], (HID, HID)),
        "b10_l1": _glorot(ks[10], (1, HID))[0],
        "W_lin": _glorot(ks[11], (HID, 1)),
        "b_lin": jnp.zeros((1,), jnp.float32),
    }


def _normalized_incidence_vals(node_idx, edge_idx):
    # HNHNLayer.compute_normalization_matrices + normalize_incidence_matrices,
    # expressed sparsely on the nnz coordinate list (values all start at 1.0).
    ones = jnp.ones((node_idx.shape[0],), jnp.float32)
    deg_e = jax.ops.segment_sum(ones, edge_idx, num_segments=N_EDGES)  # B1.sum(0)
    deg_v = jax.ops.segment_sum(ones, node_idx, num_segments=N_NODES)  # B1.sum(1)
    edge_card = jnp.where(deg_e > 0, deg_e ** ALPHA, 0.0)
    node_card = jnp.where(deg_v > 0, deg_v ** BETA, 0.0)
    s0 = jax.ops.segment_sum(edge_card[edge_idx], node_idx, num_segments=N_NODES)
    d0_left_inv = jnp.where(s0 > 0, 1.0 / s0, 0.0)  # D0_left_alpha_inverse diag
    s1 = jax.ops.segment_sum(node_card[node_idx], edge_idx, num_segments=N_EDGES)
    d1_left_inv = jnp.where(s1 > 0, 1.0 / s1, 0.0)  # D1_left_beta_inverse diag
    val_inc = d0_left_inv[node_idx] * edge_card[edge_idx]      # D0li @ B1 @ D1ra
    val_incT = d1_left_inv[edge_idx] * node_card[node_idx]     # D1li @ B1^T @ D0rb
    return val_inc, val_incT


def _hnhn_layer(x0, node_idx, edge_idx, val_inc, val_incT, W0, b01, W1, b10):
    # conv_0_to_1: x_1 = B1_T_norm @ (x_0 @ W0); relu(x_1 + bias)
    xm = x0 @ W0
    x1 = jax.ops.segment_sum(val_incT[:, None] * xm[node_idx], edge_idx, num_segments=N_EDGES)
    x1 = jax.nn.relu(x1 + b01)
    # conv_1_to_0: x_0 = B1_norm @ (x_1 @ W1); relu(x_0 + bias)
    ym = x1 @ W1
    x0n = jax.ops.segment_sum(val_inc[:, None] * ym[edge_idx], node_idx, num_segments=N_NODES)
    x0n = jax.nn.relu(x0n + b10)
    return x0n, x1


def reference(x_0, node_idx, edge_idx, W0_l0, b01_l0, W1_l0, b10_l0, W0_l1, b01_l1, W1_l1, b10_l1, W_lin, b_lin):
    val_inc, val_incT = _normalized_incidence_vals(node_idx, edge_idx)
    x0, x1 = _hnhn_layer(x_0, node_idx, edge_idx, val_inc, val_incT, W0_l0, b01_l0, W1_l0, b10_l0)
    x0, x1 = _hnhn_layer(x0, node_idx, edge_idx, val_inc, val_incT, W0_l1, b01_l1, W1_l1, b10_l1)
    pooled = jnp.max(x0, axis=0)  # out_pool: torch.max over dim 0
    return pooled @ W_lin + b_lin

if __name__ == "__main__":
    import jax
    _d = setup_inputs()
    print(jax.jit(kernel)(*tuple(_d.values())))

</pallas_src>

<mosaic_0001>
#map = affine_map<(d0, d1) -> (0, 0)>
#map1 = affine_map<(d0, d1) -> (0)>
module attributes {stable_mosaic.version = 14 : i64} {
  func.func @_spass_body(%arg0: i32, %arg1: i32, %arg2: memref<20480x128xf32, #tpu.memory_space<hbm>>, %arg3: memref<320000xi32, #tpu.memory_space<hbm>>, %arg4: memref<20480x128xf32, #tpu.memory_space<hbm>>, %arg5: memref<10240x128xf32, #tpu.memory_space<vmem_shared>>, %arg6: memref<10000xi32, #tpu.memory_space<vmem>>, %arg7: memref<80xi32, #tpu.memory_space<vmem>>, %arg8: memref<80xi32, #tpu.memory_space<vmem>>, %arg9: memref<80x128xf32, #tpu.memory_space<vmem>>, %arg10: memref<80x128xf32, #tpu.memory_space<vmem>>, %arg11: memref<!tpu.dma_semaphore, #tpu.memory_space<semaphore_mem>>, %arg12: memref<!tpu.dma_semaphore, #tpu.memory_space<semaphore_mem>>, %arg13: memref<!tpu.dma_semaphore, #tpu.memory_space<semaphore_mem>>, %arg14: memref<!tpu.dma_semaphore, #tpu.memory_space<semaphore_mem>>) attributes {dimension_semantics = [#tpu.dimension_semantics<core_parallel>, #tpu.dimension_semantics<subcore_parallel>], iteration_bounds = array<i64: 2, 16>, scalar_prefetch = 0 : i64, scratch_operands = 10 : i64, tpu.core_type = #tpu.core_type<sc_vector_subcore>, window_params = [{transform_indices = #map}, {transform_indices = #map1}, {transform_indices = #map}]} {
    %scan3A = arith.constant 0 : i32
    %scan3A_0 = arith.constant 0 : i32
    %scan3A_1 = arith.constant 80 : i32
    %scan3A_2 = arith.addi %scan3A_0, %scan3A_1 : i32
    %scan3A_3 = arith.constant 1 : i32
    %scan3A_4 = scf.for %scan3A_74 = %scan3A_0 to %scan3A_2 step %scan3A_3 iter_args(%scan3A_75 = %scan3A) -> (i32)  : i32 {
      %broadcast_in_dim3A = arith.constant 0.000000e+00 : f32
      %broadcast_in_dim3A_76 = vector.broadcast %broadcast_in_dim3A : f32 to vector<16xf32>
      %swap3A = arith.index_cast %scan3A_74 : i32 to index
      %swap3A_77 = arith.constant 0 : index
      %swap3A_78 = tpu.vector_load %arg9[%swap3A, %swap3A_77] {strides = array<i32>} : memref<80x128xf32, #tpu.memory_space<vmem>>, vector<1x16xf32>,
      %swap3A_79 = vector.shape_cast %swap3A_78 : vector<1x16xf32> to vector<16xf32>
      %swap3A_80 = vector.shape_cast %broadcast_in_dim3A_76 : vector<16xf32> to vector<1x16xf32>
      tpu.vector_store %arg9[%swap3A, %swap3A_77], %swap3A_80 {strides = array<i32>} : memref<80x128xf32, #tpu.memory_space<vmem>>, vector<1x16xf32>,
      %broadcast_in_dim3A_81 = arith.constant 0.000000e+00 : f32
      %broadcast_in_dim3A_82 = vector.broadcast %broadcast_in_dim3A_81 : f32 to vector<16xf32>
      %swap3A_83 = arith.index_cast %scan3A_74 : i32 to index
      %swap3A_84 = arith.constant 16 : index
      %swap3A_85 = tpu.vector_load %arg9[%swap3A_83, %swap3A_84] {strides = array<i32>} : memref<80x128xf32, #tpu.memory_space<vmem>>, vector<1x16xf32>,
      %swap3A_86 = vector.shape_cast %swap3A_85 : vector<1x16xf32> to vector<16xf32>
      %swap3A_87 = vector.shape_cast %broadcast_in_dim3A_82 : vector<16xf32> to vector<1x16xf32>
      tpu.vector_store %arg9[%swap3A_83, %swap3A_84], %swap3A_87 {strides = array<i32>} : memref<80x128xf32, #tpu.memory_space<vmem>>, vector<1x16xf32>,
      %broadcast_in_dim3A_88 = arith.constant 0.000000e+00 : f32
      %broadcast_in_dim3A_89 = vector.broadcast %broadcast_in_dim3A_88 : f32 to vector<16xf32>
      %swap3A_90 = arith.index_cast %scan3A_74 : i32 to index
      %swap3A_91 = arith.constant 32 : index
      %swap3A_92 = tpu.vector_load %arg9[%swap3A_90, %swap3A_91] {strides = array<i32>} : memref<80x128xf32, #tpu.memory_space<vmem>>, vector<1x16xf32>,
      %swap3A_93 = vector.shape_cast %swap3A_92 : vector<1x16xf32> to vector<16xf32>
      %swap3A_94 = vector.shape_cast %broadcast_in_dim3A_89 : vector<16xf32> to vector<1x16xf32>
      tpu.vector_store %arg9[%swap3A_90, %swap3A_91], %swap3A_94 {strides = array<i32>} : memref<80x128xf32, #tpu.memory_space<vmem>>, vector<1x16xf32>,
      %broadcast_in_dim3A_95 = arith.constant 0.000000e+00 : f32
      %broadcast_in_dim3A_96 = vector.broadcast %broadcast_in_dim3A_95 : f32 to vector<16xf32>
      %swap3A_97 = arith.index_cast %scan3A_74 : i32 to index
      %swap3A_98 = arith.constant 48 : index
      %swap3A_99 = tpu.vector_load %arg9[%swap3A_97, %swap3A_98] {strides = array<i32>} : memref<80x128xf32, #tpu.memory_space<vmem>>, vector<1x16xf32>,
      %swap3A_100 = vector.shape_cast %swap3A_99 : vector<1x16xf32> to vector<16xf32>
      %swap3A_101 = vector.shape_cast %broadcast_in_dim3A_96 : vector<16xf32> to vector<1x16xf32>
      tpu.vector_store %arg9[%swap3A_97, %swap3A_98], %swap3A_101 {strides = array<i32>} : memref<80x128xf32, #tpu.memory_space<vmem>>, vector<1x16xf32>,
      %broadcast_in_dim3A_102 = arith.constant 0.000000e+00 : f32
      %broadcast_in_dim3A_103 = vector.broadcast %broadcast_in_dim3A_102 : f32 to vector<16xf32>
      %swap3A_104 = arith.index_cast %scan3A_74 : i32 to index
      %swap3A_105 = arith.constant 64 : index
      %swap3A_106 = tpu.vector_load %arg9[%swap3A_104, %swap3A_105] {strides = array<i32>} : memref<80x128xf32, #tpu.memory_space<vmem>>, vector<1x16xf32>,
      %swap3A_107 = vector.shape_cast %swap3A_106 : vector<1x16xf32> to vector<16xf32>
      %swap3A_108 = vector.shape_cast %broadcast_in_dim3A_103 : vector<16xf32> to vector<1x16xf32>
      tpu.vector_store %arg9[%swap3A_104, %swap3A_105], %swap3A_108 {strides = array<i32>} : memref<80x128xf32, #tpu.memory_space<vmem>>, vector<1x16xf32>,
      %broadcast_in_dim3A_109 = arith.constant 0.000000e+00 : f32
      %broadcast_in_dim3A_110 = vector.broadcast %broadcast_in_dim3A_109 : f32 to vector<16xf32>
      %swap3A_111 = arith.index_cast %scan3A_74 : i32 to index
      %swap3A_112 = arith.constant 80 : index
      %swap3A_113 = tpu.vector_load %arg9[%swap3A_111, %swap3A_112] {strides = array<i32>} : memref<80x128xf32, #tpu.memory_space<vmem>>, vector<1x16xf32>,
      %swap3A_114 = vector.shape_cast %swap3A_113 : vector<1x16xf32> to vector<16xf32>
      %swap3A_115 = vector.shape_cast %broadcast_in_dim3A_110 : vector<16xf32> to vector<1x16xf32>
      tpu.vector_store %arg9[%swap3A_111, %swap3A_112], %swap3A_115 {strides = array<i32>} : memref<80x128xf32, #tpu.memory_space<vmem>>, vector<1x16xf32>,
      %broadcast_in_dim3A_116 = arith.constant 0.000000e+00 : f32
      %broadcast_in_dim3A_117 = vector.broadcast %broadcast_in_dim3A_116 : f32 to vector<16xf32>
      %swap3A_118 = arith.index_cast %scan3A_74 : i32 to index
      %swap3A_119 = arith.constant 96 : index
      %swap3A_120 = tpu.vector_load %arg9[%swap3A_118, %swap3A_119] {strides = array<i32>} : memref<80x128xf32, #tpu.memory_space<vmem>>, vector<1x16xf32>,
      %swap3A_121 = vector.shape_cast %swap3A_120 : vector<1x16xf32> to vector<16xf32>
      %swap3A_122 = vector.shape_cast %broadcast_in_dim3A_117 : vector<16xf32> to vector<1x16xf32>
      tpu.vector_store %arg9[%swap3A_118, %swap3A_119], %swap3A_122 {strides = array<i32>} : memref<80x128xf32, #tpu.memory_space<vmem>>, vector<1x16xf32>,
      %broadcast_in_dim3A_123 = arith.constant 0.000000e+00 : f32
      %broadcast_in_dim3A_124 = vector.broadcast %broadcast_in_dim3A_123 : f32 to vector<16xf32>
      %swap3A_125 = arith.index_cast %scan3A_74 : i32 to index
      %swap3A_126 = arith.constant 112 : index
      %swap3A_127 = tpu.vector_load %arg9[%swap3A_125, %swap3A_126] {strides = array<i32>} : memref<80x128xf32, #tpu.memory_space<vmem>>, vector<1x16xf32>,
      %swap3A_128 = vector.shape_cast %swap3A_127 : vector<1x16xf32> to vector<16xf32>
      %swap3A_129 = vector.shape_cast %broadcast_in_dim3A_124 : vector<16xf32> to vector<1x16xf32>
      tpu.vector_store %arg9[%swap3A_125, %swap3A_126], %swap3A_129 {strides = array<i32>} : memref<80x128xf32, #tpu.memory_space<vmem>>, vector<1x16xf32>,
      %scan3A_130 = arith.constant 0 : i32
      scf.yield %scan3A_130 : i32
    }
    %scan3A_5 = arith.constant 80 : i32
    %mul3A = arith.constant 640 : i32
    %mul3A_6 = arith.muli %arg1, %mul3A : i32
    %add3A = arith.constant 0 : i32
    %add3A_7 = arith.addi %mul3A_6, %add3A : i32
    "tpu.region"() ({
      %run_scoped3A = tpu.sem_alloc : memref<!tpu.dma_semaphore, #tpu.memory_space<semaphore_mem>>
      %dma_start3A_74 = arith.constant 0 : i32
      %dma_start3A_75 = tpu.memref_slice %arg5[%add3A_7, %dma_start3A_74] : memref<10240x128xf32, #tpu.memory_space<vmem_shared>> -> memref<80x128xf32, #tpu.memory_space<vmem_shared>>
      %dma_start3A_76 = arith.constant 0 : i32
      %dma_start3A_77 = tpu.memref_slice %arg5[%add3A_7, %dma_start3A_76] : memref<10240x128xf32, #tpu.memory_space<vmem_shared>> -> memref<80x128xf32, #tpu.memory_space<vmem_shared>>
      tpu.enqueue_dma source(%arg9 : memref<80x128xf32, #tpu.memory_space<vmem>>) target(%dma_start3A_77 : memref<80x128xf32, #tpu.memory_space<vmem_shared>>) target_semaphore(%run_scoped3A : memref<!tpu.dma_semaphore, #tpu.memory_space<semaphore_mem>>)
      %dma_wait3A = arith.constant 0 : i32
      %dma_wait3A_78 = tpu.memref_slice %arg5[%add3A_7, %dma_wait3A] : memref<10240x128xf32, #tpu.memory_space<vmem_shared>> -> memref<80x128xf32, #tpu.memory_space<vmem_shared>>
      %dma_wait3A_79 = arith.constant 0 : i32
      %dma_wait3A_80 = tpu.memref_slice %arg5[%add3A_7, %dma_wait3A_79] : memref<10240x128xf32, #tpu.memory_space<vmem_shared>> -> memref<80x128xf32, #tpu.memory_space<vmem_shared>>
      tpu.wait_dma2 semaphore(%run_scoped3A : memref<!tpu.dma_semaphore, #tpu.memory_space<semaphore_mem>>) src(%arg9 : memref<80x128xf32, #tpu.memory_space<vmem>>) dst(%dma_wait3A_80 : memref<80x128xf32, #tpu.memory_space<vmem_shared>>)
      tpu.yield
    }) : () -> ()
    %mul3A_8 = arith.constant 640 : i32
    %mul3A_9 = arith.muli %arg1, %mul3A_8 : i32
    %add3A_10 = arith.constant 80 : i32
    %add3A_11 = arith.addi %mul3A_9, %add3A_10 : i32
    "tpu.region"() ({
      %run_scoped3A = tpu.sem_alloc : memref<!tpu.dma_semaphore, #tpu.memory_space<semaphore_mem>>
      %dma_start3A_74 = arith.constant 0 : i32
      %dma_start3A_75 = tpu.memref_slice %arg5[%add3A_11, %dma_start3A_74] : memref<10240x128xf32, #tpu.memory_space<vmem_shared>> -> memref<80x128xf32, #tpu.memory_space<vmem_shared>>
      %dma_start3A_76 = arith.constant 0 : i32
      %dma_start3A_77 = tpu.memref_slice %arg5[%add3A_11, %dma_start3A_76] : memref<10240x128xf32, #tpu.memory_space<vmem_shared>> -> memref<80x128xf32, #tpu.memory_space<vmem_shared>>
      tpu.enqueue_dma source(%arg9 : memref<80x128xf32, #tpu.memory_space<vmem>>) target(%dma_start3A_77 : memref<80x128xf32, #tpu.memory_space<vmem_shared>>) target_semaphore(%run_scoped3A : memref<!tpu.dma_semaphore, #tpu.memory_space<semaphore_mem>>)
      %dma_wait3A = arith.constant 0 : i32
      %dma_wait3A_78 = tpu.memref_slice %arg5[%add3A_11, %dma_wait3A] : memref<10240x128xf32, #tpu.memory_space<vmem_shared>> -> memref<80x128xf32, #tpu.memory_space<vmem_shared>>
      %dma_wait3A_79 = arith.constant 0 : i32
      %dma_wait3A_80 = tpu.memref_slice %arg5[%add3A_11, %dma_wait3A_79] : memref<10240x128xf32, #tpu.memory_space<vmem_shared>> -> memref<80x128xf32, #tpu.memory_space<vmem_shared>>
      tpu.wait_dma2 semaphore(%run_scoped3A : memref<!tpu.dma_semaphore, #tpu.memory_space<semaphore_mem>>) src(%arg9 : memref<80x128xf32, #tpu.memory_space<vmem>>) dst(%dma_wait3A_80 : memref<80x128xf32, #tpu.memory_space<vmem_shared>>)
      tpu.yield
    }) : () -> ()
    %mul3A_12 = arith.constant 640 : i32
    %mul3A_13 = arith.muli %arg1, %mul3A_12 : i32
    %add3A_14 = arith.constant 160 : i32
    %add3A_15 = arith.addi %mul3A_13, %add3A_14 : i32
    "tpu.region"() ({
      %run_scoped3A = tpu.sem_alloc : memref<!tpu.dma_semaphore, #tpu.memory_space<semaphore_mem>>
      %dma_start3A_74 = arith.constant 0 : i32
      %dma_start3A_75 = tpu.memref_slice %arg5[%add3A_15, %dma_start3A_74] : memref<10240x128xf32, #tpu.memory_space<vmem_shared>> -> memref<80x128xf32, #tpu.memory_space<vmem_shared>>
      %dma_start3A_76 = arith.constant 0 : i32
      %dma_start3A_77 = tpu.memref_slice %arg5[%add3A_15, %dma_start3A_76] : memref<10240x128xf32, #tpu.memory_space<vmem_shared>> -> memref<80x128xf32, #tpu.memory_space<vmem_shared>>
      tpu.enqueue_dma source(%arg9 : memref<80x128xf32, #tpu.memory_space<vmem>>) target(%dma_start3A_77 : memref<80x128xf32, #tpu.memory_space<vmem_shared>>) target_semaphore(%run_scoped3A : memref<!tpu.dma_semaphore, #tpu.memory_space<semaphore_mem>>)
      %dma_wait3A = arith.constant 0 : i32
      %dma_wait3A_78 = tpu.memref_slice %arg5[%add3A_15, %dma_wait3A] : memref<10240x128xf32, #tpu.memory_space<vmem_shared>> -> memref<80x128xf32, #tpu.memory_space<vmem_shared>>
      %dma_wait3A_79 = arith.constant 0 : i32
      %dma_wait3A_80 = tpu.memref_slice %arg5[%add3A_15, %dma_wait3A_79] : memref<10240x128xf32, #tpu.memory_space<vmem_shared>> -> memref<80x128xf32, #tpu.memory_space<vmem_shared>>
      tpu.wait_dma2 semaphore(%run_scoped3A : memref<!tpu.dma_semaphore, #tpu.memory_space<semaphore_mem>>) src(%arg9 : memref<80x128xf32, #tpu.memory_space<vmem>>) dst(%dma_wait3A_80 : memref<80x128xf32, #tpu.memory_space<vmem_shared>>)
      tpu.yield
    }) : () -> ()
    %mul3A_16 = arith.constant 640 : i32
    %mul3A_17 = arith.muli %arg1, %mul3A_16 : i32
    %add3A_18 = arith.constant 240 : i32
    %add3A_19 = arith.addi %mul3A_17, %add3A_18 : i32
    "tpu.region"() ({
      %run_scoped3A = tpu.sem_alloc : memref<!tpu.dma_semaphore, #tpu.memory_space<semaphore_mem>>
      %dma_start3A_74 = arith.constant 0 : i32
      %dma_start3A_75 = tpu.memref_slice %arg5[%add3A_19, %dma_start3A_74] : memref<10240x128xf32, #tpu.memory_space<vmem_shared>> -> memref<80x128xf32, #tpu.memory_space<vmem_shared>>
      %dma_start3A_76 = arith.constant 0 : i32
      %dma_start3A_77 = tpu.memref_slice %arg5[%add3A_19, %dma_start3A_76] : memref<10240x128xf32, #tpu.memory_space<vmem_shared>> -> memref<80x128xf32, #tpu.memory_space<vmem_shared>>
      tpu.enqueue_dma source(%arg9 : memref<80x128xf32, #tpu.memory_space<vmem>>) target(%dma_start3A_77 : memref<80x128xf32, #tpu.memory_space<vmem_shared>>) target_semaphore(%run_scoped3A : memref<!tpu.dma_semaphore, #tpu.memory_space<semaphore_mem>>)
      %dma_wait3A = arith.constant 0 : i32
      %dma_wait3A_78 = tpu.memref_slice %arg5[%add3A_19, %dma_wait3A] : memref<10240x128xf32, #tpu.memory_space<vmem_shared>> -> memref<80x128xf32, #tpu.memory_space<vmem_shared>>
      %dma_wait3A_79 = arith.constant 0 : i32
      %dma_wait3A_80 = tpu.memref_slice %arg5[%add3A_19, %dma_wait3A_79] : memref<10240x128xf32, #tpu.memory_space<vmem_shared>> -> memref<80x128xf32, #tpu.memory_space<vmem_shared>>
      tpu.wait_dma2 semaphore(%run_scoped3A : memref<!tpu.dma_semaphore, #tpu.memory_space<semaphore_mem>>) src(%arg9 : memref<80x128xf32, #tpu.memory_space<vmem>>) dst(%dma_wait3A_80 : memref<80x128xf32, #tpu.memory_space<vmem_shared>>)
      tpu.yield
    }) : () -> ()
    %mul3A_20 = arith.constant 640 : i32
    %mul3A_21 = arith.muli %arg1, %mul3A_20 : i32
    %add3A_22 = arith.constant 320 : i32
    %add3A_23 = arith.addi %mul3A_21, %add3A_22 : i32
    "tpu.region"() ({
      %run_scoped3A = tpu.sem_alloc : memref<!tpu.dma_semaphore, #tpu.memory_space<semaphore_mem>>
      %dma_start3A_74 = arith.constant 0 : i32
      %dma_start3A_75 = tpu.memref_slice %arg5[%add3A_23, %dma_start3A_74] : memref<10240x128xf32, #tpu.memory_space<vmem_shared>> -> memref<80x128xf32, #tpu.memory_space<vmem_shared>>
      %dma_start3A_76 = arith.constant 0 : i32
      %dma_start3A_77 = tpu.memref_slice %arg5[%add3A_23, %dma_start3A_76] : memref<10240x128xf32, #tpu.memory_space<vmem_shared>> -> memref<80x128xf32, #tpu.memory_space<vmem_shared>>
      tpu.enqueue_dma source(%arg9 : memref<80x128xf32, #tpu.memory_space<vmem>>) target(%dma_start3A_77 : memref<80x128xf32, #tpu.memory_space<vmem_shared>>) target_semaphore(%run_scoped3A : memref<!tpu.dma_semaphore, #tpu.memory_space<semaphore_mem>>)
      %dma_wait3A = arith.constant 0 : i32
      %dma_wait3A_78 = tpu.memref_slice %arg5[%add3A_23, %dma_wait3A] : memref<10240x128xf32, #tpu.memory_space<vmem_shared>> -> memref<80x128xf32, #tpu.memory_space<vmem_shared>>
      %dma_wait3A_79 = arith.constant 0 : i32
      %dma_wait3A_80 = tpu.memref_slice %arg5[%add3A_23, %dma_wait3A_79] : memref<10240x128xf32, #tpu.memory_space<vmem_shared>> -> memref<80x128xf32, #tpu.memory_space<vmem_shared>>
      tpu.wait_dma2 semaphore(%run_scoped3A : memref<!tpu.dma_semaphore, #tpu.memory_space<semaphore_mem>>) src(%arg9 : memref<80x128xf32, #tpu.memory_space<vmem>>) dst(%dma_wait3A_80 : memref<80x128xf32, #tpu.memory_space<vmem_shared>>)
      tpu.yield
    }) : () -> ()
    %mul3A_24 = arith.constant 640 : i32
    %mul3A_25 = arith.muli %arg1, %mul3A_24 : i32
    %add3A_26 = arith.constant 400 : i32
    %add3A_27 = arith.addi %mul3A_25, %add3A_26 : i32
    "tpu.region"() ({
      %run_scoped3A = tpu.sem_alloc : memref<!tpu.dma_semaphore, #tpu.memory_space<semaphore_mem>>
      %dma_start3A_74 = arith.constant 0 : i32
      %dma_start3A_75 = tpu.memref_slice %arg5[%add3A_27, %dma_start3A_74] : memref<10240x128xf32, #tpu.memory_space<vmem_shared>> -> memref<80x128xf32, #tpu.memory_space<vmem_shared>>
      %dma_start3A_76 = arith.constant 0 : i32
      %dma_start3A_77 = tpu.memref_slice %arg5[%add3A_27, %dma_start3A_76] : memref<10240x128xf32, #tpu.memory_space<vmem_shared>> -> memref<80x128xf32, #tpu.memory_space<vmem_shared>>
      tpu.enqueue_dma source(%arg9 : memref<80x128xf32, #tpu.memory_space<vmem>>) target(%dma_start3A_77 : memref<80x128xf32, #tpu.memory_space<vmem_shared>>) target_semaphore(%run_scoped3A : memref<!tpu.dma_semaphore, #tpu.memory_space<semaphore_mem>>)
      %dma_wait3A = arith.constant 0 : i32
      %dma_wait3A_78 = tpu.memref_slice %arg5[%add3A_27, %dma_wait3A] : memref<10240x128xf32, #tpu.memory_space<vmem_shared>> -> memref<80x128xf32, #tpu.memory_space<vmem_shared>>
      %dma_wait3A_79 = arith.constant 0 : i32
      %dma_wait3A_80 = tpu.memref_slice %arg5[%add3A_27, %dma_wait3A_79] : memref<10240x128xf32, #tpu.memory_space<vmem_shared>> -> memref<80x128xf32, #tpu.memory_space<vmem_shared>>
      tpu.wait_dma2 semaphore(%run_scoped3A : memref<!tpu.dma_semaphore, #tpu.memory_space<semaphore_mem>>) src(%arg9 : memref<80x128xf32, #tpu.memory_space<vmem>>) dst(%dma_wait3A_80 : memref<80x128xf32, #tpu.memory_space<vmem_shared>>)
      tpu.yield
    }) : () -> ()
    %mul3A_28 = arith.constant 640 : i32
    %mul3A_29 = arith.muli %arg1, %mul3A_28 : i32
    %add3A_30 = arith.constant 480 : i32
    %add3A_31 = arith.addi %mul3A_29, %add3A_30 : i32
    "tpu.region"() ({
      %run_scoped3A = tpu.sem_alloc : memref<!tpu.dma_semaphore, #tpu.memory_space<semaphore_mem>>
      %dma_start3A_74 = arith.constant 0 : i32
      %dma_start3A_75 = tpu.memref_slice %arg5[%add3A_31, %dma_start3A_74] : memref<10240x128xf32, #tpu.memory_space<vmem_shared>> -> memref<80x128xf32, #tpu.memory_space<vmem_shared>>
      %dma_start3A_76 = arith.constant 0 : i32
      %dma_start3A_77 = tpu.memref_slice %arg5[%add3A_31, %dma_start3A_76] : memref<10240x128xf32, #tpu.memory_space<vmem_shared>> -> memref<80x128xf32, #tpu.memory_space<vmem_shared>>
      tpu.enqueue_dma source(%arg9 : memref<80x128xf32, #tpu.memory_space<vmem>>) target(%dma_start3A_77 : memref<80x128xf32, #tpu.memory_space<vmem_shared>>) target_semaphore(%run_scoped3A : memref<!tpu.dma_semaphore, #tpu.memory_space<semaphore_mem>>)
      %dma_wait3A = arith.constant 0 : i32
      %dma_wait3A_78 = tpu.memref_slice %arg5[%add3A_31, %dma_wait3A] : memref<10240x128xf32, #tpu.memory_space<vmem_shared>> -> memref<80x128xf32, #tpu.memory_space<vmem_shared>>
      %dma_wait3A_79 = arith.constant 0 : i32
      %dma_wait3A_80 = tpu.memref_slice %arg5[%add3A_31, %dma_wait3A_79] : memref<10240x128xf32, #tpu.memory_space<vmem_shared>> -> memref<80x128xf32, #tpu.memory_space<vmem_shared>>
      tpu.wait_dma2 semaphore(%run_scoped3A : memref<!tpu.dma_semaphore, #tpu.memory_space<semaphore_mem>>) src(%arg9 : memref<80x128xf32, #tpu.memory_space<vmem>>) dst(%dma_wait3A_80 : memref<80x128xf32, #tpu.memory_space<vmem_shared>>)
      tpu.yield
    }) : () -> ()
    %mul3A_32 = arith.constant 640 : i32
    %mul3A_33 = arith.muli %arg1, %mul3A_32 : i32
    %add3A_34 = arith.constant 560 : i32
    %add3A_35 = arith.addi %mul3A_33, %add3A_34 : i32
    "tpu.region"() ({
      %run_scoped3A = tpu.sem_alloc : memref<!tpu.dma_semaphore, #tpu.memory_space<semaphore_mem>>
      %dma_start3A_74 = arith.constant 0 : i32
      %dma_start3A_75 = tpu.memref_slice %arg5[%add3A_35, %dma_start3A_74] : memref<10240x128xf32, #tpu.memory_space<vmem_shared>> -> memref<80x128xf32, #tpu.memory_space<vmem_shared>>
      %dma_start3A_76 = arith.constant 0 : i32
      %dma_start3A_77 = tpu.memref_slice %arg5[%add3A_35, %dma_start3A_76] : memref<10240x128xf32, #tpu.memory_space<vmem_shared>> -> memref<80x128xf32, #tpu.memory_space<vmem_shared>>
      tpu.enqueue_dma source(%arg9 : memref<80x128xf32, #tpu.memory_space<vmem>>) target(%dma_start3A_77 : memref<80x128xf32, #tpu.memory_space<vmem_shared>>) target_semaphore(%run_scoped3A : memref<!tpu.dma_semaphore, #tpu.memory_space<semaphore_mem>>)
      %dma_wait3A = arith.constant 0 : i32
      %dma_wait3A_78 = tpu.memref_slice %arg5[%add3A_35, %dma_wait3A] : memref<10240x128xf32, #tpu.memory_space<vmem_shared>> -> memref<80x128xf32, #tpu.memory_space<vmem_shared>>
      %dma_wait3A_79 = arith.constant 0 : i32
      %dma_wait3A_80 = tpu.memref_slice %arg5[%add3A_35, %dma_wait3A_79] : memref<10240x128xf32, #tpu.memory_space<vmem_shared>> -> memref<80x128xf32, #tpu.memory_space<vmem_shared>>
      tpu.wait_dma2 semaphore(%run_scoped3A : memref<!tpu.dma_semaphore, #tpu.memory_space<semaphore_mem>>) src(%arg9 : memref<80x128xf32, #tpu.memory_space<vmem>>) dst(%dma_wait3A_80 : memref<80x128xf32, #tpu.memory_space<vmem_shared>>)
      tpu.yield
    }) : () -> ()
    %mul3A_36 = arith.constant 10000 : i32
    %mul3A_37 = arith.muli %arg1, %mul3A_36 : i32
    %add3A_38 = arith.constant 160000 : i32
    %add3A_39 = arith.addi %add3A_38, %mul3A_37 : i32
    %mul3A_40 = arith.constant 10000 : i32
    %mul3A_41 = arith.muli %arg1, %mul3A_40 : i32
    %add3A_42 = arith.constant 0 : i32
    %add3A_43 = arith.addi %add3A_42, %mul3A_41 : i32
    "tpu.region"() ({
      %run_scoped3A = tpu.sem_alloc : memref<!tpu.dma_semaphore, #tpu.memory_space<semaphore_mem>>
      %dma_start3A_74 = tpu.memref_slice %arg3[%add3A_39] : memref<320000xi32, #tpu.memory_space<hbm>> -> memref<10000xi32, #tpu.memory_space<hbm>>
      %dma_start3A_75 = tpu.memref_slice %arg3[%add3A_39] : memref<320000xi32, #tpu.memory_space<hbm>> -> memref<10000xi32, #tpu.memory_space<hbm>>
      tpu.enqueue_dma source(%dma_start3A_75 : memref<10000xi32, #tpu.memory_space<hbm>>) target(%arg6 : memref<10000xi32, #tpu.memory_space<vmem>>) target_semaphore(%run_scoped3A : memref<!tpu.dma_semaphore, #tpu.memory_space<semaphore_mem>>)
      %dma_wait3A = tpu.memref_slice %arg3[%add3A_39] : memref<320000xi32, #tpu.memory_space<hbm>> -> memref<10000xi32, #tpu.memory_space<hbm>>
      %dma_wait3A_76 = tpu.memref_slice %arg3[%add3A_39] : memref<320000xi32, #tpu.memory_space<hbm>> -> memref<10000xi32, #tpu.memory_space<hbm>>
      tpu.wait_dma2 semaphore(%run_scoped3A : memref<!tpu.dma_semaphore, #tpu.memory_space<semaphore_mem>>) src(%dma_wait3A_76 : memref<10000xi32, #tpu.memory_space<hbm>>) dst(%arg6 : memref<10000xi32, #tpu.memory_space<vmem>>)
      tpu.yield
    }) : () -> ()
    %mul3A_44 = arith.constant 10240 : i32
    %mul3A_45 = arith.muli %arg0, %mul3A_44 : i32
    %scan3A_46 = arith.constant 0 : i32
    %scan3A_47 = arith.constant 0 : i32
    %scan3A_48 = arith.constant 625 : i32
    %scan3A_49 = arith.addi %scan3A_47, %scan3A_48 : i32
    %scan3A_50 = arith.constant 1 : i32
    %scan3A_51 = scf.for %scan3A_74 = %scan3A_47 to %scan3A_49 step %scan3A_50 iter_args(%scan3A_75 = %scan3A_46) -> (i32)  : i32 {
      %mul3A_76 = arith.constant 16 : i32
      %mul3A_77 = arith.muli %scan3A_74, %mul3A_76 : i32
      %get3A = arith.index_cast %mul3A_77 : i32 to index
      %get3A_78 = tpu.vector_load %arg6[%get3A] {strides = array<i32>} : memref<10000xi32, #tpu.memory_space<vmem>>, vector<16xi32>,
      %get3A_79 = vector.shape_cast %get3A_78 : vector<16xi32> to vector<16xi32>
      %add3A_80 = vector.broadcast %mul3A_45 : i32 to vector<16xi32>
      %add3A_81 = arith.addi %get3A_79, %add3A_80 : vector<16xi32>
      %mul3A_82 = arith.constant 16 : i32
      %mul3A_83 = arith.muli %scan3A_74, %mul3A_82 : i32
      %swap3A = arith.index_cast %mul3A_83 : i32 to index
      %swap3A_84 = tpu.vector_load %arg6[%swap3A] {strides = array<i32>} : memref<10000xi32, #tpu.memory_space<vmem>>, vector<16xi32>,
      %swap3A_85 = vector.shape_cast %swap3A_84 : vector<16xi32> to vector<16xi32>
      %swap3A_86 = vector.shape_cast %add3A_81 : vector<16xi32> to vector<16xi32>
      tpu.vector_store %arg6[%swap3A], %swap3A_86 {strides = array<i32>} : memref<10000xi32, #tpu.memory_space<vmem>>, vector<16xi32>,
      %scan3A_87 = arith.constant 0 : i32
      scf.yield %scan3A_87 : i32
    }
    %scan3A_52 = arith.constant 625 : i32
    %barrier3A = arith.constant 0 : index
    tpu.barrier barrier_id(%barrier3A)
    %dma_start3A = arith.constant 0 : i32
    %dma_start3A_53 = tpu.memref_slice %arg6[%dma_start3A] : memref<10000xi32, #tpu.memory_space<vmem>> -> memref<80xi32, #tpu.memory_space<vmem>>
    %dma_start3A_54 = arith.constant 0 : i32
    %dma_start3A_55 = arith.constant 0 : i32
    %dma_start3A_56 = tpu.memref_slice %arg2[%dma_start3A_54, %dma_start3A_55] : memref<20480x128xf32, #tpu.memory_space<hbm>> -> memref<20480x128xf32, #tpu.memory_space<hbm>>
    tpu.enqueue_indirect_dma source(%dma_start3A_56 : memref<20480x128xf32, #tpu.memory_space<hbm>>) target(%arg9 : memref<80x128xf32, #tpu.memory_space<vmem>>) offsets(%dma_start3A_53 : memref<80xi32, #tpu.memory_space<vmem>>) semaphore(%arg11 : memref<!tpu.dma_semaphore, #tpu.memory_space<semaphore_mem>>)
    %dma_start3A_57 = tpu.memref_slice %arg3[%add3A_43] : memref<320000xi32, #tpu.memory_space<hbm>> -> memref<80xi32, #tpu.memory_space<hbm>>
    %dma_start3A_58 = tpu.memref_slice %arg3[%add3A_43] : memref<320000xi32, #tpu.memory_space<hbm>> -> memref<80xi32, #tpu.memory_space<hbm>>
    tpu.enqueue_dma source(%dma_start3A_58 : memref<80xi32, #tpu.memory_space<hbm>>) target(%arg7 : memref<80xi32, #tpu.memory_space<vmem>>) target_semaphore(%arg13 : memref<!tpu.dma_semaphore, #tpu.memory_space<semaphore_mem>>)
    %scan3A_59 = arith.constant 0 : i32
    %scan3A_60 = arith.constant 0 : i32
    %scan3A_61 = arith.constant 125 : i32
    %scan3A_62 = arith.addi %scan3A_60, %scan3A_61 : i32
    %scan3A_63 = arith.constant 1 : i32
    %scan3A_64 = scf.for %scan3A_74 = %scan3A_60 to %scan3A_62 step %scan3A_63 iter_args(%scan3A_75 = %scan3A_59) -> (i32)  : i32 {
      %add3A_76 = arith.constant 1 : i32
      %add3A_77 = arith.addi %scan3A_74, %add3A_76 : i32
      %lt3A = arith.constant 125 : i32
      %lt3A_78 = arith.cmpi slt, %add3A_77, %lt3A : i32
      %jit3A = arith.constant 2 : i32
      %eq3A = arith.constant 0 : i32
      %eq3A_79 = arith.cmpi eq, %jit3A, %eq3A : i32
      %jit3A_80 = arith.constant 1 : i32
      %select_n3A = arith.select %eq3A_79, %jit3A_80, %jit3A : i32
      %rem3A = arith.remsi %add3A_77, %select_n3A : i32
      %ne3A = arith.constant 0 : i32
      %ne3A_81 = arith.cmpi ne, %rem3A, %ne3A : i32
      %lt3A_82 = arith.constant 0 : i32
      %lt3A_83 = arith.cmpi slt, %rem3A, %lt3A_82 : i32
      %lt3A_84 = arith.constant 0 : i32
      %lt3A_85 = arith.cmpi slt, %select_n3A, %lt3A_84 : i32
      %ne3A_86 = arith.xori %lt3A_83, %lt3A_85 : i1
      %and3A = arith.andi %ne3A_86, %ne3A_81 : i1
      %add3A_87 = arith.addi %rem3A, %select_n3A : i32
      %select_n3A_88 = arith.select %and3A, %add3A_87, %rem3A : i32
      %eq3A_89 = arith.constant 1 : i32
      %eq3A_90 = arith.cmpi eq, %select_n3A_88, %eq3A_89 : i32
      %and3A_91 = arith.andi %lt3A_78, %eq3A_90 : i1
      %convert_element_type3A = arith.extui %and3A_91 : i1 to i32
      %cond3A = arith.constant 0 : i32
      %cond3A_92 = arith.cmpi ne, %convert_element_type3A, %cond3A : i32
      scf.if %cond3A_92 {
        %mul3A_160 = arith.constant 80 : i32
        %mul3A_161 = arith.muli %add3A_77, %mul3A_160 : i32
        %dma_start3A_162 = tpu.memref_slice %arg6[%mul3A_161] : memref<10000xi32, #tpu.memory_space<vmem>> -> memref<80xi32, #tpu.memory_space<vmem>>
        %dma_start3A_163 = arith.constant 0 : i32
        %dma_start3A_164 = arith.constant 0 : i32
        %dma_start3A_165 = tpu.memref_slice %arg2[%dma_start3A_163, %dma_start3A_164] : memref<20480x128xf32, #tpu.memory_space<hbm>> -> memref<20480x128xf32, #tpu.memory_space<hbm>>
        tpu.enqueue_indirect_dma source(%dma_start3A_165 : memref<20480x128xf32, #tpu.memory_space<hbm>>) target(%arg10 : memref<80x128xf32, #tpu.memory_space<vmem>>) offsets(%dma_start3A_162 : memref<80xi32, #tpu.memory_space<vmem>>) semaphore(%arg12 : memref<!tpu.dma_semaphore, #tpu.memory_space<semaphore_mem>>)
        %mul3A_166 = arith.constant 80 : i32
        %mul3A_167 = arith.muli %add3A_77, %mul3A_166 : i32
        %add3A_168 = arith.addi %add3A_43, %mul3A_167 : i32
        %dma_start3A_169 = tpu.memref_slice %arg3[%add3A_168] : memref<320000xi32, #tpu.memory_space<hbm>> -> memref<80xi32, #tpu.memory_space<hbm>>
        %dma_start3A_170 = tpu.memref_slice %arg3[%add3A_168] : memref<320000xi32, #tpu.memory_space<hbm>> -> memref<80xi32, #tpu.memory_space<hbm>>
        tpu.enqueue_dma source(%dma_start3A_170 : memref<80xi32, #tpu.memory_space<hbm>>) target(%arg8 : memref<80xi32, #tpu.memory_space<vmem>>) target_semaphore(%arg14 : memref<!tpu.dma_semaphore, #tpu.memory_space<semaphore_mem>>)
      } else {
      }
      %lt3A_93 = arith.constant 125 : i32
      %lt3A_94 = arith.cmpi slt, %add3A_77, %lt3A_93 : i32
      %jit3A_95 = arith.constant 2 : i32
      %eq3A_96 = arith.constant 0 : i32
      %eq3A_97 = arith.cmpi eq, %jit3A_95, %eq3A_96 : i32
      %jit3A_98 = arith.constant 1 : i32
      %select_n3A_99 = arith.select %eq3A_97, %jit3A_98, %jit3A_95 : i32
      %rem3A_100 = arith.remsi %add3A_77, %select_n3A_99 : i32
      %ne3A_101 = arith.constant 0 : i32
      %ne3A_102 = arith.cmpi ne, %rem3A_100, %ne3A_101 : i32
      %lt3A_103 = arith.constant 0 : i32
      %lt3A_104 = arith.cmpi slt, %rem3A_100, %lt3A_103 : i32
      %lt3A_105 = arith.constant 0 : i32
      %lt3A_106 = arith.cmpi slt, %select_n3A_99, %lt3A_105 : i32
      %ne3A_107 = arith.xori %lt3A_104, %lt3A_106 : i1
      %and3A_108 = arith.andi %ne3A_107, %ne3A_102 : i1
      %add3A_109 = arith.addi %rem3A_100, %select_n3A_99 : i32
      %select_n3A_110 = arith.select %and3A_108, %add3A_109, %rem3A_100 : i32
      %eq3A_111 = arith.constant 0 : i32
      %eq3A_112 = arith.cmpi eq, %select_n3A_110, %eq3A_111 : i32
      %and3A_113 = arith.andi %lt3A_94, %eq3A_112 : i1
      %convert_element_type3A_114 = arith.extui %and3A_113 : i1 to i32
      %cond3A_115 = arith.constant 0 : i32
      %cond3A_116 = arith.cmpi ne, %convert_element_type3A_114, %cond3A_115 : i32
      scf.if %cond3A_116 {
        %mul3A_160 = arith.constant 80 : i32
        %mul3A_161 = arith.muli %add3A_77, %mul3A_160 : i32
        %dma_start3A_162 = tpu.memref_slice %arg6[%mul3A_161] : memref<10000xi32, #tpu.memory_space<vmem>> -> memref<80xi32, #tpu.memory_space<vmem>>
        %dma_start3A_163 = arith.constant 0 : i32
        %dma_start3A_164 = arith.constant 0 : i32
        %dma_start3A_165 = tpu.memref_slice %arg2[%dma_start3A_163, %dma_start3A_164] : memref<20480x128xf32, #tpu.memory_space<hbm>> -> memref<20480x128xf32, #tpu.memory_space<hbm>>
        tpu.enqueue_indirect_dma source(%dma_start3A_165 : memref<20480x128xf32, #tpu.memory_space<hbm>>) target(%arg9 : memref<80x128xf32, #tpu.memory_space<vmem>>) offsets(%dma_start3A_162 : memref<80xi32, #tpu.memory_space<vmem>>) semaphore(%arg11 : memref<!tpu.dma_semaphore, #tpu.memory_space<semaphore_mem>>)
        %mul3A_166 = arith.constant 80 : i32
        %mul3A_167 = arith.muli %add3A_77, %mul3A_166 : i32
        %add3A_168 = arith.addi %add3A_43, %mul3A_167 : i32
        %dma_start3A_169 = tpu.memref_slice %arg3[%add3A_168] : memref<320000xi32, #tpu.memory_space<hbm>> -> memref<80xi32, #tpu.memory_space<hbm>>
        %dma_start3A_170 = tpu.memref_slice %arg3[%add3A_168] : memref<320000xi32, #tpu.memory_space<hbm>> -> memref<80xi32, #tpu.memory_space<hbm>>
        tpu.enqueue_dma source(%dma_start3A_170 : memref<80xi32, #tpu.memory_space<hbm>>) target(%arg7 : memref<80xi32, #tpu.memory_space<vmem>>) target_semaphore(%arg13 : memref<!tpu.dma_semaphore, #tpu.memory_space<semaphore_mem>>)
      } else {
      }
      %jit3A_117 = arith.constant 2 : i32
      %eq3A_118 = arith.constant 0 : i32
      %eq3A_119 = arith.cmpi eq, %jit3A_117, %eq3A_118 : i32
      %jit3A_120 = arith.constant 1 : i32
      %select_n3A_121 = arith.select %eq3A_119, %jit3A_120, %jit3A_117 : i32
      %rem3A_122 = arith.remsi %scan3A_74, %select_n3A_121 : i32
      %ne3A_123 = arith.constant 0 : i32
      %ne3A_124 = arith.cmpi ne, %rem3A_122, %ne3A_123 : i32
      %lt3A_125 = arith.constant 0 : i32
      %lt3A_126 = arith.cmpi slt, %rem3A_122, %lt3A_125 : i32
      %lt3A_127 = arith.constant 0 : i32
      %lt3A_128 = arith.cmpi slt, %select_n3A_121, %lt3A_127 : i32
      %ne3A_129 = arith.xori %lt3A_126, %lt3A_128 : i1
      %and3A_130 = arith.andi %ne3A_129, %ne3A_124 : i1
      %add3A_131 = arith.addi %rem3A_122, %select_n3A_121 : i32
      %select_n3A_132 = arith.select %and3A_130, %add3A_131, %rem3A_122 : i32
      %eq3A_133 = arith.constant 0 : i32
      %eq3A_134 = arith.cmpi eq, %select_n3A_132, %eq3A_133 : i32
      %convert_element_type3A_135 = arith.extui %eq3A_134 : i1 to i32
      %cond3A_136 = arith.constant 0 : i32
      %cond3A_137 = arith.cmpi ne, %convert_element_type3A_135, %cond3A_136 : i32
      scf.if %cond3A_137 {
        %dma_wait3A = arith.constant 0 : i32
        %dma_wait3A_160 = tpu.memref_slice %arg6[%dma_wait3A] : memref<10000xi32, #tpu.memory_space<vmem>> -> memref<80xi32, #tpu.memory_space<vmem>>
        %dma_wait3A_161 = arith.constant 0 : i32
        %dma_wait3A_162 = arith.constant 0 : i32
        %dma_wait3A_163 = tpu.memref_slice %arg2[%dma_wait3A_161, %dma_wait3A_162] : memref<20480x128xf32, #tpu.memory_space<hbm>> -> memref<20480x128xf32, #tpu.memory_space<hbm>>
        tpu.wait_indirect_dma semaphore(%arg11 : memref<!tpu.dma_semaphore, #tpu.memory_space<semaphore_mem>>) src(%dma_wait3A_163 : memref<20480x128xf32, #tpu.memory_space<hbm>>) dst(%arg9 : memref<80x128xf32, #tpu.memory_space<vmem>>)
        %dma_wait3A_164 = tpu.memref_slice %arg3[%add3A_43] : memref<320000xi32, #tpu.memory_space<hbm>> -> memref<80xi32, #tpu.memory_space<hbm>>
        %dma_wait3A_165 = tpu.memref_slice %arg3[%add3A_43] : memref<320000xi32, #tpu.memory_space<hbm>> -> memref<80xi32, #tpu.memory_space<hbm>>
        tpu.wait_dma2 semaphore(%arg13 : memref<!tpu.dma_semaphore, #tpu.memory_space<semaphore_mem>>) src(%dma_wait3A_165 : memref<80xi32, #tpu.memory_space<hbm>>) dst(%arg7 : memref<80xi32, #tpu.memory_space<vmem>>)
        "tpu.region"() ({
          %run_scoped3A = tpu.sem_alloc : memref<!tpu.dma_semaphore, #tpu.memory_space<semaphore_mem>>
          %dma_start3A_166 = arith.constant 0 : i32
          %dma_start3A_167 = arith.constant 0 : i32
          %dma_start3A_168 = tpu.memref_slice %arg5[%dma_start3A_166, %dma_start3A_167] : memref<10240x128xf32, #tpu.memory_space<vmem_shared>> -> memref<10240x128xf32, #tpu.memory_space<vmem_shared>>
          tpu.enqueue_indirect_dma source(%arg9 : memref<80x128xf32, #tpu.memory_space<vmem>>) target(%dma_start3A_168 : memref<10240x128xf32, #tpu.memory_space<vmem_shared>>) offsets(%arg7 : memref<80xi32, #tpu.memory_space<vmem>>) semaphore(%run_scoped3A : memref<!tpu.dma_semaphore, #tpu.memory_space<semaphore_mem>>) {add = true}
          %dma_wait3A_169 = arith.constant 0 : i32
          %dma_wait3A_170 = arith.constant 0 : i32
          %dma_wait3A_171 = tpu.memref_slice %arg5[%dma_wait3A_169, %dma_wait3A_170] : memref<10240x128xf32, #tpu.memory_space<vmem_shared>> -> memref<10240x128xf32, #tpu.memory_space<vmem_shared>>
          tpu.wait_indirect_dma semaphore(%run_scoped3A : memref<!tpu.dma_semaphore, #tpu.memory_space<semaphore_mem>>) src(%arg9 : memref<80x128xf32, #tpu.memory_space<vmem>>) dst(%dma_wait3A_171 : memref<10240x128xf32, #tpu.memory_space<vmem_shared>>)
          tpu.yield
        }) : () -> ()
      } else {
      }
      %jit3A_138 = arith.constant 2 : i32
      %eq3A_139 = arith.constant 0 : i32
      %eq3A_140 = arith.cmpi eq, %jit3A_138, %eq3A_139 : i32
      %jit3A_141 = arith.constant 1 : i32
      %select_n3A_142 = arith.select %eq3A_140, %jit3A_141, %jit3A_138 : i32
      %rem3A_143 = arith.remsi %scan3A_74, %select_n3A_142 : i32
      %ne3A_144 = arith.constant 0 : i32
      %ne3A_145 = arith.cmpi ne, %rem3A_143, %ne3A_144 : i32
      %lt3A_146 = arith.constant 0 : i32
      %lt3A_147 = arith.cmpi slt, %rem3A_143, %lt3A_146 : i32
      %lt3A_148 = arith.constant 0 : i32
      %lt3A_149 = arith.cmpi slt, %select_n3A_142, %lt3A_148 : i32
      %ne3A_150 = arith.xori %lt3A_147, %lt3A_149 : i1
      %and3A_151 = arith.andi %ne3A_150, %ne3A_145 : i1
      %add3A_152 = arith.addi %rem3A_143, %select_n3A_142 : i32
      %select_n3A_153 = arith.select %and3A_151, %add3A_152, %rem3A_143 : i32
      %eq3A_154 = arith.constant 1 : i32
      %eq3A_155 = arith.cmpi eq, %select_n3A_153, %eq3A_154 : i32
      %convert_element_type3A_156 = arith.extui %eq3A_155 : i1 to i32
      %cond3A_157 = arith.constant 0 : i32
      %cond3A_158 = arith.cmpi ne, %convert_element_type3A_156, %cond3A_157 : i32
      scf.if %cond3A_158 {
        %dma_wait3A = arith.constant 0 : i32
        %dma_wait3A_160 = tpu.memref_slice %arg6[%dma_wait3A] : memref<10000xi32, #tpu.memory_space<vmem>> -> memref<80xi32, #tpu.memory_space<vmem>>
        %dma_wait3A_161 = arith.constant 0 : i32
        %dma_wait3A_162 = arith.constant 0 : i32
        %dma_wait3A_163 = tpu.memref_slice %arg2[%dma_wait3A_161, %dma_wait3A_162] : memref<20480x128xf32, #tpu.memory_space<hbm>> -> memref<20480x128xf32, #tpu.memory_space<hbm>>
        tpu.wait_indirect_dma semaphore(%arg12 : memref<!tpu.dma_semaphore, #tpu.memory_space<semaphore_mem>>) src(%dma_wait3A_163 : memref<20480x128xf32, #tpu.memory_space<hbm>>) dst(%arg10 : memref<80x128xf32, #tpu.memory_space<vmem>>)
        %dma_wait3A_164 = tpu.memref_slice %arg3[%add3A_43] : memref<320000xi32, #tpu.memory_space<hbm>> -> memref<80xi32, #tpu.memory_space<hbm>>
        %dma_wait3A_165 = tpu.memref_slice %arg3[%add3A_43] : memref<320000xi32, #tpu.memory_space<hbm>> -> memref<80xi32, #tpu.memory_space<hbm>>
        tpu.wait_dma2 semaphore(%arg14 : memref<!tpu.dma_semaphore, #tpu.memory_space<semaphore_mem>>) src(%dma_wait3A_165 : memref<80xi32, #tpu.memory_space<hbm>>) dst(%arg8 : memref<80xi32, #tpu.memory_space<vmem>>)
        "tpu.region"() ({
          %run_scoped3A = tpu.sem_alloc : memref<!tpu.dma_semaphore, #tpu.memory_space<semaphore_mem>>
          %dma_start3A_166 = arith.constant 0 : i32
          %dma_start3A_167 = arith.constant 0 : i32
          %dma_start3A_168 = tpu.memref_slice %arg5[%dma_start3A_166, %dma_start3A_167] : memref<10240x128xf32, #tpu.memory_space<vmem_shared>> -> memref<10240x128xf32, #tpu.memory_space<vmem_shared>>
          tpu.enqueue_indirect_dma source(%arg10 : memref<80x128xf32, #tpu.memory_space<vmem>>) target(%dma_start3A_168 : memref<10240x128xf32, #tpu.memory_space<vmem_shared>>) offsets(%arg8 : memref<80xi32, #tpu.memory_space<vmem>>) semaphore(%run_scoped3A : memref<!tpu.dma_semaphore, #tpu.memory_space<semaphore_mem>>) {add = true}
          %dma_wait3A_169 = arith.constant 0 : i32
          %dma_wait3A_170 = arith.constant 0 : i32
          %dma_wait3A_171 = tpu.memref_slice %arg5[%dma_wait3A_169, %dma_wait3A_170] : memref<10240x128xf32, #tpu.memory_space<vmem_shared>> -> memref<10240x128xf32, #tpu.memory_space<vmem_shared>>
          tpu.wait_indirect_dma semaphore(%run_scoped3A : memref<!tpu.dma_semaphore, #tpu.memory_space<semaphore_mem>>) src(%arg10 : memref<80x128xf32, #tpu.memory_space<vmem>>) dst(%dma_wait3A_171 : memref<10240x128xf32, #tpu.memory_space<vmem_shared>>)
          tpu.yield
        }) : () -> ()
      } else {
      }
      %scan3A_159 = arith.constant 0 : i32
      scf.yield %scan3A_159 : i32
    }
    %scan3A_65 = arith.constant 125 : i32
    %barrier3A_66 = arith.constant 0 : index
    tpu.barrier barrier_id(%barrier3A_66)
    %mul3A_67 = arith.constant 640 : i32
    %mul3A_68 = arith.muli %arg1, %mul3A_67 : i32
    %mul3A_69 = arith.constant 10240 : i32
    %mul3A_70 = arith.muli %arg0, %mul3A_69 : i32
    %mul3A_71 = arith.constant 640 : i32
    %mul3A_72 = arith.muli %arg1, %mul3A_71 : i32
    %add3A_73 = arith.addi %mul3A_70, %mul3A_72 : i32
    "tpu.region"() ({
      %run_scoped3A = tpu.sem_alloc : memref<!tpu.dma_semaphore, #tpu.memory_space<semaphore_mem>>
      %dma_start3A_74 = arith.constant 0 : i32
      %dma_start3A_75 = tpu.memref_slice %arg4[%add3A_73, %dma_start3A_74] : memref<20480x128xf32, #tpu.memory_space<hbm>> -> memref<640x128xf32, #tpu.memory_space<hbm>>
      %dma_start3A_76 = arith.constant 0 : i32
      %dma_start3A_77 = tpu.memref_slice %arg5[%mul3A_68, %dma_start3A_76] : memref<10240x128xf32, #tpu.memory_space<vmem_shared>> -> memref<640x128xf32, #tpu.memory_space<vmem_shared>>
      tpu.enqueue_dma source(%dma_start3A_77 : memref<640x128xf32, #tpu.memory_space<vmem_shared>>) target(%dma_start3A_75 : memref<640x128xf32, #tpu.memory_space<hbm>>) target_semaphore(%run_scoped3A : memref<!tpu.dma_semaphore, #tpu.memory_space<semaphore_mem>>)
      %dma_wait3A = arith.constant 0 : i32
      %dma_wait3A_78 = tpu.memref_slice %arg4[%add3A_73, %dma_wait3A] : memref<20480x128xf32, #tpu.memory_space<hbm>> -> memref<640x128xf32, #tpu.memory_space<hbm>>
      %dma_wait3A_79 = arith.constant 0 : i32
      %dma_wait3A_80 = tpu.memref_slice %arg5[%mul3A_68, %dma_wait3A_79] : memref<10240x128xf32, #tpu.memory_space<vmem_shared>> -> memref<640x128xf32, #tpu.memory_space<vmem_shared>>
      tpu.wait_dma2 semaphore(%run_scoped3A : memref<!tpu.dma_semaphore, #tpu.memory_space<semaphore_mem>>) src(%dma_wait3A_80 : memref<640x128xf32, #tpu.memory_space<vmem_shared>>) dst(%dma_wait3A_78 : memref<640x128xf32, #tpu.memory_space<hbm>>)
      tpu.yield
    }) : () -> ()
    return
  }
}

#map = affine_map<(d0, d1) -> (0)>
module attributes {stable_mosaic.version = 14 : i64} {
  func.func @_cards_body(%arg0: i32, %arg1: i32, %arg2: memref<320000xi32, #tpu.memory_space<hbm>>, %arg3: memref<20480xf32, #tpu.memory_space<hbm>>, %arg4: memref<10240xf32, #tpu.memory_space<vmem_shared>>, %arg5: memref<80xi32, #tpu.memory_space<vmem>>, %arg6: memref<80xi32, #tpu.memory_space<vmem>>, %arg7: memref<80xf32, #tpu.memory_space<vmem>>, %arg8: memref<640xf32, #tpu.memory_space<vmem>>, %arg9: memref<!tpu.dma_semaphore, #tpu.memory_space<semaphore_mem>>, %arg10: memref<!tpu.dma_semaphore, #tpu.memory_space<semaphore_mem>>) attributes {dimension_semantics = [#tpu.dimension_semantics<core_parallel>, #tpu.dimension_semantics<subcore_parallel>], iteration_bounds = array<i64: 2, 16>, scalar_prefetch = 0 : i64, scratch_operands = 7 : i64, tpu.core_type = #tpu.core_type<sc_vector_subcore>, window_params = [{transform_indices = #map}, {transform_indices = #map}]} {
    %scan3A = arith.constant 0 : i32
    %scan3A_0 = arith.constant 0 : i32
    %scan3A_1 = arith.constant 40 : i32
    %scan3A_2 = arith.addi %scan3A_0, %scan3A_1 : i32
    %scan3A_3 = arith.constant 1 : i32
    %scan3A_4 = scf.for %scan3A_41 = %scan3A_0 to %scan3A_2 step %scan3A_3 iter_args(%scan3A_42 = %scan3A) -> (i32)  : i32 {
      %broadcast_in_dim3A = arith.constant 0.000000e+00 : f32
      %broadcast_in_dim3A_43 = vector.broadcast %broadcast_in_dim3A : f32 to vector<16xf32>
      %mul3A_44 = arith.constant 16 : i32
      %mul3A_45 = arith.muli %scan3A_41, %mul3A_44 : i32
      %swap3A = arith.index_cast %mul3A_45 : i32 to index
      %swap3A_46 = tpu.vector_load %arg8[%swap3A] {strides = array<i32>} : memref<640xf32, #tpu.memory_space<vmem>>, vector<16xf32>,
      %swap3A_47 = vector.shape_cast %swap3A_46 : vector<16xf32> to vector<16xf32>
      %swap3A_48 = vector.shape_cast %broadcast_in_dim3A_43 : vector<16xf32> to vector<16xf32>
      tpu.vector_store %arg8[%swap3A], %swap3A_48 {strides = array<i32>} : memref<640xf32, #tpu.memory_space<vmem>>, vector<16xf32>,
      %scan3A_49 = arith.constant 0 : i32
      scf.yield %scan3A_49 : i32
    }
    %scan3A_5 = arith.constant 40 : i32
    %mul3A = arith.constant 640 : i32
    %mul3A_6 = arith.muli %arg1, %mul3A : i32
    "tpu.region"() ({
      %run_scoped3A = tpu.sem_alloc : memref<!tpu.dma_semaphore, #tpu.memory_space<semaphore_mem>>
      %dma_start3A_41 = tpu.memref_slice %arg4[%mul3A_6] : memref<10240xf32, #tpu.memory_space<vmem_shared>> -> memref<640xf32, #tpu.memory_space<vmem_shared>>
      %dma_start3A_42 = tpu.memref_slice %arg4[%mul3A_6] : memref<10240xf32, #tpu.memory_space<vmem_shared>> -> memref<640xf32, #tpu.memory_space<vmem_shared>>
      tpu.enqueue_dma source(%arg8 : memref<640xf32, #tpu.memory_space<vmem>>) target(%dma_start3A_42 : memref<640xf32, #tpu.memory_space<vmem_shared>>) target_semaphore(%run_scoped3A : memref<!tpu.dma_semaphore, #tpu.memory_space<semaphore_mem>>)
      %dma_wait3A = tpu.memref_slice %arg4[%mul3A_6] : memref<10240xf32, #tpu.memory_space<vmem_shared>> -> memref<640xf32, #tpu.memory_space<vmem_shared>>
      %dma_wait3A_43 = tpu.memref_slice %arg4[%mul3A_6] : memref<10240xf32, #tpu.memory_space<vmem_shared>> -> memref<640xf32, #tpu.memory_space<vmem_shared>>
      tpu.wait_dma2 semaphore(%run_scoped3A : memref<!tpu.dma_semaphore, #tpu.memory_space<semaphore_mem>>) src(%arg8 : memref<640xf32, #tpu.memory_space<vmem>>) dst(%dma_wait3A_43 : memref<640xf32, #tpu.memory_space<vmem_shared>>)
      tpu.yield
    }) : () -> ()
    %scan3A_7 = arith.constant 0 : i32
    %scan3A_8 = arith.constant 0 : i32
    %scan3A_9 = arith.constant 5 : i32
    %scan3A_10 = arith.addi %scan3A_8, %scan3A_9 : i32
    %scan3A_11 = arith.constant 1 : i32
    %scan3A_12 = scf.for %scan3A_41 = %scan3A_8 to %scan3A_10 step %scan3A_11 iter_args(%scan3A_42 = %scan3A_7) -> (i32)  : i32 {
      %broadcast_in_dim3A = arith.constant 1.000000e+00 : f32
      %broadcast_in_dim3A_43 = vector.broadcast %broadcast_in_dim3A : f32 to vector<16xf32>
      %mul3A_44 = arith.constant 16 : i32
      %mul3A_45 = arith.muli %scan3A_41, %mul3A_44 : i32
      %swap3A = arith.index_cast %mul3A_45 : i32 to index
      %swap3A_46 = tpu.vector_load %arg7[%swap3A] {strides = array<i32>} : memref<80xf32, #tpu.memory_space<vmem>>, vector<16xf32>,
      %swap3A_47 = vector.shape_cast %swap3A_46 : vector<16xf32> to vector<16xf32>
      %swap3A_48 = vector.shape_cast %broadcast_in_dim3A_43 : vector<16xf32> to vector<16xf32>
      tpu.vector_store %arg7[%swap3A], %swap3A_48 {strides = array<i32>} : memref<80xf32, #tpu.memory_space<vmem>>, vector<16xf32>,
      %scan3A_49 = arith.constant 0 : i32
      scf.yield %scan3A_49 : i32
    }
    %scan3A_13 = arith.constant 5 : i32
    %mul3A_14 = arith.constant 160000 : i32
    %mul3A_15 = arith.muli %arg0, %mul3A_14 : i32
    %mul3A_16 = arith.constant 10000 : i32
    %mul3A_17 = arith.muli %arg1, %mul3A_16 : i32
    %add3A = arith.addi %mul3A_15, %mul3A_17 : i32
    %barrier3A = arith.constant 0 : index
    tpu.barrier barrier_id(%barrier3A)
    %dma_start3A = tpu.memref_slice %arg2[%add3A] : memref<320000xi32, #tpu.memory_space<hbm>> -> memref<80xi32, #tpu.memory_space<hbm>>
    %dma_start3A_18 = tpu.memref_slice %arg2[%add3A] : memref<320000xi32, #tpu.memory_space<hbm>> -> memref<80xi32, #tpu.memory_space<hbm>>
    tpu.enqueue_dma source(%dma_start3A_18 : memref<80xi32, #tpu.memory_space<hbm>>) target(%arg5 : memref<80xi32, #tpu.memory_space<vmem>>) target_semaphore(%arg9 : memref<!tpu.dma_semaphore, #tpu.memory_space<semaphore_mem>>)
    %scan3A_19 = arith.constant 0 : i32
    %scan3A_20 = arith.constant 0 : i32
    %scan3A_21 = arith.constant 125 : i32
    %scan3A_22 = arith.addi %scan3A_20, %scan3A_21 : i32
    %scan3A_23 = arith.constant 1 : i32
    %scan3A_24 = scf.for %scan3A_41 = %scan3A_20 to %scan3A_22 step %scan3A_23 iter_args(%scan3A_42 = %scan3A_19) -> (i32)  : i32 {
      %add3A_43 = arith.constant 1 : i32
      %add3A_44 = arith.addi %scan3A_41, %add3A_43 : i32
      %lt3A = arith.constant 125 : i32
      %lt3A_45 = arith.cmpi slt, %add3A_44, %lt3A : i32
      %jit3A = arith.constant 2 : i32
      %eq3A = arith.constant 0 : i32
      %eq3A_46 = arith.cmpi eq, %jit3A, %eq3A : i32
      %jit3A_47 = arith.constant 1 : i32
      %select_n3A = arith.select %eq3A_46, %jit3A_47, %jit3A : i32
      %rem3A = arith.remsi %add3A_44, %select_n3A : i32
      %ne3A = arith.constant 0 : i32
      %ne3A_48 = arith.cmpi ne, %rem3A, %ne3A : i32
      %lt3A_49 = arith.constant 0 : i32
      %lt3A_50 = arith.cmpi slt, %rem3A, %lt3A_49 : i32
      %lt3A_51 = arith.constant 0 : i32
      %lt3A_52 = arith.cmpi slt, %select_n3A, %lt3A_51 : i32
      %ne3A_53 = arith.xori %lt3A_50, %lt3A_52 : i1
      %and3A = arith.andi %ne3A_53, %ne3A_48 : i1
      %add3A_54 = arith.addi %rem3A, %select_n3A : i32
      %select_n3A_55 = arith.select %and3A, %add3A_54, %rem3A : i32
      %eq3A_56 = arith.constant 1 : i32
      %eq3A_57 = arith.cmpi eq, %select_n3A_55, %eq3A_56 : i32
      %and3A_58 = arith.andi %lt3A_45, %eq3A_57 : i1
      %convert_element_type3A_59 = arith.extui %and3A_58 : i1 to i32
      %cond3A = arith.constant 0 : i32
      %cond3A_60 = arith.cmpi ne, %convert_element_type3A_59, %cond3A : i32
      scf.if %cond3A_60 {
        %mul3A_128 = arith.constant 80 : i32
        %mul3A_129 = arith.muli %add3A_44, %mul3A_128 : i32
        %add3A_130 = arith.addi %add3A, %mul3A_129 : i32
        %dma_start3A_131 = tpu.memref_slice %arg2[%add3A_130] : memref<320000xi32, #tpu.memory_space<hbm>> -> memref<80xi32, #tpu.memory_space<hbm>>
        %dma_start3A_132 = tpu.memref_slice %arg2[%add3A_130] : memref<320000xi32, #tpu.memory_space<hbm>> -> memref<80xi32, #tpu.memory_space<hbm>>
        tpu.enqueue_dma source(%dma_start3A_132 : memref<80xi32, #tpu.memory_space<hbm>>) target(%arg6 : memref<80xi32, #tpu.memory_space<vmem>>) target_semaphore(%arg10 : memref<!tpu.dma_semaphore, #tpu.memory_space<semaphore_mem>>)
      } else {
      }
      %lt3A_61 = arith.constant 125 : i32
      %lt3A_62 = arith.cmpi slt, %add3A_44, %lt3A_61 : i32
      %jit3A_63 = arith.constant 2 : i32
      %eq3A_64 = arith.constant 0 : i32
      %eq3A_65 = arith.cmpi eq, %jit3A_63, %eq3A_64 : i32
      %jit3A_66 = arith.constant 1 : i32
      %select_n3A_67 = arith.select %eq3A_65, %jit3A_66, %jit3A_63 : i32
      %rem3A_68 = arith.remsi %add3A_44, %select_n3A_67 : i32
      %ne3A_69 = arith.constant 0 : i32
      %ne3A_70 = arith.cmpi ne, %rem3A_68, %ne3A_69 : i32
      %lt3A_71 = arith.constant 0 : i32
      %lt3A_72 = arith.cmpi slt, %rem3A_68, %lt3A_71 : i32
      %lt3A_73 = arith.constant 0 : i32
      %lt3A_74 = arith.cmpi slt, %select_n3A_67, %lt3A_73 : i32
      %ne3A_75 = arith.xori %lt3A_72, %lt3A_74 : i1
      %and3A_76 = arith.andi %ne3A_75, %ne3A_70 : i1
      %add3A_77 = arith.addi %rem3A_68, %select_n3A_67 : i32
      %select_n3A_78 = arith.select %and3A_76, %add3A_77, %rem3A_68 : i32
      %eq3A_79 = arith.constant 0 : i32
      %eq3A_80 = arith.cmpi eq, %select_n3A_78, %eq3A_79 : i32
      %and3A_81 = arith.andi %lt3A_62, %eq3A_80 : i1
      %convert_element_type3A_82 = arith.extui %and3A_81 : i1 to i32
      %cond3A_83 = arith.constant 0 : i32
      %cond3A_84 = arith.cmpi ne, %convert_element_type3A_82, %cond3A_83 : i32
      scf.if %cond3A_84 {
        %mul3A_128 = arith.constant 80 : i32
        %mul3A_129 = arith.muli %add3A_44, %mul3A_128 : i32
        %add3A_130 = arith.addi %add3A, %mul3A_129 : i32
        %dma_start3A_131 = tpu.memref_slice %arg2[%add3A_130] : memref<320000xi32, #tpu.memory_space<hbm>> -> memref<80xi32, #tpu.memory_space<hbm>>
        %dma_start3A_132 = tpu.memref_slice %arg2[%add3A_130] : memref<320000xi32, #tpu.memory_space<hbm>> -> memref<80xi32, #tpu.memory_space<hbm>>
        tpu.enqueue_dma source(%dma_start3A_132 : memref<80xi32, #tpu.memory_space<hbm>>) target(%arg5 : memref<80xi32, #tpu.memory_space<vmem>>) target_semaphore(%arg9 : memref<!tpu.dma_semaphore, #tpu.memory_space<semaphore_mem>>)
      } else {
      }
      %jit3A_85 = arith.constant 2 : i32
      %eq3A_86 = arith.constant 0 : i32
      %eq3A_87 = arith.cmpi eq, %jit3A_85, %eq3A_86 : i32
      %jit3A_88 = arith.constant 1 : i32
      %select_n3A_89 = arith.select %eq3A_87, %jit3A_88, %jit3A_85 : i32
      %rem3A_90 = arith.remsi %scan3A_41, %select_n3A_89 : i32
      %ne3A_91 = arith.constant 0 : i32
      %ne3A_92 = arith.cmpi ne, %rem3A_90, %ne3A_91 : i32
      %lt3A_93 = arith.constant 0 : i32
      %lt3A_94 = arith.cmpi slt, %rem3A_90, %lt3A_93 : i32
      %lt3A_95 = arith.constant 0 : i32
      %lt3A_96 = arith.cmpi slt, %select_n3A_89, %lt3A_95 : i32
      %ne3A_97 = arith.xori %lt3A_94, %lt3A_96 : i1
      %and3A_98 = arith.andi %ne3A_97, %ne3A_92 : i1
      %add3A_99 = arith.addi %rem3A_90, %select_n3A_89 : i32
      %select_n3A_100 = arith.select %and3A_98, %add3A_99, %rem3A_90 : i32
      %eq3A_101 = arith.constant 0 : i32
      %eq3A_102 = arith.cmpi eq, %select_n3A_100, %eq3A_101 : i32
      %convert_element_type3A_103 = arith.extui %eq3A_102 : i1 to i32
      %cond3A_104 = arith.constant 0 : i32
      %cond3A_105 = arith.cmpi ne, %convert_element_type3A_103, %cond3A_104 : i32
      scf.if %cond3A_105 {
        %dma_wait3A = tpu.memref_slice %arg2[%add3A] : memref<320000xi32, #tpu.memory_space<hbm>> -> memref<80xi32, #tpu.memory_space<hbm>>
        %dma_wait3A_128 = tpu.memref_slice %arg2[%add3A] : memref<320000xi32, #tpu.memory_space<hbm>> -> memref<80xi32, #tpu.memory_space<hbm>>
        tpu.wait_dma2 semaphore(%arg9 : memref<!tpu.dma_semaphore, #tpu.memory_space<semaphore_mem>>) src(%dma_wait3A_128 : memref<80xi32, #tpu.memory_space<hbm>>) dst(%arg5 : memref<80xi32, #tpu.memory_space<vmem>>)
        "tpu.region"() ({
          %run_scoped3A = tpu.sem_alloc : memref<!tpu.dma_semaphore, #tpu.memory_space<semaphore_mem>>
          %dma_start3A_129 = arith.constant 0 : i32
          %dma_start3A_130 = tpu.memref_slice %arg4[%dma_start3A_129] : memref<10240xf32, #tpu.memory_space<vmem_shared>> -> memref<10240xf32, #tpu.memory_space<vmem_shared>>
          tpu.enqueue_indirect_dma source(%arg7 : memref<80xf32, #tpu.memory_space<vmem>>) target(%dma_start3A_130 : memref<10240xf32, #tpu.memory_space<vmem_shared>>) offsets(%arg5 : memref<80xi32, #tpu.memory_space<vmem>>) semaphore(%run_scoped3A : memref<!tpu.dma_semaphore, #tpu.memory_space<semaphore_mem>>) {add = true}
          %dma_wait3A_131 = arith.constant 0 : i32
          %dma_wait3A_132 = tpu.memref_slice %arg4[%dma_wait3A_131] : memref<10240xf32, #tpu.memory_space<vmem_shared>> -> memref<10240xf32, #tpu.memory_space<vmem_shared>>
          tpu.wait_indirect_dma semaphore(%run_scoped3A : memref<!tpu.dma_semaphore, #tpu.memory_space<semaphore_mem>>) src(%arg7 : memref<80xf32, #tpu.memory_space<vmem>>) dst(%dma_wait3A_132 : memref<10240xf32, #tpu.memory_space<vmem_shared>>)
          tpu.yield
        }) : () -> ()
      } else {
      }
      %jit3A_106 = arith.constant 2 : i32
      %eq3A_107 = arith.constant 0 : i32
      %eq3A_108 = arith.cmpi eq, %jit3A_106, %eq3A_107 : i32
      %jit3A_109 = arith.constant 1 : i32
      %select_n3A_110 = arith.select %eq3A_108, %jit3A_109, %jit3A_106 : i32
      %rem3A_111 = arith.remsi %scan3A_41, %select_n3A_110 : i32
      %ne3A_112 = arith.constant 0 : i32
      %ne3A_113 = arith.cmpi ne, %rem3A_111, %ne3A_112 : i32
      %lt3A_114 = arith.constant 0 : i32
      %lt3A_115 = arith.cmpi slt, %rem3A_111, %lt3A_114 : i32
      %lt3A_116 = arith.constant 0 : i32
      %lt3A_117 = arith.cmpi slt, %select_n3A_110, %lt3A_116 : i32
      %ne3A_118 = arith.xori %lt3A_115, %lt3A_117 : i1
      %and3A_119 = arith.andi %ne3A_118, %ne3A_113 : i1
      %add3A_120 = arith.addi %rem3A_111, %select_n3A_110 : i32
      %select_n3A_121 = arith.select %and3A_119, %add3A_120, %rem3A_111 : i32
      %eq3A_122 = arith.constant 1 : i32
      %eq3A_123 = arith.cmpi eq, %select_n3A_121, %eq3A_122 : i32
      %convert_element_type3A_124 = arith.extui %eq3A_123 : i1 to i32
      %cond3A_125 = arith.constant 0 : i32
      %cond3A_126 = arith.cmpi ne, %convert_element_type3A_124, %cond3A_125 : i32
      scf.if %cond3A_126 {
        %dma_wait3A = tpu.memref_slice %arg2[%add3A] : memref<320000xi32, #tpu.memory_space<hbm>> -> memref<80xi32, #tpu.memory_space<hbm>>
        %dma_wait3A_128 = tpu.memref_slice %arg2[%add3A] : memref<320000xi32, #tpu.memory_space<hbm>> -> memref<80xi32, #tpu.memory_space<hbm>>
        tpu.wait_dma2 semaphore(%arg10 : memref<!tpu.dma_semaphore, #tpu.memory_space<semaphore_mem>>) src(%dma_wait3A_128 : memref<80xi32, #tpu.memory_space<hbm>>) dst(%arg6 : memref<80xi32, #tpu.memory_space<vmem>>)
        "tpu.region"() ({
          %run_scoped3A = tpu.sem_alloc : memref<!tpu.dma_semaphore, #tpu.memory_space<semaphore_mem>>
          %dma_start3A_129 = arith.constant 0 : i32
          %dma_start3A_130 = tpu.memref_slice %arg4[%dma_start3A_129] : memref<10240xf32, #tpu.memory_space<vmem_shared>> -> memref<10240xf32, #tpu.memory_space<vmem_shared>>
          tpu.enqueue_indirect_dma source(%arg7 : memref<80xf32, #tpu.memory_space<vmem>>) target(%dma_start3A_130 : memref<10240xf32, #tpu.memory_space<vmem_shared>>) offsets(%arg6 : memref<80xi32, #tpu.memory_space<vmem>>) semaphore(%run_scoped3A : memref<!tpu.dma_semaphore, #tpu.memory_space<semaphore_mem>>) {add = true}
          %dma_wait3A_131 = arith.constant 0 : i32
          %dma_wait3A_132 = tpu.memref_slice %arg4[%dma_wait3A_131] : memref<10240xf32, #tpu.memory_space<vmem_shared>> -> memref<10240xf32, #tpu.memory_space<vmem_shared>>
          tpu.wait_indirect_dma semaphore(%run_scoped3A : memref<!tpu.dma_semaphore, #tpu.memory_space<semaphore_mem>>) src(%arg7 : memref<80xf32, #tpu.memory_space<vmem>>) dst(%dma_wait3A_132 : memref<10240xf32, #tpu.memory_space<vmem_shared>>)
          tpu.yield
        }) : () -> ()
      } else {
      }
      %scan3A_127 = arith.constant 0 : i32
      scf.yield %scan3A_127 : i32
    }
    %scan3A_25 = arith.constant 125 : i32
    %barrier3A_26 = arith.constant 0 : index
    tpu.barrier barrier_id(%barrier3A_26)
    %mul3A_27 = arith.constant 640 : i32
    %mul3A_28 = arith.muli %arg1, %mul3A_27 : i32
    "tpu.region"() ({
      %run_scoped3A = tpu.sem_alloc : memref<!tpu.dma_semaphore, #tpu.memory_space<semaphore_mem>>
      %dma_start3A_41 = tpu.memref_slice %arg4[%mul3A_28] : memref<10240xf32, #tpu.memory_space<vmem_shared>> -> memref<640xf32, #tpu.memory_space<vmem_shared>>
      %dma_start3A_42 = tpu.memref_slice %arg4[%mul3A_28] : memref<10240xf32, #tpu.memory_space<vmem_shared>> -> memref<640xf32, #tpu.memory_space<vmem_shared>>
      tpu.enqueue_dma source(%dma_start3A_42 : memref<640xf32, #tpu.memory_space<vmem_shared>>) target(%arg8 : memref<640xf32, #tpu.memory_space<vmem>>) target_semaphore(%run_scoped3A : memref<!tpu.dma_semaphore, #tpu.memory_space<semaphore_mem>>)
      %dma_wait3A = tpu.memref_slice %arg4[%mul3A_28] : memref<10240xf32, #tpu.memory_space<vmem_shared>> -> memref<640xf32, #tpu.memory_space<vmem_shared>>
      %dma_wait3A_43 = tpu.memref_slice %arg4[%mul3A_28] : memref<10240xf32, #tpu.memory_space<vmem_shared>> -> memref<640xf32, #tpu.memory_space<vmem_shared>>
      tpu.wait_dma2 semaphore(%run_scoped3A : memref<!tpu.dma_semaphore, #tpu.memory_space<semaphore_mem>>) src(%dma_wait3A_43 : memref<640xf32, #tpu.memory_space<vmem_shared>>) dst(%arg8 : memref<640xf32, #tpu.memory_space<vmem>>)
      tpu.yield
    }) : () -> ()
    %convert_element_type3A = arith.sitofp %arg0 : i32 to f32
    %scan3A_29 = arith.constant 0 : i32
    %scan3A_30 = arith.constant 0 : i32
    %scan3A_31 = arith.constant 40 : i32
    %scan3A_32 = arith.addi %scan3A_30, %scan3A_31 : i32
    %scan3A_33 = arith.constant 1 : i32
    %scan3A_34 = scf.for %scan3A_41 = %scan3A_30 to %scan3A_32 step %scan3A_33 iter_args(%scan3A_42 = %scan3A_29) -> (i32)  : i32 {
      %mul3A_43 = arith.constant 16 : i32
      %mul3A_44 = arith.muli %scan3A_41, %mul3A_43 : i32
      %get3A = arith.index_cast %mul3A_44 : i32 to index
      %get3A_45 = tpu.vector_load %arg8[%get3A] {strides = array<i32>} : memref<640xf32, #tpu.memory_space<vmem>>, vector<16xf32>,
      %get3A_46 = vector.shape_cast %get3A_45 : vector<16xf32> to vector<16xf32>
      %bitcast_convert_type3A = tpu.bitcast %get3A_46 : vector<16xf32> -> vector<16xi32>
      %shift_right_logical3A = arith.constant 1 : i32
      %shift_right_logical3A_47 = vector.broadcast %shift_right_logical3A : i32 to vector<16xi32>
      %shift_right_logical3A_48 = arith.shrui %bitcast_convert_type3A, %shift_right_logical3A_47 : vector<16xi32>
      %sub3A = arith.constant 1597463007 : i32
      %sub3A_49 = vector.broadcast %sub3A : i32 to vector<16xi32>
      %sub3A_50 = arith.subi %sub3A_49, %shift_right_logical3A_48 : vector<16xi32>
      %bitcast_convert_type3A_51 = tpu.bitcast %sub3A_50 : vector<16xi32> -> vector<16xf32>
      %mul3A_52 = arith.constant 5.000000e-01 : f32
      %mul3A_53 = vector.broadcast %mul3A_52 : f32 to vector<16xf32>
      %mul3A_54 = arith.mulf %mul3A_53, %get3A_46 : vector<16xf32>
      %mul3A_55 = arith.mulf %mul3A_54, %bitcast_convert_type3A_51 : vector<16xf32>
      %mul3A_56 = arith.mulf %mul3A_55, %bitcast_convert_type3A_51 : vector<16xf32>
      %sub3A_57 = arith.constant 1.500000e+00 : f32
      %sub3A_58 = vector.broadcast %sub3A_57 : f32 to vector<16xf32>
      %sub3A_59 = arith.subf %sub3A_58, %mul3A_56 : vector<16xf32>
      %mul3A_60 = arith.mulf %bitcast_convert_type3A_51, %sub3A_59 : vector<16xf32>
      %mul3A_61 = arith.constant 5.000000e-01 : f32
      %mul3A_62 = vector.broadcast %mul3A_61 : f32 to vector<16xf32>
      %mul3A_63 = arith.mulf %mul3A_62, %get3A_46 : vector<16xf32>
      %mul3A_64 = arith.mulf %mul3A_63, %mul3A_60 : vector<16xf32>
      %mul3A_65 = arith.mulf %mul3A_64, %mul3A_60 : vector<16xf32>
      %sub3A_66 = arith.constant 1.500000e+00 : f32
      %sub3A_67 = vector.broadcast %sub3A_66 : f32 to vector<16xf32>
      %sub3A_68 = arith.subf %sub3A_67, %mul3A_65 : vector<16xf32>
      %mul3A_69 = arith.mulf %mul3A_60, %sub3A_68 : vector<16xf32>
      %mul3A_70 = arith.constant 5.000000e-01 : f32
      %mul3A_71 = vector.broadcast %mul3A_70 : f32 to vector<16xf32>
      %mul3A_72 = arith.mulf %mul3A_71, %get3A_46 : vector<16xf32>
      %mul3A_73 = arith.mulf %mul3A_72, %mul3A_69 : vector<16xf32>
      %mul3A_74 = arith.mulf %mul3A_73, %mul3A_69 : vector<16xf32>
      %sub3A_75 = arith.constant 1.500000e+00 : f32
      %sub3A_76 = vector.broadcast %sub3A_75 : f32 to vector<16xf32>
      %sub3A_77 = arith.subf %sub3A_76, %mul3A_74 : vector<16xf32>
      %mul3A_78 = arith.mulf %mul3A_69, %sub3A_77 : vector<16xf32>
      %sub3A_79 = arith.constant 1.000000e+00 : f32
      %sub3A_80 = arith.subf %sub3A_79, %convert_element_type3A : f32
      %mul3A_81 = vector.broadcast %convert_element_type3A : f32 to vector<16xf32>
      %mul3A_82 = arith.mulf %mul3A_81, %mul3A_78 : vector<16xf32>
      %mul3A_83 = arith.mulf %mul3A_82, %mul3A_78 : vector<16xf32>
      %add3A_84 = vector.broadcast %sub3A_80 : f32 to vector<16xf32>
      %add3A_85 = arith.addf %add3A_84, %mul3A_83 : vector<16xf32>
      %mul3A_86 = arith.mulf %mul3A_78, %add3A_85 : vector<16xf32>
      %gt3A = arith.constant 0.000000e+00 : f32
      %gt3A_87 = vector.broadcast %gt3A : f32 to vector<16xf32>
      %gt3A_88 = arith.cmpf ogt, %get3A_46, %gt3A_87 : vector<16xf32>
      %jit3A = arith.constant 0.000000e+00 : f32
      %broadcast_in_dim3A = vector.broadcast %jit3A : f32 to vector<16xf32>
      %select_n3A = arith.select %gt3A_88, %mul3A_86, %broadcast_in_dim3A : vector<16xi1>, vector<16xf32>
      %mul3A_89 = arith.constant 16 : i32
      %mul3A_90 = arith.muli %scan3A_41, %mul3A_89 : i32
      %swap3A = arith.index_cast %mul3A_90 : i32 to index
      %swap3A_91 = tpu.vector_load %arg8[%swap3A] {strides = array<i32>} : memref<640xf32, #tpu.memory_space<vmem>>, vector<16xf32>,
      %swap3A_92 = vector.shape_cast %swap3A_91 : vector<16xf32> to vector<16xf32>
      %swap3A_93 = vector.shape_cast %select_n3A : vector<16xf32> to vector<16xf32>
      tpu.vector_store %arg8[%swap3A], %swap3A_93 {strides = array<i32>} : memref<640xf32, #tpu.memory_space<vmem>>, vector<16xf32>,
      %scan3A_94 = arith.constant 0 : i32
      scf.yield %scan3A_94 : i32
    }
    %scan3A_35 = arith.constant 40 : i32
    %mul3A_36 = arith.constant 10240 : i32
    %mul3A_37 = arith.muli %arg0, %mul3A_36 : i32
    %mul3A_38 = arith.constant 640 : i32
    %mul3A_39 = arith.muli %arg1, %mul3A_38 : i32
    %add3A_40 = arith.addi %mul3A_37, %mul3A_39 : i32
    "tpu.region"() ({
      %run_scoped3A = tpu.sem_alloc : memref<!tpu.dma_semaphore, #tpu.memory_space<semaphore_mem>>
      %dma_start3A_41 = tpu.memref_slice %arg3[%add3A_40] : memref<20480xf32, #tpu.memory_space<hbm>> -> memref<640xf32, #tpu.memory_space<hbm>>
      %dma_start3A_42 = tpu.memref_slice %arg3[%add3A_40] : memref<20480xf32, #tpu.memory_space<hbm>> -> memref<640xf32, #tpu.memory_space<hbm>>
      tpu.enqueue_dma source(%arg8 : memref<640xf32, #tpu.memory_space<vmem>>) target(%dma_start3A_42 : memref<640xf32, #tpu.memory_space<hbm>>) target_semaphore(%run_scoped3A : memref<!tpu.dma_semaphore, #tpu.memory_space<semaphore_mem>>)
      %dma_wait3A = tpu.memref_slice %arg3[%add3A_40] : memref<20480xf32, #tpu.memory_space<hbm>> -> memref<640xf32, #tpu.memory_space<hbm>>
      %dma_wait3A_43 = tpu.memref_slice %arg3[%add3A_40] : memref<20480xf32, #tpu.memory_space<hbm>> -> memref<640xf32, #tpu.memory_space<hbm>>
      tpu.wait_dma2 semaphore(%run_scoped3A : memref<!tpu.dma_semaphore, #tpu.memory_space<semaphore_mem>>) src(%arg8 : memref<640xf32, #tpu.memory_space<vmem>>) dst(%dma_wait3A_43 : memref<640xf32, #tpu.memory_space<hbm>>)
      tpu.yield
    }) : () -> ()
    return
  }
}

#map = affine_map<(d0, d1) -> (0, 0)>
#map1 = affine_map<(d0, d1) -> (0)>
module attributes {stable_mosaic.version = 14 : i64} {
  func.func @_spass_body(%arg0: i32, %arg1: i32, %arg2: memref<20480x128xf32, #tpu.memory_space<hbm>>, %arg3: memref<320000xi32, #tpu.memory_space<hbm>>, %arg4: memref<20480x128xf32, #tpu.memory_space<hbm>>, %arg5: memref<10240x128xf32, #tpu.memory_space<vmem_shared>>, %arg6: memref<10000xi32, #tpu.memory_space<vmem>>, %arg7: memref<80xi32, #tpu.memory_space<vmem>>, %arg8: memref<80xi32, #tpu.memory_space<vmem>>, %arg9: memref<80x128xf32, #tpu.memory_space<vmem>>, %arg10: memref<80x128xf32, #tpu.memory_space<vmem>>, %arg11: memref<!tpu.dma_semaphore, #tpu.memory_space<semaphore_mem>>, %arg12: memref<!tpu.dma_semaphore, #tpu.memory_space<semaphore_mem>>, %arg13: memref<!tpu.dma_semaphore, #tpu.memory_space<semaphore_mem>>, %arg14: memref<!tpu.dma_semaphore, #tpu.memory_space<semaphore_mem>>) attributes {dimension_semantics = [#tpu.dimension_semantics<core_parallel>, #tpu.dimension_semantics<subcore_parallel>], iteration_bounds = array<i64: 2, 16>, scalar_prefetch = 0 : i64, scratch_operands = 10 : i64, tpu.core_type = #tpu.core_type<sc_vector_subcore>, window_params = [{transform_indices = #map}, {transform_indices = #map1}, {transform_indices = #map}]} {
    %scan3A = arith.constant 0 : i32
    %scan3A_0 = arith.constant 0 : i32
    %scan3A_1 = arith.constant 80 : i32
    %scan3A_2 = arith.addi %scan3A_0, %scan3A_1 : i32
    %scan3A_3 = arith.constant 1 : i32
    %scan3A_4 = scf.for %scan3A_74 = %scan3A_0 to %scan3A_2 step %scan3A_3 iter_args(%scan3A_75 = %scan3A) -> (i32)  : i32 {
      %broadcast_in_dim3A = arith.constant 0.000000e+00 : f32
      %broadcast_in_dim3A_76 = vector.broadcast %broadcast_in_dim3A : f32 to vector<16xf32>
      %swap3A = arith.index_cast %scan3A_74 : i32 to index
      %swap3A_77 = arith.constant 0 : index
      %swap3A_78 = tpu.vector_load %arg9[%swap3A, %swap3A_77] {strides = array<i32>} : memref<80x128xf32, #tpu.memory_space<vmem>>, vector<1x16xf32>,
      %swap3A_79 = vector.shape_cast %swap3A_78 : vector<1x16xf32> to vector<16xf32>
      %swap3A_80 = vector.shape_cast %broadcast_in_dim3A_76 : vector<16xf32> to vector<1x16xf32>
      tpu.vector_store %arg9[%swap3A, %swap3A_77], %swap3A_80 {strides = array<i32>} : memref<80x128xf32, #tpu.memory_space<vmem>>, vector<1x16xf32>,
      %broadcast_in_dim3A_81 = arith.constant 0.000000e+00 : f32
      %broadcast_in_dim3A_82 = vector.broadcast %broadcast_in_dim3A_81 : f32 to vector<16xf32>
      %swap3A_83 = arith.index_cast %scan3A_74 : i32 to index
      %swap3A_84 = arith.constant 16 : index
      %swap3A_85 = tpu.vector_load %arg9[%swap3A_83, %swap3A_84] {strides = array<i32>} : memref<80x128xf32, #tpu.memory_space<vmem>>, vector<1x16xf32>,
      %swap3A_86 = vector.shape_cast %swap3A_85 : vector<1x16xf32> to vector<16xf32>
      %swap3A_87 = vector.shape_cast %broadcast_in_dim3A_82 : vector<16xf32> to vector<1x16xf32>
      tpu.vector_store %arg9[%swap3A_83, %swap3A_84], %swap3A_87 {strides = array<i32>} : memref<80x128xf32, #tpu.memory_space<vmem>>, vector<1x16xf32>,
      %broadcast_in_dim3A_88 = arith.constant 0.000000e+00 : f32
      %broadcast_in_dim3A_89 = vector.broadcast %broadcast_in_dim3A_88 : f32 to vector<16xf32>
      %swap3A_90 = arith.index_cast %scan3A_74 : i32 to index
      %swap3A_91 = arith.constant 32 : index
      %swap3A_92 = tpu.vector_load %arg9[%swap3A_90, %swap3A_91] {strides = array<i32>} : memref<80x128xf32, #tpu.memory_space<vmem>>, vector<1x16xf32>,
      %swap3A_93 = vector.shape_cast %swap3A_92 : vector<1x16xf32> to vector<16xf32>
      %swap3A_94 = vector.shape_cast %broadcast_in_dim3A_89 : vector<16xf32> to vector<1x16xf32>
      tpu.vector_store %arg9[%swap3A_90, %swap3A_91], %swap3A_94 {strides = array<i32>} : memref<80x128xf32, #tpu.memory_space<vmem>>, vector<1x16xf32>,
      %broadcast_in_dim3A_95 = arith.constant 0.000000e+00 : f32
      %broadcast_in_dim3A_96 = vector.broadcast %broadcast_in_dim3A_95 : f32 to vector<16xf32>
      %swap3A_97 = arith.index_cast %scan3A_74 : i32 to index
      %swap3A_98 = arith.constant 48 : index
      %swap3A_99 = tpu.vector_load %arg9[%swap3A_97, %swap3A_98] {strides = array<i32>} : memref<80x128xf32, #tpu.memory_space<vmem>>, vector<1x16xf32>,
      %swap3A_100 = vector.shape_cast %swap3A_99 : vector<1x16xf32> to vector<16xf32>
      %swap3A_101 = vector.shape_cast %broadcast_in_dim3A_96 : vector<16xf32> to vector<1x16xf32>
      tpu.vector_store %arg9[%swap3A_97, %swap3A_98], %swap3A_101 {strides = array<i32>} : memref<80x128xf32, #tpu.memory_space<vmem>>, vector<1x16xf32>,
      %broadcast_in_dim3A_102 = arith.constant 0.000000e+00 : f32
      %broadcast_in_dim3A_103 = vector.broadcast %broadcast_in_dim3A_102 : f32 to vector<16xf32>
      %swap3A_104 = arith.index_cast %scan3A_74 : i32 to index
      %swap3A_105 = arith.constant 64 : index
      %swap3A_106 = tpu.vector_load %arg9[%swap3A_104, %swap3A_105] {strides = array<i32>} : memref<80x128xf32, #tpu.memory_space<vmem>>, vector<1x16xf32>,
      %swap3A_107 = vector.shape_cast %swap3A_106 : vector<1x16xf32> to vector<16xf32>
      %swap3A_108 = vector.shape_cast %broadcast_in_dim3A_103 : vector<16xf32> to vector<1x16xf32>
      tpu.vector_store %arg9[%swap3A_104, %swap3A_105], %swap3A_108 {strides = array<i32>} : memref<80x128xf32, #tpu.memory_space<vmem>>, vector<1x16xf32>,
      %broadcast_in_dim3A_109 = arith.constant 0.000000e+00 : f32
      %broadcast_in_dim3A_110 = vector.broadcast %broadcast_in_dim3A_109 : f32 to vector<16xf32>
      %swap3A_111 = arith.index_cast %scan3A_74 : i32 to index
      %swap3A_112 = arith.constant 80 : index
      %swap3A_113 = tpu.vector_load %arg9[%swap3A_111, %swap3A_112] {strides = array<i32>} : memref<80x128xf32, #tpu.memory_space<vmem>>, vector<1x16xf32>,
      %swap3A_114 = vector.shape_cast %swap3A_113 : vector<1x16xf32> to vector<16xf32>
      %swap3A_115 = vector.shape_cast %broadcast_in_dim3A_110 : vector<16xf32> to vector<1x16xf32>
      tpu.vector_store %arg9[%swap3A_111, %swap3A_112], %swap3A_115 {strides = array<i32>} : memref<80x128xf32, #tpu.memory_space<vmem>>, vector<1x16xf32>,
      %broadcast_in_dim3A_116 = arith.constant 0.000000e+00 : f32
      %broadcast_in_dim3A_117 = vector.broadcast %broadcast_in_dim3A_116 : f32 to vector<16xf32>
      %swap3A_118 = arith.index_cast %scan3A_74 : i32 to index
      %swap3A_119 = arith.constant 96 : index
      %swap3A_120 = tpu.vector_load %arg9[%swap3A_118, %swap3A_119] {strides = array<i32>} : memref<80x128xf32, #tpu.memory_space<vmem>>, vector<1x16xf32>,
      %swap3A_121 = vector.shape_cast %swap3A_120 : vector<1x16xf32> to vector<16xf32>
      %swap3A_122 = vector.shape_cast %broadcast_in_dim3A_117 : vector<16xf32> to vector<1x16xf32>
      tpu.vector_store %arg9[%swap3A_118, %swap3A_119], %swap3A_122 {strides = array<i32>} : memref<80x128xf32, #tpu.memory_space<vmem>>, vector<1x16xf32>,
      %broadcast_in_dim3A_123 = arith.constant 0.000000e+00 : f32
      %broadcast_in_dim3A_124 = vector.broadcast %broadcast_in_dim3A_123 : f32 to vector<16xf32>
      %swap3A_125 = arith.index_cast %scan3A_74 : i32 to index
      %swap3A_126 = arith.constant 112 : index
      %swap3A_127 = tpu.vector_load %arg9[%swap3A_125, %swap3A_126] {strides = array<i32>} : memref<80x128xf32, #tpu.memory_space<vmem>>, vector<1x16xf32>,
      %swap3A_128 = vector.shape_cast %swap3A_127 : vector<1x16xf32> to vector<16xf32>
      %swap3A_129 = vector.shape_cast %broadcast_in_dim3A_124 : vector<16xf32> to vector<1x16xf32>
      tpu.vector_store %arg9[%swap3A_125, %swap3A_126], %swap3A_129 {strides = array<i32>} : memref<80x128xf32, #tpu.memory_space<vmem>>, vector<1x16xf32>,
      %scan3A_130 = arith.constant 0 : i32
      scf.yield %scan3A_130 : i32
    }
    %scan3A_5 = arith.constant 80 : i32
    %mul3A = arith.constant 640 : i32
    %mul3A_6 = arith.muli %arg1, %mul3A : i32
    %add3A = arith.constant 0 : i32
    %add3A_7 = arith.addi %mul3A_6, %add3A : i32
    "tpu.region"() ({
      %run_scoped3A = tpu.sem_alloc : memref<!tpu.dma_semaphore, #tpu.memory_space<semaphore_mem>>
      %dma_start3A_74 = arith.constant 0 : i32
      %dma_start3A_75 = tpu.memref_slice %arg5[%add3A_7, %dma_start3A_74] : memref<10240x128xf32, #tpu.memory_space<vmem_shared>> -> memref<80x128xf32, #tpu.memory_space<vmem_shared>>
      %dma_start3A_76 = arith.constant 0 : i32
      %dma_start3A_77 = tpu.memref_slice %arg5[%add3A_7, %dma_start3A_76] : memref<10240x128xf32, #tpu.memory_space<vmem_shared>> -> memref<80x128xf32, #tpu.memory_space<vmem_shared>>
      tpu.enqueue_dma source(%arg9 : memref<80x128xf32, #tpu.memory_space<vmem>>) target(%dma_start3A_77 : memref<80x128xf32, #tpu.memory_space<vmem_shared>>) target_semaphore(%run_scoped3A : memref<!tpu.dma_semaphore, #tpu.memory_space<semaphore_mem>>)
      %dma_wait3A = arith.constant 0 : i32
      %dma_wait3A_78 = tpu.memref_slice %arg5[%add3A_7, %dma_wait3A] : memref<10240x128xf32, #tpu.memory_space<vmem_shared>> -> memref<80x128xf32, #tpu.memory_space<vmem_shared>>
      %dma_wait3A_79 = arith.constant 0 : i32
      %dma_wait3A_80 = tpu.memref_slice %arg5[%add3A_7, %dma_wait3A_79] : memref<10240x128xf32, #tpu.memory_space<vmem_shared>> -> memref<80x128xf32, #tpu.memory_space<vmem_shared>>
      tpu.wait_dma2 semaphore(%run_scoped3A : memref<!tpu.dma_semaphore, #tpu.memory_space<semaphore_mem>>) src(%arg9 : memref<80x128xf32, #tpu.memory_space<vmem>>) dst(%dma_wait3A_80 : memref<80x128xf32, #tpu.memory_space<vmem_shared>>)
      tpu.yield
    }) : () -> ()
    %mul3A_8 = arith.constant 640 : i32
    %mul3A_9 = arith.muli %arg1, %mul3A_8 : i32
    %add3A_10 = arith.constant 80 : i32
    %add3A_11 = arith.addi %mul3A_9, %add3A_10 : i32
    "tpu.region"() ({
      %run_scoped3A = tpu.sem_alloc : memref<!tpu.dma_semaphore, #tpu.memory_space<semaphore_mem>>
      %dma_start3A_74 = arith.constant 0 : i32
      %dma_start3A_75 = tpu.memref_slice %arg5[%add3A_11, %dma_start3A_74] : memref<10240x128xf32, #tpu.memory_space<vmem_shared>> -> memref<80x128xf32, #tpu.memory_space<vmem_shared>>
      %dma_start3A_76 = arith.constant 0 : i32
      %dma_start3A_77 = tpu.memref_slice %arg5[%add3A_11, %dma_start3A_76] : memref<10240x128xf32, #tpu.memory_space<vmem_shared>> -> memref<80x128xf32, #tpu.memory_space<vmem_shared>>
      tpu.enqueue_dma source(%arg9 : memref<80x128xf32, #tpu.memory_space<vmem>>) target(%dma_start3A_77 : memref<80x128xf32, #tpu.memory_space<vmem_shared>>) target_semaphore(%run_scoped3A : memref<!tpu.dma_semaphore, #tpu.memory_space<semaphore_mem>>)
      %dma_wait3A = arith.constant 0 : i32
      %dma_wait3A_78 = tpu.memref_slice %arg5[%add3A_11, %dma_wait3A] : memref<10240x128xf32, #tpu.memory_space<vmem_shared>> -> memref<80x128xf32, #tpu.memory_space<vmem_shared>>
      %dma_wait3A_79 = arith.constant 0 : i32
      %dma_wait3A_80 = tpu.memref_slice %arg5[%add3A_11, %dma_wait3A_79] : memref<10240x128xf32, #tpu.memory_space<vmem_shared>> -> memref<80x128xf32, #tpu.memory_space<vmem_shared>>
      tpu.wait_dma2 semaphore(%run_scoped3A : memref<!tpu.dma_semaphore, #tpu.memory_space<semaphore_mem>>) src(%arg9 : memref<80x128xf32, #tpu.memory_space<vmem>>) dst(%dma_wait3A_80 : memref<80x128xf32, #tpu.memory_space<vmem_shared>>)
      tpu.yield
    }) : () -> ()
    %mul3A_12 = arith.constant 640 : i32
    %mul3A_13 = arith.muli %arg1, %mul3A_12 : i32
    %add3A_14 = arith.constant 160 : i32
    %add3A_15 = arith.addi %mul3A_13, %add3A_14 : i32
    "tpu.region"() ({
      %run_scoped3A = tpu.sem_alloc : memref<!tpu.dma_semaphore, #tpu.memory_space<semaphore_mem>>
      %dma_start3A_74 = arith.constant 0 : i32
      %dma_start3A_75 = tpu.memref_slice %arg5[%add3A_15, %dma_start3A_74] : memref<10240x128xf32, #tpu.memory_space<vmem_shared>> -> memref<80x128xf32, #tpu.memory_space<vmem_shared>>
      %dma_start3A_76 = arith.constant 0 : i32
      %dma_start3A_77 = tpu.memref_slice %arg5[%add3A_15, %dma_start3A_76] : memref<10240x128xf32, #tpu.memory_space<vmem_shared>> -> memref<80x128xf32, #tpu.memory_space<vmem_shared>>
      tpu.enqueue_dma source(%arg9 : memref<80x128xf32, #tpu.memory_space<vmem>>) target(%dma_start3A_77 : memref<80x128xf32, #tpu.memory_space<vmem_shared>>) target_semaphore(%run_scoped3A : memref<!tpu.dma_semaphore, #tpu.memory_space<semaphore_mem>>)
      %dma_wait3A = arith.constant 0 : i32
      %dma_wait3A_78 = tpu.memref_slice %arg5[%add3A_15, %dma_wait3A] : memref<10240x128xf32, #tpu.memory_space<vmem_shared>> -> memref<80x128xf32, #tpu.memory_space<vmem_shared>>
      %dma_wait3A_79 = arith.constant 0 : i32
      %dma_wait3A_80 = tpu.memref_slice %arg5[%add3A_15, %dma_wait3A_79] : memref<10240x128xf32, #tpu.memory_space<vmem_shared>> -> memref<80x128xf32, #tpu.memory_space<vmem_shared>>
      tpu.wait_dma2 semaphore(%run_scoped3A : memref<!tpu.dma_semaphore, #tpu.memory_space<semaphore_mem>>) src(%arg9 : memref<80x128xf32, #tpu.memory_space<vmem>>) dst(%dma_wait3A_80 : memref<80x128xf32, #tpu.memory_space<vmem_shared>>)
      tpu.yield
    }) : () -> ()
    %mul3A_16 = arith.constant 640 : i32
    %mul3A_17 = arith.muli %arg1, %mul3A_16 : i32
    %add3A_18 = arith.constant 240 : i32
    %add3A_19 = arith.addi %mul3A_17, %add3A_18 : i32
    "tpu.region"() ({
      %run_scoped3A = tpu.sem_alloc : memref<!tpu.dma_semaphore, #tpu.memory_space<semaphore_mem>>
      %dma_start3A_74 = arith.constant 0 : i32
      %dma_start3A_75 = tpu.memref_slice %arg5[%add3A_19, %dma_start3A_74] : memref<10240x128xf32, #tpu.memory_space<vmem_shared>> -> memref<80x128xf32, #tpu.memory_space<vmem_shared>>
      %dma_start3A_76 = arith.constant 0 : i32
      %dma_start3A_77 = tpu.memref_slice %arg5[%add3A_19, %dma_start3A_76] : memref<10240x128xf32, #tpu.memory_space<vmem_shared>> -> memref<80x128xf32, #tpu.memory_space<vmem_shared>>
      tpu.enqueue_dma source(%arg9 : memref<80x128xf32, #tpu.memory_space<vmem>>) target(%dma_start3A_77 : memref<80x128xf32, #tpu.memory_space<vmem_shared>>) target_semaphore(%run_scoped3A : memref<!tpu.dma_semaphore, #tpu.memory_space<semaphore_mem>>)
      %dma_wait3A = arith.constant 0 : i32
      %dma_wait3A_78 = tpu.memref_slice %arg5[%add3A_19, %dma_wait3A] : memref<10240x128xf32, #tpu.memory_space<vmem_shared>> -> memref<80x128xf32, #tpu.memory_space<vmem_shared>>
      %dma_wait3A_79 = arith.constant 0 : i32
      %dma_wait3A_80 = tpu.memref_slice %arg5[%add3A_19, %dma_wait3A_79] : memref<10240x128xf32, #tpu.memory_space<vmem_shared>> -> memref<80x128xf32, #tpu.memory_space<vmem_shared>>
      tpu.wait_dma2 semaphore(%run_scoped3A : memref<!tpu.dma_semaphore, #tpu.memory_space<semaphore_mem>>) src(%arg9 : memref<80x128xf32, #tpu.memory_space<vmem>>) dst(%dma_wait3A_80 : memref<80x128xf32, #tpu.memory_space<vmem_shared>>)
      tpu.yield
    }) : () -> ()
    %mul3A_20 = arith.constant 640 : i32
    %mul3A_21 = arith.muli %arg1, %mul3A_20 : i32
    %add3A_22 = arith.constant 320 : i32
    %add3A_23 = arith.addi %mul3A_21, %add3A_22 : i32
    "tpu.region"() ({
      %run_scoped3A = tpu.sem_alloc : memref<!tpu.dma_semaphore, #tpu.memory_space<semaphore_mem>>
      %dma_start3A_74 = arith.constant 0 : i32
      %dma_start3A_75 = tpu.memref_slice %arg5[%add3A_23, %dma_start3A_74] : memref<10240x128xf32, #tpu.memory_space<vmem_shared>> -> memref<80x128xf32, #tpu.memory_space<vmem_shared>>
      %dma_start3A_76 = arith.constant 0 : i32
      %dma_start3A_77 = tpu.memref_slice %arg5[%add3A_23, %dma_start3A_76] : memref<10240x128xf32, #tpu.memory_space<vmem_shared>> -> memref<80x128xf32, #tpu.memory_space<vmem_shared>>
      tpu.enqueue_dma source(%arg9 : memref<80x128xf32, #tpu.memory_space<vmem>>) target(%dma_start3A_77 : memref<80x128xf32, #tpu.memory_space<vmem_shared>>) target_semaphore(%run_scoped3A : memref<!tpu.dma_semaphore, #tpu.memory_space<semaphore_mem>>)
      %dma_wait3A = arith.constant 0 : i32
      %dma_wait3A_78 = tpu.memref_slice %arg5[%add3A_23, %dma_wait3A] : memref<10240x128xf32, #tpu.memory_space<vmem_shared>> -> memref<80x128xf32, #tpu.memory_space<vmem_shared>>
      %dma_wait3A_79 = arith.constant 0 : i32
      %dma_wait3A_80 = tpu.memref_slice %arg5[%add3A_23, %dma_wait3A_79] : memref<10240x128xf32, #tpu.memory_space<vmem_shared>> -> memref<80x128xf32, #tpu.memory_space<vmem_shared>>
      tpu.wait_dma2 semaphore(%run_scoped3A : memref<!tpu.dma_semaphore, #tpu.memory_space<semaphore_mem>>) src(%arg9 : memref<80x128xf32, #tpu.memory_space<vmem>>) dst(%dma_wait3A_80 : memref<80x128xf32, #tpu.memory_space<vmem_shared>>)
      tpu.yield
    }) : () -> ()
    %mul3A_24 = arith.constant 640 : i32
    %mul3A_25 = arith.muli %arg1, %mul3A_24 : i32
    %add3A_26 = arith.constant 400 : i32
    %add3A_27 = arith.addi %mul3A_25, %add3A_26 : i32
    "tpu.region"() ({
      %run_scoped3A = tpu.sem_alloc : memref<!tpu.dma_semaphore, #tpu.memory_space<semaphore_mem>>
      %dma_start3A_74 = arith.constant 0 : i32
      %dma_start3A_75 = tpu.memref_slice %arg5[%add3A_27, %dma_start3A_74] : memref<10240x128xf32, #tpu.memory_space<vmem_shared>> -> memref<80x128xf32, #tpu.memory_space<vmem_shared>>
      %dma_start3A_76 = arith.constant 0 : i32
      %dma_start3A_77 = tpu.memref_slice %arg5[%add3A_27, %dma_start3A_76] : memref<10240x128xf32, #tpu.memory_space<vmem_shared>> -> memref<80x128xf32, #tpu.memory_space<vmem_shared>>
      tpu.enqueue_dma source(%arg9 : memref<80x128xf32, #tpu.memory_space<vmem>>) target(%dma_start3A_77 : memref<80x128xf32, #tpu.memory_space<vmem_shared>>) target_semaphore(%run_scoped3A : memref<!tpu.dma_semaphore, #tpu.memory_space<semaphore_mem>>)
      %dma_wait3A = arith.constant 0 : i32
      %dma_wait3A_78 = tpu.memref_slice %arg5[%add3A_27, %dma_wait3A] : memref<10240x128xf32, #tpu.memory_space<vmem_shared>> -> memref<80x128xf32, #tpu.memory_space<vmem_shared>>
      %dma_wait3A_79 = arith.constant 0 : i32
      %dma_wait3A_80 = tpu.memref_slice %arg5[%add3A_27, %dma_wait3A_79] : memref<10240x128xf32, #tpu.memory_space<vmem_shared>> -> memref<80x128xf32, #tpu.memory_space<vmem_shared>>
      tpu.wait_dma2 semaphore(%run_scoped3A : memref<!tpu.dma_semaphore, #tpu.memory_space<semaphore_mem>>) src(%arg9 : memref<80x128xf32, #tpu.memory_space<vmem>>) dst(%dma_wait3A_80 : memref<80x128xf32, #tpu.memory_space<vmem_shared>>)
      tpu.yield
    }) : () -> ()
    %mul3A_28 = arith.constant 640 : i32
    %mul3A_29 = arith.muli %arg1, %mul3A_28 : i32
    %add3A_30 = arith.constant 480 : i32
    %add3A_31 = arith.addi %mul3A_29, %add3A_30 : i32
    "tpu.region"() ({
      %run_scoped3A = tpu.sem_alloc : memref<!tpu.dma_semaphore, #tpu.memory_space<semaphore_mem>>
      %dma_start3A_74 = arith.constant 0 : i32
      %dma_start3A_75 = tpu.memref_slice %arg5[%add3A_31, %dma_start3A_74] : memref<10240x128xf32, #tpu.memory_space<vmem_shared>> -> memref<80x128xf32, #tpu.memory_space<vmem_shared>>
      %dma_start3A_76 = arith.constant 0 : i32
      %dma_start3A_77 = tpu.memref_slice %arg5[%add3A_31, %dma_start3A_76] : memref<10240x128xf32, #tpu.memory_space<vmem_shared>> -> memref<80x128xf32, #tpu.memory_space<vmem_shared>>
      tpu.enqueue_dma source(%arg9 : memref<80x128xf32, #tpu.memory_space<vmem>>) target(%dma_start3A_77 : memref<80x128xf32, #tpu.memory_space<vmem_shared>>) target_semaphore(%run_scoped3A : memref<!tpu.dma_semaphore, #tpu.memory_space<semaphore_mem>>)
      %dma_wait3A = arith.constant 0 : i32
      %dma_wait3A_78 = tpu.memref_slice %arg5[%add3A_31, %dma_wait3A] : memref<10240x128xf32, #tpu.memory_space<vmem_shared>> -> memref<80x128xf32, #tpu.memory_space<vmem_shared>>
      %dma_wait3A_79 = arith.constant 0 : i32
      %dma_wait3A_80 = tpu.memref_slice %arg5[%add3A_31, %dma_wait3A_79] : memref<10240x128xf32, #tpu.memory_space<vmem_shared>> -> memref<80x128xf32, #tpu.memory_space<vmem_shared>>
      tpu.wait_dma2 semaphore(%run_scoped3A : memref<!tpu.dma_semaphore, #tpu.memory_space<semaphore_mem>>) src(%arg9 : memref<80x128xf32, #tpu.memory_space<vmem>>) dst(%dma_wait3A_80 : memref<80x128xf32, #tpu.memory_space<vmem_shared>>)
      tpu.yield
    }) : () -> ()
    %mul3A_32 = arith.constant 640 : i32
    %mul3A_33 = arith.muli %arg1, %mul3A_32 : i32
    %add3A_34 = arith.constant 560 : i32
    %add3A_35 = arith.addi %mul3A_33, %add3A_34 : i32
    "tpu.region"() ({
      %run_scoped3A = tpu.sem_alloc : memref<!tpu.dma_semaphore, #tpu.memory_space<semaphore_mem>>
      %dma_start3A_74 = arith.constant 0 : i32
      %dma_start3A_75 = tpu.memref_slice %arg5[%add3A_35, %dma_start3A_74] : memref<10240x128xf32, #tpu.memory_space<vmem_shared>> -> memref<80x128xf32, #tpu.memory_space<vmem_shared>>
      %dma_start3A_76 = arith.constant 0 : i32
      %dma_start3A_77 = tpu.memref_slice %arg5[%add3A_35, %dma_start3A_76] : memref<10240x128xf32, #tpu.memory_space<vmem_shared>> -> memref<80x128xf32, #tpu.memory_space<vmem_shared>>
      tpu.enqueue_dma source(%arg9 : memref<80x128xf32, #tpu.memory_space<vmem>>) target(%dma_start3A_77 : memref<80x128xf32, #tpu.memory_space<vmem_shared>>) target_semaphore(%run_scoped3A : memref<!tpu.dma_semaphore, #tpu.memory_space<semaphore_mem>>)
      %dma_wait3A = arith.constant 0 : i32
      %dma_wait3A_78 = tpu.memref_slice %arg5[%add3A_35, %dma_wait3A] : memref<10240x128xf32, #tpu.memory_space<vmem_shared>> -> memref<80x128xf32, #tpu.memory_space<vmem_shared>>
      %dma_wait3A_79 = arith.constant 0 : i32
      %dma_wait3A_80 = tpu.memref_slice %arg5[%add3A_35, %dma_wait3A_79] : memref<10240x128xf32, #tpu.memory_space<vmem_shared>> -> memref<80x128xf32, #tpu.memory_space<vmem_shared>>
      tpu.wait_dma2 semaphore(%run_scoped3A : memref<!tpu.dma_semaphore, #tpu.memory_space<semaphore_mem>>) src(%arg9 : memref<80x128xf32, #tpu.memory_space<vmem>>) dst(%dma_wait3A_80 : memref<80x128xf32, #tpu.memory_space<vmem_shared>>)
      tpu.yield
    }) : () -> ()
    %mul3A_36 = arith.constant 10000 : i32
    %mul3A_37 = arith.muli %arg1, %mul3A_36 : i32
    %add3A_38 = arith.constant 0 : i32
    %add3A_39 = arith.addi %add3A_38, %mul3A_37 : i32
    %mul3A_40 = arith.constant 10000 : i32
    %mul3A_41 = arith.muli %arg1, %mul3A_40 : i32
    %add3A_42 = arith.constant 160000 : i32
    %add3A_43 = arith.addi %add3A_42, %mul3A_41 : i32
    "tpu.region"() ({
      %run_scoped3A = tpu.sem_alloc : memref<!tpu.dma_semaphore, #tpu.memory_space<semaphore_mem>>
      %dma_start3A_74 = tpu.memref_slice %arg3[%add3A_39] : memref<320000xi32, #tpu.memory_space<hbm>> -> memref<10000xi32, #tpu.memory_space<hbm>>
      %dma_start3A_75 = tpu.memref_slice %arg3[%add3A_39] : memref<320000xi32, #tpu.memory_space<hbm>> -> memref<10000xi32, #tpu.memory_space<hbm>>
      tpu.enqueue_dma source(%dma_start3A_75 : memref<10000xi32, #tpu.memory_space<hbm>>) target(%arg6 : memref<10000xi32, #tpu.memory_space<vmem>>) target_semaphore(%run_scoped3A : memref<!tpu.dma_semaphore, #tpu.memory_space<semaphore_mem>>)
      %dma_wait3A = tpu.memref_slice %arg3[%add3A_39] : memref<320000xi32, #tpu.memory_space<hbm>> -> memref<10000xi32, #tpu.memory_space<hbm>>
      %dma_wait3A_76 = tpu.memref_slice %arg3[%add3A_39] : memref<320000xi32, #tpu.memory_space<hbm>> -> memref<10000xi32, #tpu.memory_space<hbm>>
      tpu.wait_dma2 semaphore(%run_scoped3A : memref<!tpu.dma_semaphore, #tpu.memory_space<semaphore_mem>>) src(%dma_wait3A_76 : memref<10000xi32, #tpu.memory_space<hbm>>) dst(%arg6 : memref<10000xi32, #tpu.memory_space<vmem>>)
      tpu.yield
    }) : () -> ()
    %mul3A_44 = arith.constant 10240 : i32
    %mul3A_45 = arith.muli %arg0, %mul3A_44 : i32
    %scan3A_46 = arith.constant 0 : i32
    %scan3A_47 = arith.constant 0 : i32
    %scan3A_48 = arith.constant 625 : i32
    %scan3A_49 = arith.addi %scan3A_47, %scan3A_48 : i32
    %scan3A_50 = arith.constant 1 : i32
    %scan3A_51 = scf.for %scan3A_74 = %scan3A_47 to %scan3A_49 step %scan3A_50 iter_args(%scan3A_75 = %scan3A_46) -> (i32)  : i32 {
      %mul3A_76 = arith.constant 16 : i32
      %mul3A_77 = arith.muli %scan3A_74, %mul3A_76 : i32
      %get3A = arith.index_cast %mul3A_77 : i32 to index
      %get3A_78 = tpu.vector_load %arg6[%get3A] {strides = array<i32>} : memref<10000xi32, #tpu.memory_space<vmem>>, vector<16xi32>,
      %get3A_79 = vector.shape_cast %get3A_78 : vector<16xi32> to vector<16xi32>
      %add3A_80 = vector.broadcast %mul3A_45 : i32 to vector<16xi32>
      %add3A_81 = arith.addi %get3A_79, %add3A_80 : vector<16xi32>
      %mul3A_82 = arith.constant 16 : i32
      %mul3A_83 = arith.muli %scan3A_74, %mul3A_82 : i32
      %swap3A = arith.index_cast %mul3A_83 : i32 to index
      %swap3A_84 = tpu.vector_load %arg6[%swap3A] {strides = array<i32>} : memref<10000xi32, #tpu.memory_space<vmem>>, vector<16xi32>,
      %swap3A_85 = vector.shape_cast %swap3A_84 : vector<16xi32> to vector<16xi32>
      %swap3A_86 = vector.shape_cast %add3A_81 : vector<16xi32> to vector<16xi32>
      tpu.vector_store %arg6[%swap3A], %swap3A_86 {strides = array<i32>} : memref<10000xi32, #tpu.memory_space<vmem>>, vector<16xi32>,
      %scan3A_87 = arith.constant 0 : i32
      scf.yield %scan3A_87 : i32
    }
    %scan3A_52 = arith.constant 625 : i32
    %barrier3A = arith.constant 0 : index
    tpu.barrier barrier_id(%barrier3A)
    %dma_start3A = arith.constant 0 : i32
    %dma_start3A_53 = tpu.memref_slice %arg6[%dma_start3A] : memref<10000xi32, #tpu.memory_space<vmem>> -> memref<80xi32, #tpu.memory_space<vmem>>
    %dma_start3A_54 = arith.constant 0 : i32
    %dma_start3A_55 = arith.constant 0 : i32
    %dma_start3A_56 = tpu.memref_slice %arg2[%dma_start3A_54, %dma_start3A_55] : memref<20480x128xf32, #tpu.memory_space<hbm>> -> memref<20480x128xf32, #tpu.memory_space<hbm>>
    tpu.enqueue_indirect_dma source(%dma_start3A_56 : memref<20480x128xf32, #tpu.memory_space<hbm>>) target(%arg9 : memref<80x128xf32, #tpu.memory_space<vmem>>) offsets(%dma_start3A_53 : memref<80xi32, #tpu.memory_space<vmem>>) semaphore(%arg11 : memref<!tpu.dma_semaphore, #tpu.memory_space<semaphore_mem>>)
    %dma_start3A_57 = tpu.memref_slice %arg3[%add3A_43] : memref<320000xi32, #tpu.memory_space<hbm>> -> memref<80xi32, #tpu.memory_space<hbm>>
    %dma_start3A_58 = tpu.memref_slice %arg3[%add3A_43] : memref<320000xi32, #tpu.memory_space<hbm>> -> memref<80xi32, #tpu.memory_space<hbm>>
    tpu.enqueue_dma source(%dma_start3A_58 : memref<80xi32, #tpu.memory_space<hbm>>) target(%arg7 : memref<80xi32, #tpu.memory_space<vmem>>) target_semaphore(%arg13 : memref<!tpu.dma_semaphore, #tpu.memory_space<semaphore_mem>>)
    %scan3A_59 = arith.constant 0 : i32
    %scan3A_60 = arith.constant 0 : i32
    %scan3A_61 = arith.constant 125 : i32
    %scan3A_62 = arith.addi %scan3A_60, %scan3A_61 : i32
    %scan3A_63 = arith.constant 1 : i32
    %scan3A_64 = scf.for %scan3A_74 = %scan3A_60 to %scan3A_62 step %scan3A_63 iter_args(%scan3A_75 = %scan3A_59) -> (i32)  : i32 {
      %add3A_76 = arith.constant 1 : i32
      %add3A_77 = arith.addi %scan3A_74, %add3A_76 : i32
      %lt3A = arith.constant 125 : i32
      %lt3A_78 = arith.cmpi slt, %add3A_77, %lt3A : i32
      %jit3A = arith.constant 2 : i32
      %eq3A = arith.constant 0 : i32
      %eq3A_79 = arith.cmpi eq, %jit3A, %eq3A : i32
      %jit3A_80 = arith.constant 1 : i32
      %select_n3A = arith.select %eq3A_79, %jit3A_80, %jit3A : i32
      %rem3A = arith.remsi %add3A_77, %select_n3A : i32
      %ne3A = arith.constant 0 : i32
      %ne3A_81 = arith.cmpi ne, %rem3A, %ne3A : i32
      %lt3A_82 = arith.constant 0 : i32
      %lt3A_83 = arith.cmpi slt, %rem3A, %lt3A_82 : i32
      %lt3A_84 = arith.constant 0 : i32
      %lt3A_85 = arith.cmpi slt, %select_n3A, %lt3A_84 : i32
      %ne3A_86 = arith.xori %lt3A_83, %lt3A_85 : i1
      %and3A = arith.andi %ne3A_86, %ne3A_81 : i1
      %add3A_87 = arith.addi %rem3A, %select_n3A : i32
      %select_n3A_88 = arith.select %and3A, %add3A_87, %rem3A : i32
      %eq3A_89 = arith.constant 1 : i32
      %eq3A_90 = arith.cmpi eq, %select_n3A_88, %eq3A_89 : i32
      %and3A_91 = arith.andi %lt3A_78, %eq3A_90 : i1
      %convert_element_type3A = arith.extui %and3A_91 : i1 to i32
      %cond3A = arith.constant 0 : i32
      %cond3A_92 = arith.cmpi ne, %convert_element_type3A, %cond3A : i32
      scf.if %cond3A_92 {
        %mul3A_160 = arith.constant 80 : i32
        %mul3A_161 = arith.muli %add3A_77, %mul3A_160 : i32
        %dma_start3A_162 = tpu.memref_slice %arg6[%mul3A_161] : memref<10000xi32, #tpu.memory_space<vmem>> -> memref<80xi32, #tpu.memory_space<vmem>>
        %dma_start3A_163 = arith.constant 0 : i32
        %dma_start3A_164 = arith.constant 0 : i32
        %dma_start3A_165 = tpu.memref_slice %arg2[%dma_start3A_163, %dma_start3A_164] : memref<20480x128xf32, #tpu.memory_space<hbm>> -> memref<20480x128xf32, #tpu.memory_space<hbm>>
        tpu.enqueue_indirect_dma source(%dma_start3A_165 : memref<20480x128xf32, #tpu.memory_space<hbm>>) target(%arg10 : memref<80x128xf32, #tpu.memory_space<vmem>>) offsets(%dma_start3A_162 : memref<80xi32, #tpu.memory_space<vmem>>) semaphore(%arg12 : memref<!tpu.dma_semaphore, #tpu.memory_space<semaphore_mem>>)
        %mul3A_166 = arith.constant 80 : i32
        %mul3A_167 = arith.muli %add3A_77, %mul3A_166 : i32
        %add3A_168 = arith.addi %add3A_43, %mul3A_167 : i32
        %dma_start3A_169 = tpu.memref_slice %arg3[%add3A_168] : memref<320000xi32, #tpu.memory_space<hbm>> -> memref<80xi32, #tpu.memory_space<hbm>>
        %dma_start3A_170 = tpu.memref_slice %arg3[%add3A_168] : memref<320000xi32, #tpu.memory_space<hbm>> -> memref<80xi32, #tpu.memory_space<hbm>>
        tpu.enqueue_dma source(%dma_start3A_170 : memref<80xi32, #tpu.memory_space<hbm>>) target(%arg8 : memref<80xi32, #tpu.memory_space<vmem>>) target_semaphore(%arg14 : memref<!tpu.dma_semaphore, #tpu.memory_space<semaphore_mem>>)
      } else {
      }
      %lt3A_93 = arith.constant 125 : i32
      %lt3A_94 = arith.cmpi slt, %add3A_77, %lt3A_93 : i32
      %jit3A_95 = arith.constant 2 : i32
      %eq3A_96 = arith.constant 0 : i32
      %eq3A_97 = arith.cmpi eq, %jit3A_95, %eq3A_96 : i32
      %jit3A_98 = arith.constant 1 : i32
      %select_n3A_99 = arith.select %eq3A_97, %jit3A_98, %jit3A_95 : i32
      %rem3A_100 = arith.remsi %add3A_77, %select_n3A_99 : i32
      %ne3A_101 = arith.constant 0 : i32
      %ne3A_102 = arith.cmpi ne, %rem3A_100, %ne3A_101 : i32
      %lt3A_103 = arith.constant 0 : i32
      %lt3A_104 = arith.cmpi slt, %rem3A_100, %lt3A_103 : i32
      %lt3A_105 = arith.constant 0 : i32
      %lt3A_106 = arith.cmpi slt, %select_n3A_99, %lt3A_105 : i32
      %ne3A_107 = arith.xori %lt3A_104, %lt3A_106 : i1
      %and3A_108 = arith.andi %ne3A_107, %ne3A_102 : i1
      %add3A_109 = arith.addi %rem3A_100, %select_n3A_99 : i32
      %select_n3A_110 = arith.select %and3A_108, %add3A_109, %rem3A_100 : i32
      %eq3A_111 = arith.constant 0 : i32
      %eq3A_112 = arith.cmpi eq, %select_n3A_110, %eq3A_111 : i32
      %and3A_113 = arith.andi %lt3A_94, %eq3A_112 : i1
      %convert_element_type3A_114 = arith.extui %and3A_113 : i1 to i32
      %cond3A_115 = arith.constant 0 : i32
      %cond3A_116 = arith.cmpi ne, %convert_element_type3A_114, %cond3A_115 : i32
      scf.if %cond3A_116 {
        %mul3A_160 = arith.constant 80 : i32
        %mul3A_161 = arith.muli %add3A_77, %mul3A_160 : i32
        %dma_start3A_162 = tpu.memref_slice %arg6[%mul3A_161] : memref<10000xi32, #tpu.memory_space<vmem>> -> memref<80xi32, #tpu.memory_space<vmem>>
        %dma_start3A_163 = arith.constant 0 : i32
        %dma_start3A_164 = arith.constant 0 : i32
        %dma_start3A_165 = tpu.memref_slice %arg2[%dma_start3A_163, %dma_start3A_164] : memref<20480x128xf32, #tpu.memory_space<hbm>> -> memref<20480x128xf32, #tpu.memory_space<hbm>>
        tpu.enqueue_indirect_dma source(%dma_start3A_165 : memref<20480x128xf32, #tpu.memory_space<hbm>>) target(%arg9 : memref<80x128xf32, #tpu.memory_space<vmem>>) offsets(%dma_start3A_162 : memref<80xi32, #tpu.memory_space<vmem>>) semaphore(%arg11 : memref<!tpu.dma_semaphore, #tpu.memory_space<semaphore_mem>>)
        %mul3A_166 = arith.constant 80 : i32
        %mul3A_167 = arith.muli %add3A_77, %mul3A_166 : i32
        %add3A_168 = arith.addi %add3A_43, %mul3A_167 : i32
        %dma_start3A_169 = tpu.memref_slice %arg3[%add3A_168] : memref<320000xi32, #tpu.memory_space<hbm>> -> memref<80xi32, #tpu.memory_space<hbm>>
        %dma_start3A_170 = tpu.memref_slice %arg3[%add3A_168] : memref<320000xi32, #tpu.memory_space<hbm>> -> memref<80xi32, #tpu.memory_space<hbm>>
        tpu.enqueue_dma source(%dma_start3A_170 : memref<80xi32, #tpu.memory_space<hbm>>) target(%arg7 : memref<80xi32, #tpu.memory_space<vmem>>) target_semaphore(%arg13 : memref<!tpu.dma_semaphore, #tpu.memory_space<semaphore_mem>>)
      } else {
      }
      %jit3A_117 = arith.constant 2 : i32
      %eq3A_118 = arith.constant 0 : i32
      %eq3A_119 = arith.cmpi eq, %jit3A_117, %eq3A_118 : i32
      %jit3A_120 = arith.constant 1 : i32
      %select_n3A_121 = arith.select %eq3A_119, %jit3A_120, %jit3A_117 : i32
      %rem3A_122 = arith.remsi %scan3A_74, %select_n3A_121 : i32
      %ne3A_123 = arith.constant 0 : i32
      %ne3A_124 = arith.cmpi ne, %rem3A_122, %ne3A_123 : i32
      %lt3A_125 = arith.constant 0 : i32
      %lt3A_126 = arith.cmpi slt, %rem3A_122, %lt3A_125 : i32
      %lt3A_127 = arith.constant 0 : i32
      %lt3A_128 = arith.cmpi slt, %select_n3A_121, %lt3A_127 : i32
      %ne3A_129 = arith.xori %lt3A_126, %lt3A_128 : i1
      %and3A_130 = arith.andi %ne3A_129, %ne3A_124 : i1
      %add3A_131 = arith.addi %rem3A_122, %select_n3A_121 : i32
      %select_n3A_132 = arith.select %and3A_130, %add3A_131, %rem3A_122 : i32
      %eq3A_133 = arith.constant 0 : i32
      %eq3A_134 = arith.cmpi eq, %select_n3A_132, %eq3A_133 : i32
      %convert_element_type3A_135 = arith.extui %eq3A_134 : i1 to i32
      %cond3A_136 = arith.constant 0 : i32
      %cond3A_137 = arith.cmpi ne, %convert_element_type3A_135, %cond3A_136 : i32
      scf.if %cond3A_137 {
        %dma_wait3A = arith.constant 0 : i32
        %dma_wait3A_160 = tpu.memref_slice %arg6[%dma_wait3A] : memref<10000xi32, #tpu.memory_space<vmem>> -> memref<80xi32, #tpu.memory_space<vmem>>
        %dma_wait3A_161 = arith.constant 0 : i32
        %dma_wait3A_162 = arith.constant 0 : i32
        %dma_wait3A_163 = tpu.memref_slice %arg2[%dma_wait3A_161, %dma_wait3A_162] : memref<20480x128xf32, #tpu.memory_space<hbm>> -> memref<20480x128xf32, #tpu.memory_space<hbm>>
        tpu.wait_indirect_dma semaphore(%arg11 : memref<!tpu.dma_semaphore, #tpu.memory_space<semaphore_mem>>) src(%dma_wait3A_163 : memref<20480x128xf32, #tpu.memory_space<hbm>>) dst(%arg9 : memref<80x128xf32, #tpu.memory_space<vmem>>)
        %dma_wait3A_164 = tpu.memref_slice %arg3[%add3A_43] : memref<320000xi32, #tpu.memory_space<hbm>> -> memref<80xi32, #tpu.memory_space<hbm>>
        %dma_wait3A_165 = tpu.memref_slice %arg3[%add3A_43] : memref<320000xi32, #tpu.memory_space<hbm>> -> memref<80xi32, #tpu.memory_space<hbm>>
        tpu.wait_dma2 semaphore(%arg13 : memref<!tpu.dma_semaphore, #tpu.memory_space<semaphore_mem>>) src(%dma_wait3A_165 : memref<80xi32, #tpu.memory_space<hbm>>) dst(%arg7 : memref<80xi32, #tpu.memory_space<vmem>>)
        "tpu.region"() ({
          %run_scoped3A = tpu.sem_alloc : memref<!tpu.dma_semaphore, #tpu.memory_space<semaphore_mem>>
          %dma_start3A_166 = arith.constant 0 : i32
          %dma_start3A_167 = arith.constant 0 : i32
          %dma_start3A_168 = tpu.memref_slice %arg5[%dma_start3A_166, %dma_start3A_167] : memref<10240x128xf32, #tpu.memory_space<vmem_shared>> -> memref<10240x128xf32, #tpu.memory_space<vmem_shared>>
          tpu.enqueue_indirect_dma source(%arg9 : memref<80x128xf32, #tpu.memory_space<vmem>>) target(%dma_start3A_168 : memref<10240x128xf32, #tpu.memory_space<vmem_shared>>) offsets(%arg7 : memref<80xi32, #tpu.memory_space<vmem>>) semaphore(%run_scoped3A : memref<!tpu.dma_semaphore, #tpu.memory_space<semaphore_mem>>) {add = true}
          %dma_wait3A_169 = arith.constant 0 : i32
          %dma_wait3A_170 = arith.constant 0 : i32
          %dma_wait3A_171 = tpu.memref_slice %arg5[%dma_wait3A_169, %dma_wait3A_170] : memref<10240x128xf32, #tpu.memory_space<vmem_shared>> -> memref<10240x128xf32, #tpu.memory_space<vmem_shared>>
          tpu.wait_indirect_dma semaphore(%run_scoped3A : memref<!tpu.dma_semaphore, #tpu.memory_space<semaphore_mem>>) src(%arg9 : memref<80x128xf32, #tpu.memory_space<vmem>>) dst(%dma_wait3A_171 : memref<10240x128xf32, #tpu.memory_space<vmem_shared>>)
          tpu.yield
        }) : () -> ()
      } else {
      }
      %jit3A_138 = arith.constant 2 : i32
      %eq3A_139 = arith.constant 0 : i32
      %eq3A_140 = arith.cmpi eq, %jit3A_138, %eq3A_139 : i32
      %jit3A_141 = arith.constant 1 : i32
      %select_n3A_142 = arith.select %eq3A_140, %jit3A_141, %jit3A_138 : i32
      %rem3A_143 = arith.remsi %scan3A_74, %select_n3A_142 : i32
      %ne3A_144 = arith.constant 0 : i32
      %ne3A_145 = arith.cmpi ne, %rem3A_143, %ne3A_144 : i32
      %lt3A_146 = arith.constant 0 : i32
      %lt3A_147 = arith.cmpi slt, %rem3A_143, %lt3A_146 : i32
      %lt3A_148 = arith.constant 0 : i32
      %lt3A_149 = arith.cmpi slt, %select_n3A_142, %lt3A_148 : i32
      %ne3A_150 = arith.xori %lt3A_147, %lt3A_149 : i1
      %and3A_151 = arith.andi %ne3A_150, %ne3A_145 : i1
      %add3A_152 = arith.addi %rem3A_143, %select_n3A_142 : i32
      %select_n3A_153 = arith.select %and3A_151, %add3A_152, %rem3A_143 : i32
      %eq3A_154 = arith.constant 1 : i32
      %eq3A_155 = arith.cmpi eq, %select_n3A_153, %eq3A_154 : i32
      %convert_element_type3A_156 = arith.extui %eq3A_155 : i1 to i32
      %cond3A_157 = arith.constant 0 : i32
      %cond3A_158 = arith.cmpi ne, %convert_element_type3A_156, %cond3A_157 : i32
      scf.if %cond3A_158 {
        %dma_wait3A = arith.constant 0 : i32
        %dma_wait3A_160 = tpu.memref_slice %arg6[%dma_wait3A] : memref<10000xi32, #tpu.memory_space<vmem>> -> memref<80xi32, #tpu.memory_space<vmem>>
        %dma_wait3A_161 = arith.constant 0 : i32
        %dma_wait3A_162 = arith.constant 0 : i32
        %dma_wait3A_163 = tpu.memref_slice %arg2[%dma_wait3A_161, %dma_wait3A_162] : memref<20480x128xf32, #tpu.memory_space<hbm>> -> memref<20480x128xf32, #tpu.memory_space<hbm>>
        tpu.wait_indirect_dma semaphore(%arg12 : memref<!tpu.dma_semaphore, #tpu.memory_space<semaphore_mem>>) src(%dma_wait3A_163 : memref<20480x128xf32, #tpu.memory_space<hbm>>) dst(%arg10 : memref<80x128xf32, #tpu.memory_space<vmem>>)
        %dma_wait3A_164 = tpu.memref_slice %arg3[%add3A_43] : memref<320000xi32, #tpu.memory_space<hbm>> -> memref<80xi32, #tpu.memory_space<hbm>>
        %dma_wait3A_165 = tpu.memref_slice %arg3[%add3A_43] : memref<320000xi32, #tpu.memory_space<hbm>> -> memref<80xi32, #tpu.memory_space<hbm>>
        tpu.wait_dma2 semaphore(%arg14 : memref<!tpu.dma_semaphore, #tpu.memory_space<semaphore_mem>>) src(%dma_wait3A_165 : memref<80xi32, #tpu.memory_space<hbm>>) dst(%arg8 : memref<80xi32, #tpu.memory_space<vmem>>)
        "tpu.region"() ({
          %run_scoped3A = tpu.sem_alloc : memref<!tpu.dma_semaphore, #tpu.memory_space<semaphore_mem>>
          %dma_start3A_166 = arith.constant 0 : i32
          %dma_start3A_167 = arith.constant 0 : i32
          %dma_start3A_168 = tpu.memref_slice %arg5[%dma_start3A_166, %dma_start3A_167] : memref<10240x128xf32, #tpu.memory_space<vmem_shared>> -> memref<10240x128xf32, #tpu.memory_space<vmem_shared>>
          tpu.enqueue_indirect_dma source(%arg10 : memref<80x128xf32, #tpu.memory_space<vmem>>) target(%dma_start3A_168 : memref<10240x128xf32, #tpu.memory_space<vmem_shared>>) offsets(%arg8 : memref<80xi32, #tpu.memory_space<vmem>>) semaphore(%run_scoped3A : memref<!tpu.dma_semaphore, #tpu.memory_space<semaphore_mem>>) {add = true}
          %dma_wait3A_169 = arith.constant 0 : i32
          %dma_wait3A_170 = arith.constant 0 : i32
          %dma_wait3A_171 = tpu.memref_slice %arg5[%dma_wait3A_169, %dma_wait3A_170] : memref<10240x128xf32, #tpu.memory_space<vmem_shared>> -> memref<10240x128xf32, #tpu.memory_space<vmem_shared>>
          tpu.wait_indirect_dma semaphore(%run_scoped3A : memref<!tpu.dma_semaphore, #tpu.memory_space<semaphore_mem>>) src(%arg10 : memref<80x128xf32, #tpu.memory_space<vmem>>) dst(%dma_wait3A_171 : memref<10240x128xf32, #tpu.memory_space<vmem_shared>>)
          tpu.yield
        }) : () -> ()
      } else {
      }
      %scan3A_159 = arith.constant 0 : i32
      scf.yield %scan3A_159 : i32
    }
    %scan3A_65 = arith.constant 125 : i32
    %barrier3A_66 = arith.constant 0 : index
    tpu.barrier barrier_id(%barrier3A_66)
    %mul3A_67 = arith.constant 640 : i32
    %mul3A_68 = arith.muli %arg1, %mul3A_67 : i32
    %mul3A_69 = arith.constant 10240 : i32
    %mul3A_70 = arith.muli %arg0, %mul3A_69 : i32
    %mul3A_71 = arith.constant 640 : i32
    %mul3A_72 = arith.muli %arg1, %mul3A_71 : i32
    %add3A_73 = arith.addi %mul3A_70, %mul3A_72 : i32
    "tpu.region"() ({
      %run_scoped3A = tpu.sem_alloc : memref<!tpu.dma_semaphore, #tpu.memory_space<semaphore_mem>>
      %dma_start3A_74 = arith.constant 0 : i32
      %dma_start3A_75 = tpu.memref_slice %arg4[%add3A_73, %dma_start3A_74] : memref<20480x128xf32, #tpu.memory_space<hbm>> -> memref<640x128xf32, #tpu.memory_space<hbm>>
      %dma_start3A_76 = arith.constant 0 : i32
      %dma_start3A_77 = tpu.memref_slice %arg5[%mul3A_68, %dma_start3A_76] : memref<10240x128xf32, #tpu.memory_space<vmem_shared>> -> memref<640x128xf32, #tpu.memory_space<vmem_shared>>
      tpu.enqueue_dma source(%dma_start3A_77 : memref<640x128xf32, #tpu.memory_space<vmem_shared>>) target(%dma_start3A_75 : memref<640x128xf32, #tpu.memory_space<hbm>>) target_semaphore(%run_scoped3A : memref<!tpu.dma_semaphore, #tpu.memory_space<semaphore_mem>>)
      %dma_wait3A = arith.constant 0 : i32
      %dma_wait3A_78 = tpu.memref_slice %arg4[%add3A_73, %dma_wait3A] : memref<20480x128xf32, #tpu.memory_space<hbm>> -> memref<640x128xf32, #tpu.memory_space<hbm>>
      %dma_wait3A_79 = arith.constant 0 : i32
      %dma_wait3A_80 = tpu.memref_slice %arg5[%mul3A_68, %dma_wait3A_79] : memref<10240x128xf32, #tpu.memory_space<vmem_shared>> -> memref<640x128xf32, #tpu.memory_space<vmem_shared>>
      tpu.wait_dma2 semaphore(%run_scoped3A : memref<!tpu.dma_semaphore, #tpu.memory_space<semaphore_mem>>) src(%dma_wait3A_80 : memref<640x128xf32, #tpu.memory_space<vmem_shared>>) dst(%dma_wait3A_78 : memref<640x128xf32, #tpu.memory_space<hbm>>)
      tpu.yield
    }) : () -> ()
    return
  }
}

#map = affine_map<(d0, d1) -> (0)>
module attributes {stable_mosaic.version = 14 : i64} {
  func.func @_inv_body(%arg0: i32, %arg1: i32, %arg2: memref<320000xi32, #tpu.memory_space<hbm>>, %arg3: memref<20480xf32, #tpu.memory_space<hbm>>, %arg4: memref<20480xf32, #tpu.memory_space<hbm>>, %arg5: memref<10240xf32, #tpu.memory_space<vmem_shared>>, %arg6: memref<10000xi32, #tpu.memory_space<vmem>>, %arg7: memref<80xi32, #tpu.memory_space<vmem>>, %arg8: memref<80xi32, #tpu.memory_space<vmem>>, %arg9: memref<80xf32, #tpu.memory_space<vmem>>, %arg10: memref<80xf32, #tpu.memory_space<vmem>>, %arg11: memref<640xf32, #tpu.memory_space<vmem>>, %arg12: memref<!tpu.dma_semaphore, #tpu.memory_space<semaphore_mem>>, %arg13: memref<!tpu.dma_semaphore, #tpu.memory_space<semaphore_mem>>, %arg14: memref<!tpu.dma_semaphore, #tpu.memory_space<semaphore_mem>>, %arg15: memref<!tpu.dma_semaphore, #tpu.memory_space<semaphore_mem>>) attributes {dimension_semantics = [#tpu.dimension_semantics<core_parallel>, #tpu.dimension_semantics<subcore_parallel>], iteration_bounds = array<i64: 2, 16>, scalar_prefetch = 0 : i64, scratch_operands = 11 : i64, tpu.core_type = #tpu.core_type<sc_vector_subcore>, window_params = [{transform_indices = #map}, {transform_indices = #map}, {transform_indices = #map}]} {
    %scan3A = arith.constant 0 : i32
    %scan3A_0 = arith.constant 0 : i32
    %scan3A_1 = arith.constant 40 : i32
    %scan3A_2 = arith.addi %scan3A_0, %scan3A_1 : i32
    %scan3A_3 = arith.constant 1 : i32
    %scan3A_4 = scf.for %scan3A_55 = %scan3A_0 to %scan3A_2 step %scan3A_3 iter_args(%scan3A_56 = %scan3A) -> (i32)  : i32 {
      %broadcast_in_dim3A = arith.constant 0.000000e+00 : f32
      %broadcast_in_dim3A_57 = vector.broadcast %broadcast_in_dim3A : f32 to vector<16xf32>
      %mul3A_58 = arith.constant 16 : i32
      %mul3A_59 = arith.muli %scan3A_55, %mul3A_58 : i32
      %swap3A = arith.index_cast %mul3A_59 : i32 to index
      %swap3A_60 = tpu.vector_load %arg11[%swap3A] {strides = array<i32>} : memref<640xf32, #tpu.memory_space<vmem>>, vector<16xf32>,
      %swap3A_61 = vector.shape_cast %swap3A_60 : vector<16xf32> to vector<16xf32>
      %swap3A_62 = vector.shape_cast %broadcast_in_dim3A_57 : vector<16xf32> to vector<16xf32>
      tpu.vector_store %arg11[%swap3A], %swap3A_62 {strides = array<i32>} : memref<640xf32, #tpu.memory_space<vmem>>, vector<16xf32>,
      %scan3A_63 = arith.constant 0 : i32
      scf.yield %scan3A_63 : i32
    }
    %scan3A_5 = arith.constant 40 : i32
    %mul3A = arith.constant 640 : i32
    %mul3A_6 = arith.muli %arg1, %mul3A : i32
    "tpu.region"() ({
      %run_scoped3A = tpu.sem_alloc : memref<!tpu.dma_semaphore, #tpu.memory_space<semaphore_mem>>
      %dma_start3A_55 = tpu.memref_slice %arg5[%mul3A_6] : memref<10240xf32, #tpu.memory_space<vmem_shared>> -> memref<640xf32, #tpu.memory_space<vmem_shared>>
      %dma_start3A_56 = tpu.memref_slice %arg5[%mul3A_6] : memref<10240xf32, #tpu.memory_space<vmem_shared>> -> memref<640xf32, #tpu.memory_space<vmem_shared>>
      tpu.enqueue_dma source(%arg11 : memref<640xf32, #tpu.memory_space<vmem>>) target(%dma_start3A_56 : memref<640xf32, #tpu.memory_space<vmem_shared>>) target_semaphore(%run_scoped3A : memref<!tpu.dma_semaphore, #tpu.memory_space<semaphore_mem>>)
      %dma_wait3A = tpu.memref_slice %arg5[%mul3A_6] : memref<10240xf32, #tpu.memory_space<vmem_shared>> -> memref<640xf32, #tpu.memory_space<vmem_shared>>
      %dma_wait3A_57 = tpu.memref_slice %arg5[%mul3A_6] : memref<10240xf32, #tpu.memory_space<vmem_shared>> -> memref<640xf32, #tpu.memory_space<vmem_shared>>
      tpu.wait_dma2 semaphore(%run_scoped3A : memref<!tpu.dma_semaphore, #tpu.memory_space<semaphore_mem>>) src(%arg11 : memref<640xf32, #tpu.memory_space<vmem>>) dst(%dma_wait3A_57 : memref<640xf32, #tpu.memory_space<vmem_shared>>)
      tpu.yield
    }) : () -> ()
    %sub3A = arith.constant 1 : i32
    %sub3A_7 = arith.subi %sub3A, %arg0 : i32
    %mul3A_8 = arith.constant 160000 : i32
    %mul3A_9 = arith.muli %sub3A_7, %mul3A_8 : i32
    %mul3A_10 = arith.constant 10000 : i32
    %mul3A_11 = arith.muli %arg1, %mul3A_10 : i32
    %add3A = arith.addi %mul3A_9, %mul3A_11 : i32
    %mul3A_12 = arith.constant 160000 : i32
    %mul3A_13 = arith.muli %arg0, %mul3A_12 : i32
    %mul3A_14 = arith.constant 10000 : i32
    %mul3A_15 = arith.muli %arg1, %mul3A_14 : i32
    %add3A_16 = arith.addi %mul3A_13, %mul3A_15 : i32
    "tpu.region"() ({
      %run_scoped3A = tpu.sem_alloc : memref<!tpu.dma_semaphore, #tpu.memory_space<semaphore_mem>>
      %dma_start3A_55 = tpu.memref_slice %arg2[%add3A] : memref<320000xi32, #tpu.memory_space<hbm>> -> memref<10000xi32, #tpu.memory_space<hbm>>
      %dma_start3A_56 = tpu.memref_slice %arg2[%add3A] : memref<320000xi32, #tpu.memory_space<hbm>> -> memref<10000xi32, #tpu.memory_space<hbm>>
      tpu.enqueue_dma source(%dma_start3A_56 : memref<10000xi32, #tpu.memory_space<hbm>>) target(%arg6 : memref<10000xi32, #tpu.memory_space<vmem>>) target_semaphore(%run_scoped3A : memref<!tpu.dma_semaphore, #tpu.memory_space<semaphore_mem>>)
      %dma_wait3A = tpu.memref_slice %arg2[%add3A] : memref<320000xi32, #tpu.memory_space<hbm>> -> memref<10000xi32, #tpu.memory_space<hbm>>
      %dma_wait3A_57 = tpu.memref_slice %arg2[%add3A] : memref<320000xi32, #tpu.memory_space<hbm>> -> memref<10000xi32, #tpu.memory_space<hbm>>
      tpu.wait_dma2 semaphore(%run_scoped3A : memref<!tpu.dma_semaphore, #tpu.memory_space<semaphore_mem>>) src(%dma_wait3A_57 : memref<10000xi32, #tpu.memory_space<hbm>>) dst(%arg6 : memref<10000xi32, #tpu.memory_space<vmem>>)
      tpu.yield
    }) : () -> ()
    %sub3A_17 = arith.constant 1 : i32
    %sub3A_18 = arith.subi %sub3A_17, %arg0 : i32
    %mul3A_19 = arith.constant 10240 : i32
    %mul3A_20 = arith.muli %sub3A_18, %mul3A_19 : i32
    %scan3A_21 = arith.constant 0 : i32
    %scan3A_22 = arith.constant 0 : i32
    %scan3A_23 = arith.constant 625 : i32
    %scan3A_24 = arith.addi %scan3A_22, %scan3A_23 : i32
    %scan3A_25 = arith.constant 1 : i32
    %scan3A_26 = scf.for %scan3A_55 = %scan3A_22 to %scan3A_24 step %scan3A_25 iter_args(%scan3A_56 = %scan3A_21) -> (i32)  : i32 {
      %mul3A_57 = arith.constant 16 : i32
      %mul3A_58 = arith.muli %scan3A_55, %mul3A_57 : i32
      %get3A = arith.index_cast %mul3A_58 : i32 to index
      %get3A_59 = tpu.vector_load %arg6[%get3A] {strides = array<i32>} : memref<10000xi32, #tpu.memory_space<vmem>>, vector<16xi32>,
      %get3A_60 = vector.shape_cast %get3A_59 : vector<16xi32> to vector<16xi32>
      %add3A_61 = vector.broadcast %mul3A_20 : i32 to vector<16xi32>
      %add3A_62 = arith.addi %get3A_60, %add3A_61 : vector<16xi32>
      %mul3A_63 = arith.constant 16 : i32
      %mul3A_64 = arith.muli %scan3A_55, %mul3A_63 : i32
      %swap3A = arith.index_cast %mul3A_64 : i32 to index
      %swap3A_65 = tpu.vector_load %arg6[%swap3A] {strides = array<i32>} : memref<10000xi32, #tpu.memory_space<vmem>>, vector<16xi32>,
      %swap3A_66 = vector.shape_cast %swap3A_65 : vector<16xi32> to vector<16xi32>
      %swap3A_67 = vector.shape_cast %add3A_62 : vector<16xi32> to vector<16xi32>
      tpu.vector_store %arg6[%swap3A], %swap3A_67 {strides = array<i32>} : memref<10000xi32, #tpu.memory_space<vmem>>, vector<16xi32>,
      %scan3A_68 = arith.constant 0 : i32
      scf.yield %scan3A_68 : i32
    }
    %scan3A_27 = arith.constant 625 : i32
    %barrier3A = arith.constant 0 : index
    tpu.barrier barrier_id(%barrier3A)
    %dma_start3A = arith.constant 0 : i32
    %dma_start3A_28 = tpu.memref_slice %arg6[%dma_start3A] : memref<10000xi32, #tpu.memory_space<vmem>> -> memref<80xi32, #tpu.memory_space<vmem>>
    %dma_start3A_29 = arith.constant 0 : i32
    %dma_start3A_30 = tpu.memref_slice %arg3[%dma_start3A_29] : memref<20480xf32, #tpu.memory_space<hbm>> -> memref<20480xf32, #tpu.memory_space<hbm>>
    tpu.enqueue_indirect_dma source(%dma_start3A_30 : memref<20480xf32, #tpu.memory_space<hbm>>) target(%arg9 : memref<80xf32, #tpu.memory_space<vmem>>) offsets(%dma_start3A_28 : memref<80xi32, #tpu.memory_space<vmem>>) semaphore(%arg12 : memref<!tpu.dma_semaphore, #tpu.memory_space<semaphore_mem>>)
    %dma_start3A_31 = tpu.memref_slice %arg2[%add3A_16] : memref<320000xi32, #tpu.memory_space<hbm>> -> memref<80xi32, #tpu.memory_space<hbm>>
    %dma_start3A_32 = tpu.memref_slice %arg2[%add3A_16] : memref<320000xi32, #tpu.memory_space<hbm>> -> memref<80xi32, #tpu.memory_space<hbm>>
    tpu.enqueue_dma source(%dma_start3A_32 : memref<80xi32, #tpu.memory_space<hbm>>) target(%arg7 : memref<80xi32, #tpu.memory_space<vmem>>) target_semaphore(%arg14 : memref<!tpu.dma_semaphore, #tpu.memory_space<semaphore_mem>>)
    %scan3A_33 = arith.constant 0 : i32
    %scan3A_34 = arith.constant 0 : i32
    %scan3A_35 = arith.constant 125 : i32
    %scan3A_36 = arith.addi %scan3A_34, %scan3A_35 : i32
    %scan3A_37 = arith.constant 1 : i32
    %scan3A_38 = scf.for %scan3A_55 = %scan3A_34 to %scan3A_36 step %scan3A_37 iter_args(%scan3A_56 = %scan3A_33) -> (i32)  : i32 {
      %add3A_57 = arith.constant 1 : i32
      %add3A_58 = arith.addi %scan3A_55, %add3A_57 : i32
      %lt3A = arith.constant 125 : i32
      %lt3A_59 = arith.cmpi slt, %add3A_58, %lt3A : i32
      %jit3A = arith.constant 2 : i32
      %eq3A = arith.constant 0 : i32
      %eq3A_60 = arith.cmpi eq, %jit3A, %eq3A : i32
      %jit3A_61 = arith.constant 1 : i32
      %select_n3A = arith.select %eq3A_60, %jit3A_61, %jit3A : i32
      %rem3A = arith.remsi %add3A_58, %select_n3A : i32
      %ne3A = arith.constant 0 : i32
      %ne3A_62 = arith.cmpi ne, %rem3A, %ne3A : i32
      %lt3A_63 = arith.constant 0 : i32
      %lt3A_64 = arith.cmpi slt, %rem3A, %lt3A_63 : i32
      %lt3A_65 = arith.constant 0 : i32
      %lt3A_66 = arith.cmpi slt, %select_n3A, %lt3A_65 : i32
      %ne3A_67 = arith.xori %lt3A_64, %lt3A_66 : i1
      %and3A = arith.andi %ne3A_67, %ne3A_62 : i1
      %add3A_68 = arith.addi %rem3A, %select_n3A : i32
      %select_n3A_69 = arith.select %and3A, %add3A_68, %rem3A : i32
      %eq3A_70 = arith.constant 1 : i32
      %eq3A_71 = arith.cmpi eq, %select_n3A_69, %eq3A_70 : i32
      %and3A_72 = arith.andi %lt3A_59, %eq3A_71 : i1
      %convert_element_type3A = arith.extui %and3A_72 : i1 to i32
      %cond3A = arith.constant 0 : i32
      %cond3A_73 = arith.cmpi ne, %convert_element_type3A, %cond3A : i32
      scf.if %cond3A_73 {
        %mul3A_141 = arith.constant 80 : i32
        %mul3A_142 = arith.muli %add3A_58, %mul3A_141 : i32
        %dma_start3A_143 = tpu.memref_slice %arg6[%mul3A_142] : memref<10000xi32, #tpu.memory_space<vmem>> -> memref<80xi32, #tpu.memory_space<vmem>>
        %dma_start3A_144 = arith.constant 0 : i32
        %dma_start3A_145 = tpu.memref_slice %arg3[%dma_start3A_144] : memref<20480xf32, #tpu.memory_space<hbm>> -> memref<20480xf32, #tpu.memory_space<hbm>>
        tpu.enqueue_indirect_dma source(%dma_start3A_145 : memref<20480xf32, #tpu.memory_space<hbm>>) target(%arg10 : memref<80xf32, #tpu.memory_space<vmem>>) offsets(%dma_start3A_143 : memref<80xi32, #tpu.memory_space<vmem>>) semaphore(%arg13 : memref<!tpu.dma_semaphore, #tpu.memory_space<semaphore_mem>>)
        %mul3A_146 = arith.constant 80 : i32
        %mul3A_147 = arith.muli %add3A_58, %mul3A_146 : i32
        %add3A_148 = arith.addi %add3A_16, %mul3A_147 : i32
        %dma_start3A_149 = tpu.memref_slice %arg2[%add3A_148] : memref<320000xi32, #tpu.memory_space<hbm>> -> memref<80xi32, #tpu.memory_space<hbm>>
        %dma_start3A_150 = tpu.memref_slice %arg2[%add3A_148] : memref<320000xi32, #tpu.memory_space<hbm>> -> memref<80xi32, #tpu.memory_space<hbm>>
        tpu.enqueue_dma source(%dma_start3A_150 : memref<80xi32, #tpu.memory_space<hbm>>) target(%arg8 : memref<80xi32, #tpu.memory_space<vmem>>) target_semaphore(%arg15 : memref<!tpu.dma_semaphore, #tpu.memory_space<semaphore_mem>>)
      } else {
      }
      %lt3A_74 = arith.constant 125 : i32
      %lt3A_75 = arith.cmpi slt, %add3A_58, %lt3A_74 : i32
      %jit3A_76 = arith.constant 2 : i32
      %eq3A_77 = arith.constant 0 : i32
      %eq3A_78 = arith.cmpi eq, %jit3A_76, %eq3A_77 : i32
      %jit3A_79 = arith.constant 1 : i32
      %select_n3A_80 = arith.select %eq3A_78, %jit3A_79, %jit3A_76 : i32
      %rem3A_81 = arith.remsi %add3A_58, %select_n3A_80 : i32
      %ne3A_82 = arith.constant 0 : i32
      %ne3A_83 = arith.cmpi ne, %rem3A_81, %ne3A_82 : i32
      %lt3A_84 = arith.constant 0 : i32
      %lt3A_85 = arith.cmpi slt, %rem3A_81, %lt3A_84 : i32
      %lt3A_86 = arith.constant 0 : i32
      %lt3A_87 = arith.cmpi slt, %select_n3A_80, %lt3A_86 : i32
      %ne3A_88 = arith.xori %lt3A_85, %lt3A_87 : i1
      %and3A_89 = arith.andi %ne3A_88, %ne3A_83 : i1
      %add3A_90 = arith.addi %rem3A_81, %select_n3A_80 : i32
      %select_n3A_91 = arith.select %and3A_89, %add3A_90, %rem3A_81 : i32
      %eq3A_92 = arith.constant 0 : i32
      %eq3A_93 = arith.cmpi eq, %select_n3A_91, %eq3A_92 : i32
      %and3A_94 = arith.andi %lt3A_75, %eq3A_93 : i1
      %convert_element_type3A_95 = arith.extui %and3A_94 : i1 to i32
      %cond3A_96 = arith.constant 0 : i32
      %cond3A_97 = arith.cmpi ne, %convert_element_type3A_95, %cond3A_96 : i32
      scf.if %cond3A_97 {
        %mul3A_141 = arith.constant 80 : i32
        %mul3A_142 = arith.muli %add3A_58, %mul3A_141 : i32
        %dma_start3A_143 = tpu.memref_slice %arg6[%mul3A_142] : memref<10000xi32, #tpu.memory_space<vmem>> -> memref<80xi32, #tpu.memory_space<vmem>>
        %dma_start3A_144 = arith.constant 0 : i32
        %dma_start3A_145 = tpu.memref_slice %arg3[%dma_start3A_144] : memref<20480xf32, #tpu.memory_space<hbm>> -> memref<20480xf32, #tpu.memory_space<hbm>>
        tpu.enqueue_indirect_dma source(%dma_start3A_145 : memref<20480xf32, #tpu.memory_space<hbm>>) target(%arg9 : memref<80xf32, #tpu.memory_space<vmem>>) offsets(%dma_start3A_143 : memref<80xi32, #tpu.memory_space<vmem>>) semaphore(%arg12 : memref<!tpu.dma_semaphore, #tpu.memory_space<semaphore_mem>>)
        %mul3A_146 = arith.constant 80 : i32
        %mul3A_147 = arith.muli %add3A_58, %mul3A_146 : i32
        %add3A_148 = arith.addi %add3A_16, %mul3A_147 : i32
        %dma_start3A_149 = tpu.memref_slice %arg2[%add3A_148] : memref<320000xi32, #tpu.memory_space<hbm>> -> memref<80xi32, #tpu.memory_space<hbm>>
        %dma_start3A_150 = tpu.memref_slice %arg2[%add3A_148] : memref<320000xi32, #tpu.memory_space<hbm>> -> memref<80xi32, #tpu.memory_space<hbm>>
        tpu.enqueue_dma source(%dma_start3A_150 : memref<80xi32, #tpu.memory_space<hbm>>) target(%arg7 : memref<80xi32, #tpu.memory_space<vmem>>) target_semaphore(%arg14 : memref<!tpu.dma_semaphore, #tpu.memory_space<semaphore_mem>>)
      } else {
      }
      %jit3A_98 = arith.constant 2 : i32
      %eq3A_99 = arith.constant 0 : i32
      %eq3A_100 = arith.cmpi eq, %jit3A_98, %eq3A_99 : i32
      %jit3A_101 = arith.constant 1 : i32
      %select_n3A_102 = arith.select %eq3A_100, %jit3A_101, %jit3A_98 : i32
      %rem3A_103 = arith.remsi %scan3A_55, %select_n3A_102 : i32
      %ne3A_104 = arith.constant 0 : i32
      %ne3A_105 = arith.cmpi ne, %rem3A_103, %ne3A_104 : i32
      %lt3A_106 = arith.constant 0 : i32
      %lt3A_107 = arith.cmpi slt, %rem3A_103, %lt3A_106 : i32
      %lt3A_108 = arith.constant 0 : i32
      %lt3A_109 = arith.cmpi slt, %select_n3A_102, %lt3A_108 : i32
      %ne3A_110 = arith.xori %lt3A_107, %lt3A_109 : i1
      %and3A_111 = arith.andi %ne3A_110, %ne3A_105 : i1
      %add3A_112 = arith.addi %rem3A_103, %select_n3A_102 : i32
      %select_n3A_113 = arith.select %and3A_111, %add3A_112, %rem3A_103 : i32
      %eq3A_114 = arith.constant 0 : i32
      %eq3A_115 = arith.cmpi eq, %select_n3A_113, %eq3A_114 : i32
      %convert_element_type3A_116 = arith.extui %eq3A_115 : i1 to i32
      %cond3A_117 = arith.constant 0 : i32
      %cond3A_118 = arith.cmpi ne, %convert_element_type3A_116, %cond3A_117 : i32
      scf.if %cond3A_118 {
        %dma_wait3A = arith.constant 0 : i32
        %dma_wait3A_141 = tpu.memref_slice %arg6[%dma_wait3A] : memref<10000xi32, #tpu.memory_space<vmem>> -> memref<80xi32, #tpu.memory_space<vmem>>
        %dma_wait3A_142 = arith.constant 0 : i32
        %dma_wait3A_143 = tpu.memref_slice %arg3[%dma_wait3A_142] : memref<20480xf32, #tpu.memory_space<hbm>> -> memref<20480xf32, #tpu.memory_space<hbm>>
        tpu.wait_indirect_dma semaphore(%arg12 : memref<!tpu.dma_semaphore, #tpu.memory_space<semaphore_mem>>) src(%dma_wait3A_143 : memref<20480xf32, #tpu.memory_space<hbm>>) dst(%arg9 : memref<80xf32, #tpu.memory_space<vmem>>)
        %dma_wait3A_144 = tpu.memref_slice %arg2[%add3A_16] : memref<320000xi32, #tpu.memory_space<hbm>> -> memref<80xi32, #tpu.memory_space<hbm>>
        %dma_wait3A_145 = tpu.memref_slice %arg2[%add3A_16] : memref<320000xi32, #tpu.memory_space<hbm>> -> memref<80xi32, #tpu.memory_space<hbm>>
        tpu.wait_dma2 semaphore(%arg14 : memref<!tpu.dma_semaphore, #tpu.memory_space<semaphore_mem>>) src(%dma_wait3A_145 : memref<80xi32, #tpu.memory_space<hbm>>) dst(%arg7 : memref<80xi32, #tpu.memory_space<vmem>>)
        "tpu.region"() ({
          %run_scoped3A = tpu.sem_alloc : memref<!tpu.dma_semaphore, #tpu.memory_space<semaphore_mem>>
          %dma_start3A_146 = arith.constant 0 : i32
          %dma_start3A_147 = tpu.memref_slice %arg5[%dma_start3A_146] : memref<10240xf32, #tpu.memory_space<vmem_shared>> -> memref<10240xf32, #tpu.memory_space<vmem_shared>>
          tpu.enqueue_indirect_dma source(%arg9 : memref<80xf32, #tpu.memory_space<vmem>>) target(%dma_start3A_147 : memref<10240xf32, #tpu.memory_space<vmem_shared>>) offsets(%arg7 : memref<80xi32, #tpu.memory_space<vmem>>) semaphore(%run_scoped3A : memref<!tpu.dma_semaphore, #tpu.memory_space<semaphore_mem>>) {add = true}
          %dma_wait3A_148 = arith.constant 0 : i32
          %dma_wait3A_149 = tpu.memref_slice %arg5[%dma_wait3A_148] : memref<10240xf32, #tpu.memory_space<vmem_shared>> -> memref<10240xf32, #tpu.memory_space<vmem_shared>>
          tpu.wait_indirect_dma semaphore(%run_scoped3A : memref<!tpu.dma_semaphore, #tpu.memory_space<semaphore_mem>>) src(%arg9 : memref<80xf32, #tpu.memory_space<vmem>>) dst(%dma_wait3A_149 : memref<10240xf32, #tpu.memory_space<vmem_shared>>)
          tpu.yield
        }) : () -> ()
      } else {
      }
      %jit3A_119 = arith.constant 2 : i32
      %eq3A_120 = arith.constant 0 : i32
      %eq3A_121 = arith.cmpi eq, %jit3A_119, %eq3A_120 : i32
      %jit3A_122 = arith.constant 1 : i32
      %select_n3A_123 = arith.select %eq3A_121, %jit3A_122, %jit3A_119 : i32
      %rem3A_124 = arith.remsi %scan3A_55, %select_n3A_123 : i32
      %ne3A_125 = arith.constant 0 : i32
      %ne3A_126 = arith.cmpi ne, %rem3A_124, %ne3A_125 : i32
      %lt3A_127 = arith.constant 0 : i32
      %lt3A_128 = arith.cmpi slt, %rem3A_124, %lt3A_127 : i32
      %lt3A_129 = arith.constant 0 : i32
      %lt3A_130 = arith.cmpi slt, %select_n3A_123, %lt3A_129 : i32
      %ne3A_131 = arith.xori %lt3A_128, %lt3A_130 : i1
      %and3A_132 = arith.andi %ne3A_131, %ne3A_126 : i1
      %add3A_133 = arith.addi %rem3A_124, %select_n3A_123 : i32
      %select_n3A_134 = arith.select %and3A_132, %add3A_133, %rem3A_124 : i32
      %eq3A_135 = arith.constant 1 : i32
      %eq3A_136 = arith.cmpi eq, %select_n3A_134, %eq3A_135 : i32
      %convert_element_type3A_137 = arith.extui %eq3A_136 : i1 to i32
      %cond3A_138 = arith.constant 0 : i32
      %cond3A_139 = arith.cmpi ne, %convert_element_type3A_137, %cond3A_138 : i32
      scf.if %cond3A_139 {
        %dma_wait3A = arith.constant 0 : i32
        %dma_wait3A_141 = tpu.memref_slice %arg6[%dma_wait3A] : memref<10000xi32, #tpu.memory_space<vmem>> -> memref<80xi32, #tpu.memory_space<vmem>>
        %dma_wait3A_142 = arith.constant 0 : i32
        %dma_wait3A_143 = tpu.memref_slice %arg3[%dma_wait3A_142] : memref<20480xf32, #tpu.memory_space<hbm>> -> memref<20480xf32, #tpu.memory_space<hbm>>
        tpu.wait_indirect_dma semaphore(%arg13 : memref<!tpu.dma_semaphore, #tpu.memory_space<semaphore_mem>>) src(%dma_wait3A_143 : memref<20480xf32, #tpu.memory_space<hbm>>) dst(%arg10 : memref<80xf32, #tpu.memory_space<vmem>>)
        %dma_wait3A_144 = tpu.memref_slice %arg2[%add3A_16] : memref<320000xi32, #tpu.memory_space<hbm>> -> memref<80xi32, #tpu.memory_space<hbm>>
        %dma_wait3A_145 = tpu.memref_slice %arg2[%add3A_16] : memref<320000xi32, #tpu.memory_space<hbm>> -> memref<80xi32, #tpu.memory_space<hbm>>
        tpu.wait_dma2 semaphore(%arg15 : memref<!tpu.dma_semaphore, #tpu.memory_space<semaphore_mem>>) src(%dma_wait3A_145 : memref<80xi32, #tpu.memory_space<hbm>>) dst(%arg8 : memref<80xi32, #tpu.memory_space<vmem>>)
        "tpu.region"() ({
          %run_scoped3A = tpu.sem_alloc : memref<!tpu.dma_semaphore, #tpu.memory_space<semaphore_mem>>
          %dma_start3A_146 = arith.constant 0 : i32
          %dma_start3A_147 = tpu.memref_slice %arg5[%dma_start3A_146] : memref<10240xf32, #tpu.memory_space<vmem_shared>> -> memref<10240xf32, #tpu.memory_space<vmem_shared>>
          tpu.enqueue_indirect_dma source(%arg10 : memref<80xf32, #tpu.memory_space<vmem>>) target(%dma_start3A_147 : memref<10240xf32, #tpu.memory_space<vmem_shared>>) offsets(%arg8 : memref<80xi32, #tpu.memory_space<vmem>>) semaphore(%run_scoped3A : memref<!tpu.dma_semaphore, #tpu.memory_space<semaphore_mem>>) {add = true}
          %dma_wait3A_148 = arith.constant 0 : i32
          %dma_wait3A_149 = tpu.memref_slice %arg5[%dma_wait3A_148] : memref<10240xf32, #tpu.memory_space<vmem_shared>> -> memref<10240xf32, #tpu.memory_space<vmem_shared>>
          tpu.wait_indirect_dma semaphore(%run_scoped3A : memref<!tpu.dma_semaphore, #tpu.memory_space<semaphore_mem>>) src(%arg10 : memref<80xf32, #tpu.memory_space<vmem>>) dst(%dma_wait3A_149 : memref<10240xf32, #tpu.memory_space<vmem_shared>>)
          tpu.yield
        }) : () -> ()
      } else {
      }
      %scan3A_140 = arith.constant 0 : i32
      scf.yield %scan3A_140 : i32
    }
    %scan3A_39 = arith.constant 125 : i32
    %barrier3A_40 = arith.constant 0 : index
    tpu.barrier barrier_id(%barrier3A_40)
    %mul3A_41 = arith.constant 640 : i32
    %mul3A_42 = arith.muli %arg1, %mul3A_41 : i32
    "tpu.region"() ({
      %run_scoped3A = tpu.sem_alloc : memref<!tpu.dma_semaphore, #tpu.memory_space<semaphore_mem>>
      %dma_start3A_55 = tpu.memref_slice %arg5[%mul3A_42] : memref<10240xf32, #tpu.memory_space<vmem_shared>> -> memref<640xf32, #tpu.memory_space<vmem_shared>>
      %dma_start3A_56 = tpu.memref_slice %arg5[%mul3A_42] : memref<10240xf32, #tpu.memory_space<vmem_shared>> -> memref<640xf32, #tpu.memory_space<vmem_shared>>
      tpu.enqueue_dma source(%dma_start3A_56 : memref<640xf32, #tpu.memory_space<vmem_shared>>) target(%arg11 : memref<640xf32, #tpu.memory_space<vmem>>) target_semaphore(%run_scoped3A : memref<!tpu.dma_semaphore, #tpu.memory_space<semaphore_mem>>)
      %dma_wait3A = tpu.memref_slice %arg5[%mul3A_42] : memref<10240xf32, #tpu.memory_space<vmem_shared>> -> memref<640xf32, #tpu.memory_space<vmem_shared>>
      %dma_wait3A_57 = tpu.memref_slice %arg5[%mul3A_42] : memref<10240xf32, #tpu.memory_space<vmem_shared>> -> memref<640xf32, #tpu.memory_space<vmem_shared>>
      tpu.wait_dma2 semaphore(%run_scoped3A : memref<!tpu.dma_semaphore, #tpu.memory_space<semaphore_mem>>) src(%dma_wait3A_57 : memref<640xf32, #tpu.memory_space<vmem_shared>>) dst(%arg11 : memref<640xf32, #tpu.memory_space<vmem>>)
      tpu.yield
    }) : () -> ()
    %scan3A_43 = arith.constant 0 : i32
    %scan3A_44 = arith.constant 0 : i32
    %scan3A_45 = arith.constant 40 : i32
    %scan3A_46 = arith.addi %scan3A_44, %scan3A_45 : i32
    %scan3A_47 = arith.constant 1 : i32
    %scan3A_48 = scf.for %scan3A_55 = %scan3A_44 to %scan3A_46 step %scan3A_47 iter_args(%scan3A_56 = %scan3A_43) -> (i32)  : i32 {
      %mul3A_57 = arith.constant 16 : i32
      %mul3A_58 = arith.muli %scan3A_55, %mul3A_57 : i32
      %get3A = arith.index_cast %mul3A_58 : i32 to index
      %get3A_59 = tpu.vector_load %arg11[%get3A] {strides = array<i32>} : memref<640xf32, #tpu.memory_space<vmem>>, vector<16xf32>,
      %get3A_60 = vector.shape_cast %get3A_59 : vector<16xf32> to vector<16xf32>
      %bitcast_convert_type3A = tpu.bitcast %get3A_60 : vector<16xf32> -> vector<16xi32>
      %shift_right_logical3A = arith.constant 1 : i32
      %shift_right_logical3A_61 = vector.broadcast %shift_right_logical3A : i32 to vector<16xi32>
      %shift_right_logical3A_62 = arith.shrui %bitcast_convert_type3A, %shift_right_logical3A_61 : vector<16xi32>
      %sub3A_63 = arith.constant 1597463007 : i32
      %sub3A_64 = vector.broadcast %sub3A_63 : i32 to vector<16xi32>
      %sub3A_65 = arith.subi %sub3A_64, %shift_right_logical3A_62 : vector<16xi32>
      %bitcast_convert_type3A_66 = tpu.bitcast %sub3A_65 : vector<16xi32> -> vector<16xf32>
      %mul3A_67 = arith.constant 5.000000e-01 : f32
      %mul3A_68 = vector.broadcast %mul3A_67 : f32 to vector<16xf32>
      %mul3A_69 = arith.mulf %mul3A_68, %get3A_60 : vector<16xf32>
      %mul3A_70 = arith.mulf %mul3A_69, %bitcast_convert_type3A_66 : vector<16xf32>
      %mul3A_71 = arith.mulf %mul3A_70, %bitcast_convert_type3A_66 : vector<16xf32>
      %sub3A_72 = arith.constant 1.500000e+00 : f32
      %sub3A_73 = vector.broadcast %sub3A_72 : f32 to vector<16xf32>
      %sub3A_74 = arith.subf %sub3A_73, %mul3A_71 : vector<16xf32>
      %mul3A_75 = arith.mulf %bitcast_convert_type3A_66, %sub3A_74 : vector<16xf32>
      %mul3A_76 = arith.constant 5.000000e-01 : f32
      %mul3A_77 = vector.broadcast %mul3A_76 : f32 to vector<16xf32>
      %mul3A_78 = arith.mulf %mul3A_77, %get3A_60 : vector<16xf32>
      %mul3A_79 = arith.mulf %mul3A_78, %mul3A_75 : vector<16xf32>
      %mul3A_80 = arith.mulf %mul3A_79, %mul3A_75 : vector<16xf32>
      %sub3A_81 = arith.constant 1.500000e+00 : f32
      %sub3A_82 = vector.broadcast %sub3A_81 : f32 to vector<16xf32>
      %sub3A_83 = arith.subf %sub3A_82, %mul3A_80 : vector<16xf32>
      %mul3A_84 = arith.mulf %mul3A_75, %sub3A_83 : vector<16xf32>
      %mul3A_85 = arith.constant 5.000000e-01 : f32
      %mul3A_86 = vector.broadcast %mul3A_85 : f32 to vector<16xf32>
      %mul3A_87 = arith.mulf %mul3A_86, %get3A_60 : vector<16xf32>
      %mul3A_88 = arith.mulf %mul3A_87, %mul3A_84 : vector<16xf32>
      %mul3A_89 = arith.mulf %mul3A_88, %mul3A_84 : vector<16xf32>
      %sub3A_90 = arith.constant 1.500000e+00 : f32
      %sub3A_91 = vector.broadcast %sub3A_90 : f32 to vector<16xf32>
      %sub3A_92 = arith.subf %sub3A_91, %mul3A_89 : vector<16xf32>
      %mul3A_93 = arith.mulf %mul3A_84, %sub3A_92 : vector<16xf32>
      %gt3A = arith.constant 0.000000e+00 : f32
      %gt3A_94 = vector.broadcast %gt3A : f32 to vector<16xf32>
      %gt3A_95 = arith.cmpf ogt, %get3A_60, %gt3A_94 : vector<16xf32>
      %mul3A_96 = arith.mulf %mul3A_93, %mul3A_93 : vector<16xf32>
      %jit3A = arith.constant 0.000000e+00 : f32
      %broadcast_in_dim3A = vector.broadcast %jit3A : f32 to vector<16xf32>
      %select_n3A = arith.select %gt3A_95, %mul3A_96, %broadcast_in_dim3A : vector<16xi1>, vector<16xf32>
      %mul3A_97 = arith.constant 16 : i32
      %mul3A_98 = arith.muli %scan3A_55, %mul3A_97 : i32
      %swap3A = arith.index_cast %mul3A_98 : i32 to index
      %swap3A_99 = tpu.vector_load %arg11[%swap3A] {strides = array<i32>} : memref<640xf32, #tpu.memory_space<vmem>>, vector<16xf32>,
      %swap3A_100 = vector.shape_cast %swap3A_99 : vector<16xf32> to vector<16xf32>
      %swap3A_101 = vector.shape_cast %select_n3A : vector<16xf32> to vector<16xf32>
      tpu.vector_store %arg11[%swap3A], %swap3A_101 {strides = array<i32>} : memref<640xf32, #tpu.memory_space<vmem>>, vector<16xf32>,
      %scan3A_102 = arith.constant 0 : i32
      scf.yield %scan3A_102 : i32
    }
    %scan3A_49 = arith.constant 40 : i32
    %mul3A_50 = arith.constant 10240 : i32
    %mul3A_51 = arith.muli %arg0, %mul3A_50 : i32
    %mul3A_52 = arith.constant 640 : i32
    %mul3A_53 = arith.muli %arg1, %mul3A_52 : i32
    %add3A_54 = arith.addi %mul3A_51, %mul3A_53 : i32
    "tpu.region"() ({
      %run_scoped3A = tpu.sem_alloc : memref<!tpu.dma_semaphore, #tpu.memory_space<semaphore_mem>>
      %dma_start3A_55 = tpu.memref_slice %arg4[%add3A_54] : memref<20480xf32, #tpu.memory_space<hbm>> -> memref<640xf32, #tpu.memory_space<hbm>>
      %dma_start3A_56 = tpu.memref_slice %arg4[%add3A_54] : memref<20480xf32, #tpu.memory_space<hbm>> -> memref<640xf32, #tpu.memory_space<hbm>>
      tpu.enqueue_dma source(%arg11 : memref<640xf32, #tpu.memory_space<vmem>>) target(%dma_start3A_56 : memref<640xf32, #tpu.memory_space<hbm>>) target_semaphore(%run_scoped3A : memref<!tpu.dma_semaphore, #tpu.memory_space<semaphore_mem>>)
      %dma_wait3A = tpu.memref_slice %arg4[%add3A_54] : memref<20480xf32, #tpu.memory_space<hbm>> -> memref<640xf32, #tpu.memory_space<hbm>>
      %dma_wait3A_57 = tpu.memref_slice %arg4[%add3A_54] : memref<20480xf32, #tpu.memory_space<hbm>> -> memref<640xf32, #tpu.memory_space<hbm>>
      tpu.wait_dma2 semaphore(%run_scoped3A : memref<!tpu.dma_semaphore, #tpu.memory_space<semaphore_mem>>) src(%arg11 : memref<640xf32, #tpu.memory_space<vmem>>) dst(%dma_wait3A_57 : memref<640xf32, #tpu.memory_space<hbm>>)
      tpu.yield
    }) : () -> ()
    return
  }
}

#map = affine_map<(d0, d1) -> (0, 0)>
#map1 = affine_map<(d0, d1) -> (0)>
module attributes {stable_mosaic.version = 14 : i64} {
  func.func @_spass_body(%arg0: i32, %arg1: i32, %arg2: memref<20480x128xf32, #tpu.memory_space<hbm>>, %arg3: memref<320000xi32, #tpu.memory_space<hbm>>, %arg4: memref<20480x128xf32, #tpu.memory_space<hbm>>, %arg5: memref<10240x128xf32, #tpu.memory_space<vmem_shared>>, %arg6: memref<10000xi32, #tpu.memory_space<vmem>>, %arg7: memref<80xi32, #tpu.memory_space<vmem>>, %arg8: memref<80xi32, #tpu.memory_space<vmem>>, %arg9: memref<80x128xf32, #tpu.memory_space<vmem>>, %arg10: memref<80x128xf32, #tpu.memory_space<vmem>>, %arg11: memref<!tpu.dma_semaphore, #tpu.memory_space<semaphore_mem>>, %arg12: memref<!tpu.dma_semaphore, #tpu.memory_space<semaphore_mem>>, %arg13: memref<!tpu.dma_semaphore, #tpu.memory_space<semaphore_mem>>, %arg14: memref<!tpu.dma_semaphore, #tpu.memory_space<semaphore_mem>>) attributes {dimension_semantics = [#tpu.dimension_semantics<core_parallel>, #tpu.dimension_semantics<subcore_parallel>], iteration_bounds = array<i64: 2, 16>, scalar_prefetch = 0 : i64, scratch_operands = 10 : i64, tpu.core_type = #tpu.core_type<sc_vector_subcore>, window_params = [{transform_indices = #map}, {transform_indices = #map1}, {transform_indices = #map}]} {
    %scan3A = arith.constant 0 : i32
    %scan3A_0 = arith.constant 0 : i32
    %scan3A_1 = arith.constant 80 : i32
    %scan3A_2 = arith.addi %scan3A_0, %scan3A_1 : i32
    %scan3A_3 = arith.constant 1 : i32
    %scan3A_4 = scf.for %scan3A_74 = %scan3A_0 to %scan3A_2 step %scan3A_3 iter_args(%scan3A_75 = %scan3A) -> (i32)  : i32 {
      %broadcast_in_dim3A = arith.constant 0.000000e+00 : f32
      %broadcast_in_dim3A_76 = vector.broadcast %broadcast_in_dim3A : f32 to vector<16xf32>
      %swap3A = arith.index_cast %scan3A_74 : i32 to index
      %swap3A_77 = arith.constant 0 : index
      %swap3A_78 = tpu.vector_load %arg9[%swap3A, %swap3A_77] {strides = array<i32>} : memref<80x128xf32, #tpu.memory_space<vmem>>, vector<1x16xf32>,
      %swap3A_79 = vector.shape_cast %swap3A_78 : vector<1x16xf32> to vector<16xf32>
      %swap3A_80 = vector.shape_cast %broadcast_in_dim3A_76 : vector<16xf32> to vector<1x16xf32>
      tpu.vector_store %arg9[%swap3A, %swap3A_77], %swap3A_80 {strides = array<i32>} : memref<80x128xf32, #tpu.memory_space<vmem>>, vector<1x16xf32>,
      %broadcast_in_dim3A_81 = arith.constant 0.000000e+00 : f32
      %broadcast_in_dim3A_82 = vector.broadcast %broadcast_in_dim3A_81 : f32 to vector<16xf32>
      %swap3A_83 = arith.index_cast %scan3A_74 : i32 to index
      %swap3A_84 = arith.constant 16 : index
      %swap3A_85 = tpu.vector_load %arg9[%swap3A_83, %swap3A_84] {strides = array<i32>} : memref<80x128xf32, #tpu.memory_space<vmem>>, vector<1x16xf32>,
      %swap3A_86 = vector.shape_cast %swap3A_85 : vector<1x16xf32> to vector<16xf32>
      %swap3A_87 = vector.shape_cast %broadcast_in_dim3A_82 : vector<16xf32> to vector<1x16xf32>
      tpu.vector_store %arg9[%swap3A_83, %swap3A_84], %swap3A_87 {strides = array<i32>} : memref<80x128xf32, #tpu.memory_space<vmem>>, vector<1x16xf32>,
      %broadcast_in_dim3A_88 = arith.constant 0.000000e+00 : f32
      %broadcast_in_dim3A_89 = vector.broadcast %broadcast_in_dim3A_88 : f32 to vector<16xf32>
      %swap3A_90 = arith.index_cast %scan3A_74 : i32 to index
      %swap3A_91 = arith.constant 32 : index
      %swap3A_92 = tpu.vector_load %arg9[%swap3A_90, %swap3A_91] {strides = array<i32>} : memref<80x128xf32, #tpu.memory_space<vmem>>, vector<1x16xf32>,
      %swap3A_93 = vector.shape_cast %swap3A_92 : vector<1x16xf32> to vector<16xf32>
      %swap3A_94 = vector.shape_cast %broadcast_in_dim3A_89 : vector<16xf32> to vector<1x16xf32>
      tpu.vector_store %arg9[%swap3A_90, %swap3A_91], %swap3A_94 {strides = array<i32>} : memref<80x128xf32, #tpu.memory_space<vmem>>, vector<1x16xf32>,
      %broadcast_in_dim3A_95 = arith.constant 0.000000e+00 : f32
      %broadcast_in_dim3A_96 = vector.broadcast %broadcast_in_dim3A_95 : f32 to vector<16xf32>
      %swap3A_97 = arith.index_cast %scan3A_74 : i32 to index
      %swap3A_98 = arith.constant 48 : index
      %swap3A_99 = tpu.vector_load %arg9[%swap3A_97, %swap3A_98] {strides = array<i32>} : memref<80x128xf32, #tpu.memory_space<vmem>>, vector<1x16xf32>,
      %swap3A_100 = vector.shape_cast %swap3A_99 : vector<1x16xf32> to vector<16xf32>
      %swap3A_101 = vector.shape_cast %broadcast_in_dim3A_96 : vector<16xf32> to vector<1x16xf32>
      tpu.vector_store %arg9[%swap3A_97, %swap3A_98], %swap3A_101 {strides = array<i32>} : memref<80x128xf32, #tpu.memory_space<vmem>>, vector<1x16xf32>,
      %broadcast_in_dim3A_102 = arith.constant 0.000000e+00 : f32
      %broadcast_in_dim3A_103 = vector.broadcast %broadcast_in_dim3A_102 : f32 to vector<16xf32>
      %swap3A_104 = arith.index_cast %scan3A_74 : i32 to index
      %swap3A_105 = arith.constant 64 : index
      %swap3A_106 = tpu.vector_load %arg9[%swap3A_104, %swap3A_105] {strides = array<i32>} : memref<80x128xf32, #tpu.memory_space<vmem>>, vector<1x16xf32>,
      %swap3A_107 = vector.shape_cast %swap3A_106 : vector<1x16xf32> to vector<16xf32>
      %swap3A_108 = vector.shape_cast %broadcast_in_dim3A_103 : vector<16xf32> to vector<1x16xf32>
      tpu.vector_store %arg9[%swap3A_104, %swap3A_105], %swap3A_108 {strides = array<i32>} : memref<80x128xf32, #tpu.memory_space<vmem>>, vector<1x16xf32>,
      %broadcast_in_dim3A_109 = arith.constant 0.000000e+00 : f32
      %broadcast_in_dim3A_110 = vector.broadcast %broadcast_in_dim3A_109 : f32 to vector<16xf32>
      %swap3A_111 = arith.index_cast %scan3A_74 : i32 to index
      %swap3A_112 = arith.constant 80 : index
      %swap3A_113 = tpu.vector_load %arg9[%swap3A_111, %swap3A_112] {strides = array<i32>} : memref<80x128xf32, #tpu.memory_space<vmem>>, vector<1x16xf32>,
      %swap3A_114 = vector.shape_cast %swap3A_113 : vector<1x16xf32> to vector<16xf32>
      %swap3A_115 = vector.shape_cast %broadcast_in_dim3A_110 : vector<16xf32> to vector<1x16xf32>
      tpu.vector_store %arg9[%swap3A_111, %swap3A_112], %swap3A_115 {strides = array<i32>} : memref<80x128xf32, #tpu.memory_space<vmem>>, vector<1x16xf32>,
      %broadcast_in_dim3A_116 = arith.constant 0.000000e+00 : f32
      %broadcast_in_dim3A_117 = vector.broadcast %broadcast_in_dim3A_116 : f32 to vector<16xf32>
      %swap3A_118 = arith.index_cast %scan3A_74 : i32 to index
      %swap3A_119 = arith.constant 96 : index
      %swap3A_120 = tpu.vector_load %arg9[%swap3A_118, %swap3A_119] {strides = array<i32>} : memref<80x128xf32, #tpu.memory_space<vmem>>, vector<1x16xf32>,
      %swap3A_121 = vector.shape_cast %swap3A_120 : vector<1x16xf32> to vector<16xf32>
      %swap3A_122 = vector.shape_cast %broadcast_in_dim3A_117 : vector<16xf32> to vector<1x16xf32>
      tpu.vector_store %arg9[%swap3A_118, %swap3A_119], %swap3A_122 {strides = array<i32>} : memref<80x128xf32, #tpu.memory_space<vmem>>, vector<1x16xf32>,
      %broadcast_in_dim3A_123 = arith.constant 0.000000e+00 : f32
      %broadcast_in_dim3A_124 = vector.broadcast %broadcast_in_dim3A_123 : f32 to vector<16xf32>
      %swap3A_125 = arith.index_cast %scan3A_74 : i32 to index
      %swap3A_126 = arith.constant 112 : index
      %swap3A_127 = tpu.vector_load %arg9[%swap3A_125, %swap3A_126] {strides = array<i32>} : memref<80x128xf32, #tpu.memory_space<vmem>>, vector<1x16xf32>,
      %swap3A_128 = vector.shape_cast %swap3A_127 : vector<1x16xf32> to vector<16xf32>
      %swap3A_129 = vector.shape_cast %broadcast_in_dim3A_124 : vector<16xf32> to vector<1x16xf32>
      tpu.vector_store %arg9[%swap3A_125, %swap3A_126], %swap3A_129 {strides = array<i32>} : memref<80x128xf32, #tpu.memory_space<vmem>>, vector<1x16xf32>,
      %scan3A_130 = arith.constant 0 : i32
      scf.yield %scan3A_130 : i32
    }
    %scan3A_5 = arith.constant 80 : i32
    %mul3A = arith.constant 640 : i32
    %mul3A_6 = arith.muli %arg1, %mul3A : i32
    %add3A = arith.constant 0 : i32
    %add3A_7 = arith.addi %mul3A_6, %add3A : i32
    "tpu.region"() ({
      %run_scoped3A = tpu.sem_alloc : memref<!tpu.dma_semaphore, #tpu.memory_space<semaphore_mem>>
      %dma_start3A_74 = arith.constant 0 : i32
      %dma_start3A_75 = tpu.memref_slice %arg5[%add3A_7, %dma_start3A_74] : memref<10240x128xf32, #tpu.memory_space<vmem_shared>> -> memref<80x128xf32, #tpu.memory_space<vmem_shared>>
      %dma_start3A_76 = arith.constant 0 : i32
      %dma_start3A_77 = tpu.memref_slice %arg5[%add3A_7, %dma_start3A_76] : memref<10240x128xf32, #tpu.memory_space<vmem_shared>> -> memref<80x128xf32, #tpu.memory_space<vmem_shared>>
      tpu.enqueue_dma source(%arg9 : memref<80x128xf32, #tpu.memory_space<vmem>>) target(%dma_start3A_77 : memref<80x128xf32, #tpu.memory_space<vmem_shared>>) target_semaphore(%run_scoped3A : memref<!tpu.dma_semaphore, #tpu.memory_space<semaphore_mem>>)
      %dma_wait3A = arith.constant 0 : i32
      %dma_wait3A_78 = tpu.memref_slice %arg5[%add3A_7, %dma_wait3A] : memref<10240x128xf32, #tpu.memory_space<vmem_shared>> -> memref<80x128xf32, #tpu.memory_space<vmem_shared>>
      %dma_wait3A_79 = arith.constant 0 : i32
      %dma_wait3A_80 = tpu.memref_slice %arg5[%add3A_7, %dma_wait3A_79] : memref<10240x128xf32, #tpu.memory_space<vmem_shared>> -> memref<80x128xf32, #tpu.memory_space<vmem_shared>>
      tpu.wait_dma2 semaphore(%run_scoped3A : memref<!tpu.dma_semaphore, #tpu.memory_space<semaphore_mem>>) src(%arg9 : memref<80x128xf32, #tpu.memory_space<vmem>>) dst(%dma_wait3A_80 : memref<80x128xf32, #tpu.memory_space<vmem_shared>>)
      tpu.yield
    }) : () -> ()
    %mul3A_8 = arith.constant 640 : i32
    %mul3A_9 = arith.muli %arg1, %mul3A_8 : i32
    %add3A_10 = arith.constant 80 : i32
    %add3A_11 = arith.addi %mul3A_9, %add3A_10 : i32
    "tpu.region"() ({
      %run_scoped3A = tpu.sem_alloc : memref<!tpu.dma_semaphore, #tpu.memory_space<semaphore_mem>>
      %dma_start3A_74 = arith.constant 0 : i32
      %dma_start3A_75 = tpu.memref_slice %arg5[%add3A_11, %dma_start3A_74] : memref<10240x128xf32, #tpu.memory_space<vmem_shared>> -> memref<80x128xf32, #tpu.memory_space<vmem_shared>>
      %dma_start3A_76 = arith.constant 0 : i32
      %dma_start3A_77 = tpu.memref_slice %arg5[%add3A_11, %dma_start3A_76] : memref<10240x128xf32, #tpu.memory_space<vmem_shared>> -> memref<80x128xf32, #tpu.memory_space<vmem_shared>>
      tpu.enqueue_dma source(%arg9 : memref<80x128xf32, #tpu.memory_space<vmem>>) target(%dma_start3A_77 : memref<80x128xf32, #tpu.memory_space<vmem_shared>>) target_semaphore(%run_scoped3A : memref<!tpu.dma_semaphore, #tpu.memory_space<semaphore_mem>>)
      %dma_wait3A = arith.constant 0 : i32
      %dma_wait3A_78 = tpu.memref_slice %arg5[%add3A_11, %dma_wait3A] : memref<10240x128xf32, #tpu.memory_space<vmem_shared>> -> memref<80x128xf32, #tpu.memory_space<vmem_shared>>
      %dma_wait3A_79 = arith.constant 0 : i32
      %dma_wait3A_80 = tpu.memref_slice %arg5[%add3A_11, %dma_wait3A_79] : memref<10240x128xf32, #tpu.memory_space<vmem_shared>> -> memref<80x128xf32, #tpu.memory_space<vmem_shared>>
      tpu.wait_dma2 semaphore(%run_scoped3A : memref<!tpu.dma_semaphore, #tpu.memory_space<semaphore_mem>>) src(%arg9 : memref<80x128xf32, #tpu.memory_space<vmem>>) dst(%dma_wait3A_80 : memref<80x128xf32, #tpu.memory_space<vmem_shared>>)
      tpu.yield
    }) : () -> ()
    %mul3A_12 = arith.constant 640 : i32
    %mul3A_13 = arith.muli %arg1, %mul3A_12 : i32
    %add3A_14 = arith.constant 160 : i32
    %add3A_15 = arith.addi %mul3A_13, %add3A_14 : i32
    "tpu.region"() ({
      %run_scoped3A = tpu.sem_alloc : memref<!tpu.dma_semaphore, #tpu.memory_space<semaphore_mem>>
      %dma_start3A_74 = arith.constant 0 : i32
      %dma_start3A_75 = tpu.memref_slice %arg5[%add3A_15, %dma_start3A_74] : memref<10240x128xf32, #tpu.memory_space<vmem_shared>> -> memref<80x128xf32, #tpu.memory_space<vmem_shared>>
      %dma_start3A_76 = arith.constant 0 : i32
      %dma_start3A_77 = tpu.memref_slice %arg5[%add3A_15, %dma_start3A_76] : memref<10240x128xf32, #tpu.memory_space<vmem_shared>> -> memref<80x128xf32, #tpu.memory_space<vmem_shared>>
      tpu.enqueue_dma source(%arg9 : memref<80x128xf32, #tpu.memory_space<vmem>>) target(%dma_start3A_77 : memref<80x128xf32, #tpu.memory_space<vmem_shared>>) target_semaphore(%run_scoped3A : memref<!tpu.dma_semaphore, #tpu.memory_space<semaphore_mem>>)
      %dma_wait3A = arith.constant 0 : i32
      %dma_wait3A_78 = tpu.memref_slice %arg5[%add3A_15, %dma_wait3A] : memref<10240x128xf32, #tpu.memory_space<vmem_shared>> -> memref<80x128xf32, #tpu.memory_space<vmem_shared>>
      %dma_wait3A_79 = arith.constant 0 : i32
      %dma_wait3A_80 = tpu.memref_slice %arg5[%add3A_15, %dma_wait3A_79] : memref<10240x128xf32, #tpu.memory_space<vmem_shared>> -> memref<80x128xf32, #tpu.memory_space<vmem_shared>>
      tpu.wait_dma2 semaphore(%run_scoped3A : memref<!tpu.dma_semaphore, #tpu.memory_space<semaphore_mem>>) src(%arg9 : memref<80x128xf32, #tpu.memory_space<vmem>>) dst(%dma_wait3A_80 : memref<80x128xf32, #tpu.memory_space<vmem_shared>>)
      tpu.yield
    }) : () -> ()
    %mul3A_16 = arith.constant 640 : i32
    %mul3A_17 = arith.muli %arg1, %mul3A_16 : i32
    %add3A_18 = arith.constant 240 : i32
    %add3A_19 = arith.addi %mul3A_17, %add3A_18 : i32
    "tpu.region"() ({
      %run_scoped3A = tpu.sem_alloc : memref<!tpu.dma_semaphore, #tpu.memory_space<semaphore_mem>>
      %dma_start3A_74 = arith.constant 0 : i32
      %dma_start3A_75 = tpu.memref_slice %arg5[%add3A_19, %dma_start3A_74] : memref<10240x128xf32, #tpu.memory_space<vmem_shared>> -> memref<80x128xf32, #tpu.memory_space<vmem_shared>>
      %dma_start3A_76 = arith.constant 0 : i32
      %dma_start3A_77 = tpu.memref_slice %arg5[%add3A_19, %dma_start3A_76] : memref<10240x128xf32, #tpu.memory_space<vmem_shared>> -> memref<80x128xf32, #tpu.memory_space<vmem_shared>>
      tpu.enqueue_dma source(%arg9 : memref<80x128xf32, #tpu.memory_space<vmem>>) target(%dma_start3A_77 : memref<80x128xf32, #tpu.memory_space<vmem_shared>>) target_semaphore(%run_scoped3A : memref<!tpu.dma_semaphore, #tpu.memory_space<semaphore_mem>>)
      %dma_wait3A = arith.constant 0 : i32
      %dma_wait3A_78 = tpu.memref_slice %arg5[%add3A_19, %dma_wait3A] : memref<10240x128xf32, #tpu.memory_space<vmem_shared>> -> memref<80x128xf32, #tpu.memory_space<vmem_shared>>
      %dma_wait3A_79 = arith.constant 0 : i32
      %dma_wait3A_80 = tpu.memref_slice %arg5[%add3A_19, %dma_wait3A_79] : memref<10240x128xf32, #tpu.memory_space<vmem_shared>> -> memref<80x128xf32, #tpu.memory_space<vmem_shared>>
      tpu.wait_dma2 semaphore(%run_scoped3A : memref<!tpu.dma_semaphore, #tpu.memory_space<semaphore_mem>>) src(%arg9 : memref<80x128xf32, #tpu.memory_space<vmem>>) dst(%dma_wait3A_80 : memref<80x128xf32, #tpu.memory_space<vmem_shared>>)
      tpu.yield
    }) : () -> ()
    %mul3A_20 = arith.constant 640 : i32
    %mul3A_21 = arith.muli %arg1, %mul3A_20 : i32
    %add3A_22 = arith.constant 320 : i32
    %add3A_23 = arith.addi %mul3A_21, %add3A_22 : i32
    "tpu.region"() ({
      %run_scoped3A = tpu.sem_alloc : memref<!tpu.dma_semaphore, #tpu.memory_space<semaphore_mem>>
      %dma_start3A_74 = arith.constant 0 : i32
      %dma_start3A_75 = tpu.memref_slice %arg5[%add3A_23, %dma_start3A_74] : memref<10240x128xf32, #tpu.memory_space<vmem_shared>> -> memref<80x128xf32, #tpu.memory_space<vmem_shared>>
      %dma_start3A_76 = arith.constant 0 : i32
      %dma_start3A_77 = tpu.memref_slice %arg5[%add3A_23, %dma_start3A_76] : memref<10240x128xf32, #tpu.memory_space<vmem_shared>> -> memref<80x128xf32, #tpu.memory_space<vmem_shared>>
      tpu.enqueue_dma source(%arg9 : memref<80x128xf32, #tpu.memory_space<vmem>>) target(%dma_start3A_77 : memref<80x128xf32, #tpu.memory_space<vmem_shared>>) target_semaphore(%run_scoped3A : memref<!tpu.dma_semaphore, #tpu.memory_space<semaphore_mem>>)
      %dma_wait3A = arith.constant 0 : i32
      %dma_wait3A_78 = tpu.memref_slice %arg5[%add3A_23, %dma_wait3A] : memref<10240x128xf32, #tpu.memory_space<vmem_shared>> -> memref<80x128xf32, #tpu.memory_space<vmem_shared>>
      %dma_wait3A_79 = arith.constant 0 : i32
      %dma_wait3A_80 = tpu.memref_slice %arg5[%add3A_23, %dma_wait3A_79] : memref<10240x128xf32, #tpu.memory_space<vmem_shared>> -> memref<80x128xf32, #tpu.memory_space<vmem_shared>>
      tpu.wait_dma2 semaphore(%run_scoped3A : memref<!tpu.dma_semaphore, #tpu.memory_space<semaphore_mem>>) src(%arg9 : memref<80x128xf32, #tpu.memory_space<vmem>>) dst(%dma_wait3A_80 : memref<80x128xf32, #tpu.memory_space<vmem_shared>>)
      tpu.yield
    }) : () -> ()
    %mul3A_24 = arith.constant 640 : i32
    %mul3A_25 = arith.muli %arg1, %mul3A_24 : i32
    %add3A_26 = arith.constant 400 : i32
    %add3A_27 = arith.addi %mul3A_25, %add3A_26 : i32
    "tpu.region"() ({
      %run_scoped3A = tpu.sem_alloc : memref<!tpu.dma_semaphore, #tpu.memory_space<semaphore_mem>>
      %dma_start3A_74 = arith.constant 0 : i32
      %dma_start3A_75 = tpu.memref_slice %arg5[%add3A_27, %dma_start3A_74] : memref<10240x128xf32, #tpu.memory_space<vmem_shared>> -> memref<80x128xf32, #tpu.memory_space<vmem_shared>>
      %dma_start3A_76 = arith.constant 0 : i32
      %dma_start3A_77 = tpu.memref_slice %arg5[%add3A_27, %dma_start3A_76] : memref<10240x128xf32, #tpu.memory_space<vmem_shared>> -> memref<80x128xf32, #tpu.memory_space<vmem_shared>>
      tpu.enqueue_dma source(%arg9 : memref<80x128xf32, #tpu.memory_space<vmem>>) target(%dma_start3A_77 : memref<80x128xf32, #tpu.memory_space<vmem_shared>>) target_semaphore(%run_scoped3A : memref<!tpu.dma_semaphore, #tpu.memory_space<semaphore_mem>>)
      %dma_wait3A = arith.constant 0 : i32
      %dma_wait3A_78 = tpu.memref_slice %arg5[%add3A_27, %dma_wait3A] : memref<10240x128xf32, #tpu.memory_space<vmem_shared>> -> memref<80x128xf32, #tpu.memory_space<vmem_shared>>
      %dma_wait3A_79 = arith.constant 0 : i32
      %dma_wait3A_80 = tpu.memref_slice %arg5[%add3A_27, %dma_wait3A_79] : memref<10240x128xf32, #tpu.memory_space<vmem_shared>> -> memref<80x128xf32, #tpu.memory_space<vmem_shared>>
      tpu.wait_dma2 semaphore(%run_scoped3A : memref<!tpu.dma_semaphore, #tpu.memory_space<semaphore_mem>>) src(%arg9 : memref<80x128xf32, #tpu.memory_space<vmem>>) dst(%dma_wait3A_80 : memref<80x128xf32, #tpu.memory_space<vmem_shared>>)
      tpu.yield
    }) : () -> ()
    %mul3A_28 = arith.constant 640 : i32
    %mul3A_29 = arith.muli %arg1, %mul3A_28 : i32
    %add3A_30 = arith.constant 480 : i32
    %add3A_31 = arith.addi %mul3A_29, %add3A_30 : i32
    "tpu.region"() ({
      %run_scoped3A = tpu.sem_alloc : memref<!tpu.dma_semaphore, #tpu.memory_space<semaphore_mem>>
      %dma_start3A_74 = arith.constant 0 : i32
      %dma_start3A_75 = tpu.memref_slice %arg5[%add3A_31, %dma_start3A_74] : memref<10240x128xf32, #tpu.memory_space<vmem_shared>> -> memref<80x128xf32, #tpu.memory_space<vmem_shared>>
      %dma_start3A_76 = arith.constant 0 : i32
      %dma_start3A_77 = tpu.memref_slice %arg5[%add3A_31, %dma_start3A_76] : memref<10240x128xf32, #tpu.memory_space<vmem_shared>> -> memref<80x128xf32, #tpu.memory_space<vmem_shared>>
      tpu.enqueue_dma source(%arg9 : memref<80x128xf32, #tpu.memory_space<vmem>>) target(%dma_start3A_77 : memref<80x128xf32, #tpu.memory_space<vmem_shared>>) target_semaphore(%run_scoped3A : memref<!tpu.dma_semaphore, #tpu.memory_space<semaphore_mem>>)
      %dma_wait3A = arith.constant 0 : i32
      %dma_wait3A_78 = tpu.memref_slice %arg5[%add3A_31, %dma_wait3A] : memref<10240x128xf32, #tpu.memory_space<vmem_shared>> -> memref<80x128xf32, #tpu.memory_space<vmem_shared>>
      %dma_wait3A_79 = arith.constant 0 : i32
      %dma_wait3A_80 = tpu.memref_slice %arg5[%add3A_31, %dma_wait3A_79] : memref<10240x128xf32, #tpu.memory_space<vmem_shared>> -> memref<80x128xf32, #tpu.memory_space<vmem_shared>>
      tpu.wait_dma2 semaphore(%run_scoped3A : memref<!tpu.dma_semaphore, #tpu.memory_space<semaphore_mem>>) src(%arg9 : memref<80x128xf32, #tpu.memory_space<vmem>>) dst(%dma_wait3A_80 : memref<80x128xf32, #tpu.memory_space<vmem_shared>>)
      tpu.yield
    }) : () -> ()
    %mul3A_32 = arith.constant 640 : i32
    %mul3A_33 = arith.muli %arg1, %mul3A_32 : i32
    %add3A_34 = arith.constant 560 : i32
    %add3A_35 = arith.addi %mul3A_33, %add3A_34 : i32
    "tpu.region"() ({
      %run_scoped3A = tpu.sem_alloc : memref<!tpu.dma_semaphore, #tpu.memory_space<semaphore_mem>>
      %dma_start3A_74 = arith.constant 0 : i32
      %dma_start3A_75 = tpu.memref_slice %arg5[%add3A_35, %dma_start3A_74] : memref<10240x128xf32, #tpu.memory_space<vmem_shared>> -> memref<80x128xf32, #tpu.memory_space<vmem_shared>>
      %dma_start3A_76 = arith.constant 0 : i32
      %dma_start3A_77 = tpu.memref_slice %arg5[%add3A_35, %dma_start3A_76] : memref<10240x128xf32, #tpu.memory_space<vmem_shared>> -> memref<80x128xf32, #tpu.memory_space<vmem_shared>>
      tpu.enqueue_dma source(%arg9 : memref<80x128xf32, #tpu.memory_space<vmem>>) target(%dma_start3A_77 : memref<80x128xf32, #tpu.memory_space<vmem_shared>>) target_semaphore(%run_scoped3A : memref<!tpu.dma_semaphore, #tpu.memory_space<semaphore_mem>>)
      %dma_wait3A = arith.constant 0 : i32
      %dma_wait3A_78 = tpu.memref_slice %arg5[%add3A_35, %dma_wait3A] : memref<10240x128xf32, #tpu.memory_space<vmem_shared>> -> memref<80x128xf32, #tpu.memory_space<vmem_shared>>
      %dma_wait3A_79 = arith.constant 0 : i32
      %dma_wait3A_80 = tpu.memref_slice %arg5[%add3A_35, %dma_wait3A_79] : memref<10240x128xf32, #tpu.memory_space<vmem_shared>> -> memref<80x128xf32, #tpu.memory_space<vmem_shared>>
      tpu.wait_dma2 semaphore(%run_scoped3A : memref<!tpu.dma_semaphore, #tpu.memory_space<semaphore_mem>>) src(%arg9 : memref<80x128xf32, #tpu.memory_space<vmem>>) dst(%dma_wait3A_80 : memref<80x128xf32, #tpu.memory_space<vmem_shared>>)
      tpu.yield
    }) : () -> ()
    %mul3A_36 = arith.constant 10000 : i32
    %mul3A_37 = arith.muli %arg1, %mul3A_36 : i32
    %add3A_38 = arith.constant 0 : i32
    %add3A_39 = arith.addi %add3A_38, %mul3A_37 : i32
    %mul3A_40 = arith.constant 10000 : i32
    %mul3A_41 = arith.muli %arg1, %mul3A_40 : i32
    %add3A_42 = arith.constant 160000 : i32
    %add3A_43 = arith.addi %add3A_42, %mul3A_41 : i32
    "tpu.region"() ({
      %run_scoped3A = tpu.sem_alloc : memref<!tpu.dma_semaphore, #tpu.memory_space<semaphore_mem>>
      %dma_start3A_74 = tpu.memref_slice %arg3[%add3A_39] : memref<320000xi32, #tpu.memory_space<hbm>> -> memref<10000xi32, #tpu.memory_space<hbm>>
      %dma_start3A_75 = tpu.memref_slice %arg3[%add3A_39] : memref<320000xi32, #tpu.memory_space<hbm>> -> memref<10000xi32, #tpu.memory_space<hbm>>
      tpu.enqueue_dma source(%dma_start3A_75 : memref<10000xi32, #tpu.memory_space<hbm>>) target(%arg6 : memref<10000xi32, #tpu.memory_space<vmem>>) target_semaphore(%run_scoped3A : memref<!tpu.dma_semaphore, #tpu.memory_space<semaphore_mem>>)
      %dma_wait3A = tpu.memref_slice %arg3[%add3A_39] : memref<320000xi32, #tpu.memory_space<hbm>> -> memref<10000xi32, #tpu.memory_space<hbm>>
      %dma_wait3A_76 = tpu.memref_slice %arg3[%add3A_39] : memref<320000xi32, #tpu.memory_space<hbm>> -> memref<10000xi32, #tpu.memory_space<hbm>>
      tpu.wait_dma2 semaphore(%run_scoped3A : memref<!tpu.dma_semaphore, #tpu.memory_space<semaphore_mem>>) src(%dma_wait3A_76 : memref<10000xi32, #tpu.memory_space<hbm>>) dst(%arg6 : memref<10000xi32, #tpu.memory_space<vmem>>)
      tpu.yield
    }) : () -> ()
    %mul3A_44 = arith.constant 10240 : i32
    %mul3A_45 = arith.muli %arg0, %mul3A_44 : i32
    %scan3A_46 = arith.constant 0 : i32
    %scan3A_47 = arith.constant 0 : i32
    %scan3A_48 = arith.constant 625 : i32
    %scan3A_49 = arith.addi %scan3A_47, %scan3A_48 : i32
    %scan3A_50 = arith.constant 1 : i32
    %scan3A_51 = scf.for %scan3A_74 = %scan3A_47 to %scan3A_49 step %scan3A_50 iter_args(%scan3A_75 = %scan3A_46) -> (i32)  : i32 {
      %mul3A_76 = arith.constant 16 : i32
      %mul3A_77 = arith.muli %scan3A_74, %mul3A_76 : i32
      %get3A = arith.index_cast %mul3A_77 : i32 to index
      %get3A_78 = tpu.vector_load %arg6[%get3A] {strides = array<i32>} : memref<10000xi32, #tpu.memory_space<vmem>>, vector<16xi32>,
      %get3A_79 = vector.shape_cast %get3A_78 : vector<16xi32> to vector<16xi32>
      %add3A_80 = vector.broadcast %mul3A_45 : i32 to vector<16xi32>
      %add3A_81 = arith.addi %get3A_79, %add3A_80 : vector<16xi32>
      %mul3A_82 = arith.constant 16 : i32
      %mul3A_83 = arith.muli %scan3A_74, %mul3A_82 : i32
      %swap3A = arith.index_cast %mul3A_83 : i32 to index
      %swap3A_84 = tpu.vector_load %arg6[%swap3A] {strides = array<i32>} : memref<10000xi32, #tpu.memory_space<vmem>>, vector<16xi32>,
      %swap3A_85 = vector.shape_cast %swap3A_84 : vector<16xi32> to vector<16xi32>
      %swap3A_86 = vector.shape_cast %add3A_81 : vector<16xi32> to vector<16xi32>
      tpu.vector_store %arg6[%swap3A], %swap3A_86 {strides = array<i32>} : memref<10000xi32, #tpu.memory_space<vmem>>, vector<16xi32>,
      %scan3A_87 = arith.constant 0 : i32
      scf.yield %scan3A_87 : i32
    }
    %scan3A_52 = arith.constant 625 : i32
    %barrier3A = arith.constant 0 : index
    tpu.barrier barrier_id(%barrier3A)
    %dma_start3A = arith.constant 0 : i32
    %dma_start3A_53 = tpu.memref_slice %arg6[%dma_start3A] : memref<10000xi32, #tpu.memory_space<vmem>> -> memref<80xi32, #tpu.memory_space<vmem>>
    %dma_start3A_54 = arith.constant 0 : i32
    %dma_start3A_55 = arith.constant 0 : i32
    %dma_start3A_56 = tpu.memref_slice %arg2[%dma_start3A_54, %dma_start3A_55] : memref<20480x128xf32, #tpu.memory_space<hbm>> -> memref<20480x128xf32, #tpu.memory_space<hbm>>
    tpu.enqueue_indirect_dma source(%dma_start3A_56 : memref<20480x128xf32, #tpu.memory_space<hbm>>) target(%arg9 : memref<80x128xf32, #tpu.memory_space<vmem>>) offsets(%dma_start3A_53 : memref<80xi32, #tpu.memory_space<vmem>>) semaphore(%arg11 : memref<!tpu.dma_semaphore, #tpu.memory_space<semaphore_mem>>)
    %dma_start3A_57 = tpu.memref_slice %arg3[%add3A_43] : memref<320000xi32, #tpu.memory_space<hbm>> -> memref<80xi32, #tpu.memory_space<hbm>>
    %dma_start3A_58 = tpu.memref_slice %arg3[%add3A_43] : memref<320000xi32, #tpu.memory_space<hbm>> -> memref<80xi32, #tpu.memory_space<hbm>>
    tpu.enqueue_dma source(%dma_start3A_58 : memref<80xi32, #tpu.memory_space<hbm>>) target(%arg7 : memref<80xi32, #tpu.memory_space<vmem>>) target_semaphore(%arg13 : memref<!tpu.dma_semaphore, #tpu.memory_space<semaphore_mem>>)
    %scan3A_59 = arith.constant 0 : i32
    %scan3A_60 = arith.constant 0 : i32
    %scan3A_61 = arith.constant 125 : i32
    %scan3A_62 = arith.addi %scan3A_60, %scan3A_61 : i32
    %scan3A_63 = arith.constant 1 : i32
    %scan3A_64 = scf.for %scan3A_74 = %scan3A_60 to %scan3A_62 step %scan3A_63 iter_args(%scan3A_75 = %scan3A_59) -> (i32)  : i32 {
      %add3A_76 = arith.constant 1 : i32
      %add3A_77 = arith.addi %scan3A_74, %add3A_76 : i32
      %lt3A = arith.constant 125 : i32
      %lt3A_78 = arith.cmpi slt, %add3A_77, %lt3A : i32
      %jit3A = arith.constant 2 : i32
      %eq3A = arith.constant 0 : i32
      %eq3A_79 = arith.cmpi eq, %jit3A, %eq3A : i32
      %jit3A_80 = arith.constant 1 : i32
      %select_n3A = arith.select %eq3A_79, %jit3A_80, %jit3A : i32
      %rem3A = arith.remsi %add3A_77, %select_n3A : i32
      %ne3A = arith.constant 0 : i32
      %ne3A_81 = arith.cmpi ne, %rem3A, %ne3A : i32
      %lt3A_82 = arith.constant 0 : i32
      %lt3A_83 = arith.cmpi slt, %rem3A, %lt3A_82 : i32
      %lt3A_84 = arith.constant 0 : i32
      %lt3A_85 = arith.cmpi slt, %select_n3A, %lt3A_84 : i32
      %ne3A_86 = arith.xori %lt3A_83, %lt3A_85 : i1
      %and3A = arith.andi %ne3A_86, %ne3A_81 : i1
      %add3A_87 = arith.addi %rem3A, %select_n3A : i32
      %select_n3A_88 = arith.select %and3A, %add3A_87, %rem3A : i32
      %eq3A_89 = arith.constant 1 : i32
      %eq3A_90 = arith.cmpi eq, %select_n3A_88, %eq3A_89 : i32
      %and3A_91 = arith.andi %lt3A_78, %eq3A_90 : i1
      %convert_element_type3A = arith.extui %and3A_91 : i1 to i32
      %cond3A = arith.constant 0 : i32
      %cond3A_92 = arith.cmpi ne, %convert_element_type3A, %cond3A : i32
      scf.if %cond3A_92 {
        %mul3A_160 = arith.constant 80 : i32
        %mul3A_161 = arith.muli %add3A_77, %mul3A_160 : i32
        %dma_start3A_162 = tpu.memref_slice %arg6[%mul3A_161] : memref<10000xi32, #tpu.memory_space<vmem>> -> memref<80xi32, #tpu.memory_space<vmem>>
        %dma_start3A_163 = arith.constant 0 : i32
        %dma_start3A_164 = arith.constant 0 : i32
        %dma_start3A_165 = tpu.memref_slice %arg2[%dma_start3A_163, %dma_start3A_164] : memref<20480x128xf32, #tpu.memory_space<hbm>> -> memref<20480x128xf32, #tpu.memory_space<hbm>>
        tpu.enqueue_indirect_dma source(%dma_start3A_165 : memref<20480x128xf32, #tpu.memory_space<hbm>>) target(%arg10 : memref<80x128xf32, #tpu.memory_space<vmem>>) offsets(%dma_start3A_162 : memref<80xi32, #tpu.memory_space<vmem>>) semaphore(%arg12 : memref<!tpu.dma_semaphore, #tpu.memory_space<semaphore_mem>>)
        %mul3A_166 = arith.constant 80 : i32
        %mul3A_167 = arith.muli %add3A_77, %mul3A_166 : i32
        %add3A_168 = arith.addi %add3A_43, %mul3A_167 : i32
        %dma_start3A_169 = tpu.memref_slice %arg3[%add3A_168] : memref<320000xi32, #tpu.memory_space<hbm>> -> memref<80xi32, #tpu.memory_space<hbm>>
        %dma_start3A_170 = tpu.memref_slice %arg3[%add3A_168] : memref<320000xi32, #tpu.memory_space<hbm>> -> memref<80xi32, #tpu.memory_space<hbm>>
        tpu.enqueue_dma source(%dma_start3A_170 : memref<80xi32, #tpu.memory_space<hbm>>) target(%arg8 : memref<80xi32, #tpu.memory_space<vmem>>) target_semaphore(%arg14 : memref<!tpu.dma_semaphore, #tpu.memory_space<semaphore_mem>>)
      } else {
      }
      %lt3A_93 = arith.constant 125 : i32
      %lt3A_94 = arith.cmpi slt, %add3A_77, %lt3A_93 : i32
      %jit3A_95 = arith.constant 2 : i32
      %eq3A_96 = arith.constant 0 : i32
      %eq3A_97 = arith.cmpi eq, %jit3A_95, %eq3A_96 : i32
      %jit3A_98 = arith.constant 1 : i32
      %select_n3A_99 = arith.select %eq3A_97, %jit3A_98, %jit3A_95 : i32
      %rem3A_100 = arith.remsi %add3A_77, %select_n3A_99 : i32
      %ne3A_101 = arith.constant 0 : i32
      %ne3A_102 = arith.cmpi ne, %rem3A_100, %ne3A_101 : i32
      %lt3A_103 = arith.constant 0 : i32
      %lt3A_104 = arith.cmpi slt, %rem3A_100, %lt3A_103 : i32
      %lt3A_105 = arith.constant 0 : i32
      %lt3A_106 = arith.cmpi slt, %select_n3A_99, %lt3A_105 : i32
      %ne3A_107 = arith.xori %lt3A_104, %lt3A_106 : i1
      %and3A_108 = arith.andi %ne3A_107, %ne3A_102 : i1
      %add3A_109 = arith.addi %rem3A_100, %select_n3A_99 : i32
      %select_n3A_110 = arith.select %and3A_108, %add3A_109, %rem3A_100 : i32
      %eq3A_111 = arith.constant 0 : i32
      %eq3A_112 = arith.cmpi eq, %select_n3A_110, %eq3A_111 : i32
      %and3A_113 = arith.andi %lt3A_94, %eq3A_112 : i1
      %convert_element_type3A_114 = arith.extui %and3A_113 : i1 to i32
      %cond3A_115 = arith.constant 0 : i32
      %cond3A_116 = arith.cmpi ne, %convert_element_type3A_114, %cond3A_115 : i32
      scf.if %cond3A_116 {
        %mul3A_160 = arith.constant 80 : i32
        %mul3A_161 = arith.muli %add3A_77, %mul3A_160 : i32
        %dma_start3A_162 = tpu.memref_slice %arg6[%mul3A_161] : memref<10000xi32, #tpu.memory_space<vmem>> -> memref<80xi32, #tpu.memory_space<vmem>>
        %dma_start3A_163 = arith.constant 0 : i32
        %dma_start3A_164 = arith.constant 0 : i32
        %dma_start3A_165 = tpu.memref_slice %arg2[%dma_start3A_163, %dma_start3A_164] : memref<20480x128xf32, #tpu.memory_space<hbm>> -> memref<20480x128xf32, #tpu.memory_space<hbm>>
        tpu.enqueue_indirect_dma source(%dma_start3A_165 : memref<20480x128xf32, #tpu.memory_space<hbm>>) target(%arg9 : memref<80x128xf32, #tpu.memory_space<vmem>>) offsets(%dma_start3A_162 : memref<80xi32, #tpu.memory_space<vmem>>) semaphore(%arg11 : memref<!tpu.dma_semaphore, #tpu.memory_space<semaphore_mem>>)
        %mul3A_166 = arith.constant 80 : i32
        %mul3A_167 = arith.muli %add3A_77, %mul3A_166 : i32
        %add3A_168 = arith.addi %add3A_43, %mul3A_167 : i32
        %dma_start3A_169 = tpu.memref_slice %arg3[%add3A_168] : memref<320000xi32, #tpu.memory_space<hbm>> -> memref<80xi32, #tpu.memory_space<hbm>>
        %dma_start3A_170 = tpu.memref_slice %arg3[%add3A_168] : memref<320000xi32, #tpu.memory_space<hbm>> -> memref<80xi32, #tpu.memory_space<hbm>>
        tpu.enqueue_dma source(%dma_start3A_170 : memref<80xi32, #tpu.memory_space<hbm>>) target(%arg7 : memref<80xi32, #tpu.memory_space<vmem>>) target_semaphore(%arg13 : memref<!tpu.dma_semaphore, #tpu.memory_space<semaphore_mem>>)
      } else {
      }
      %jit3A_117 = arith.constant 2 : i32
      %eq3A_118 = arith.constant 0 : i32
      %eq3A_119 = arith.cmpi eq, %jit3A_117, %eq3A_118 : i32
      %jit3A_120 = arith.constant 1 : i32
      %select_n3A_121 = arith.select %eq3A_119, %jit3A_120, %jit3A_117 : i32
      %rem3A_122 = arith.remsi %scan3A_74, %select_n3A_121 : i32
      %ne3A_123 = arith.constant 0 : i32
      %ne3A_124 = arith.cmpi ne, %rem3A_122, %ne3A_123 : i32
      %lt3A_125 = arith.constant 0 : i32
      %lt3A_126 = arith.cmpi slt, %rem3A_122, %lt3A_125 : i32
      %lt3A_127 = arith.constant 0 : i32
      %lt3A_128 = arith.cmpi slt, %select_n3A_121, %lt3A_127 : i32
      %ne3A_129 = arith.xori %lt3A_126, %lt3A_128 : i1
      %and3A_130 = arith.andi %ne3A_129, %ne3A_124 : i1
      %add3A_131 = arith.addi %rem3A_122, %select_n3A_121 : i32
      %select_n3A_132 = arith.select %and3A_130, %add3A_131, %rem3A_122 : i32
      %eq3A_133 = arith.constant 0 : i32
      %eq3A_134 = arith.cmpi eq, %select_n3A_132, %eq3A_133 : i32
      %convert_element_type3A_135 = arith.extui %eq3A_134 : i1 to i32
      %cond3A_136 = arith.constant 0 : i32
      %cond3A_137 = arith.cmpi ne, %convert_element_type3A_135, %cond3A_136 : i32
      scf.if %cond3A_137 {
        %dma_wait3A = arith.constant 0 : i32
        %dma_wait3A_160 = tpu.memref_slice %arg6[%dma_wait3A] : memref<10000xi32, #tpu.memory_space<vmem>> -> memref<80xi32, #tpu.memory_space<vmem>>
        %dma_wait3A_161 = arith.constant 0 : i32
        %dma_wait3A_162 = arith.constant 0 : i32
        %dma_wait3A_163 = tpu.memref_slice %arg2[%dma_wait3A_161, %dma_wait3A_162] : memref<20480x128xf32, #tpu.memory_space<hbm>> -> memref<20480x128xf32, #tpu.memory_space<hbm>>
        tpu.wait_indirect_dma semaphore(%arg11 : memref<!tpu.dma_semaphore, #tpu.memory_space<semaphore_mem>>) src(%dma_wait3A_163 : memref<20480x128xf32, #tpu.memory_space<hbm>>) dst(%arg9 : memref<80x128xf32, #tpu.memory_space<vmem>>)
        %dma_wait3A_164 = tpu.memref_slice %arg3[%add3A_43] : memref<320000xi32, #tpu.memory_space<hbm>> -> memref<80xi32, #tpu.memory_space<hbm>>
        %dma_wait3A_165 = tpu.memref_slice %arg3[%add3A_43] : memref<320000xi32, #tpu.memory_space<hbm>> -> memref<80xi32, #tpu.memory_space<hbm>>
        tpu.wait_dma2 semaphore(%arg13 : memref<!tpu.dma_semaphore, #tpu.memory_space<semaphore_mem>>) src(%dma_wait3A_165 : memref<80xi32, #tpu.memory_space<hbm>>) dst(%arg7 : memref<80xi32, #tpu.memory_space<vmem>>)
        "tpu.region"() ({
          %run_scoped3A = tpu.sem_alloc : memref<!tpu.dma_semaphore, #tpu.memory_space<semaphore_mem>>
          %dma_start3A_166 = arith.constant 0 : i32
          %dma_start3A_167 = arith.constant 0 : i32
          %dma_start3A_168 = tpu.memref_slice %arg5[%dma_start3A_166, %dma_start3A_167] : memref<10240x128xf32, #tpu.memory_space<vmem_shared>> -> memref<10240x128xf32, #tpu.memory_space<vmem_shared>>
          tpu.enqueue_indirect_dma source(%arg9 : memref<80x128xf32, #tpu.memory_space<vmem>>) target(%dma_start3A_168 : memref<10240x128xf32, #tpu.memory_space<vmem_shared>>) offsets(%arg7 : memref<80xi32, #tpu.memory_space<vmem>>) semaphore(%run_scoped3A : memref<!tpu.dma_semaphore, #tpu.memory_space<semaphore_mem>>) {add = true}
          %dma_wait3A_169 = arith.constant 0 : i32
          %dma_wait3A_170 = arith.constant 0 : i32
          %dma_wait3A_171 = tpu.memref_slice %arg5[%dma_wait3A_169, %dma_wait3A_170] : memref<10240x128xf32, #tpu.memory_space<vmem_shared>> -> memref<10240x128xf32, #tpu.memory_space<vmem_shared>>
          tpu.wait_indirect_dma semaphore(%run_scoped3A : memref<!tpu.dma_semaphore, #tpu.memory_space<semaphore_mem>>) src(%arg9 : memref<80x128xf32, #tpu.memory_space<vmem>>) dst(%dma_wait3A_171 : memref<10240x128xf32, #tpu.memory_space<vmem_shared>>)
          tpu.yield
        }) : () -> ()
      } else {
      }
      %jit3A_138 = arith.constant 2 : i32
      %eq3A_139 = arith.constant 0 : i32
      %eq3A_140 = arith.cmpi eq, %jit3A_138, %eq3A_139 : i32
      %jit3A_141 = arith.constant 1 : i32
      %select_n3A_142 = arith.select %eq3A_140, %jit3A_141, %jit3A_138 : i32
      %rem3A_143 = arith.remsi %scan3A_74, %select_n3A_142 : i32
      %ne3A_144 = arith.constant 0 : i32
      %ne3A_145 = arith.cmpi ne, %rem3A_143, %ne3A_144 : i32
      %lt3A_146 = arith.constant 0 : i32
      %lt3A_147 = arith.cmpi slt, %rem3A_143, %lt3A_146 : i32
      %lt3A_148 = arith.constant 0 : i32
      %lt3A_149 = arith.cmpi slt, %select_n3A_142, %lt3A_148 : i32
      %ne3A_150 = arith.xori %lt3A_147, %lt3A_149 : i1
      %and3A_151 = arith.andi %ne3A_150, %ne3A_145 : i1
      %add3A_152 = arith.addi %rem3A_143, %select_n3A_142 : i32
      %select_n3A_153 = arith.select %and3A_151, %add3A_152, %rem3A_143 : i32
      %eq3A_154 = arith.constant 1 : i32
      %eq3A_155 = arith.cmpi eq, %select_n3A_153, %eq3A_154 : i32
      %convert_element_type3A_156 = arith.extui %eq3A_155 : i1 to i32
      %cond3A_157 = arith.constant 0 : i32
      %cond3A_158 = arith.cmpi ne, %convert_element_type3A_156, %cond3A_157 : i32
      scf.if %cond3A_158 {
        %dma_wait3A = arith.constant 0 : i32
        %dma_wait3A_160 = tpu.memref_slice %arg6[%dma_wait3A] : memref<10000xi32, #tpu.memory_space<vmem>> -> memref<80xi32, #tpu.memory_space<vmem>>
        %dma_wait3A_161 = arith.constant 0 : i32
        %dma_wait3A_162 = arith.constant 0 : i32
        %dma_wait3A_163 = tpu.memref_slice %arg2[%dma_wait3A_161, %dma_wait3A_162] : memref<20480x128xf32, #tpu.memory_space<hbm>> -> memref<20480x128xf32, #tpu.memory_space<hbm>>
        tpu.wait_indirect_dma semaphore(%arg12 : memref<!tpu.dma_semaphore, #tpu.memory_space<semaphore_mem>>) src(%dma_wait3A_163 : memref<20480x128xf32, #tpu.memory_space<hbm>>) dst(%arg10 : memref<80x128xf32, #tpu.memory_space<vmem>>)
        %dma_wait3A_164 = tpu.memref_slice %arg3[%add3A_43] : memref<320000xi32, #tpu.memory_space<hbm>> -> memref<80xi32, #tpu.memory_space<hbm>>
        %dma_wait3A_165 = tpu.memref_slice %arg3[%add3A_43] : memref<320000xi32, #tpu.memory_space<hbm>> -> memref<80xi32, #tpu.memory_space<hbm>>
        tpu.wait_dma2 semaphore(%arg14 : memref<!tpu.dma_semaphore, #tpu.memory_space<semaphore_mem>>) src(%dma_wait3A_165 : memref<80xi32, #tpu.memory_space<hbm>>) dst(%arg8 : memref<80xi32, #tpu.memory_space<vmem>>)
        "tpu.region"() ({
          %run_scoped3A = tpu.sem_alloc : memref<!tpu.dma_semaphore, #tpu.memory_space<semaphore_mem>>
          %dma_start3A_166 = arith.constant 0 : i32
          %dma_start3A_167 = arith.constant 0 : i32
          %dma_start3A_168 = tpu.memref_slice %arg5[%dma_start3A_166, %dma_start3A_167] : memref<10240x128xf32, #tpu.memory_space<vmem_shared>> -> memref<10240x128xf32, #tpu.memory_space<vmem_shared>>
          tpu.enqueue_indirect_dma source(%arg10 : memref<80x128xf32, #tpu.memory_space<vmem>>) target(%dma_start3A_168 : memref<10240x128xf32, #tpu.memory_space<vmem_shared>>) offsets(%arg8 : memref<80xi32, #tpu.memory_space<vmem>>) semaphore(%run_scoped3A : memref<!tpu.dma_semaphore, #tpu.memory_space<semaphore_mem>>) {add = true}
          %dma_wait3A_169 = arith.constant 0 : i32
          %dma_wait3A_170 = arith.constant 0 : i32
          %dma_wait3A_171 = tpu.memref_slice %arg5[%dma_wait3A_169, %dma_wait3A_170] : memref<10240x128xf32, #tpu.memory_space<vmem_shared>> -> memref<10240x128xf32, #tpu.memory_space<vmem_shared>>
          tpu.wait_indirect_dma semaphore(%run_scoped3A : memref<!tpu.dma_semaphore, #tpu.memory_space<semaphore_mem>>) src(%arg10 : memref<80x128xf32, #tpu.memory_space<vmem>>) dst(%dma_wait3A_171 : memref<10240x128xf32, #tpu.memory_space<vmem_shared>>)
          tpu.yield
        }) : () -> ()
      } else {
      }
      %scan3A_159 = arith.constant 0 : i32
      scf.yield %scan3A_159 : i32
    }
    %scan3A_65 = arith.constant 125 : i32
    %barrier3A_66 = arith.constant 0 : index
    tpu.barrier barrier_id(%barrier3A_66)
    %mul3A_67 = arith.constant 640 : i32
    %mul3A_68 = arith.muli %arg1, %mul3A_67 : i32
    %mul3A_69 = arith.constant 10240 : i32
    %mul3A_70 = arith.muli %arg0, %mul3A_69 : i32
    %mul3A_71 = arith.constant 640 : i32
    %mul3A_72 = arith.muli %arg1, %mul3A_71 : i32
    %add3A_73 = arith.addi %mul3A_70, %mul3A_72 : i32
    "tpu.region"() ({
      %run_scoped3A = tpu.sem_alloc : memref<!tpu.dma_semaphore, #tpu.memory_space<semaphore_mem>>
      %dma_start3A_74 = arith.constant 0 : i32
      %dma_start3A_75 = tpu.memref_slice %arg4[%add3A_73, %dma_start3A_74] : memref<20480x128xf32, #tpu.memory_space<hbm>> -> memref<640x128xf32, #tpu.memory_space<hbm>>
      %dma_start3A_76 = arith.constant 0 : i32
      %dma_start3A_77 = tpu.memref_slice %arg5[%mul3A_68, %dma_start3A_76] : memref<10240x128xf32, #tpu.memory_space<vmem_shared>> -> memref<640x128xf32, #tpu.memory_space<vmem_shared>>
      tpu.enqueue_dma source(%dma_start3A_77 : memref<640x128xf32, #tpu.memory_space<vmem_shared>>) target(%dma_start3A_75 : memref<640x128xf32, #tpu.memory_space<hbm>>) target_semaphore(%run_scoped3A : memref<!tpu.dma_semaphore, #tpu.memory_space<semaphore_mem>>)
      %dma_wait3A = arith.constant 0 : i32
      %dma_wait3A_78 = tpu.memref_slice %arg4[%add3A_73, %dma_wait3A] : memref<20480x128xf32, #tpu.memory_space<hbm>> -> memref<640x128xf32, #tpu.memory_space<hbm>>
      %dma_wait3A_79 = arith.constant 0 : i32
      %dma_wait3A_80 = tpu.memref_slice %arg5[%mul3A_68, %dma_wait3A_79] : memref<10240x128xf32, #tpu.memory_space<vmem_shared>> -> memref<640x128xf32, #tpu.memory_space<vmem_shared>>
      tpu.wait_dma2 semaphore(%run_scoped3A : memref<!tpu.dma_semaphore, #tpu.memory_space<semaphore_mem>>) src(%dma_wait3A_80 : memref<640x128xf32, #tpu.memory_space<vmem_shared>>) dst(%dma_wait3A_78 : memref<640x128xf32, #tpu.memory_space<hbm>>)
      tpu.yield
    }) : () -> ()
    return
  }
}

#map = affine_map<(d0, d1) -> (0, 0)>
#map1 = affine_map<(d0, d1) -> (0)>
module attributes {stable_mosaic.version = 14 : i64} {
  func.func @_spass_body(%arg0: i32, %arg1: i32, %arg2: memref<20480x128xf32, #tpu.memory_space<hbm>>, %arg3: memref<320000xi32, #tpu.memory_space<hbm>>, %arg4: memref<20480x128xf32, #tpu.memory_space<hbm>>, %arg5: memref<10240x128xf32, #tpu.memory_space<vmem_shared>>, %arg6: memref<10000xi32, #tpu.memory_space<vmem>>, %arg7: memref<80xi32, #tpu.memory_space<vmem>>, %arg8: memref<80xi32, #tpu.memory_space<vmem>>, %arg9: memref<80x128xf32, #tpu.memory_space<vmem>>, %arg10: memref<80x128xf32, #tpu.memory_space<vmem>>, %arg11: memref<!tpu.dma_semaphore, #tpu.memory_space<semaphore_mem>>, %arg12: memref<!tpu.dma_semaphore, #tpu.memory_space<semaphore_mem>>, %arg13: memref<!tpu.dma_semaphore, #tpu.memory_space<semaphore_mem>>, %arg14: memref<!tpu.dma_semaphore, #tpu.memory_space<semaphore_mem>>) attributes {dimension_semantics = [#tpu.dimension_semantics<core_parallel>, #tpu.dimension_semantics<subcore_parallel>], iteration_bounds = array<i64: 2, 16>, scalar_prefetch = 0 : i64, scratch_operands = 10 : i64, tpu.core_type = #tpu.core_type<sc_vector_subcore>, window_params = [{transform_indices = #map}, {transform_indices = #map1}, {transform_indices = #map}]} {
    %scan3A = arith.constant 0 : i32
    %scan3A_0 = arith.constant 0 : i32
    %scan3A_1 = arith.constant 80 : i32
    %scan3A_2 = arith.addi %scan3A_0, %scan3A_1 : i32
    %scan3A_3 = arith.constant 1 : i32
    %scan3A_4 = scf.for %scan3A_74 = %scan3A_0 to %scan3A_2 step %scan3A_3 iter_args(%scan3A_75 = %scan3A) -> (i32)  : i32 {
      %broadcast_in_dim3A = arith.constant 0.000000e+00 : f32
      %broadcast_in_dim3A_76 = vector.broadcast %broadcast_in_dim3A : f32 to vector<16xf32>
      %swap3A = arith.index_cast %scan3A_74 : i32 to index
      %swap3A_77 = arith.constant 0 : index
      %swap3A_78 = tpu.vector_load %arg9[%swap3A, %swap3A_77] {strides = array<i32>} : memref<80x128xf32, #tpu.memory_space<vmem>>, vector<1x16xf32>,
      %swap3A_79 = vector.shape_cast %swap3A_78 : vector<1x16xf32> to vector<16xf32>
      %swap3A_80 = vector.shape_cast %broadcast_in_dim3A_76 : vector<16xf32> to vector<1x16xf32>
      tpu.vector_store %arg9[%swap3A, %swap3A_77], %swap3A_80 {strides = array<i32>} : memref<80x128xf32, #tpu.memory_space<vmem>>, vector<1x16xf32>,
      %broadcast_in_dim3A_81 = arith.constant 0.000000e+00 : f32
      %broadcast_in_dim3A_82 = vector.broadcast %broadcast_in_dim3A_81 : f32 to vector<16xf32>
      %swap3A_83 = arith.index_cast %scan3A_74 : i32 to index
      %swap3A_84 = arith.constant 16 : index
      %swap3A_85 = tpu.vector_load %arg9[%swap3A_83, %swap3A_84] {strides = array<i32>} : memref<80x128xf32, #tpu.memory_space<vmem>>, vector<1x16xf32>,
      %swap3A_86 = vector.shape_cast %swap3A_85 : vector<1x16xf32> to vector<16xf32>
      %swap3A_87 = vector.shape_cast %broadcast_in_dim3A_82 : vector<16xf32> to vector<1x16xf32>
      tpu.vector_store %arg9[%swap3A_83, %swap3A_84], %swap3A_87 {strides = array<i32>} : memref<80x128xf32, #tpu.memory_space<vmem>>, vector<1x16xf32>,
      %broadcast_in_dim3A_88 = arith.constant 0.000000e+00 : f32
      %broadcast_in_dim3A_89 = vector.broadcast %broadcast_in_dim3A_88 : f32 to vector<16xf32>
      %swap3A_90 = arith.index_cast %scan3A_74 : i32 to index
      %swap3A_91 = arith.constant 32 : index
      %swap3A_92 = tpu.vector_load %arg9[%swap3A_90, %swap3A_91] {strides = array<i32>} : memref<80x128xf32, #tpu.memory_space<vmem>>, vector<1x16xf32>,
      %swap3A_93 = vector.shape_cast %swap3A_92 : vector<1x16xf32> to vector<16xf32>
      %swap3A_94 = vector.shape_cast %broadcast_in_dim3A_89 : vector<16xf32> to vector<1x16xf32>
      tpu.vector_store %arg9[%swap3A_90, %swap3A_91], %swap3A_94 {strides = array<i32>} : memref<80x128xf32, #tpu.memory_space<vmem>>, vector<1x16xf32>,
      %broadcast_in_dim3A_95 = arith.constant 0.000000e+00 : f32
      %broadcast_in_dim3A_96 = vector.broadcast %broadcast_in_dim3A_95 : f32 to vector<16xf32>
      %swap3A_97 = arith.index_cast %scan3A_74 : i32 to index
      %swap3A_98 = arith.constant 48 : index
      %swap3A_99 = tpu.vector_load %arg9[%swap3A_97, %swap3A_98] {strides = array<i32>} : memref<80x128xf32, #tpu.memory_space<vmem>>, vector<1x16xf32>,
      %swap3A_100 = vector.shape_cast %swap3A_99 : vector<1x16xf32> to vector<16xf32>
      %swap3A_101 = vector.shape_cast %broadcast_in_dim3A_96 : vector<16xf32> to vector<1x16xf32>
      tpu.vector_store %arg9[%swap3A_97, %swap3A_98], %swap3A_101 {strides = array<i32>} : memref<80x128xf32, #tpu.memory_space<vmem>>, vector<1x16xf32>,
      %broadcast_in_dim3A_102 = arith.constant 0.000000e+00 : f32
      %broadcast_in_dim3A_103 = vector.broadcast %broadcast_in_dim3A_102 : f32 to vector<16xf32>
      %swap3A_104 = arith.index_cast %scan3A_74 : i32 to index
      %swap3A_105 = arith.constant 64 : index
      %swap3A_106 = tpu.vector_load %arg9[%swap3A_104, %swap3A_105] {strides = array<i32>} : memref<80x128xf32, #tpu.memory_space<vmem>>, vector<1x16xf32>,
      %swap3A_107 = vector.shape_cast %swap3A_106 : vector<1x16xf32> to vector<16xf32>
      %swap3A_108 = vector.shape_cast %broadcast_in_dim3A_103 : vector<16xf32> to vector<1x16xf32>
      tpu.vector_store %arg9[%swap3A_104, %swap3A_105], %swap3A_108 {strides = array<i32>} : memref<80x128xf32, #tpu.memory_space<vmem>>, vector<1x16xf32>,
      %broadcast_in_dim3A_109 = arith.constant 0.000000e+00 : f32
      %broadcast_in_dim3A_110 = vector.broadcast %broadcast_in_dim3A_109 : f32 to vector<16xf32>
      %swap3A_111 = arith.index_cast %scan3A_74 : i32 to index
      %swap3A_112 = arith.constant 80 : index
      %swap3A_113 = tpu.vector_load %arg9[%swap3A_111, %swap3A_112] {strides = array<i32>} : memref<80x128xf32, #tpu.memory_space<vmem>>, vector<1x16xf32>,
      %swap3A_114 = vector.shape_cast %swap3A_113 : vector<1x16xf32> to vector<16xf32>
      %swap3A_115 = vector.shape_cast %broadcast_in_dim3A_110 : vector<16xf32> to vector<1x16xf32>
      tpu.vector_store %arg9[%swap3A_111, %swap3A_112], %swap3A_115 {strides = array<i32>} : memref<80x128xf32, #tpu.memory_space<vmem>>, vector<1x16xf32>,
      %broadcast_in_dim3A_116 = arith.constant 0.000000e+00 : f32
      %broadcast_in_dim3A_117 = vector.broadcast %broadcast_in_dim3A_116 : f32 to vector<16xf32>
      %swap3A_118 = arith.index_cast %scan3A_74 : i32 to index
      %swap3A_119 = arith.constant 96 : index
      %swap3A_120 = tpu.vector_load %arg9[%swap3A_118, %swap3A_119] {strides = array<i32>} : memref<80x128xf32, #tpu.memory_space<vmem>>, vector<1x16xf32>,
      %swap3A_121 = vector.shape_cast %swap3A_120 : vector<1x16xf32> to vector<16xf32>
      %swap3A_122 = vector.shape_cast %broadcast_in_dim3A_117 : vector<16xf32> to vector<1x16xf32>
      tpu.vector_store %arg9[%swap3A_118, %swap3A_119], %swap3A_122 {strides = array<i32>} : memref<80x128xf32, #tpu.memory_space<vmem>>, vector<1x16xf32>,
      %broadcast_in_dim3A_123 = arith.constant 0.000000e+00 : f32
      %broadcast_in_dim3A_124 = vector.broadcast %broadcast_in_dim3A_123 : f32 to vector<16xf32>
      %swap3A_125 = arith.index_cast %scan3A_74 : i32 to index
      %swap3A_126 = arith.constant 112 : index
      %swap3A_127 = tpu.vector_load %arg9[%swap3A_125, %swap3A_126] {strides = array<i32>} : memref<80x128xf32, #tpu.memory_space<vmem>>, vector<1x16xf32>,
      %swap3A_128 = vector.shape_cast %swap3A_127 : vector<1x16xf32> to vector<16xf32>
      %swap3A_129 = vector.shape_cast %broadcast_in_dim3A_124 : vector<16xf32> to vector<1x16xf32>
      tpu.vector_store %arg9[%swap3A_125, %swap3A_126], %swap3A_129 {strides = array<i32>} : memref<80x128xf32, #tpu.memory_space<vmem>>, vector<1x16xf32>,
      %scan3A_130 = arith.constant 0 : i32
      scf.yield %scan3A_130 : i32
    }
    %scan3A_5 = arith.constant 80 : i32
    %mul3A = arith.constant 640 : i32
    %mul3A_6 = arith.muli %arg1, %mul3A : i32
    %add3A = arith.constant 0 : i32
    %add3A_7 = arith.addi %mul3A_6, %add3A : i32
    "tpu.region"() ({
      %run_scoped3A = tpu.sem_alloc : memref<!tpu.dma_semaphore, #tpu.memory_space<semaphore_mem>>
      %dma_start3A_74 = arith.constant 0 : i32
      %dma_start3A_75 = tpu.memref_slice %arg5[%add3A_7, %dma_start3A_74] : memref<10240x128xf32, #tpu.memory_space<vmem_shared>> -> memref<80x128xf32, #tpu.memory_space<vmem_shared>>
      %dma_start3A_76 = arith.constant 0 : i32
      %dma_start3A_77 = tpu.memref_slice %arg5[%add3A_7, %dma_start3A_76] : memref<10240x128xf32, #tpu.memory_space<vmem_shared>> -> memref<80x128xf32, #tpu.memory_space<vmem_shared>>
      tpu.enqueue_dma source(%arg9 : memref<80x128xf32, #tpu.memory_space<vmem>>) target(%dma_start3A_77 : memref<80x128xf32, #tpu.memory_space<vmem_shared>>) target_semaphore(%run_scoped3A : memref<!tpu.dma_semaphore, #tpu.memory_space<semaphore_mem>>)
      %dma_wait3A = arith.constant 0 : i32
      %dma_wait3A_78 = tpu.memref_slice %arg5[%add3A_7, %dma_wait3A] : memref<10240x128xf32, #tpu.memory_space<vmem_shared>> -> memref<80x128xf32, #tpu.memory_space<vmem_shared>>
      %dma_wait3A_79 = arith.constant 0 : i32
      %dma_wait3A_80 = tpu.memref_slice %arg5[%add3A_7, %dma_wait3A_79] : memref<10240x128xf32, #tpu.memory_space<vmem_shared>> -> memref<80x128xf32, #tpu.memory_space<vmem_shared>>
      tpu.wait_dma2 semaphore(%run_scoped3A : memref<!tpu.dma_semaphore, #tpu.memory_space<semaphore_mem>>) src(%arg9 : memref<80x128xf32, #tpu.memory_space<vmem>>) dst(%dma_wait3A_80 : memref<80x128xf32, #tpu.memory_space<vmem_shared>>)
      tpu.yield
    }) : () -> ()
    %mul3A_8 = arith.constant 640 : i32
    %mul3A_9 = arith.muli %arg1, %mul3A_8 : i32
    %add3A_10 = arith.constant 80 : i32
    %add3A_11 = arith.addi %mul3A_9, %add3A_10 : i32
    "tpu.region"() ({
      %run_scoped3A = tpu.sem_alloc : memref<!tpu.dma_semaphore, #tpu.memory_space<semaphore_mem>>
      %dma_start3A_74 = arith.constant 0 : i32
      %dma_start3A_75 = tpu.memref_slice %arg5[%add3A_11, %dma_start3A_74] : memref<10240x128xf32, #tpu.memory_space<vmem_shared>> -> memref<80x128xf32, #tpu.memory_space<vmem_shared>>
      %dma_start3A_76 = arith.constant 0 : i32
      %dma_start3A_77 = tpu.memref_slice %arg5[%add3A_11, %dma_start3A_76] : memref<10240x128xf32, #tpu.memory_space<vmem_shared>> -> memref<80x128xf32, #tpu.memory_space<vmem_shared>>
      tpu.enqueue_dma source(%arg9 : memref<80x128xf32, #tpu.memory_space<vmem>>) target(%dma_start3A_77 : memref<80x128xf32, #tpu.memory_space<vmem_shared>>) target_semaphore(%run_scoped3A : memref<!tpu.dma_semaphore, #tpu.memory_space<semaphore_mem>>)
      %dma_wait3A = arith.constant 0 : i32
      %dma_wait3A_78 = tpu.memref_slice %arg5[%add3A_11, %dma_wait3A] : memref<10240x128xf32, #tpu.memory_space<vmem_shared>> -> memref<80x128xf32, #tpu.memory_space<vmem_shared>>
      %dma_wait3A_79 = arith.constant 0 : i32
      %dma_wait3A_80 = tpu.memref_slice %arg5[%add3A_11, %dma_wait3A_79] : memref<10240x128xf32, #tpu.memory_space<vmem_shared>> -> memref<80x128xf32, #tpu.memory_space<vmem_shared>>
      tpu.wait_dma2 semaphore(%run_scoped3A : memref<!tpu.dma_semaphore, #tpu.memory_space<semaphore_mem>>) src(%arg9 : memref<80x128xf32, #tpu.memory_space<vmem>>) dst(%dma_wait3A_80 : memref<80x128xf32, #tpu.memory_space<vmem_shared>>)
      tpu.yield
    }) : () -> ()
    %mul3A_12 = arith.constant 640 : i32
    %mul3A_13 = arith.muli %arg1, %mul3A_12 : i32
    %add3A_14 = arith.constant 160 : i32
    %add3A_15 = arith.addi %mul3A_13, %add3A_14 : i32
    "tpu.region"() ({
      %run_scoped3A = tpu.sem_alloc : memref<!tpu.dma_semaphore, #tpu.memory_space<semaphore_mem>>
      %dma_start3A_74 = arith.constant 0 : i32
      %dma_start3A_75 = tpu.memref_slice %arg5[%add3A_15, %dma_start3A_74] : memref<10240x128xf32, #tpu.memory_space<vmem_shared>> -> memref<80x128xf32, #tpu.memory_space<vmem_shared>>
      %dma_start3A_76 = arith.constant 0 : i32
      %dma_start3A_77 = tpu.memref_slice %arg5[%add3A_15, %dma_start3A_76] : memref<10240x128xf32, #tpu.memory_space<vmem_shared>> -> memref<80x128xf32, #tpu.memory_space<vmem_shared>>
      tpu.enqueue_dma source(%arg9 : memref<80x128xf32, #tpu.memory_space<vmem>>) target(%dma_start3A_77 : memref<80x128xf32, #tpu.memory_space<vmem_shared>>) target_semaphore(%run_scoped3A : memref<!tpu.dma_semaphore, #tpu.memory_space<semaphore_mem>>)
      %dma_wait3A = arith.constant 0 : i32
      %dma_wait3A_78 = tpu.memref_slice %arg5[%add3A_15, %dma_wait3A] : memref<10240x128xf32, #tpu.memory_space<vmem_shared>> -> memref<80x128xf32, #tpu.memory_space<vmem_shared>>
      %dma_wait3A_79 = arith.constant 0 : i32
      %dma_wait3A_80 = tpu.memref_slice %arg5[%add3A_15, %dma_wait3A_79] : memref<10240x128xf32, #tpu.memory_space<vmem_shared>> -> memref<80x128xf32, #tpu.memory_space<vmem_shared>>
      tpu.wait_dma2 semaphore(%run_scoped3A : memref<!tpu.dma_semaphore, #tpu.memory_space<semaphore_mem>>) src(%arg9 : memref<80x128xf32, #tpu.memory_space<vmem>>) dst(%dma_wait3A_80 : memref<80x128xf32, #tpu.memory_space<vmem_shared>>)
      tpu.yield
    }) : () -> ()
    %mul3A_16 = arith.constant 640 : i32
    %mul3A_17 = arith.muli %arg1, %mul3A_16 : i32
    %add3A_18 = arith.constant 240 : i32
    %add3A_19 = arith.addi %mul3A_17, %add3A_18 : i32
    "tpu.region"() ({
      %run_scoped3A = tpu.sem_alloc : memref<!tpu.dma_semaphore, #tpu.memory_space<semaphore_mem>>
      %dma_start3A_74 = arith.constant 0 : i32
      %dma_start3A_75 = tpu.memref_slice %arg5[%add3A_19, %dma_start3A_74] : memref<10240x128xf32, #tpu.memory_space<vmem_shared>> -> memref<80x128xf32, #tpu.memory_space<vmem_shared>>
      %dma_start3A_76 = arith.constant 0 : i32
      %dma_start3A_77 = tpu.memref_slice %arg5[%add3A_19, %dma_start3A_76] : memref<10240x128xf32, #tpu.memory_space<vmem_shared>> -> memref<80x128xf32, #tpu.memory_space<vmem_shared>>
      tpu.enqueue_dma source(%arg9 : memref<80x128xf32, #tpu.memory_space<vmem>>) target(%dma_start3A_77 : memref<80x128xf32, #tpu.memory_space<vmem_shared>>) target_semaphore(%run_scoped3A : memref<!tpu.dma_semaphore, #tpu.memory_space<semaphore_mem>>)
      %dma_wait3A = arith.constant 0 : i32
      %dma_wait3A_78 = tpu.memref_slice %arg5[%add3A_19, %dma_wait3A] : memref<10240x128xf32, #tpu.memory_space<vmem_shared>> -> memref<80x128xf32, #tpu.memory_space<vmem_shared>>
      %dma_wait3A_79 = arith.constant 0 : i32
      %dma_wait3A_80 = tpu.memref_slice %arg5[%add3A_19, %dma_wait3A_79] : memref<10240x128xf32, #tpu.memory_space<vmem_shared>> -> memref<80x128xf32, #tpu.memory_space<vmem_shared>>
      tpu.wait_dma2 semaphore(%run_scoped3A : memref<!tpu.dma_semaphore, #tpu.memory_space<semaphore_mem>>) src(%arg9 : memref<80x128xf32, #tpu.memory_space<vmem>>) dst(%dma_wait3A_80 : memref<80x128xf32, #tpu.memory_space<vmem_shared>>)
      tpu.yield
    }) : () -> ()
    %mul3A_20 = arith.constant 640 : i32
    %mul3A_21 = arith.muli %arg1, %mul3A_20 : i32
    %add3A_22 = arith.constant 320 : i32
    %add3A_23 = arith.addi %mul3A_21, %add3A_22 : i32
    "tpu.region"() ({
      %run_scoped3A = tpu.sem_alloc : memref<!tpu.dma_semaphore, #tpu.memory_space<semaphore_mem>>
      %dma_start3A_74 = arith.constant 0 : i32
      %dma_start3A_75 = tpu.memref_slice %arg5[%add3A_23, %dma_start3A_74] : memref<10240x128xf32, #tpu.memory_space<vmem_shared>> -> memref<80x128xf32, #tpu.memory_space<vmem_shared>>
      %dma_start3A_76 = arith.constant 0 : i32
      %dma_start3A_77 = tpu.memref_slice %arg5[%add3A_23, %dma_start3A_76] : memref<10240x128xf32, #tpu.memory_space<vmem_shared>> -> memref<80x128xf32, #tpu.memory_space<vmem_shared>>
      tpu.enqueue_dma source(%arg9 : memref<80x128xf32, #tpu.memory_space<vmem>>) target(%dma_start3A_77 : memref<80x128xf32, #tpu.memory_space<vmem_shared>>) target_semaphore(%run_scoped3A : memref<!tpu.dma_semaphore, #tpu.memory_space<semaphore_mem>>)
      %dma_wait3A = arith.constant 0 : i32
      %dma_wait3A_78 = tpu.memref_slice %arg5[%add3A_23, %dma_wait3A] : memref<10240x128xf32, #tpu.memory_space<vmem_shared>> -> memref<80x128xf32, #tpu.memory_space<vmem_shared>>
      %dma_wait3A_79 = arith.constant 0 : i32
      %dma_wait3A_80 = tpu.memref_slice %arg5[%add3A_23, %dma_wait3A_79] : memref<10240x128xf32, #tpu.memory_space<vmem_shared>> -> memref<80x128xf32, #tpu.memory_space<vmem_shared>>
      tpu.wait_dma2 semaphore(%run_scoped3A : memref<!tpu.dma_semaphore, #tpu.memory_space<semaphore_mem>>) src(%arg9 : memref<80x128xf32, #tpu.memory_space<vmem>>) dst(%dma_wait3A_80 : memref<80x128xf32, #tpu.memory_space<vmem_shared>>)
      tpu.yield
    }) : () -> ()
    %mul3A_24 = arith.constant 640 : i32
    %mul3A_25 = arith.muli %arg1, %mul3A_24 : i32
    %add3A_26 = arith.constant 400 : i32
    %add3A_27 = arith.addi %mul3A_25, %add3A_26 : i32
    "tpu.region"() ({
      %run_scoped3A = tpu.sem_alloc : memref<!tpu.dma_semaphore, #tpu.memory_space<semaphore_mem>>
      %dma_start3A_74 = arith.constant 0 : i32
      %dma_start3A_75 = tpu.memref_slice %arg5[%add3A_27, %dma_start3A_74] : memref<10240x128xf32, #tpu.memory_space<vmem_shared>> -> memref<80x128xf32, #tpu.memory_space<vmem_shared>>
      %dma_start3A_76 = arith.constant 0 : i32
      %dma_start3A_77 = tpu.memref_slice %arg5[%add3A_27, %dma_start3A_76] : memref<10240x128xf32, #tpu.memory_space<vmem_shared>> -> memref<80x128xf32, #tpu.memory_space<vmem_shared>>
      tpu.enqueue_dma source(%arg9 : memref<80x128xf32, #tpu.memory_space<vmem>>) target(%dma_start3A_77 : memref<80x128xf32, #tpu.memory_space<vmem_shared>>) target_semaphore(%run_scoped3A : memref<!tpu.dma_semaphore, #tpu.memory_space<semaphore_mem>>)
      %dma_wait3A = arith.constant 0 : i32
      %dma_wait3A_78 = tpu.memref_slice %arg5[%add3A_27, %dma_wait3A] : memref<10240x128xf32, #tpu.memory_space<vmem_shared>> -> memref<80x128xf32, #tpu.memory_space<vmem_shared>>
      %dma_wait3A_79 = arith.constant 0 : i32
      %dma_wait3A_80 = tpu.memref_slice %arg5[%add3A_27, %dma_wait3A_79] : memref<10240x128xf32, #tpu.memory_space<vmem_shared>> -> memref<80x128xf32, #tpu.memory_space<vmem_shared>>
      tpu.wait_dma2 semaphore(%run_scoped3A : memref<!tpu.dma_semaphore, #tpu.memory_space<semaphore_mem>>) src(%arg9 : memref<80x128xf32, #tpu.memory_space<vmem>>) dst(%dma_wait3A_80 : memref<80x128xf32, #tpu.memory_space<vmem_shared>>)
      tpu.yield
    }) : () -> ()
    %mul3A_28 = arith.constant 640 : i32
    %mul3A_29 = arith.muli %arg1, %mul3A_28 : i32
    %add3A_30 = arith.constant 480 : i32
    %add3A_31 = arith.addi %mul3A_29, %add3A_30 : i32
    "tpu.region"() ({
      %run_scoped3A = tpu.sem_alloc : memref<!tpu.dma_semaphore, #tpu.memory_space<semaphore_mem>>
      %dma_start3A_74 = arith.constant 0 : i32
      %dma_start3A_75 = tpu.memref_slice %arg5[%add3A_31, %dma_start3A_74] : memref<10240x128xf32, #tpu.memory_space<vmem_shared>> -> memref<80x128xf32, #tpu.memory_space<vmem_shared>>
      %dma_start3A_76 = arith.constant 0 : i32
      %dma_start3A_77 = tpu.memref_slice %arg5[%add3A_31, %dma_start3A_76] : memref<10240x128xf32, #tpu.memory_space<vmem_shared>> -> memref<80x128xf32, #tpu.memory_space<vmem_shared>>
      tpu.enqueue_dma source(%arg9 : memref<80x128xf32, #tpu.memory_space<vmem>>) target(%dma_start3A_77 : memref<80x128xf32, #tpu.memory_space<vmem_shared>>) target_semaphore(%run_scoped3A : memref<!tpu.dma_semaphore, #tpu.memory_space<semaphore_mem>>)
      %dma_wait3A = arith.constant 0 : i32
      %dma_wait3A_78 = tpu.memref_slice %arg5[%add3A_31, %dma_wait3A] : memref<10240x128xf32, #tpu.memory_space<vmem_shared>> -> memref<80x128xf32, #tpu.memory_space<vmem_shared>>
      %dma_wait3A_79 = arith.constant 0 : i32
      %dma_wait3A_80 = tpu.memref_slice %arg5[%add3A_31, %dma_wait3A_79] : memref<10240x128xf32, #tpu.memory_space<vmem_shared>> -> memref<80x128xf32, #tpu.memory_space<vmem_shared>>
      tpu.wait_dma2 semaphore(%run_scoped3A : memref<!tpu.dma_semaphore, #tpu.memory_space<semaphore_mem>>) src(%arg9 : memref<80x128xf32, #tpu.memory_space<vmem>>) dst(%dma_wait3A_80 : memref<80x128xf32, #tpu.memory_space<vmem_shared>>)
      tpu.yield
    }) : () -> ()
    %mul3A_32 = arith.constant 640 : i32
    %mul3A_33 = arith.muli %arg1, %mul3A_32 : i32
    %add3A_34 = arith.constant 560 : i32
    %add3A_35 = arith.addi %mul3A_33, %add3A_34 : i32
    "tpu.region"() ({
      %run_scoped3A = tpu.sem_alloc : memref<!tpu.dma_semaphore, #tpu.memory_space<semaphore_mem>>
      %dma_start3A_74 = arith.constant 0 : i32
      %dma_start3A_75 = tpu.memref_slice %arg5[%add3A_35, %dma_start3A_74] : memref<10240x128xf32, #tpu.memory_space<vmem_shared>> -> memref<80x128xf32, #tpu.memory_space<vmem_shared>>
      %dma_start3A_76 = arith.constant 0 : i32
      %dma_start3A_77 = tpu.memref_slice %arg5[%add3A_35, %dma_start3A_76] : memref<10240x128xf32, #tpu.memory_space<vmem_shared>> -> memref<80x128xf32, #tpu.memory_space<vmem_shared>>
      tpu.enqueue_dma source(%arg9 : memref<80x128xf32, #tpu.memory_space<vmem>>) target(%dma_start3A_77 : memref<80x128xf32, #tpu.memory_space<vmem_shared>>) target_semaphore(%run_scoped3A : memref<!tpu.dma_semaphore, #tpu.memory_space<semaphore_mem>>)
      %dma_wait3A = arith.constant 0 : i32
      %dma_wait3A_78 = tpu.memref_slice %arg5[%add3A_35, %dma_wait3A] : memref<10240x128xf32, #tpu.memory_space<vmem_shared>> -> memref<80x128xf32, #tpu.memory_space<vmem_shared>>
      %dma_wait3A_79 = arith.constant 0 : i32
      %dma_wait3A_80 = tpu.memref_slice %arg5[%add3A_35, %dma_wait3A_79] : memref<10240x128xf32, #tpu.memory_space<vmem_shared>> -> memref<80x128xf32, #tpu.memory_space<vmem_shared>>
      tpu.wait_dma2 semaphore(%run_scoped3A : memref<!tpu.dma_semaphore, #tpu.memory_space<semaphore_mem>>) src(%arg9 : memref<80x128xf32, #tpu.memory_space<vmem>>) dst(%dma_wait3A_80 : memref<80x128xf32, #tpu.memory_space<vmem_shared>>)
      tpu.yield
    }) : () -> ()
    %mul3A_36 = arith.constant 10000 : i32
    %mul3A_37 = arith.muli %arg1, %mul3A_36 : i32
    %add3A_38 = arith.constant 160000 : i32
    %add3A_39 = arith.addi %add3A_38, %mul3A_37 : i32
    %mul3A_40 = arith.constant 10000 : i32
    %mul3A_41 = arith.muli %arg1, %mul3A_40 : i32
    %add3A_42 = arith.constant 0 : i32
    %add3A_43 = arith.addi %add3A_42, %mul3A_41 : i32
    "tpu.region"() ({
      %run_scoped3A = tpu.sem_alloc : memref<!tpu.dma_semaphore, #tpu.memory_space<semaphore_mem>>
      %dma_start3A_74 = tpu.memref_slice %arg3[%add3A_39] : memref<320000xi32, #tpu.memory_space<hbm>> -> memref<10000xi32, #tpu.memory_space<hbm>>
      %dma_start3A_75 = tpu.memref_slice %arg3[%add3A_39] : memref<320000xi32, #tpu.memory_space<hbm>> -> memref<10000xi32, #tpu.memory_space<hbm>>
      tpu.enqueue_dma source(%dma_start3A_75 : memref<10000xi32, #tpu.memory_space<hbm>>) target(%arg6 : memref<10000xi32, #tpu.memory_space<vmem>>) target_semaphore(%run_scoped3A : memref<!tpu.dma_semaphore, #tpu.memory_space<semaphore_mem>>)
      %dma_wait3A = tpu.memref_slice %arg3[%add3A_39] : memref<320000xi32, #tpu.memory_space<hbm>> -> memref<10000xi32, #tpu.memory_space<hbm>>
      %dma_wait3A_76 = tpu.memref_slice %arg3[%add3A_39] : memref<320000xi32, #tpu.memory_space<hbm>> -> memref<10000xi32, #tpu.memory_space<hbm>>
      tpu.wait_dma2 semaphore(%run_scoped3A : memref<!tpu.dma_semaphore, #tpu.memory_space<semaphore_mem>>) src(%dma_wait3A_76 : memref<10000xi32, #tpu.memory_space<hbm>>) dst(%arg6 : memref<10000xi32, #tpu.memory_space<vmem>>)
      tpu.yield
    }) : () -> ()
    %mul3A_44 = arith.constant 10240 : i32
    %mul3A_45 = arith.muli %arg0, %mul3A_44 : i32
    %scan3A_46 = arith.constant 0 : i32
    %scan3A_47 = arith.constant 0 : i32
    %scan3A_48 = arith.constant 625 : i32
    %scan3A_49 = arith.addi %scan3A_47, %scan3A_48 : i32
    %scan3A_50 = arith.constant 1 : i32
    %scan3A_51 = scf.for %scan3A_74 = %scan3A_47 to %scan3A_49 step %scan3A_50 iter_args(%scan3A_75 = %scan3A_46) -> (i32)  : i32 {
      %mul3A_76 = arith.constant 16 : i32
      %mul3A_77 = arith.muli %scan3A_74, %mul3A_76 : i32
      %get3A = arith.index_cast %mul3A_77 : i32 to index
      %get3A_78 = tpu.vector_load %arg6[%get3A] {strides = array<i32>} : memref<10000xi32, #tpu.memory_space<vmem>>, vector<16xi32>,
      %get3A_79 = vector.shape_cast %get3A_78 : vector<16xi32> to vector<16xi32>
      %add3A_80 = vector.broadcast %mul3A_45 : i32 to vector<16xi32>
      %add3A_81 = arith.addi %get3A_79, %add3A_80 : vector<16xi32>
      %mul3A_82 = arith.constant 16 : i32
      %mul3A_83 = arith.muli %scan3A_74, %mul3A_82 : i32
      %swap3A = arith.index_cast %mul3A_83 : i32 to index
      %swap3A_84 = tpu.vector_load %arg6[%swap3A] {strides = array<i32>} : memref<10000xi32, #tpu.memory_space<vmem>>, vector<16xi32>,
      %swap3A_85 = vector.shape_cast %swap3A_84 : vector<16xi32> to vector<16xi32>
      %swap3A_86 = vector.shape_cast %add3A_81 : vector<16xi32> to vector<16xi32>
      tpu.vector_store %arg6[%swap3A], %swap3A_86 {strides = array<i32>} : memref<10000xi32, #tpu.memory_space<vmem>>, vector<16xi32>,
      %scan3A_87 = arith.constant 0 : i32
      scf.yield %scan3A_87 : i32
    }
    %scan3A_52 = arith.constant 625 : i32
    %barrier3A = arith.constant 0 : index
    tpu.barrier barrier_id(%barrier3A)
    %dma_start3A = arith.constant 0 : i32
    %dma_start3A_53 = tpu.memref_slice %arg6[%dma_start3A] : memref<10000xi32, #tpu.memory_space<vmem>> -> memref<80xi32, #tpu.memory_space<vmem>>
    %dma_start3A_54 = arith.constant 0 : i32
    %dma_start3A_55 = arith.constant 0 : i32
    %dma_start3A_56 = tpu.memref_slice %arg2[%dma_start3A_54, %dma_start3A_55] : memref<20480x128xf32, #tpu.memory_space<hbm>> -> memref<20480x128xf32, #tpu.memory_space<hbm>>
    tpu.enqueue_indirect_dma source(%dma_start3A_56 : memref<20480x128xf32, #tpu.memory_space<hbm>>) target(%arg9 : memref<80x128xf32, #tpu.memory_space<vmem>>) offsets(%dma_start3A_53 : memref<80xi32, #tpu.memory_space<vmem>>) semaphore(%arg11 : memref<!tpu.dma_semaphore, #tpu.memory_space<semaphore_mem>>)
    %dma_start3A_57 = tpu.memref_slice %arg3[%add3A_43] : memref<320000xi32, #tpu.memory_space<hbm>> -> memref<80xi32, #tpu.memory_space<hbm>>
    %dma_start3A_58 = tpu.memref_slice %arg3[%add3A_43] : memref<320000xi32, #tpu.memory_space<hbm>> -> memref<80xi32, #tpu.memory_space<hbm>>
    tpu.enqueue_dma source(%dma_start3A_58 : memref<80xi32, #tpu.memory_space<hbm>>) target(%arg7 : memref<80xi32, #tpu.memory_space<vmem>>) target_semaphore(%arg13 : memref<!tpu.dma_semaphore, #tpu.memory_space<semaphore_mem>>)
    %scan3A_59 = arith.constant 0 : i32
    %scan3A_60 = arith.constant 0 : i32
    %scan3A_61 = arith.constant 125 : i32
    %scan3A_62 = arith.addi %scan3A_60, %scan3A_61 : i32
    %scan3A_63 = arith.constant 1 : i32
    %scan3A_64 = scf.for %scan3A_74 = %scan3A_60 to %scan3A_62 step %scan3A_63 iter_args(%scan3A_75 = %scan3A_59) -> (i32)  : i32 {
      %add3A_76 = arith.constant 1 : i32
      %add3A_77 = arith.addi %scan3A_74, %add3A_76 : i32
      %lt3A = arith.constant 125 : i32
      %lt3A_78 = arith.cmpi slt, %add3A_77, %lt3A : i32
      %jit3A = arith.constant 2 : i32
      %eq3A = arith.constant 0 : i32
      %eq3A_79 = arith.cmpi eq, %jit3A, %eq3A : i32
      %jit3A_80 = arith.constant 1 : i32
      %select_n3A = arith.select %eq3A_79, %jit3A_80, %jit3A : i32
      %rem3A = arith.remsi %add3A_77, %select_n3A : i32
      %ne3A = arith.constant 0 : i32
      %ne3A_81 = arith.cmpi ne, %rem3A, %ne3A : i32
      %lt3A_82 = arith.constant 0 : i32
      %lt3A_83 = arith.cmpi slt, %rem3A, %lt3A_82 : i32
      %lt3A_84 = arith.constant 0 : i32
      %lt3A_85 = arith.cmpi slt, %select_n3A, %lt3A_84 : i32
      %ne3A_86 = arith.xori %lt3A_83, %lt3A_85 : i1
      %and3A = arith.andi %ne3A_86, %ne3A_81 : i1
      %add3A_87 = arith.addi %rem3A, %select_n3A : i32
      %select_n3A_88 = arith.select %and3A, %add3A_87, %rem3A : i32
      %eq3A_89 = arith.constant 1 : i32
      %eq3A_90 = arith.cmpi eq, %select_n3A_88, %eq3A_89 : i32
      %and3A_91 = arith.andi %lt3A_78, %eq3A_90 : i1
      %convert_element_type3A = arith.extui %and3A_91 : i1 to i32
      %cond3A = arith.constant 0 : i32
      %cond3A_92 = arith.cmpi ne, %convert_element_type3A, %cond3A : i32
      scf.if %cond3A_92 {
        %mul3A_160 = arith.constant 80 : i32
        %mul3A_161 = arith.muli %add3A_77, %mul3A_160 : i32
        %dma_start3A_162 = tpu.memref_slice %arg6[%mul3A_161] : memref<10000xi32, #tpu.memory_space<vmem>> -> memref<80xi32, #tpu.memory_space<vmem>>
        %dma_start3A_163 = arith.constant 0 : i32
        %dma_start3A_164 = arith.constant 0 : i32
        %dma_start3A_165 = tpu.memref_slice %arg2[%dma_start3A_163, %dma_start3A_164] : memref<20480x128xf32, #tpu.memory_space<hbm>> -> memref<20480x128xf32, #tpu.memory_space<hbm>>
        tpu.enqueue_indirect_dma source(%dma_start3A_165 : memref<20480x128xf32, #tpu.memory_space<hbm>>) target(%arg10 : memref<80x128xf32, #tpu.memory_space<vmem>>) offsets(%dma_start3A_162 : memref<80xi32, #tpu.memory_space<vmem>>) semaphore(%arg12 : memref<!tpu.dma_semaphore, #tpu.memory_space<semaphore_mem>>)
        %mul3A_166 = arith.constant 80 : i32
        %mul3A_167 = arith.muli %add3A_77, %mul3A_166 : i32
        %add3A_168 = arith.addi %add3A_43, %mul3A_167 : i32
        %dma_start3A_169 = tpu.memref_slice %arg3[%add3A_168] : memref<320000xi32, #tpu.memory_space<hbm>> -> memref<80xi32, #tpu.memory_space<hbm>>
        %dma_start3A_170 = tpu.memref_slice %arg3[%add3A_168] : memref<320000xi32, #tpu.memory_space<hbm>> -> memref<80xi32, #tpu.memory_space<hbm>>
        tpu.enqueue_dma source(%dma_start3A_170 : memref<80xi32, #tpu.memory_space<hbm>>) target(%arg8 : memref<80xi32, #tpu.memory_space<vmem>>) target_semaphore(%arg14 : memref<!tpu.dma_semaphore, #tpu.memory_space<semaphore_mem>>)
      } else {
      }
      %lt3A_93 = arith.constant 125 : i32
      %lt3A_94 = arith.cmpi slt, %add3A_77, %lt3A_93 : i32
      %jit3A_95 = arith.constant 2 : i32
      %eq3A_96 = arith.constant 0 : i32
      %eq3A_97 = arith.cmpi eq, %jit3A_95, %eq3A_96 : i32
      %jit3A_98 = arith.constant 1 : i32
      %select_n3A_99 = arith.select %eq3A_97, %jit3A_98, %jit3A_95 : i32
      %rem3A_100 = arith.remsi %add3A_77, %select_n3A_99 : i32
      %ne3A_101 = arith.constant 0 : i32
      %ne3A_102 = arith.cmpi ne, %rem3A_100, %ne3A_101 : i32
      %lt3A_103 = arith.constant 0 : i32
      %lt3A_104 = arith.cmpi slt, %rem3A_100, %lt3A_103 : i32
      %lt3A_105 = arith.constant 0 : i32
      %lt3A_106 = arith.cmpi slt, %select_n3A_99, %lt3A_105 : i32
      %ne3A_107 = arith.xori %lt3A_104, %lt3A_106 : i1
      %and3A_108 = arith.andi %ne3A_107, %ne3A_102 : i1
      %add3A_109 = arith.addi %rem3A_100, %select_n3A_99 : i32
      %select_n3A_110 = arith.select %and3A_108, %add3A_109, %rem3A_100 : i32
      %eq3A_111 = arith.constant 0 : i32
      %eq3A_112 = arith.cmpi eq, %select_n3A_110, %eq3A_111 : i32
      %and3A_113 = arith.andi %lt3A_94, %eq3A_112 : i1
      %convert_element_type3A_114 = arith.extui %and3A_113 : i1 to i32
      %cond3A_115 = arith.constant 0 : i32
      %cond3A_116 = arith.cmpi ne, %convert_element_type3A_114, %cond3A_115 : i32
      scf.if %cond3A_116 {
        %mul3A_160 = arith.constant 80 : i32
        %mul3A_161 = arith.muli %add3A_77, %mul3A_160 : i32
        %dma_start3A_162 = tpu.memref_slice %arg6[%mul3A_161] : memref<10000xi32, #tpu.memory_space<vmem>> -> memref<80xi32, #tpu.memory_space<vmem>>
        %dma_start3A_163 = arith.constant 0 : i32
        %dma_start3A_164 = arith.constant 0 : i32
        %dma_start3A_165 = tpu.memref_slice %arg2[%dma_start3A_163, %dma_start3A_164] : memref<20480x128xf32, #tpu.memory_space<hbm>> -> memref<20480x128xf32, #tpu.memory_space<hbm>>
        tpu.enqueue_indirect_dma source(%dma_start3A_165 : memref<20480x128xf32, #tpu.memory_space<hbm>>) target(%arg9 : memref<80x128xf32, #tpu.memory_space<vmem>>) offsets(%dma_start3A_162 : memref<80xi32, #tpu.memory_space<vmem>>) semaphore(%arg11 : memref<!tpu.dma_semaphore, #tpu.memory_space<semaphore_mem>>)
        %mul3A_166 = arith.constant 80 : i32
        %mul3A_167 = arith.muli %add3A_77, %mul3A_166 : i32
        %add3A_168 = arith.addi %add3A_43, %mul3A_167 : i32
        %dma_start3A_169 = tpu.memref_slice %arg3[%add3A_168] : memref<320000xi32, #tpu.memory_space<hbm>> -> memref<80xi32, #tpu.memory_space<hbm>>
        %dma_start3A_170 = tpu.memref_slice %arg3[%add3A_168] : memref<320000xi32, #tpu.memory_space<hbm>> -> memref<80xi32, #tpu.memory_space<hbm>>
        tpu.enqueue_dma source(%dma_start3A_170 : memref<80xi32, #tpu.memory_space<hbm>>) target(%arg7 : memref<80xi32, #tpu.memory_space<vmem>>) target_semaphore(%arg13 : memref<!tpu.dma_semaphore, #tpu.memory_space<semaphore_mem>>)
      } else {
      }
      %jit3A_117 = arith.constant 2 : i32
      %eq3A_118 = arith.constant 0 : i32
      %eq3A_119 = arith.cmpi eq, %jit3A_117, %eq3A_118 : i32
      %jit3A_120 = arith.constant 1 : i32
      %select_n3A_121 = arith.select %eq3A_119, %jit3A_120, %jit3A_117 : i32
      %rem3A_122 = arith.remsi %scan3A_74, %select_n3A_121 : i32
      %ne3A_123 = arith.constant 0 : i32
      %ne3A_124 = arith.cmpi ne, %rem3A_122, %ne3A_123 : i32
      %lt3A_125 = arith.constant 0 : i32
      %lt3A_126 = arith.cmpi slt, %rem3A_122, %lt3A_125 : i32
      %lt3A_127 = arith.constant 0 : i32
      %lt3A_128 = arith.cmpi slt, %select_n3A_121, %lt3A_127 : i32
      %ne3A_129 = arith.xori %lt3A_126, %lt3A_128 : i1
      %and3A_130 = arith.andi %ne3A_129, %ne3A_124 : i1
      %add3A_131 = arith.addi %rem3A_122, %select_n3A_121 : i32
      %select_n3A_132 = arith.select %and3A_130, %add3A_131, %rem3A_122 : i32
      %eq3A_133 = arith.constant 0 : i32
      %eq3A_134 = arith.cmpi eq, %select_n3A_132, %eq3A_133 : i32
      %convert_element_type3A_135 = arith.extui %eq3A_134 : i1 to i32
      %cond3A_136 = arith.constant 0 : i32
      %cond3A_137 = arith.cmpi ne, %convert_element_type3A_135, %cond3A_136 : i32
      scf.if %cond3A_137 {
        %dma_wait3A = arith.constant 0 : i32
        %dma_wait3A_160 = tpu.memref_slice %arg6[%dma_wait3A] : memref<10000xi32, #tpu.memory_space<vmem>> -> memref<80xi32, #tpu.memory_space<vmem>>
        %dma_wait3A_161 = arith.constant 0 : i32
        %dma_wait3A_162 = arith.constant 0 : i32
        %dma_wait3A_163 = tpu.memref_slice %arg2[%dma_wait3A_161, %dma_wait3A_162] : memref<20480x128xf32, #tpu.memory_space<hbm>> -> memref<20480x128xf32, #tpu.memory_space<hbm>>
        tpu.wait_indirect_dma semaphore(%arg11 : memref<!tpu.dma_semaphore, #tpu.memory_space<semaphore_mem>>) src(%dma_wait3A_163 : memref<20480x128xf32, #tpu.memory_space<hbm>>) dst(%arg9 : memref<80x128xf32, #tpu.memory_space<vmem>>)
        %dma_wait3A_164 = tpu.memref_slice %arg3[%add3A_43] : memref<320000xi32, #tpu.memory_space<hbm>> -> memref<80xi32, #tpu.memory_space<hbm>>
        %dma_wait3A_165 = tpu.memref_slice %arg3[%add3A_43] : memref<320000xi32, #tpu.memory_space<hbm>> -> memref<80xi32, #tpu.memory_space<hbm>>
        tpu.wait_dma2 semaphore(%arg13 : memref<!tpu.dma_semaphore, #tpu.memory_space<semaphore_mem>>) src(%dma_wait3A_165 : memref<80xi32, #tpu.memory_space<hbm>>) dst(%arg7 : memref<80xi32, #tpu.memory_space<vmem>>)
        "tpu.region"() ({
          %run_scoped3A = tpu.sem_alloc : memref<!tpu.dma_semaphore, #tpu.memory_space<semaphore_mem>>
          %dma_start3A_166 = arith.constant 0 : i32
          %dma_start3A_167 = arith.constant 0 : i32
          %dma_start3A_168 = tpu.memref_slice %arg5[%dma_start3A_166, %dma_start3A_167] : memref<10240x128xf32, #tpu.memory_space<vmem_shared>> -> memref<10240x128xf32, #tpu.memory_space<vmem_shared>>
          tpu.enqueue_indirect_dma source(%arg9 : memref<80x128xf32, #tpu.memory_space<vmem>>) target(%dma_start3A_168 : memref<10240x128xf32, #tpu.memory_space<vmem_shared>>) offsets(%arg7 : memref<80xi32, #tpu.memory_space<vmem>>) semaphore(%run_scoped3A : memref<!tpu.dma_semaphore, #tpu.memory_space<semaphore_mem>>) {add = true}
          %dma_wait3A_169 = arith.constant 0 : i32
          %dma_wait3A_170 = arith.constant 0 : i32
          %dma_wait3A_171 = tpu.memref_slice %arg5[%dma_wait3A_169, %dma_wait3A_170] : memref<10240x128xf32, #tpu.memory_space<vmem_shared>> -> memref<10240x128xf32, #tpu.memory_space<vmem_shared>>
          tpu.wait_indirect_dma semaphore(%run_scoped3A : memref<!tpu.dma_semaphore, #tpu.memory_space<semaphore_mem>>) src(%arg9 : memref<80x128xf32, #tpu.memory_space<vmem>>) dst(%dma_wait3A_171 : memref<10240x128xf32, #tpu.memory_space<vmem_shared>>)
          tpu.yield
        }) : () -> ()
      } else {
      }
      %jit3A_138 = arith.constant 2 : i32
      %eq3A_139 = arith.constant 0 : i32
      %eq3A_140 = arith.cmpi eq, %jit3A_138, %eq3A_139 : i32
      %jit3A_141 = arith.constant 1 : i32
      %select_n3A_142 = arith.select %eq3A_140, %jit3A_141, %jit3A_138 : i32
      %rem3A_143 = arith.remsi %scan3A_74, %select_n3A_142 : i32
      %ne3A_144 = arith.constant 0 : i32
      %ne3A_145 = arith.cmpi ne, %rem3A_143, %ne3A_144 : i32
      %lt3A_146 = arith.constant 0 : i32
      %lt3A_147 = arith.cmpi slt, %rem3A_143, %lt3A_146 : i32
      %lt3A_148 = arith.constant 0 : i32
      %lt3A_149 = arith.cmpi slt, %select_n3A_142, %lt3A_148 : i32
      %ne3A_150 = arith.xori %lt3A_147, %lt3A_149 : i1
      %and3A_151 = arith.andi %ne3A_150, %ne3A_145 : i1
      %add3A_152 = arith.addi %rem3A_143, %select_n3A_142 : i32
      %select_n3A_153 = arith.select %and3A_151, %add3A_152, %rem3A_143 : i32
      %eq3A_154 = arith.constant 1 : i32
      %eq3A_155 = arith.cmpi eq, %select_n3A_153, %eq3A_154 : i32
      %convert_element_type3A_156 = arith.extui %eq3A_155 : i1 to i32
      %cond3A_157 = arith.constant 0 : i32
      %cond3A_158 = arith.cmpi ne, %convert_element_type3A_156, %cond3A_157 : i32
      scf.if %cond3A_158 {
        %dma_wait3A = arith.constant 0 : i32
        %dma_wait3A_160 = tpu.memref_slice %arg6[%dma_wait3A] : memref<10000xi32, #tpu.memory_space<vmem>> -> memref<80xi32, #tpu.memory_space<vmem>>
        %dma_wait3A_161 = arith.constant 0 : i32
        %dma_wait3A_162 = arith.constant 0 : i32
        %dma_wait3A_163 = tpu.memref_slice %arg2[%dma_wait3A_161, %dma_wait3A_162] : memref<20480x128xf32, #tpu.memory_space<hbm>> -> memref<20480x128xf32, #tpu.memory_space<hbm>>
        tpu.wait_indirect_dma semaphore(%arg12 : memref<!tpu.dma_semaphore, #tpu.memory_space<semaphore_mem>>) src(%dma_wait3A_163 : memref<20480x128xf32, #tpu.memory_space<hbm>>) dst(%arg10 : memref<80x128xf32, #tpu.memory_space<vmem>>)
        %dma_wait3A_164 = tpu.memref_slice %arg3[%add3A_43] : memref<320000xi32, #tpu.memory_space<hbm>> -> memref<80xi32, #tpu.memory_space<hbm>>
        %dma_wait3A_165 = tpu.memref_slice %arg3[%add3A_43] : memref<320000xi32, #tpu.memory_space<hbm>> -> memref<80xi32, #tpu.memory_space<hbm>>
        tpu.wait_dma2 semaphore(%arg14 : memref<!tpu.dma_semaphore, #tpu.memory_space<semaphore_mem>>) src(%dma_wait3A_165 : memref<80xi32, #tpu.memory_space<hbm>>) dst(%arg8 : memref<80xi32, #tpu.memory_space<vmem>>)
        "tpu.region"() ({
          %run_scoped3A = tpu.sem_alloc : memref<!tpu.dma_semaphore, #tpu.memory_space<semaphore_mem>>
          %dma_start3A_166 = arith.constant 0 : i32
          %dma_start3A_167 = arith.constant 0 : i32
          %dma_start3A_168 = tpu.memref_slice %arg5[%dma_start3A_166, %dma_start3A_167] : memref<10240x128xf32, #tpu.memory_space<vmem_shared>> -> memref<10240x128xf32, #tpu.memory_space<vmem_shared>>
          tpu.enqueue_indirect_dma source(%arg10 : memref<80x128xf32, #tpu.memory_space<vmem>>) target(%dma_start3A_168 : memref<10240x128xf32, #tpu.memory_space<vmem_shared>>) offsets(%arg8 : memref<80xi32, #tpu.memory_space<vmem>>) semaphore(%run_scoped3A : memref<!tpu.dma_semaphore, #tpu.memory_space<semaphore_mem>>) {add = true}
          %dma_wait3A_169 = arith.constant 0 : i32
          %dma_wait3A_170 = arith.constant 0 : i32
          %dma_wait3A_171 = tpu.memref_slice %arg5[%dma_wait3A_169, %dma_wait3A_170] : memref<10240x128xf32, #tpu.memory_space<vmem_shared>> -> memref<10240x128xf32, #tpu.memory_space<vmem_shared>>
          tpu.wait_indirect_dma semaphore(%run_scoped3A : memref<!tpu.dma_semaphore, #tpu.memory_space<semaphore_mem>>) src(%arg10 : memref<80x128xf32, #tpu.memory_space<vmem>>) dst(%dma_wait3A_171 : memref<10240x128xf32, #tpu.memory_space<vmem_shared>>)
          tpu.yield
        }) : () -> ()
      } else {
      }
      %scan3A_159 = arith.constant 0 : i32
      scf.yield %scan3A_159 : i32
    }
    %scan3A_65 = arith.constant 125 : i32
    %barrier3A_66 = arith.constant 0 : index
    tpu.barrier barrier_id(%barrier3A_66)
    %mul3A_67 = arith.constant 640 : i32
    %mul3A_68 = arith.muli %arg1, %mul3A_67 : i32
    %mul3A_69 = arith.constant 10240 : i32
    %mul3A_70 = arith.muli %arg0, %mul3A_69 : i32
    %mul3A_71 = arith.constant 640 : i32
    %mul3A_72 = arith.muli %arg1, %mul3A_71 : i32
    %add3A_73 = arith.addi %mul3A_70, %mul3A_72 : i32
    "tpu.region"() ({
      %run_scoped3A = tpu.sem_alloc : memref<!tpu.dma_semaphore, #tpu.memory_space<semaphore_mem>>
      %dma_start3A_74 = arith.constant 0 : i32
      %dma_start3A_75 = tpu.memref_slice %arg4[%add3A_73, %dma_start3A_74] : memref<20480x128xf32, #tpu.memory_space<hbm>> -> memref<640x128xf32, #tpu.memory_space<hbm>>
      %dma_start3A_76 = arith.constant 0 : i32
      %dma_start3A_77 = tpu.memref_slice %arg5[%mul3A_68, %dma_start3A_76] : memref<10240x128xf32, #tpu.memory_space<vmem_shared>> -> memref<640x128xf32, #tpu.memory_space<vmem_shared>>
      tpu.enqueue_dma source(%dma_start3A_77 : memref<640x128xf32, #tpu.memory_space<vmem_shared>>) target(%dma_start3A_75 : memref<640x128xf32, #tpu.memory_space<hbm>>) target_semaphore(%run_scoped3A : memref<!tpu.dma_semaphore, #tpu.memory_space<semaphore_mem>>)
      %dma_wait3A = arith.constant 0 : i32
      %dma_wait3A_78 = tpu.memref_slice %arg4[%add3A_73, %dma_wait3A] : memref<20480x128xf32, #tpu.memory_space<hbm>> -> memref<640x128xf32, #tpu.memory_space<hbm>>
      %dma_wait3A_79 = arith.constant 0 : i32
      %dma_wait3A_80 = tpu.memref_slice %arg5[%mul3A_68, %dma_wait3A_79] : memref<10240x128xf32, #tpu.memory_space<vmem_shared>> -> memref<640x128xf32, #tpu.memory_space<vmem_shared>>
      tpu.wait_dma2 semaphore(%run_scoped3A : memref<!tpu.dma_semaphore, #tpu.memory_space<semaphore_mem>>) src(%dma_wait3A_80 : memref<640x128xf32, #tpu.memory_space<vmem_shared>>) dst(%dma_wait3A_78 : memref<640x128xf32, #tpu.memory_space<hbm>>)
      tpu.yield
    }) : () -> ()
    return
  }
}

module attributes {stable_mosaic.version = 14 : i64} {
  func.func @_mm_split_body(%arg0: i32, %arg1: memref<1024x256xf32, #tpu.memory_space<vmem>>, %arg2: memref<1024x1xf32, #tpu.memory_space<vmem>>, %arg3: memref<256x256xf32, #tpu.memory_space<vmem>>, %arg4: memref<2x1024x128xf32, #tpu.memory_space<vmem>>) attributes {dimension_semantics = [#tpu.dimension_semantics<arbitrary>], iteration_bounds = array<i64: 10>, scalar_prefetch = 0 : i64, scratch_operands = 0 : i64, tpu.core_type = #tpu.core_type<tc>, window_params = [{transform_indices = @transform_0, window_bounds = array<i64: 1024, 256>}, {transform_indices = @transform_1, window_bounds = array<i64: 1024, 1>}, {pipeline_mode = #tpu.pipeline_mode<synchronous>, transform_indices = @transform_2, window_bounds = array<i64: 256, 256>}, {transform_indices = @transform_3, window_bounds = array<i64: 2, 1024, 128>}]} {
    %get3A = arith.constant 0 : index
    %get3A_0 = arith.constant 0 : index
    %get3A_1 = vector.load %arg1[%get3A, %get3A_0] : memref<1024x256xf32, #tpu.memory_space<vmem>>, vector<1024x256xf32>
    %get3A_2 = arith.constant 0 : index
    %get3A_3 = arith.constant 0 : index
    %get3A_4 = vector.load %arg3[%get3A_2, %get3A_3] : memref<256x256xf32, #tpu.memory_space<vmem>>, vector<256x256xf32>
    %dot_general3A = arith.constant dense<0.000000e+00> : vector<1024x256xf32>
    %dot_general3A_5 = tpu.matmul %get3A_1, %get3A_4, %dot_general3A {dimension_numbers = #tpu.dot_dimension_numbers<[1], [0], [0], [1], [0, 0, 1, 1], [], []>, transpose_lhs_hint = false} : vector<1024x256xf32>, vector<256x256xf32>, vector<1024x256xf32> -> vector<1024x256xf32>
    %get3A_6 = arith.constant 0 : index
    %get3A_7 = arith.constant 0 : index
    %get3A_8 = vector.load %arg2[%get3A_6, %get3A_7] : memref<1024x1xf32, #tpu.memory_space<vmem>>, vector<1024x1xf32>
    %mul3A = vector.broadcast %get3A_8 : vector<1024x1xf32> to vector<1024x256xf32>
    %mul3A_9 = arith.mulf %dot_general3A_5, %mul3A : vector<1024x256xf32>
    %slice3A = vector.extract_strided_slice %mul3A_9 {offsets = [0, 0], sizes = [1024, 128], strides = [1, 1]} : vector<1024x256xf32> to vector<1024x128xf32>
    %swap3A = arith.constant 0 : index
    %swap3A_10 = arith.constant 0 : index
    %swap3A_11 = arith.constant 0 : index
    %swap3A_12 = vector.load %arg4[%swap3A, %swap3A_10, %swap3A_11] : memref<2x1024x128xf32, #tpu.memory_space<vmem>>, vector<1x1024x128xf32>
    %swap3A_13 = vector.shape_cast %swap3A_12 : vector<1x1024x128xf32> to vector<1024x128xf32>
    %swap3A_14 = vector.shape_cast %slice3A : vector<1024x128xf32> to vector<1x1024x128xf32>
    tpu.vector_store %arg4[%swap3A, %swap3A_10, %swap3A_11], %swap3A_14 {strides = array<i32>} : memref<2x1024x128xf32, #tpu.memory_space<vmem>>, vector<1x1024x128xf32>,
    %slice3A_15 = vector.extract_strided_slice %mul3A_9 {offsets = [0, 128], sizes = [1024, 128], strides = [1, 1]} : vector<1024x256xf32> to vector<1024x128xf32>
    %swap3A_16 = arith.constant 1 : index
    %swap3A_17 = arith.constant 0 : index
    %swap3A_18 = arith.constant 0 : index
    %swap3A_19 = vector.load %arg4[%swap3A_16, %swap3A_17, %swap3A_18] : memref<2x1024x128xf32, #tpu.memory_space<vmem>>, vector<1x1024x128xf32>
    %swap3A_20 = vector.shape_cast %swap3A_19 : vector<1x1024x128xf32> to vector<1024x128xf32>
    %swap3A_21 = vector.shape_cast %slice3A_15 : vector<1024x128xf32> to vector<1x1024x128xf32>
    tpu.vector_store %arg4[%swap3A_16, %swap3A_17, %swap3A_18], %swap3A_21 {strides = array<i32>} : memref<2x1024x128xf32, #tpu.memory_space<vmem>>, vector<1x1024x128xf32>,
    return
  }
  func.func @transform_0(%arg0: i32) -> (i32, i32) {
    %c0_i32 = arith.constant 0 : i32
    %c0_i32_0 = arith.constant 0 : i32
    return %arg0, %c0_i32 : i32, i32
  }
  func.func @transform_1(%arg0: i32) -> (i32, i32) {
    %c0_i32 = arith.constant 0 : i32
    %c0_i32_0 = arith.constant 0 : i32
    return %arg0, %c0_i32 : i32, i32
  }
  func.func @transform_2(%arg0: i32) -> (i32, i32) {
    %c0_i32 = arith.constant 0 : i32
    %c0_i32_0 = arith.constant 0 : i32
    %c0_i32_1 = arith.constant 0 : i32
    return %c0_i32, %c0_i32_0 : i32, i32
  }
  func.func @transform_3(%arg0: i32) -> (i32, i32, i32) {
    %c0_i32 = arith.constant 0 : i32
    %c0_i32_0 = arith.constant 0 : i32
    %c0_i32_1 = arith.constant 0 : i32
    return %c0_i32, %arg0, %c0_i32_0 : i32, i32, i32
  }
}

module attributes {stable_mosaic.version = 14 : i64} {
  func.func @_mid_body(%arg0: i32, %arg1: memref<2x1024x128xf32, #tpu.memory_space<vmem>>, %arg2: memref<1024x1xf32, #tpu.memory_space<vmem>>, %arg3: memref<1x256xf32, #tpu.memory_space<vmem>>, %arg4: memref<256x256xf32, #tpu.memory_space<vmem>>, %arg5: memref<1024x1xf32, #tpu.memory_space<vmem>>, %arg6: memref<2x1024x128xf32, #tpu.memory_space<vmem>>) attributes {dimension_semantics = [#tpu.dimension_semantics<arbitrary>], iteration_bounds = array<i64: 10>, scalar_prefetch = 0 : i64, scratch_operands = 0 : i64, tpu.core_type = #tpu.core_type<tc>, window_params = [{transform_indices = @transform_0, window_bounds = array<i64: 2, 1024, 128>}, {transform_indices = @transform_1, window_bounds = array<i64: 1024, 1>}, {pipeline_mode = #tpu.pipeline_mode<synchronous>, transform_indices = @transform_2, window_bounds = array<i64: 1, 256>}, {pipeline_mode = #tpu.pipeline_mode<synchronous>, transform_indices = @transform_3, window_bounds = array<i64: 256, 256>}, {transform_indices = @transform_4, window_bounds = array<i64: 1024, 1>}, {transform_indices = @transform_5, window_bounds = array<i64: 2, 1024, 128>}]} {
    %get3A = arith.constant 0 : index
    %get3A_0 = arith.constant 0 : index
    %get3A_1 = arith.constant 0 : index
    %get3A_2 = vector.load %arg1[%get3A, %get3A_0, %get3A_1] : memref<2x1024x128xf32, #tpu.memory_space<vmem>>, vector<1x1024x128xf32>
    %get3A_3 = vector.shape_cast %get3A_2 : vector<1x1024x128xf32> to vector<1024x128xf32>
    %get3A_4 = arith.constant 0 : index
    %get3A_5 = arith.constant 0 : index
    %get3A_6 = vector.load %arg2[%get3A_4, %get3A_5] : memref<1024x1xf32, #tpu.memory_space<vmem>>, vector<1024x1xf32>
    %mul3A = vector.broadcast %get3A_6 : vector<1024x1xf32> to vector<1024x128xf32>
    %mul3A_7 = arith.mulf %get3A_3, %mul3A : vector<1024x128xf32>
    %get3A_8 = arith.constant 0 : index
    %get3A_9 = arith.constant 0 : index
    %get3A_10 = vector.load %arg3[%get3A_8, %get3A_9] : memref<1x256xf32, #tpu.memory_space<vmem>>, vector<1x128xf32>
    %add3A = vector.broadcast %get3A_10 : vector<1x128xf32> to vector<1024x128xf32>
    %add3A_11 = arith.addf %mul3A_7, %add3A : vector<1024x128xf32>
    %max3A = arith.constant 0.000000e+00 : f32
    %max3A_12 = vector.broadcast %max3A : f32 to vector<1024x128xf32>
    %max3A_13 = arith.maximumf %add3A_11, %max3A_12 : vector<1024x128xf32>
    %get3A_14 = arith.constant 1 : index
    %get3A_15 = arith.constant 0 : index
    %get3A_16 = arith.constant 0 : index
    %get3A_17 = vector.load %arg1[%get3A_14, %get3A_15, %get3A_16] : memref<2x1024x128xf32, #tpu.memory_space<vmem>>, vector<1x1024x128xf32>
    %get3A_18 = vector.shape_cast %get3A_17 : vector<1x1024x128xf32> to vector<1024x128xf32>
    %get3A_19 = arith.constant 0 : index
    %get3A_20 = arith.constant 0 : index
    %get3A_21 = vector.load %arg2[%get3A_19, %get3A_20] : memref<1024x1xf32, #tpu.memory_space<vmem>>, vector<1024x1xf32>
    %mul3A_22 = vector.broadcast %get3A_21 : vector<1024x1xf32> to vector<1024x128xf32>
    %mul3A_23 = arith.mulf %get3A_18, %mul3A_22 : vector<1024x128xf32>
    %get3A_24 = arith.constant 0 : index
    %get3A_25 = arith.constant 128 : index
    %get3A_26 = vector.load %arg3[%get3A_24, %get3A_25] : memref<1x256xf32, #tpu.memory_space<vmem>>, vector<1x128xf32>
    %add3A_27 = vector.broadcast %get3A_26 : vector<1x128xf32> to vector<1024x128xf32>
    %add3A_28 = arith.addf %mul3A_23, %add3A_27 : vector<1024x128xf32>
    %max3A_29 = arith.constant 0.000000e+00 : f32
    %max3A_30 = vector.broadcast %max3A_29 : f32 to vector<1024x128xf32>
    %max3A_31 = arith.maximumf %add3A_28, %max3A_30 : vector<1024x128xf32>
    %concatenate3A = tpu.concatenate %max3A_13, %max3A_31 in 1 : vector<1024x128xf32>, vector<1024x128xf32> -> vector<1024x256xf32>
    %get3A_32 = arith.constant 0 : index
    %get3A_33 = arith.constant 0 : index
    %get3A_34 = vector.load %arg4[%get3A_32, %get3A_33] : memref<256x256xf32, #tpu.memory_space<vmem>>, vector<256x256xf32>
    %dot_general3A = arith.constant dense<0.000000e+00> : vector<1024x256xf32>
    %dot_general3A_35 = tpu.matmul %concatenate3A, %get3A_34, %dot_general3A {dimension_numbers = #tpu.dot_dimension_numbers<[1], [0], [0], [1], [0, 0, 1, 1], [], []>, transpose_lhs_hint = false} : vector<1024x256xf32>, vector<256x256xf32>, vector<1024x256xf32> -> vector<1024x256xf32>
    %get3A_36 = arith.constant 0 : index
    %get3A_37 = arith.constant 0 : index
    %get3A_38 = vector.load %arg5[%get3A_36, %get3A_37] : memref<1024x1xf32, #tpu.memory_space<vmem>>, vector<1024x1xf32>
    %mul3A_39 = vector.broadcast %get3A_38 : vector<1024x1xf32> to vector<1024x256xf32>
    %mul3A_40 = arith.mulf %dot_general3A_35, %mul3A_39 : vector<1024x256xf32>
    %slice3A = vector.extract_strided_slice %mul3A_40 {offsets = [0, 0], sizes = [1024, 128], strides = [1, 1]} : vector<1024x256xf32> to vector<1024x128xf32>
    %swap3A = arith.constant 0 : index
    %swap3A_41 = arith.constant 0 : index
    %swap3A_42 = arith.constant 0 : index
    %swap3A_43 = vector.load %arg6[%swap3A, %swap3A_41, %swap3A_42] : memref<2x1024x128xf32, #tpu.memory_space<vmem>>, vector<1x1024x128xf32>
    %swap3A_44 = vector.shape_cast %swap3A_43 : vector<1x1024x128xf32> to vector<1024x128xf32>
    %swap3A_45 = vector.shape_cast %slice3A : vector<1024x128xf32> to vector<1x1024x128xf32>
    tpu.vector_store %arg6[%swap3A, %swap3A_41, %swap3A_42], %swap3A_45 {strides = array<i32>} : memref<2x1024x128xf32, #tpu.memory_space<vmem>>, vector<1x1024x128xf32>,
    %slice3A_46 = vector.extract_strided_slice %mul3A_40 {offsets = [0, 128], sizes = [1024, 128], strides = [1, 1]} : vector<1024x256xf32> to vector<1024x128xf32>
    %swap3A_47 = arith.constant 1 : index
    %swap3A_48 = arith.constant 0 : index
    %swap3A_49 = arith.constant 0 : index
    %swap3A_50 = vector.load %arg6[%swap3A_47, %swap3A_48, %swap3A_49] : memref<2x1024x128xf32, #tpu.memory_space<vmem>>, vector<1x1024x128xf32>
    %swap3A_51 = vector.shape_cast %swap3A_50 : vector<1x1024x128xf32> to vector<1024x128xf32>
    %swap3A_52 = vector.shape_cast %slice3A_46 : vector<1024x128xf32> to vector<1x1024x128xf32>
    tpu.vector_store %arg6[%swap3A_47, %swap3A_48, %swap3A_49], %swap3A_52 {strides = array<i32>} : memref<2x1024x128xf32, #tpu.memory_space<vmem>>, vector<1x1024x128xf32>,
    return
  }
  func.func @transform_0(%arg0: i32) -> (i32, i32, i32) {
    %c0_i32 = arith.constant 0 : i32
    %c0_i32_0 = arith.constant 0 : i32
    %c0_i32_1 = arith.constant 0 : i32
    return %c0_i32, %arg0, %c0_i32_0 : i32, i32, i32
  }
  func.func @transform_1(%arg0: i32) -> (i32, i32) {
    %c0_i32 = arith.constant 0 : i32
    %c0_i32_0 = arith.constant 0 : i32
    return %arg0, %c0_i32 : i32, i32
  }
  func.func @transform_2(%arg0: i32) -> (i32, i32) {
    %c0_i32 = arith.constant 0 : i32
    %c0_i32_0 = arith.constant 0 : i32
    %c0_i32_1 = arith.constant 0 : i32
    return %c0_i32, %c0_i32_0 : i32, i32
  }
  func.func @transform_3(%arg0: i32) -> (i32, i32) {
    %c0_i32 = arith.constant 0 : i32
    %c0_i32_0 = arith.constant 0 : i32
    %c0_i32_1 = arith.constant 0 : i32
    return %c0_i32, %c0_i32_0 : i32, i32
  }
  func.func @transform_4(%arg0: i32) -> (i32, i32) {
    %c0_i32 = arith.constant 0 : i32
    %c0_i32_0 = arith.constant 0 : i32
    return %arg0, %c0_i32 : i32, i32
  }
  func.func @transform_5(%arg0: i32) -> (i32, i32, i32) {
    %c0_i32 = arith.constant 0 : i32
    %c0_i32_0 = arith.constant 0 : i32
    %c0_i32_1 = arith.constant 0 : i32
    return %c0_i32, %arg0, %c0_i32_0 : i32, i32, i32
  }
}

module attributes {stable_mosaic.version = 14 : i64} {
  func.func @_final_body(%arg0: i32, %arg1: memref<2x1024x128xf32, #tpu.memory_space<vmem>>, %arg2: memref<1024x1xf32, #tpu.memory_space<vmem>>, %arg3: memref<1x256xf32, #tpu.memory_space<vmem>>, %arg4: memref<256x1xf32, #tpu.memory_space<vmem>>, %arg5: memref<1x1xf32, #tpu.memory_space<vmem>>, %arg6: memref<1x1xf32, #tpu.memory_space<vmem>>, %arg7: memref<8x256xf32, #tpu.memory_space<vmem>>) attributes {dimension_semantics = [#tpu.dimension_semantics<arbitrary>], iteration_bounds = array<i64: 10>, scalar_prefetch = 0 : i64, scratch_operands = 1 : i64, tpu.core_type = #tpu.core_type<tc>, window_params = [{transform_indices = @transform_0, window_bounds = array<i64: 2, 1024, 128>}, {transform_indices = @transform_1, window_bounds = array<i64: 1024, 1>}, {pipeline_mode = #tpu.pipeline_mode<synchronous>, transform_indices = @transform_2, window_bounds = array<i64: 1, 256>}, {pipeline_mode = #tpu.pipeline_mode<synchronous>, transform_indices = @transform_3, window_bounds = array<i64: 256, 1>}, {pipeline_mode = #tpu.pipeline_mode<synchronous>, transform_indices = @transform_4, window_bounds = array<i64: 1, 1>}, {pipeline_mode = #tpu.pipeline_mode<synchronous>, transform_indices = @transform_5, window_bounds = array<i64: 1, 1>}]} {
    %get3A = arith.constant 0 : index
    %get3A_0 = arith.constant 0 : index
    %get3A_1 = arith.constant 0 : index
    %get3A_2 = vector.load %arg1[%get3A, %get3A_0, %get3A_1] : memref<2x1024x128xf32, #tpu.memory_space<vmem>>, vector<1x1024x128xf32>
    %get3A_3 = vector.shape_cast %get3A_2 : vector<1x1024x128xf32> to vector<1024x128xf32>
    %get3A_4 = arith.constant 0 : index
    %get3A_5 = arith.constant 0 : index
    %get3A_6 = vector.load %arg2[%get3A_4, %get3A_5] : memref<1024x1xf32, #tpu.memory_space<vmem>>, vector<1024x1xf32>
    %mul3A = vector.broadcast %get3A_6 : vector<1024x1xf32> to vector<1024x128xf32>
    %mul3A_7 = arith.mulf %get3A_3, %mul3A : vector<1024x128xf32>
    %get3A_8 = arith.constant 0 : index
    %get3A_9 = arith.constant 0 : index
    %get3A_10 = vector.load %arg3[%get3A_8, %get3A_9] : memref<1x256xf32, #tpu.memory_space<vmem>>, vector<1x128xf32>
    %add3A = vector.broadcast %get3A_10 : vector<1x128xf32> to vector<1024x128xf32>
    %add3A_11 = arith.addf %mul3A_7, %add3A : vector<1024x128xf32>
    %max3A = arith.constant 0.000000e+00 : f32
    %max3A_12 = vector.broadcast %max3A : f32 to vector<1024x128xf32>
    %max3A_13 = arith.maximumf %add3A_11, %max3A_12 : vector<1024x128xf32>
    %get3A_14 = arith.constant 1 : index
    %get3A_15 = arith.constant 0 : index
    %get3A_16 = arith.constant 0 : index
    %get3A_17 = vector.load %arg1[%get3A_14, %get3A_15, %get3A_16] : memref<2x1024x128xf32, #tpu.memory_space<vmem>>, vector<1x1024x128xf32>
    %get3A_18 = vector.shape_cast %get3A_17 : vector<1x1024x128xf32> to vector<1024x128xf32>
    %get3A_19 = arith.constant 0 : index
    %get3A_20 = arith.constant 0 : index
    %get3A_21 = vector.load %arg2[%get3A_19, %get3A_20] : memref<1024x1xf32, #tpu.memory_space<vmem>>, vector<1024x1xf32>
    %mul3A_22 = vector.broadcast %get3A_21 : vector<1024x1xf32> to vector<1024x128xf32>
    %mul3A_23 = arith.mulf %get3A_18, %mul3A_22 : vector<1024x128xf32>
    %get3A_24 = arith.constant 0 : index
    %get3A_25 = arith.constant 128 : index
    %get3A_26 = vector.load %arg3[%get3A_24, %get3A_25] : memref<1x256xf32, #tpu.memory_space<vmem>>, vector<1x128xf32>
    %add3A_27 = vector.broadcast %get3A_26 : vector<1x128xf32> to vector<1024x128xf32>
    %add3A_28 = arith.addf %mul3A_23, %add3A_27 : vector<1024x128xf32>
    %max3A_29 = arith.constant 0.000000e+00 : f32
    %max3A_30 = vector.broadcast %max3A_29 : f32 to vector<1024x128xf32>
    %max3A_31 = arith.maximumf %add3A_28, %max3A_30 : vector<1024x128xf32>
    %concatenate3A = tpu.concatenate %max3A_13, %max3A_31 in 1 : vector<1024x128xf32>, vector<1024x128xf32> -> vector<1024x256xf32>
    %mul3A_32 = arith.constant 1024 : i32
    %mul3A_33 = arith.muli %arg0, %mul3A_32 : i32
    %iota3A = tpu.iota {dimensions = array<i32: 0>} : vector<1024x1xi32>
    %add3A_34 = vector.broadcast %mul3A_33 : i32 to vector<1024x1xi32>
    %add3A_35 = arith.addi %add3A_34, %iota3A : vector<1024x1xi32>
    %lt3A = arith.constant 10000 : i32
    %lt3A_36 = vector.broadcast %lt3A : i32 to vector<1024x1xi32>
    %lt3A_37 = arith.cmpi slt, %add3A_35, %lt3A_36 : vector<1024x1xi32>
    %jit3A = arith.constant 0xFF800000 : f32
    %broadcast_in_dim3A = vector.shape_cast %lt3A_37 : vector<1024x1xi1> to vector<1024x1xi1>
    %broadcast_in_dim3A_38 = vector.broadcast %broadcast_in_dim3A : vector<1024x1xi1> to vector<1024x256xi1>
    %broadcast_in_dim3A_39 = vector.broadcast %jit3A : f32 to vector<1024x256xf32>
    %select_n3A = arith.select %broadcast_in_dim3A_38, %concatenate3A, %broadcast_in_dim3A_39 : vector<1024x256xi1>, vector<1024x256xf32>
    %reduce_max3A = arith.constant dense<0xFF800000> : vector<256xf32>
    %reduce_max3A_40 = vector.multi_reduction <maximumf>, %select_n3A, %reduce_max3A [0] : vector<1024x256xf32> to vector<256xf32>
    %broadcast_in_dim3A_41 = vector.shape_cast %reduce_max3A_40 : vector<256xf32> to vector<1x256xf32>
    %eq3A = arith.constant 0 : i32
    %eq3A_42 = arith.cmpi eq, %arg0, %eq3A : i32
    %convert_element_type3A = arith.extui %eq3A_42 : i1 to i32
    %cond3A = arith.constant 0 : i32
    %cond3A_43 = arith.cmpi ne, %convert_element_type3A, %cond3A : i32
    scf.if %cond3A_43 {
      %swap3A = arith.constant 0 : index
      %swap3A_53 = arith.constant 0 : index
      %swap3A_54 = vector.load %arg7[%swap3A, %swap3A_53] : memref<8x256xf32, #tpu.memory_space<vmem>>, vector<1x256xf32>
      tpu.vector_store %arg7[%swap3A, %swap3A_53], %broadcast_in_dim3A_41 {strides = array<i32>} : memref<8x256xf32, #tpu.memory_space<vmem>>, vector<1x256xf32>,
    } else {
    }
    %gt3A = arith.constant 0 : i32
    %gt3A_44 = arith.cmpi sgt, %arg0, %gt3A : i32
    %convert_element_type3A_45 = arith.extui %gt3A_44 : i1 to i32
    %cond3A_46 = arith.constant 0 : i32
    %cond3A_47 = arith.cmpi ne, %convert_element_type3A_45, %cond3A_46 : i32
    scf.if %cond3A_47 {
      %get3A_53 = arith.constant 0 : index
      %get3A_54 = arith.constant 0 : index
      %get3A_55 = vector.load %arg7[%get3A_53, %get3A_54] : memref<8x256xf32, #tpu.memory_space<vmem>>, vector<1x256xf32>
      %max3A_56 = arith.maximumf %get3A_55, %broadcast_in_dim3A_41 : vector<1x256xf32>
      %swap3A = arith.constant 0 : index
      %swap3A_57 = arith.constant 0 : index
      %swap3A_58 = vector.load %arg7[%swap3A, %swap3A_57] : memref<8x256xf32, #tpu.memory_space<vmem>>, vector<1x256xf32>
      tpu.vector_store %arg7[%swap3A, %swap3A_57], %max3A_56 {strides = array<i32>} : memref<8x256xf32, #tpu.memory_space<vmem>>, vector<1x256xf32>,
    } else {
    }
    %eq3A_48 = arith.constant 9 : i32
    %eq3A_49 = arith.cmpi eq, %arg0, %eq3A_48 : i32
    %convert_element_type3A_50 = arith.extui %eq3A_49 : i1 to i32
    %cond3A_51 = arith.constant 0 : i32
    %cond3A_52 = arith.cmpi ne, %convert_element_type3A_50, %cond3A_51 : i32
    scf.if %cond3A_52 {
      %get3A_53 = arith.constant 0 : index
      %get3A_54 = arith.constant 0 : index
      %get3A_55 = vector.load %arg7[%get3A_53, %get3A_54] : memref<8x256xf32, #tpu.memory_space<vmem>>, vector<1x256xf32>
      %get3A_56 = arith.constant 0 : index
      %get3A_57 = arith.constant 0 : index
      %get3A_58 = vector.load %arg4[%get3A_56, %get3A_57] : memref<256x1xf32, #tpu.memory_space<vmem>>, vector<256x1xf32>
      %reshape3A = vector.shape_cast %get3A_58 : vector<256x1xf32> to vector<1x256xf32>
      %mul3A_59 = arith.mulf %get3A_55, %reshape3A : vector<1x256xf32>
      %reduce_sum3A = arith.constant dense<0.000000e+00> : vector<1xf32>
      %reduce_sum3A_60 = vector.multi_reduction <add>, %mul3A_59, %reduce_sum3A [1] : vector<1x256xf32> to vector<1xf32>
      %broadcast_in_dim3A_61 = vector.shape_cast %reduce_sum3A_60 : vector<1xf32> to vector<1x1xf32>
      %get3A_62 = arith.constant 0 : index
      %get3A_63 = arith.constant 0 : index
      %get3A_64 = vector.load %arg5[%get3A_62, %get3A_63] : memref<1x1xf32, #tpu.memory_space<vmem>>, vector<1x1xf32>
      %add3A_65 = arith.addf %broadcast_in_dim3A_61, %get3A_64 : vector<1x1xf32>
      %swap3A = arith.constant 0 : index
      %swap3A_66 = arith.constant 0 : index
      %swap3A_67 = vector.load %arg6[%swap3A, %swap3A_66] : memref<1x1xf32, #tpu.memory_space<vmem>>, vector<1x1xf32>
      tpu.vector_store %arg6[%swap3A, %swap3A_66], %add3A_65 {strides = array<i32>} : memref<1x1xf32, #tpu.memory_space<vmem>>, vector<1x1xf32>,
    } else {
    }
    return
  }
  func.func @transform_0(%arg0: i32) -> (i32, i32, i32) {
    %c0_i32 = arith.constant 0 : i32
    %c0_i32_0 = arith.constant 0 : i32
    %c0_i32_1 = arith.constant 0 : i32
    return %c0_i32, %arg0, %c0_i32_0 : i32, i32, i32
  }
  func.func @transform_1(%arg0: i32) -> (i32, i32) {
    %c0_i32 = arith.constant 0 : i32
    %c0_i32_0 = arith.constant 0 : i32
    return %arg0, %c0_i32 : i32, i32
  }
  func.func @transform_2(%arg0: i32) -> (i32, i32) {
    %c0_i32 = arith.constant 0 : i32
    %c0_i32_0 = arith.constant 0 : i32
    %c0_i32_1 = arith.constant 0 : i32
    return %c0_i32, %c0_i32_0 : i32, i32
  }
  func.func @transform_3(%arg0: i32) -> (i32, i32) {
    %c0_i32 = arith.constant 0 : i32
    %c0_i32_0 = arith.constant 0 : i32
    %c0_i32_1 = arith.constant 0 : i32
    return %c0_i32, %c0_i32_0 : i32, i32
  }
  func.func @transform_4(%arg0: i32) -> (i32, i32) {
    %c0_i32 = arith.constant 0 : i32
    %c0_i32_0 = arith.constant 0 : i32
    %c0_i32_1 = arith.constant 0 : i32
    return %c0_i32, %c0_i32_0 : i32, i32
  }
  func.func @transform_5(%arg0: i32) -> (i32, i32) {
    %c0_i32 = arith.constant 0 : i32
    %c0_i32_0 = arith.constant 0 : i32
    %c0_i32_1 = arith.constant 0 : i32
    return %c0_i32, %c0_i32_0 : i32, i32
  }
}

</mosaic_0001>

<sc_bundles>
// kernel: kernel.13.cloned.1.call-start
scs
__scs_entry_jumppad:
0x0: {  	(pc) =	sbr.rel $0x88, $3  }
0x1: {  	(tag) =	ssettag $0x0;
	lr =	simm.s32 $0x1  }
0x2: {  	[smem:$0x3F94] =	sst lr;
	_ =	strace $0xD0000000  }
0x3: {  	_ = 	snop  }
0x4: {  	_ = 	snop  }
0x5: {  	_ = 	snop  }
0x6: {  	_ = 	snop  }
0x7: {  	_ = 	snop  }
__scs_overlays_trampoline_lowered:
0x8: {  	[smem:$0x3FA3] =	sst s0  }
0x9: {  	[smem:$0x3FA4] =	sst s1  }
0xa: {  	[smem:$0x3FA5] =	sst s2  }
0xb: {  	[smem:$0x3FA6] =	sst s3  }
0xc: {  	[smem:$0x3FA7] =	sst s4  }
0xd: {  	[smem:$0x3FA8] =	sst s5  }
0xe: {  	[smem:$0x3FA9] =	sst s6  }
0xf: {  	[smem:$0x3FAA] =	sst s7  }
0x10: {  	[smem:$0x3FAB] =	sst s8  }
0x11: {  	[smem:$0x3FAC] =	sst s9;
	s0 =	simm.s32 @!p0 $0x0  }
0x12: {  	s1 =	sld [smem:$0x3F92];
	s0 =	simm.s32 @p0 $0x1  }
0x13: {  	[smem:$0x3FAD] =	sst s0;
	s0 =	simm.s32 @!p1 $0x0  }
0x14: {  	s2 =	sld [smem:$0x3F91];
	s0 =	simm.s32 @p1 $0x1  }
0x15: {  	[smem:$0x3FAE] =	sst s0;
	s0 =	simm.s32 @!p2 $0x0  }
0x16: {  	s3 =	sld [smem:$0x3FDB];
	s0 =	simm.s32 @p2 $0x1  }
0x17: {  	s4 =	simm.s32 $0x1BF5;
	[smem:$0x3FB0] =	sst s0  }
0x18: {  	s0 =	sld [smem:$0x3F93];
	_ =	swait.ge [sflag:s4], $0x0  }
0x19: {  	s7 =	sld [smem:$0x3F94]  }
0x1a: {  	s8 =	sadd.s32 $0xFFFFE003, lr  }
0x1b: {  	s9 =	sadd.s32 $0xFFFFFEF7, lr;
	s5 =	simm.s32 $0xFFFFFFFF;
	p2 =	slt.u32 s8, $0xFFFFF086  }
0x1c: {  	p1 =	slt.u32 s9, $0xF7A;
	s5 =	simm.s32 @!p2 $0x0  }
0x1d: {  	s5 =	simm.s32 @p1 $0x1;
	p0 =	seq.s32 s7, s2  }
0x1e: {  	s7 =	smul.u32 @!p0 $0xF7A, s2;
	p2 =	seq.s32 @!p0 s5, $0x0  }
0x1f: {  	s9 =	smul.u32 $0xF7A, s1;
	s8 =	simm.s32 @!p0 $0x1BF5;
	p2 =	por !p2, p0  }
0x20: {  	[sflag:s8] =	ssyncset.s32 @!p0 $0xFFFFF086;
	s6 =	sadd.s32 @!p0 s3, s7;
	s7 =	simm.s32 @!p0 $0x108  }
0x21: {  	s3 =	sadd.s32 s3, s9;
	s6 =	sadd.s32 @!p0 $0x88, s6;
	s7 =	simm.s32 @p2 $0x1082  }
0x22: {  	[simem:s7], [sflag:s8] =	dma.local @!p0 [hbm:s6], $0xF7A  }
0x23: {  	s9 =	sor.u32 $0xD0000000, s2;
	s6 =	simm.s32 $0x108;
	_ =	swait.ge @!p0 [sflag:s8], $0x0  }
0x24: {  	s3 =	sadd.s32 $0x88, s3;
	s6 =	simm.s32 @!p1 $0x1082;
	[sflag:s4] =	ssyncset.s32 $0xFFFFF086  }
0x25: {  	[simem:s6], [sflag:s4] =	dma.local [hbm:s3], $0xF7A  }
0x26: {  	[smem:$0x3F94] =	sst s1;
	(tag) =	ssettag s2;
	_ =	strace s9  }
0x27: {  	s1 =	sld [smem:$0x3FA4]  }
0x28: {  	s2 =	sld [smem:$0x3FA5]  }
0x29: {  	s4 =	sld [smem:$0x3FA7]  }
0x2a: {  	p0 =	seq.s32 s5, $0x0;
	s5 =	sld [smem:$0x3FA8]  }
0x2b: {  	s6 =	sld [smem:$0x3FA9]  }
0x2c: {  	s7 =	sld [smem:$0x3FAA]  }
0x2d: {  	s3 =	simm.s32 $0x108;
	s8 =	sld [smem:$0x3FAB]  }
0x2e: {  	s3 =	simm.s32 @!p0 $0x1082;
	s9 =	sld [smem:$0x3FAC]  }
0x2f: {  	lr =	sadd.s32 s0, s3;
	s0 =	sld [smem:$0x3FA3]  }
0x30: {  	s3 =	sld [smem:$0x3FA6]  }
0x31: {  	[smem:$0x3FAF] =	sst s10  }
0x32: {  	s10 =	sld [smem:$0x3FAD];
	_ =	sdelay $0x3  }
0x33: {  	p0 =	seq.s32 s10, $0x1;
	s10 =	sld [smem:$0x3FAF];
	_ =	sdelay $0x3  }
0x34: {  	[smem:$0x3FAF] =	sst s10  }
0x35: {  	s10 =	sld [smem:$0x3FAE];
	_ =	sdelay $0x3  }
0x36: {  	p1 =	seq.s32 s10, $0x1;
	s10 =	sld [smem:$0x3FAF];
	_ =	sdelay $0x3  }
0x37: {  	[smem:$0x3FAF] =	sst s10  }
0x38: {  	s10 =	sld [smem:$0x3FB0]  }
0x39: {  	_ = 	snop;
	(pc) =	sbr.ind lr, $3  }
0x3a: {  	_ = 	snop  }
0x3b: {  	_ = 	snop  }
0x3c: {  	p2 =	seq.s32 s10, $0x1;
	s10 =	sld [smem:$0x3FAF]  }
0x3d: {  	_ =	shalt  }
0x3e: {  	_ =	shalt  }
0x3f: {  	_ =	shalt  }
0x40: {  	_ =	shalt  }
0x41: {  	_ =	shalt  }
0x42: {  	_ =	shalt  }
0x43: {  	_ =	shalt  }
0x44: {  	_ =	shalt  }
0x45: {  	_ =	shalt  }
0x46: {  	_ =	shalt  }
0x47: {  	_ =	shalt  }
0x48: {  	_ =	shalt  }
0x49: {  	_ =	shalt  }
0x4a: {  	_ =	shalt  }
0x4b: {  	_ =	shalt  }
0x4c: {  	_ =	shalt  }
0x4d: {  	_ =	shalt  }
0x4e: {  	_ =	shalt  }
0x4f: {  	_ =	shalt  }
0x50: {  	_ =	shalt  }
0x51: {  	_ =	shalt  }
0x52: {  	_ =	shalt  }
0x53: {  	_ =	shalt  }
0x54: {  	_ =	shalt  }
0x55: {  	_ =	shalt  }
0x56: {  	_ =	shalt  }
0x57: {  	_ =	shalt  }
0x58: {  	_ =	shalt  }
0x59: {  	_ =	shalt  }
0x5a: {  	_ =	shalt  }
0x5b: {  	_ =	shalt  }
0x5c: {  	_ =	shalt  }
0x5d: {  	_ =	shalt  }
0x5e: {  	_ =	shalt  }
0x5f: {  	_ =	shalt  }
0x60: {  	_ =	shalt  }
0x61: {  	_ =	shalt  }
0x62: {  	_ =	shalt  }
0x63: {  	_ =	shalt  }
0x64: {  	_ =	shalt  }
0x65: {  	_ =	shalt  }
0x66: {  	_ =	shalt  }
0x67: {  	_ =	shalt  }
0x68: {  	_ =	shalt  }
0x69: {  	_ =	shalt  }
0x6a: {  	_ =	shalt  }
0x6b: {  	_ =	shalt  }
0x6c: {  	_ =	shalt  }
0x6d: {  	_ =	shalt  }
0x6e: {  	_ =	shalt  }
0x6f: {  	_ =	shalt  }
0x70: {  	_ =	shalt  }
0x71: {  	_ =	shalt  }
0x72: {  	_ =	shalt  }
0x73: {  	_ =	shalt  }
0x74: {  	_ =	shalt  }
0x75: {  	_ =	shalt  }
0x76: {  	_ =	shalt  }
0x77: {  	_ =	shalt  }
0x78: {  	_ =	shalt  }
0x79: {  	_ =	shalt  }
0x7a: {  	_ =	shalt  }
0x7b: {  	_ =	shalt  }
0x7c: {  	_ =	shalt  }
0x7d: {  	_ =	shalt  }
0x7e: {  	_ =	shalt  }
0x7f: {  	_ =	shalt  }
0x80: {  	_ =	shalt  }
0x81: {  	_ =	shalt  }
0x82: {  	_ =	shalt  }
0x83: {  	_ =	shalt  }
0x84: {  	_ =	shalt  }
0x85: {  	_ =	shalt  }
0x86: {  	_ =	shalt  }
0x87: {  	_ =	shalt  }
.Lfunc_end0:
.L_simem_size_0:
called_computation_lowered:
.L_overlay_start_0:
0x88: {  	s2 =	sld [smem:$0x3FD9]  }
0x89: {  	s3 =	sld [smem:$0x3FFE];
	_ =	sdelay $0x1  }
0x8a: {  	s1 =	srdreg.scid  }
0x8b: {  	s0 =	sand.u32 $0x1, s1  }
0x8c: {  	s16 =	sshll.u32 s0, $0xA;
	s2 =	sadd.s32 s3, s2  }
0x8d: {  	s2 =	sadd.s32 s2, s16  }
0x8e: {  	[smem:$0x3FBB] =	sst s2  }
0x8f: {  	_ = 	snop  }
0x90: {  	(tm) =	ssettm $0x1  }
0x91: {  	s17 =	sld [smem:$0x3FFB];
	_ =	sdelay $0x3  }
0x92: {  	_ =	strace s17  }
0x93: {  	s2 =	sld [smem:$0x3FFC];
	_ =	sdelay $0x3  }
0x94: {  	_ =	strace s2  }
0x95: {  	s2 =	sld [smem:$0x3FFD];
	_ =	sdelay $0x3  }
0x96: {  	_ =	strace s2  }
0x97: {  	_ =	strace $0x8FFFFFFF  }
0x98: {  	s18 =	sld [smem:$0x3FDB];
	_ =	sdelay $0x1  }
0x99: {  	s19 =	simm.s32 $_scs_section_size  }
0x9a: {  	s4 =	simm.s32 $_size__tile_overlayer_lowered;
	s5 =	simm.s32 $_tile_overlayer_lowered  }
0x9b: {  	s22 =	simm.s32 $0x1BFF;
	s21 =	sshll.u32 s5, $0x1;
	s2 =	sadd.s32 s19, s18  }
0x9c: {  	s6 =	simm.s32 $0x0;
	s20 =	sshll.u32 s4, $0x1;
	s4 =	sadd.s32 s21, s2  }
0x9d: {  	[timem:s6], [sflag:s22] =	dma.local [hbm:s4], s20  }
0x9e: {  	_ =	swait.ge [sflag:s22], s20  }
0x9f: {  	s3 =	ssub.s32 $0x0, s20;
	[sflag:s22] =	ssyncset.done $0x0  }
0xa0: {  	[sflag:s22] =	ssyncadd.s32 s3;
	_ =	sdelay $0x1  }
0xa1: {  	s23 =	simm.s32 $0x1B8B  }
0xa2: {  	_ =	swait.ge [sflag:s23], $0x1  }
0xa3: {  	[sflag:s23] =	ssyncset.done $0x0  }
0xa4: {  	s25 =	simm.s32 $0x1B8E;
	s24 =	sld [smem:$0x3FFE];
	[sflag:s23] =	ssyncadd.s32 $0xFFFFFFFF  }
0xa5: {  	s26 =	simm.s32 $execute0_lowered;
	[smem:$0x3FD2] =	sst s25  }
0xa6: {  	s4 =	sshll.u32 s26, $0x1;
	_ =	strace $0x80000046;
	[dreg:$0x1] =	wrdreg $0xFFFFFFFF  }
0xa7: {  	s28 =	simm.s32 $_size_execute0_lowered;
	s2 =	sadd.s32 s2, s4;
	[dreg:$0x0] =	wrdreg $0x0  }
0xa8: {  	s4 =	sshll.u32 s28, $0x1;
	[dreg:$0x2] =	wrdreg s2  }
0xa9: {  	[dreg:$0x3] =	wrdreg s4  }
0xaa: {  	[dreg:$0x4] =	wrdreg $0xC0  }
0xab: {  	_ =	task [dreg:s6], $0x5FFFF  }
0xac: {  	[dreg:$0x1] =	wrdreg $0xFFFFFFFF  }
0xad: {  	[dreg:$0x0] =	wrdreg $0x60  }
0xae: {  	[dreg:$0x2] =	wrdreg s24  }
0xaf: {  	[dreg:$0x3] =	wrdreg $0x0  }
0xb0: {  	[dreg:$0x4] =	wrdreg $0x9  }
0xb1: {  	_ =	task.clear_ibuf [dreg:s6], $0x5FFFF;
	_ =	strace $0x90000046  }
0xb2: {  	s29 =	simm.s32 $0x9;
	_ =	strace $0x80000048  }
0xb3: {  	_ =	swait.ge [sflag:s29], $0x1  }
0xb4: {  	[sflag:s29] =	ssyncadd.s32 $0xFFFFFFFF  }
0xb5: {  	_ =	strace $0x90000048  }
0xb6: {  	_ =	sfence  }
0xb7: {  	s30 =	sld [smem:$0x0];
	_ =	sdelay $0x2  }
0xb8: {  	s31 =	sshll.u32 s1, $0xD;
	s1 =	sshrl.u32 s1, $0x2  }
0xb9: {  	s3 =	sand.u32 $0x4000, s31;
	s1 =	sadd.s32 s1, s30  }
0xba: {  	s0 =	sor.u32 s3, s0;
	s1 =	sshll.u32 s1, $0x11  }
0xbb: {  	s0 =	sor.u32 s1, s0  }
0xbc: {  	s0 =	sadd.s32 $0x8F2B, s0  }
0xbd: {  	[sflag:s0] =	ssyncadd.remote.s32 $0x1  }
0xbe: {  	_ =	sfence.sel $0xFFFF  }
0xbf: {  	[dreg:$0x0] =	wrdreg $0xFFFFFFFF;
	(pc) =	sbr.abs _section_cstart, $3  }
0xc0: {  	[dreg:$0x1] =	wrdreg $0xFFFFFFFF  }
0xc1: {  	_ =	task.clear_ibuf [dreg:s6], $0x2FFFF;
	_ =	strace $0x9FFFFFFF  }
0xc2: {  	(tm) =	ssettm $0x7FFFFFFF  }
0xc3: {  	_ =	shalt  }
tec
execute0_lowered:
.L_overlay_start_1:
0x0: {  	(tag) =	ssettag $0x1  }
0x1: {  	s1 =	srdreg.scid;
	s5 =	rddreg [dreg:$0x0]  }
0x2: {  	s0 =	stileid.u32;
	s2 =	rddreg [dreg:$0x1]  }
0x3: {  	s3 =	simm.s32 $0x0;
	s13 =	simm.s32 $0x1;
	s7 =	smul.u32 $0x280, s0  }
0x4: {  	s14 =	simm.s32 $0x50;
	s6 =	sand.u32 $0x1, s1;
	s10 =	smul.u32 $0x2710, s0  }
0x5: {  	s16 =	simm.s32 $0x4;
	s1 =	rddreg [dreg:$0x2];
	s4 =	smul.u32 $0x2800, s6  }
0x6: {  	s17 =	simm.s32 $0x0;
	[smem:$0x7FF] =	sst s3;
	s8 =	smul.u32 $0x27100, s6  }
0x7: {  	_ =	strace $0x80000047;
	s30 =	ssub.s32 $0x2, s6;
	s12 =	scvt.s32.f32 s6  }
0x8: {  	s31 =	sshrl.u32 s30, $0x1;
	s9 =	sadd.s32 s7, s4;
	s4 =	sadd.s32 $0x4800, s5  }
0x9: {  	s10 =	sadd.s32 s10, s8;
	s8 =	ssub.s32 s30, s31;
	s15 =	ssub.f32 $1.000000000e+00, s12  }
0xa: {  	v0 =	vmov s12;
	s12 =	simm.s32 $0x280;
	s9 =	sshrl.u32 s9, $0x3;
	s11 =	sshrl.u32 s10, $0x3  }
0xb: {  	s8 =	smax.u32 s8, $0x1;
	s9 =	sadd.s32 s9, s5;
	s5 =	sadd.s32 s7, s2  }
0xc: {  	s6 =	sadd.s32 s4, s11;
	s11 =	simm.s32 $0x3;
	v1 =	vmov s15;
	s15 =	simm.s32 $0x380  }
0xd: {  	v2 =	vimm.f32 $0.0e+00;
	v3 =	vimm.f32 $1.000000000e+00;
	s7 =	sadd.s32 $0xE600, s9;
	s9 =	sadd.s32 $0x50, s10;
	s10 =	simm.s32 $0x400  }
.LBB2_1:
0xe: {  	[tilespmem:$0x400] =	vst v2  }
0xf: {  	[tilespmem:$0x410] =	vst v2  }
0x10: {  	[tilespmem:$0x420] =	vst v2  }
0x11: {  	[tilespmem:$0x430] =	vst v2  }
0x12: {  	[tilespmem:$0x440] =	vst v2  }
0x13: {  	[tilespmem:$0x450] =	vst v2  }
0x14: {  	[tilespmem:$0x460] =	vst v2  }
0x15: {  	[tilespmem:$0x470] =	vst v2  }
0x16: {  	[tilespmem:$0x480] =	vst v2  }
0x17: {  	[tilespmem:$0x490] =	vst v2  }
0x18: {  	[tilespmem:$0x4A0] =	vst v2  }
0x19: {  	[tilespmem:$0x4B0] =	vst v2  }
0x1a: {  	[tilespmem:$0x4C0] =	vst v2  }
0x1b: {  	[tilespmem:$0x4D0] =	vst v2  }
0x1c: {  	[tilespmem:$0x4E0] =	vst v2  }
0x1d: {  	[tilespmem:$0x4F0] =	vst v2  }
0x1e: {  	[tilespmem:$0x500] =	vst v2  }
0x1f: {  	[tilespmem:$0x510] =	vst v2  }
0x20: {  	[tilespmem:$0x520] =	vst v2  }
0x21: {  	[tilespmem:$0x530] =	vst v2  }
0x22: {  	[tilespmem:$0x540] =	vst v2  }
0x23: {  	[tilespmem:$0x550] =	vst v2  }
0x24: {  	[tilespmem:$0x560] =	vst v2  }
0x25: {  	[tilespmem:$0x570] =	vst v2  }
0x26: {  	[tilespmem:$0x580] =	vst v2  }
0x27: {  	[tilespmem:$0x590] =	vst v2  }
0x28: {  	[tilespmem:$0x5A0] =	vst v2  }
0x29: {  	[tilespmem:$0x5B0] =	vst v2  }
0x2a: {  	[tilespmem:$0x5C0] =	vst v2  }
0x2b: {  	[tilespmem:$0x5D0] =	vst v2  }
0x2c: {  	[tilespmem:$0x5E0] =	vst v2  }
0x2d: {  	[tilespmem:$0x5F0] =	vst v2  }
0x2e: {  	[tilespmem:$0x600] =	vst v2  }
0x2f: {  	[tilespmem:$0x610] =	vst v2  }
0x30: {  	[tilespmem:$0x620] =	vst v2  }
0x31: {  	[tilespmem:$0x630] =	vst v2  }
0x32: {  	[tilespmem:$0x640] =	vst v2  }
0x33: {  	[tilespmem:$0x650] =	vst v2  }
0x34: {  	[tilespmem:$0x660] =	vst v2  }
0x35: {  	[tilespmem:$0x670] =	vst v2  }
0x36: {  	[spmem:s5] =	stream.linear.scatter [tilespmem:s10], [sflag:$0x3], $0x280, $0x38;
	[tilespmem:$0x680] =	vst v63  }
0x37: {  	_ =	swait.ge [sflag:s11], $0x280  }
0x38: {  	[sflag:s11] =	ssyncset.done $0x0  }
0x39: {  	[sflag:s11] =	ssyncadd.s32 $0xFFFFFD80  }
0x3a: {  	[tilespmem:$0x380] =	vst v3  }
0x3b: {  	[tilespmem:$0x390] =	vst v3  }
0x3c: {  	s18 =	simm.s32 $0x1;
	s19 =	sand.u32 $0x1, s3;
	[tilespmem:$0x3A0] =	vst v3  }
0x3d: {  	s20 =	sand.u32 $0x1, s18;
	p1 =	seq.s32 s19, $0x0;
	[tilespmem:$0x3B0] =	vst v3  }
0x3e: {  	p0 =	seq.s32 s19, $0x1;
	p2 =	seq.s32 s20, $0x0;
	s20 =	sshrl.u32 @!p1 s9, $0x3;
	[tilespmem:$0x3C0] =	vst v3  }
0x3f: {  	s21 =	simm.s32 @!p1 $0x280;
	s22 =	sshrl.u32 @!p2 s9, $0x3;
	[bflag:$0x0] =	sbarrier.arrive $0xFFFF  }
0x40: {  	[tilespmem:s12], [sflag:$0x1] =	stream.linear.gather [hbm4b:s6+s3], $0x50, $0x38;
	[tilespmem:$0x680] =	vst v63  }
0x41: {  	s23 =	simm.s32 @!p2 $0x0;
	s24 =	simm.s32 @!p2 $0x300;
	s22 =	sadd.s32 @!p2 s4, s22  }
0x42: {  	[tilespmem:s24], [sflag:$0x2] =	stream.linear.gather @!p2 [hbm4b:s22+s23], $0x50, $0x38;
	[tilespmem:$0x680] =	vst v63  }
0x43: {  	s19 =	sadd.s32 @!p1 s4, s20;
	s20 =	simm.s32 @!p1 $0x0;
	s22 =	simm.s32 @p0 $0x2  }
0x44: {  	[tilespmem:s21], [sflag:$0x1] =	stream.linear.gather @!p1 [hbm4b:s19+s20], $0x50, $0x38;
	[tilespmem:$0x680] =	vst v63  }
0x45: {  	_ =	swait.ge @p0 [sflag:s22], $0x50  }
0x46: {  	s19 =	simm.s32 @p0 $0x380;
	s20 =	simm.s32 @!p0 $0x1;
	[sflag:s22] =	ssyncset.done @p0 $0x0  }
0x47: {  	s21 =	simm.s32 @p0 $0x50;
	[sflag:s22] =	ssyncadd.s32 @p0 $0xFFFFFFB0;
	s22 =	simm.s32 @p0 $0x300  }
0x48: {  	[spmem:s2] =	stream.indirect.scatter.add.f32 @p0 [tilespmem:s19], [sflag:$0x3], $0x1, s22, s21, $0xb8;
	[tilespmem:$0x680] =	vst v63  }
0x49: {  	s19 =	simm.s32 @!p0 $0x4;
	_ =	swait.ge @!p0 [sflag:s20], $0x50  }
0x4a: {  	s21 =	simm.s32 @!p0 $0x380;
	s22 =	simm.s32 @!p0 $0x280;
	[sflag:s20] =	ssyncset.done @!p0 $0x0  }
0x4b: {  	s19 =	simm.s32 @p0 $0x3;
	[sflag:s20] =	ssyncadd.s32 @!p0 $0xFFFFFFB0;
	s20 =	simm.s32 @!p0 $0x50  }
0x4c: {  	[spmem:s2] =	stream.indirect.scatter.add.f32 @!p0 [tilespmem:s21], [sflag:$0x4], $0x1, s22, s20, $0xb8;
	[tilespmem:$0x680] =	vst v63  }
0x4d: {  	s20 =	smov.u32 s9;
	_ =	swait.ge [sflag:s19], $0x50  }
.LBB2_2:
0x4e: {  	s21 =	sand.u32 $0x1, s18;
	s18 =	sadd.s32 $0x1, s18;
	s20 =	sadd.s32 $0x50, s20  }
0x4f: {  	s22 =	sand.u32 $0x1, s18;
	p1 =	seq.s32 s21, $0x0;
	[sflag:s19] =	ssyncset.done $0x0  }
0x50: {  	p2 =	seq.s32 s22, $0x0;
	s22 =	sshrl.u32 @!p1 s20, $0x3;
	s23 =	simm.s32 @!p1 $0x280  }
0x51: {  	s24 =	sshrl.u32 @!p2 s20, $0x3;
	s25 =	simm.s32 @!p2 $0x0;
	s26 =	simm.s32 @!p2 $0x300  }
0x52: {  	p0 =	seq.s32 s21, $0x1;
	s24 =	sadd.s32 @!p2 s4, s24;
	[sflag:s19] =	ssyncadd.s32 $0xFFFFFFB0  }
0x53: {  	[tilespmem:s26], [sflag:$0x2] =	stream.linear.gather @!p2 [hbm4b:s24+s25], $0x50, $0x38;
	[tilespmem:$0x680] =	vst v63  }
0x54: {  	s21 =	simm.s32 @!p1 $0x0;
	s19 =	sadd.s32 @!p1 s4, s22;
	s22 =	simm.s32 @p0 $0x2  }
0x55: {  	[tilespmem:s23], [sflag:$0x1] =	stream.linear.gather @!p1 [hbm4b:s19+s21], $0x50, $0x38;
	[tilespmem:$0x680] =	vst v63  }
0x56: {  	s19 =	simm.s32 @!p0 $0x4;
	p1 =	sne.s32 s18, $0x7C;
	_ =	swait.ge @p0 [sflag:s22], $0x50  }
0x57: {  	s21 =	simm.s32 @p0 $0x380;
	s23 =	simm.s32 @!p0 $0x1;
	[sflag:s22] =	ssyncset.done @p0 $0x0  }
0x58: {  	s24 =	simm.s32 @p0 $0x300;
	[sflag:s22] =	ssyncadd.s32 @p0 $0xFFFFFFB0;
	s22 =	simm.s32 @p0 $0x50  }
0x59: {  	[spmem:s2] =	stream.indirect.scatter.add.f32 @p0 [tilespmem:s21], [sflag:$0x3], $0x1, s24, s22, $0xb8;
	[tilespmem:$0x680] =	vst v63  }
.Ltmp0:
0x5a: {  	_ =	swait.ge @!p0 [sflag:s23], $0x50;
	(pc) =	sbr.rel @p1 .LBB2_2-.Ltmp0, $4  }
0x5b: {  	s19 =	simm.s32 @p0 $0x3;
	s21 =	simm.s32 @!p0 $0x380;
	[sflag:s23] =	ssyncset.done @!p0 $0x0  }
0x5c: {  	s22 =	simm.s32 @!p0 $0x50;
	[sflag:s23] =	ssyncadd.s32 @!p0 $0xFFFFFFB0;
	s23 =	simm.s32 @!p0 $0x280  }
0x5d: {  	[spmem:s2] =	stream.indirect.scatter.add.f32 @!p0 [tilespmem:s21], [sflag:$0x4], $0x1, s23, s22, $0xb8;
	[tilespmem:$0x680] =	vst v63  }
0x5e: {  	_ =	swait.ge [sflag:s19], $0x50  }
0x5f: {  	[sflag:s19] =	ssyncset.done $0x0  }
0x60: {  	[sflag:s19] =	ssyncadd.s32 $0xFFFFFFB0  }
0x61: {  	_ =	swait.ge [sflag:s13], $0x50  }
0x62: {  	[sflag:s13] =	ssyncset.done $0x0  }
0x63: {  	[sflag:s13] =	ssyncadd.s32 $0xFFFFFFB0  }
0x64: {  	[spmem:s2] =	stream.indirect.scatter.add.f32 [tilespmem:s15], [sflag:$0x4], $0x1, s12, s14, $0xb8;
	[tilespmem:$0x680] =	vst v63  }
0x65: {  	_ =	swait.ge [sflag:s16], $0x50  }
0x66: {  	[sflag:s16] =	ssyncset.done $0x0  }
0x67: {  	[sflag:s16] =	ssyncadd.s32 $0xFFFFFFB0  }
0x68: {  	[bflag:$0x0] =	sbarrier.arrive $0xFFFF  }
0x69: {  	[tilespmem:s10], [sflag:$0x3] =	stream.linear.gather [spmem:s5], $0x280, $0x38;
	[tilespmem:$0x680] =	vst v63  }
0x6a: {  	_ =	swait.ge [sflag:s11], $0x280  }
0x6b: {  	[sflag:s11] =	ssyncset.done $0x0  }
0x6c: {  	s18 =	simm.s32 $0x0;
	s19 =	simm.s32 $0x40;
	[sflag:s11] =	ssyncadd.s32 $0xFFFFFD80  }
.LBB2_4:
0x6d: {  	p0 =	sne.s32 s19, $0x9C0;
	v4 =	vld [tilespmem:s18+$0x400];
	_ =	sdelay $0x4  }
0x6e: {  	v5 =	vshrl.u32 v4, $0x1;
	v6 =	vmul.f32 $5.000000000e-01, v4  }
0x6f: {  	v5 =	vsub.s32 $0x5F3759DF, v5  }
0x70: {  	v7 =	vmul.f32 v5, v6;
	_ =	sdelay $0x1  }
0x71: {  	v7 =	vmul.f32 v5, v7;
	_ =	sdelay $0x1  }
0x72: {  	v7 =	vsub.f32 $1.500000000e+00, v7;
	_ =	sdelay $0x1  }
0x73: {  	v5 =	vmul.f32 v5, v7;
	_ =	sdelay $0x1  }
0x74: {  	v7 =	vmul.f32 v5, v6;
	_ =	sdelay $0x1  }
0x75: {  	v7 =	vmul.f32 v7, v5;
	_ =	sdelay $0x1  }
0x76: {  	v7 =	vsub.f32 $1.500000000e+00, v7;
	_ =	sdelay $0x1  }
0x77: {  	v5 =	vmul.f32 v7, v5;
	_ =	sdelay $0x1  }
0x78: {  	v6 =	vmul.f32 v5, v6;
	_ =	sdelay $0x1  }
0x79: {  	v6 =	vmul.f32 v6, v5;
	_ =	sdelay $0x1  }
0x7a: {  	v6 =	vsub.f32 $1.500000000e+00, v6;
	_ =	sdelay $0x1  }
0x7b: {  	v5 =	vmul.f32 v6, v5;
	_ =	sdelay $0x1  }
0x7c: {  	v6 =	vmul.f32 v5, v0;
	_ =	sdelay $0x1  }
0x7d: {  	v6 =	vmul.f32 v6, v5;
	_ =	sdelay $0x1  }
0x7e: {  	v6 =	vadd.f32 v6, v1  }
.Ltmp1:
0x7f: {  	(pc) =	sbr.rel @p0 .LBB2_4-.Ltmp1, $4  }
0x80: {  	v5 =	vmul.f32 v6, v5  }
0x81: {  	vm0 =	vgt.f32 v4, $0.0e+00  }
0x82: {  	v4 =	vnsel vm0, $0x0, v5  }
0x83: {  	[tilespmem:s18+$0x400] =	vst v4;
	s18 =	sshra.s32 s19, $0x2;
	s19 =	sadd.s32 $0x40, s19  }
0x84: {  	v4 =	vld [tilespmem:s18+$0x400];
	_ =	sdelay $0x4  }
0x85: {  	v5 =	vshrl.u32 v4, $0x1;
	v6 =	vmul.f32 $5.000000000e-01, v4  }
0x86: {  	v5 =	vsub.s32 $0x5F3759DF, v5  }
0x87: {  	v7 =	vmul.f32 v5, v6;
	_ =	sdelay $0x1  }
0x88: {  	v7 =	vmul.f32 v5, v7;
	_ =	sdelay $0x1  }
0x89: {  	v7 =	vsub.f32 $1.500000000e+00, v7;
	_ =	sdelay $0x1  }
0x8a: {  	v5 =	vmul.f32 v5, v7;
	_ =	sdelay $0x1  }
0x8b: {  	v7 =	vmul.f32 v5, v6;
	_ =	sdelay $0x1  }
0x8c: {  	v7 =	vmul.f32 v7, v5;
	_ =	sdelay $0x1  }
0x8d: {  	v7 =	vsub.f32 $1.500000000e+00, v7;
	_ =	sdelay $0x1  }
0x8e: {  	v5 =	vmul.f32 v7, v5;
	_ =	sdelay $0x1  }
0x8f: {  	v6 =	vmul.f32 v5, v6;
	_ =	sdelay $0x1  }
0x90: {  	v6 =	vmul.f32 v6, v5;
	_ =	sdelay $0x1  }
0x91: {  	v6 =	vsub.f32 $1.500000000e+00, v6;
	_ =	sdelay $0x1  }
0x92: {  	v5 =	vmul.f32 v6, v5;
	_ =	sdelay $0x1  }
0x93: {  	v6 =	vmul.f32 v5, v0;
	_ =	sdelay $0x1  }
0x94: {  	v6 =	vmul.f32 v6, v5;
	_ =	sdelay $0x1  }
0x95: {  	v6 =	vadd.f32 v6, v1;
	_ =	sdelay $0x1  }
0x96: {  	v5 =	vmul.f32 v6, v5  }
0x97: {  	s17 =	sadd.s32 $0x1, s17;
	vm0 =	vgt.f32 v4, $0.0e+00  }
0x98: {  	p0 =	sne.s32 s17, s8;
	v4 =	vnsel vm0, $0x0, v5  }
.Ltmp2:
0x99: {  	[tilespmem:s18+$0x400] =	vst v4;
	(pc) =	sbr.rel @p0 .LBB2_1-.Ltmp2, $4  }
0x9a: {  	[hbm4b:s7+s3] =	stream.linear.scatter [tilespmem:s10], [sflag:$0x3], $0x280, $0x38;
	[tilespmem:$0x680] =	vst v63  }
0x9b: {  	_ =	swait.ge [sflag:s11], $0x280  }
0x9c: {  	[sflag:s11] =	ssyncset.done $0x0  }
0x9d: {  	[sflag:s11] =	ssyncadd.s32 $0xFFFFFD80  }
0x9e: {  	_ =	sfence.sel $0x180000  }
0x9f: {  	[bflag:$0x0] =	sbarrier.arrive $0xFFFF  }
0xa0: {  	p0 =	sne.s32 s0, $0x0;
	_ =	strace $0x90000047  }
0xa1: {  	s0 =	sadd.s32 @!p0 $0x100000, s1;
	[bflag:$0x2] =	sbarrier.arrive $0xFFFF  }
0xa2: {  	[sflag:s0] =	ssyncadd.tile.s32 @!p0 $0x1;
	_ =	shalt  }
.Lfunc_end2:
_tile_overlayer_lowered:
.L_overlay_start_2:
0xa3: {  	(tag) =	ssettag $0x2  }
0xa4: {  	s0 =	rddreg [dreg:$0x0];
	s2 =	stileid.u32  }
0xa5: {  	s1 =	rddreg [dreg:$0x1];
	p0 =	sne.s32 s2, $0x0  }
0xa6: {  	s3 =	rddreg [dreg:$0x2];
	[bflag:$0x3] =	sbarrier.arrive $0xFFFF;
	s2 =	simm.s32 @!p0 $0x1C03  }
0xa7: {  	[timem:s3], [sflag:s2] =	dma.local @!p0 [hbm:s0], s1  }
0xa8: {  	s0 =	simm.s32 @!p0 $0x3  }
0xa9: {  	_ =	swait.ge @!p0 [sflag:s0], s1  }
0xaa: {  	s1 =	ssub.s32 @!p0 $0x0, s1;
	[sflag:s0] =	ssyncset.done @!p0 $0x0  }
0xab: {  	[sflag:s0] =	ssyncadd.s32 @!p0 s1  }
0xac: {  	[bflag:$0x3] =	sbarrier.arrive $0xFFFF  }
0xad: {  	_ =	shalt  }

// kernel: kernel.16.cloned.1.call-start
scs
__scs_entry_jumppad:
0x0: {  	(pc) =	sbr.rel $0x88, $3  }
0x1: {  	(tag) =	ssettag $0x0;
	lr =	simm.s32 $0x1  }
0x2: {  	[smem:$0x3F94] =	sst lr;
	_ =	strace $0xD0000000  }
0x3: {  	_ = 	snop  }
0x4: {  	_ = 	snop  }
0x5: {  	_ = 	snop  }
0x6: {  	_ = 	snop  }
0x7: {  	_ = 	snop  }
__scs_overlays_trampoline_lowered:
0x8: {  	[smem:$0x3FA3] =	sst s0  }
0x9: {  	[smem:$0x3FA4] =	sst s1  }
0xa: {  	[smem:$0x3FA5] =	sst s2  }
0xb: {  	[smem:$0x3FA6] =	sst s3  }
0xc: {  	[smem:$0x3FA7] =	sst s4  }
0xd: {  	[smem:$0x3FA8] =	sst s5  }
0xe: {  	[smem:$0x3FA9] =	sst s6  }
0xf: {  	[smem:$0x3FAA] =	sst s7  }
0x10: {  	[smem:$0x3FAB] =	sst s8  }
0x11: {  	[smem:$0x3FAC] =	sst s9;
	s0 =	simm.s32 @!p0 $0x0  }
0x12: {  	s1 =	sld [smem:$0x3F92];
	s0 =	simm.s32 @p0 $0x1  }
0x13: {  	[smem:$0x3FAD] =	sst s0;
	s0 =	simm.s32 @!p1 $0x0  }
0x14: {  	s2 =	sld [smem:$0x3F91];
	s0 =	simm.s32 @p1 $0x1  }
0x15: {  	[smem:$0x3FAE] =	sst s0;
	s0 =	simm.s32 @!p2 $0x0  }
0x16: {  	s3 =	sld [smem:$0x3FDB];
	s0 =	simm.s32 @p2 $0x1  }
0x17: {  	s4 =	simm.s32 $0x1BF5;
	[smem:$0x3FB0] =	sst s0  }
0x18: {  	s0 =	sld [smem:$0x3F93];
	_ =	swait.ge [sflag:s4], $0x0  }
0x19: {  	s7 =	sld [smem:$0x3F94]  }
0x1a: {  	s8 =	sadd.s32 $0xFFFFE003, lr  }
0x1b: {  	s9 =	sadd.s32 $0xFFFFFEF7, lr;
	s5 =	simm.s32 $0xFFFFFFFF;
	p2 =	slt.u32 s8, $0xFFFFF086  }
0x1c: {  	p1 =	slt.u32 s9, $0xF7A;
	s5 =	simm.s32 @!p2 $0x0  }
0x1d: {  	s5 =	simm.s32 @p1 $0x1;
	p0 =	seq.s32 s7, s2  }
0x1e: {  	s7 =	smul.u32 @!p0 $0xF7A, s2;
	p2 =	seq.s32 @!p0 s5, $0x0  }
0x1f: {  	s9 =	smul.u32 $0xF7A, s1;
	s8 =	simm.s32 @!p0 $0x1BF5;
	p2 =	por !p2, p0  }
0x20: {  	[sflag:s8] =	ssyncset.s32 @!p0 $0xFFFFF086;
	s6 =	sadd.s32 @!p0 s3, s7;
	s7 =	simm.s32 @!p0 $0x108  }
0x21: {  	s3 =	sadd.s32 s3, s9;
	s6 =	sadd.s32 @!p0 $0x88, s6;
	s7 =	simm.s32 @p2 $0x1082  }
0x22: {  	[simem:s7], [sflag:s8] =	dma.local @!p0 [hbm:s6], $0xF7A  }
0x23: {  	s9 =	sor.u32 $0xD0000000, s2;
	s6 =	simm.s32 $0x108;
	_ =	swait.ge @!p0 [sflag:s8], $0x0  }
0x24: {  	s3 =	sadd.s32 $0x88, s3;
	s6 =	simm.s32 @!p1 $0x1082;
	[sflag:s4] =	ssyncset.s32 $0xFFFFF086  }
0x25: {  	[simem:s6], [sflag:s4] =	dma.local [hbm:s3], $0xF7A  }
0x26: {  	[smem:$0x3F94] =	sst s1;
	(tag) =	ssettag s2;
	_ =	strace s9  }
0x27: {  	s1 =	sld [smem:$0x3FA4]  }
0x28: {  	s2 =	sld [smem:$0x3FA5]  }
0x29: {  	s4 =	sld [smem:$0x3FA7]  }
0x2a: {  	p0 =	seq.s32 s5, $0x0;
	s5 =	sld [smem:$0x3FA8]  }
0x2b: {  	s6 =	sld [smem:$0x3FA9]  }
0x2c: {  	s7 =	sld [smem:$0x3FAA]  }
0x2d: {  	s3 =	simm.s32 $0x108;
	s8 =	sld [smem:$0x3FAB]  }
0x2e: {  	s3 =	simm.s32 @!p0 $0x1082;
	s9 =	sld [smem:$0x3FAC]  }
0x2f: {  	lr =	sadd.s32 s0, s3;
	s0 =	sld [smem:$0x3FA3]  }
0x30: {  	s3 =	sld [smem:$0x3FA6]  }
0x31: {  	[smem:$0x3FAF] =	sst s10  }
0x32: {  	s10 =	sld [smem:$0x3FAD];
	_ =	sdelay $0x3  }
0x33: {  	p0 =	seq.s32 s10, $0x1;
	s10 =	sld [smem:$0x3FAF];
	_ =	sdelay $0x3  }
0x34: {  	[smem:$0x3FAF] =	sst s10  }
0x35: {  	s10 =	sld [smem:$0x3FAE];
	_ =	sdelay $0x3  }
0x36: {  	p1 =	seq.s32 s10, $0x1;
	s10 =	sld [smem:$0x3FAF];
	_ =	sdelay $0x3  }
0x37: {  	[smem:$0x3FAF] =	sst s10  }
0x38: {  	s10 =	sld [smem:$0x3FB0]  }
0x39: {  	_ = 	snop;
	(pc) =	sbr.ind lr, $3  }
0x3a: {  	_ = 	snop  }
0x3b: {  	_ = 	snop  }
0x3c: {  	p2 =	seq.s32 s10, $0x1;
	s10 =	sld [smem:$0x3FAF]  }
0x3d: {  	_ =	shalt  }
0x3e: {  	_ =	shalt  }
0x3f: {  	_ =	shalt  }
0x40: {  	_ =	shalt  }
0x41: {  	_ =	shalt  }
0x42: {  	_ =	shalt  }
0x43: {  	_ =	shalt  }
0x44: {  	_ =	shalt  }
0x45: {  	_ =	shalt  }
0x46: {  	_ =	shalt  }
0x47: {  	_ =	shalt  }
0x48: {  	_ =	shalt  }
0x49: {  	_ =	shalt  }
0x4a: {  	_ =	shalt  }
0x4b: {  	_ =	shalt  }
0x4c: {  	_ =	shalt  }
0x4d: {  	_ =	shalt  }
0x4e: {  	_ =	shalt  }
0x4f: {  	_ =	shalt  }
0x50: {  	_ =	shalt  }
0x51: {  	_ =	shalt  }
0x52: {  	_ =	shalt  }
0x53: {  	_ =	shalt  }
0x54: {  	_ =	shalt  }
0x55: {  	_ =	shalt  }
0x56: {  	_ =	shalt  }
0x57: {  	_ =	shalt  }
0x58: {  	_ =	shalt  }
0x59: {  	_ =	shalt  }
0x5a: {  	_ =	shalt  }
0x5b: {  	_ =	shalt  }
0x5c: {  	_ =	shalt  }
0x5d: {  	_ =	shalt  }
0x5e: {  	_ =	shalt  }
0x5f: {  	_ =	shalt  }
0x60: {  	_ =	shalt  }
0x61: {  	_ =	shalt  }
0x62: {  	_ =	shalt  }
0x63: {  	_ =	shalt  }
0x64: {  	_ =	shalt  }
0x65: {  	_ =	shalt  }
0x66: {  	_ =	shalt  }
0x67: {  	_ =	shalt  }
0x68: {  	_ =	shalt  }
0x69: {  	_ =	shalt  }
0x6a: {  	_ =	shalt  }
0x6b: {  	_ =	shalt  }
0x6c: {  	_ =	shalt  }
0x6d: {  	_ =	shalt  }
0x6e: {  	_ =	shalt  }
0x6f: {  	_ =	shalt  }
0x70: {  	_ =	shalt  }
0x71: {  	_ =	shalt  }
0x72: {  	_ =	shalt  }
0x73: {  	_ =	shalt  }
0x74: {  	_ =	shalt  }
0x75: {  	_ =	shalt  }
0x76: {  	_ =	shalt  }
0x77: {  	_ =	shalt  }
0x78: {  	_ =	shalt  }
0x79: {  	_ =	shalt  }
0x7a: {  	_ =	shalt  }
0x7b: {  	_ =	shalt  }
0x7c: {  	_ =	shalt  }
0x7d: {  	_ =	shalt  }
0x7e: {  	_ =	shalt  }
0x7f: {  	_ =	shalt  }
0x80: {  	_ =	shalt  }
0x81: {  	_ =	shalt  }
0x82: {  	_ =	shalt  }
0x83: {  	_ =	shalt  }
0x84: {  	_ =	shalt  }
0x85: {  	_ =	shalt  }
0x86: {  	_ =	shalt  }
0x87: {  	_ =	shalt  }
.Lfunc_end0:
.L_simem_size_0:
called_computation.1_lowered:
.L_overlay_start_0:
0x88: {  	s2 =	sld [smem:$0x3FD9]  }
0x89: {  	s3 =	sld [smem:$0x3FFE];
	_ =	sdelay $0x1  }
0x8a: {  	s1 =	srdreg.scid  }
0x8b: {  	s0 =	sand.u32 $0x1, s1  }
0x8c: {  	s16 =	sshll.u32 s0, $0xA;
	s2 =	sadd.s32 s3, s2  }
0x8d: {  	s2 =	sadd.s32 s2, s16  }
0x8e: {  	[smem:$0x3FBB] =	sst s2  }
0x8f: {  	_ = 	snop  }
0x90: {  	(tm) =	ssettm $0x1  }
0x91: {  	s17 =	sld [smem:$0x3FFB];
	_ =	sdelay $0x3  }
0x92: {  	_ =	strace s17  }
0x93: {  	s2 =	sld [smem:$0x3FFC];
	_ =	sdelay $0x3  }
0x94: {  	_ =	strace s2  }
0x95: {  	s2 =	sld [smem:$0x3FFD];
	_ =	sdelay $0x3  }
0x96: {  	_ =	strace s2  }
0x97: {  	_ =	strace $0x8FFFFFFF  }
0x98: {  	s18 =	sld [smem:$0x3FDB];
	_ =	sdelay $0x1  }
0x99: {  	s19 =	simm.s32 $_scs_section_size  }
0x9a: {  	s4 =	simm.s32 $_size__tile_overlayer_lowered;
	s5 =	simm.s32 $_tile_overlayer_lowered  }
0x9b: {  	s22 =	simm.s32 $0x1BFF;
	s21 =	sshll.u32 s5, $0x1;
	s2 =	sadd.s32 s19, s18  }
0x9c: {  	s6 =	simm.s32 $0x0;
	s20 =	sshll.u32 s4, $0x1;
	s4 =	sadd.s32 s21, s2  }
0x9d: {  	[timem:s6], [sflag:s22] =	dma.local [hbm:s4], s20  }
0x9e: {  	_ =	swait.ge [sflag:s22], s20  }
0x9f: {  	s3 =	ssub.s32 $0x0, s20;
	[sflag:s22] =	ssyncset.done $0x0  }
0xa0: {  	[sflag:s22] =	ssyncadd.s32 s3;
	_ =	sdelay $0x1  }
0xa1: {  	s23 =	simm.s32 $0x1B8B  }
0xa2: {  	_ =	swait.ge [sflag:s23], $0x1  }
0xa3: {  	[sflag:s23] =	ssyncset.done $0x0  }
0xa4: {  	s25 =	simm.s32 $0x1B8E;
	s24 =	sld [smem:$0x3FFE];
	[sflag:s23] =	ssyncadd.s32 $0xFFFFFFFF  }
0xa5: {  	s26 =	simm.s32 $execute0_lowered;
	[smem:$0x3FD2] =	sst s25  }
0xa6: {  	s4 =	sshll.u32 s26, $0x1;
	_ =	strace $0x80000049;
	[dreg:$0x1] =	wrdreg $0xFFFFFFFF  }
0xa7: {  	s28 =	simm.s32 $_size_execute0_lowered;
	s2 =	sadd.s32 s2, s4;
	[dreg:$0x0] =	wrdreg $0x0  }
0xa8: {  	s4 =	sshll.u32 s28, $0x1;
	[dreg:$0x2] =	wrdreg s2  }
0xa9: {  	[dreg:$0x3] =	wrdreg s4  }
0xaa: {  	[dreg:$0x4] =	wrdreg $0xC0  }
0xab: {  	_ =	task [dreg:s6], $0x5FFFF  }
0xac: {  	[dreg:$0x1] =	wrdreg $0xFFFFFFFF  }
0xad: {  	[dreg:$0x0] =	wrdreg $0x60  }
0xae: {  	[dreg:$0x2] =	wrdreg s24  }
0xaf: {  	[dreg:$0x3] =	wrdreg $0x0  }
0xb0: {  	[dreg:$0x4] =	wrdreg $0x9  }
0xb1: {  	_ =	task.clear_ibuf [dreg:s6], $0x5FFFF;
	_ =	strace $0x90000049  }
0xb2: {  	s29 =	simm.s32 $0x9;
	_ =	strace $0x8000004B  }
0xb3: {  	_ =	swait.ge [sflag:s29], $0x1  }
0xb4: {  	[sflag:s29] =	ssyncadd.s32 $0xFFFFFFFF  }
0xb5: {  	_ =	strace $0x9000004B  }
0xb6: {  	_ =	sfence  }
0xb7: {  	s30 =	sld [smem:$0x0];
	_ =	sdelay $0x2  }
0xb8: {  	s31 =	sshll.u32 s1, $0xD;
	s1 =	sshrl.u32 s1, $0x2  }
0xb9: {  	s3 =	sand.u32 $0x4000, s31;
	s1 =	sadd.s32 s1, s30  }
0xba: {  	s0 =	sor.u32 s3, s0;
	s1 =	sshll.u32 s1, $0x11  }
0xbb: {  	s0 =	sor.u32 s1, s0  }
0xbc: {  	s0 =	sadd.s32 $0x8F2B, s0  }
0xbd: {  	[sflag:s0] =	ssyncadd.remote.s32 $0x1  }
0xbe: {  	_ =	sfence.sel $0xFFFF  }
0xbf: {  	[dreg:$0x0] =	wrdreg $0xFFFFFFFF;
	(pc) =	sbr.abs _section_cstart, $3  }
0xc0: {  	[dreg:$0x1] =	wrdreg $0xFFFFFFFF  }
0xc1: {  	_ =	task.clear_ibuf [dreg:s6], $0x2FFFF;
	_ =	strace $0x9FFFFFFF  }
0xc2: {  	(tm) =	ssettm $0x7FFFFFFF  }
0xc3: {  	_ =	shalt  }
tec
execute0_lowered:
.L_overlay_start_1:
0x0: {  	(tag) =	ssettag $0x1  }
0x1: {  	s6 =	rddreg [dreg:$0x0]  }
0x2: {  	s2 =	rddreg [dreg:$0x1];
	s3 =	simm.s32 $0x0;
	s4 =	srdreg.scid  }
0x3: {  	s0 =	stileid.u32;
	s15 =	simm.s32 $0x50;
	s16 =	simm.s32 $0x2B00  }
0x4: {  	s17 =	simm.s32 $0x2A00;
	s18 =	simm.s32 $0x1;
	s8 =	smul.u32 $0x280, s0  }
0x5: {  	s20 =	simm.s32 $0x6;
	s7 =	sand.u32 $0x1, s4;
	s10 =	smul.u32 $0x2710, s0  }
0x6: {  	s21 =	simm.s32 $0x0;
	[smem:$0x7FF] =	sst s3;
	s9 =	smul.u32 $0x2800, s7  }
0x7: {  	s11 =	sxor.u32 $0x1, s7;
	s13 =	ssub.s32 $0x2, s7;
	s7 =	smul.u32 $0x27100, s7  }
0x8: {  	s4 =	sadd.s32 $0x4800, s6;
	s5 =	sadd.s32 $0xE600, s6;
	s12 =	smul.u32 $0x27100, s11  }
0x9: {  	_ =	strace $0x8000004A;
	s29 =	sshrl.u32 s13, $0x1;
	s19 =	smul.u32 $0x2800, s11  }
0xa: {  	s9 =	sadd.s32 s8, s9;
	s13 =	ssub.s32 s13, s29;
	s14 =	sadd.s32 s10, s7  }
0xb: {  	s9 =	sshrl.u32 s9, $0x3;
	s12 =	sadd.s32 s10, s12;
	s31 =	sshrl.u32 s14, $0x3  }
0xc: {  	s10 =	smax.u32 s13, $0x1;
	s11 =	sadd.s32 $0x50, s14;
	s13 =	simm.s32 $0x5  }
0xd: {  	s14 =	simm.s32 $0x280;
	v0 =	vmov s19;
	s19 =	simm.s32 $0x3;
	s9 =	sadd.s32 s9, s6  }
0xe: {  	s30 =	sshrl.u32 s12, $0x3;
	s6 =	sadd.s32 s8, s2;
	s8 =	sadd.s32 s4, s31  }
0xf: {  	v1 =	vimm.f32 $0.0e+00;
	s12 =	simm.s32 $0x2C00;
	s7 =	sadd.s32 s4, s30;
	s9 =	sadd.s32 $0xF000, s9  }
.LBB2_1:
0x10: {  	[tilespmem:$0x2C00] =	vst v1  }
0x11: {  	[tilespmem:$0x2C10] =	vst v1  }
0x12: {  	[tilespmem:$0x2C20] =	vst v1  }
0x13: {  	[tilespmem:$0x2C30] =	vst v1  }
0x14: {  	[tilespmem:$0x2C40] =	vst v1  }
0x15: {  	[tilespmem:$0x2C50] =	vst v1  }
0x16: {  	[tilespmem:$0x2C60] =	vst v1  }
0x17: {  	[tilespmem:$0x2C70] =	vst v1  }
0x18: {  	[tilespmem:$0x2C80] =	vst v1  }
0x19: {  	[tilespmem:$0x2C90] =	vst v1  }
0x1a: {  	[tilespmem:$0x2CA0] =	vst v1  }
0x1b: {  	[tilespmem:$0x2CB0] =	vst v1  }
0x1c: {  	[tilespmem:$0x2CC0] =	vst v1  }
0x1d: {  	[tilespmem:$0x2CD0] =	vst v1  }
0x1e: {  	[tilespmem:$0x2CE0] =	vst v1  }
0x1f: {  	[tilespmem:$0x2CF0] =	vst v1  }
0x20: {  	[tilespmem:$0x2D00] =	vst v1  }
0x21: {  	[tilespmem:$0x2D10] =	vst v1  }
0x22: {  	[tilespmem:$0x2D20] =	vst v1  }
0x23: {  	[tilespmem:$0x2D30] =	vst v1  }
0x24: {  	[tilespmem:$0x2D40] =	vst v1  }
0x25: {  	[tilespmem:$0x2D50] =	vst v1  }
0x26: {  	[tilespmem:$0x2D60] =	vst v1  }
0x27: {  	[tilespmem:$0x2D70] =	vst v1  }
0x28: {  	[tilespmem:$0x2D80] =	vst v1  }
0x29: {  	[tilespmem:$0x2D90] =	vst v1  }
0x2a: {  	[tilespmem:$0x2DA0] =	vst v1  }
0x2b: {  	[tilespmem:$0x2DB0] =	vst v1  }
0x2c: {  	[tilespmem:$0x2DC0] =	vst v1  }
0x2d: {  	[tilespmem:$0x2DD0] =	vst v1  }
0x2e: {  	[tilespmem:$0x2DE0] =	vst v1  }
0x2f: {  	[tilespmem:$0x2DF0] =	vst v1  }
0x30: {  	[tilespmem:$0x2E00] =	vst v1  }
0x31: {  	[tilespmem:$0x2E10] =	vst v1  }
0x32: {  	[tilespmem:$0x2E20] =	vst v1  }
0x33: {  	[tilespmem:$0x2E30] =	vst v1  }
0x34: {  	[tilespmem:$0x2E40] =	vst v1  }
0x35: {  	[tilespmem:$0x2E50] =	vst v1  }
0x36: {  	[tilespmem:$0x2E60] =	vst v1  }
0x37: {  	[tilespmem:$0x2E70] =	vst v1  }
0x38: {  	[spmem:s6] =	stream.linear.scatter [tilespmem:s12], [sflag:$0x5], $0x280, $0x38;
	[tilespmem:$0x2E80] =	vst v63  }
0x39: {  	_ =	swait.ge [sflag:s13], $0x280  }
0x3a: {  	[sflag:s13] =	ssyncset.done $0x0  }
0x3b: {  	[sflag:s13] =	ssyncadd.s32 $0xFFFFFD80  }
0x3c: {  	[tilespmem:s14], [sflag:$0x5] =	stream.linear.gather [hbm4b:s7+s3], $0x2710, $0x38;
	[tilespmem:$0x2E80] =	vst v63  }
0x3d: {  	_ =	swait.ge [sflag:s13], $0x2710  }
0x3e: {  	[sflag:s13] =	ssyncset.done $0x0  }
0x3f: {  	s22 =	simm.s32 $0x0;
	s23 =	simm.s32 $0x40;
	[sflag:s13] =	ssyncadd.s32 $0xFFFFD8F0  }
.LBB2_2:
0x40: {  	p0 =	sne.s32 s23, $0x9C00;
	v2 =	vld [tilespmem:s22+$0x280];
	_ =	sdelay $0x1  }
.Ltmp0:
0x41: {  	(pc) =	sbr.rel @p0 .LBB2_2-.Ltmp0, $3  }
0x42: {  	_ =	sdelay $0x1  }
0x43: {  	v2 =	vadd.s32 v0, v2  }
0x44: {  	[tilespmem:s22+$0x280] =	vst v2;
	s22 =	sshra.s32 s23, $0x2;
	s23 =	sadd.s32 $0x40, s23  }
0x45: {  	v2 =	vld [tilespmem:s22+$0x280];
	_ =	sdelay $0x4  }
0x46: {  	v2 =	vadd.s32 v0, v2  }
0x47: {  	[tilespmem:s22+$0x280] =	vst v2;
	s22 =	simm.s32 $0x1  }
0x48: {  	[bflag:$0x0] =	sbarrier.arrive $0xFFFF;
	s24 =	sand.u32 $0x1, s22  }
0x49: {  	[tilespmem:s16], [sflag:$0x1] =	stream.indirect.gather [hbm4b:s5+s15], $0x1, s14, s15, $0xb8;
	[tilespmem:$0x2E80] =	vst v63  }
0x4a: {  	s23 =	simm.s32 $0x0;
	p0 =	seq.s32 s24, $0x0  }
0x4b: {  	s25 =	simm.s32 $0x2D0;
	s24 =	simm.s32 @!p0 $0x50;
	s26 =	sshrl.u32 @!p0 s11, $0x3  }
0x4c: {  	[tilespmem:s17], [sflag:$0x3] =	stream.linear.gather [hbm4b:s8+s23], $0x50, $0x38;
	[tilespmem:$0x2E80] =	vst v63  }
0x4d: {  	s28 =	simm.s32 @!p0 $0x2B80;
	s29 =	simm.s32 @!p0 $0x0;
	s23 =	sand.u32 $0x1, s23  }
0x4e: {  	[tilespmem:s28], [sflag:$0x2] =	stream.indirect.gather @!p0 [hbm4b:s5+s24], $0x1, s25, s24, $0xb8;
	[tilespmem:$0x2E80] =	vst v63  }
0x4f: {  	s26 =	sadd.s32 @!p0 s4, s26;
	p1 =	seq.s32 s23, $0x0;
	s24 =	simm.s32 @!p0 $0x2A80  }
0x50: {  	[tilespmem:s24], [sflag:$0x4] =	stream.linear.gather @!p0 [hbm4b:s26+s29], $0x50, $0x38;
	[tilespmem:$0x2E80] =	vst v63  }
0x51: {  	s28 =	sshrl.u32 @!p1 s11, $0x3;
	s24 =	simm.s32 @!p1 $0x2B00  }
0x52: {  	s26 =	sadd.s32 @!p1 s4, s28;
	s28 =	simm.s32 @!p1 $0x50;
	p0 =	seq.s32 s23, $0x1  }
0x53: {  	[tilespmem:s24], [sflag:$0x1] =	stream.indirect.gather @!p1 [hbm4b:s5+s28], $0x1, s25, s28, $0xb8;
	[tilespmem:$0x2E80] =	vst v63  }
0x54: {  	s23 =	simm.s32 @p0 $0x2;
	s24 =	simm.s32 @!p1 $0x0;
	s25 =	simm.s32 @!p1 $0x2A00  }
0x55: {  	[tilespmem:s25], [sflag:$0x3] =	stream.linear.gather @!p1 [hbm4b:s26+s24], $0x50, $0x38;
	[tilespmem:$0x2E80] =	vst v63  }
0x56: {  	_ =	swait.ge @p0 [sflag:s23], $0x50  }
0x57: {  	[sflag:s23] =	ssyncset.done @p0 $0x0  }
0x58: {  	[sflag:s23] =	ssyncadd.s32 @p0 $0xFFFFFFB0;
	s23 =	simm.s32 @p0 $0x4  }
0x59: {  	_ =	swait.ge @p0 [sflag:s23], $0x50  }
0x5a: {  	s24 =	simm.s32 @p0 $0x2B80;
	[sflag:s23] =	ssyncset.done @p0 $0x0  }
0x5b: {  	s25 =	simm.s32 @p0 $0x2A80;
	[sflag:s23] =	ssyncadd.s32 @p0 $0xFFFFFFB0;
	s23 =	simm.s32 @p0 $0x50  }
0x5c: {  	[spmem:s2] =	stream.indirect.scatter.add.f32 @p0 [tilespmem:s24], [sflag:$0x5], $0x1, s25, s23, $0xb8;
	[tilespmem:$0x2E80] =	vst v63  }
0x5d: {  	s26 =	simm.s32 @!p0 $0x1;
	s25 =	simm.s32 @!p0 $0x6;
	s23 =	simm.s32 $0x320  }
0x5e: {  	s24 =	sadd.s32 $0x50, s11;
	_ =	swait.ge @!p0 [sflag:s26], $0x50;
	s25 =	simm.s32 @p0 $0x5  }
.LBB2_4:
0x5f: {  	[sflag:s26] =	ssyncset.done @!p0 $0x0  }
0x60: {  	s28 =	simm.s32 @!p0 $0x2A00;
	s29 =	simm.s32 @!p0 $0x2B00;
	s30 =	smov.u32 s22  }
0x61: {  	s22 =	sadd.s32 $0x1, s22;
	[sflag:s26] =	ssyncadd.s32 @!p0 $0xFFFFFFB0;
	s26 =	simm.s32 @!p0 $0x3  }
0x62: {  	s0 =	simm.s32 @!p0 $0x50;
	s31 =	sand.u32 $0x1, s22;
	_ =	swait.ge @!p0 [sflag:s26], $0x50  }
0x63: {  	s30 =	sand.u32 $0x1, s30;
	p1 =	seq.s32 s31, $0x0;
	[sflag:s26] =	ssyncset.done @!p0 $0x0  }
0x64: {  	s31 =	simm.s32 @!p1 $0x50;
	s1 =	sshrl.u32 @!p1 s24, $0x3;
	[sflag:s26] =	ssyncadd.s32 @!p0 $0xFFFFFFB0  }
0x65: {  	[spmem:s2] =	stream.indirect.scatter.add.f32 @!p0 [tilespmem:s29], [sflag:$0x6], $0x1, s28, s0, $0xb8;
	[tilespmem:$0x2E80] =	vst v63  }
0x66: {  	p2 =	seq.s32 s30, $0x0;
	s0 =	sadd.s32 @!p1 s4, s1;
	_ =	swait.ge [sflag:s25], $0x50  }
0x67: {  	s26 =	simm.s32 @!p1 $0x2A80;
	s1 =	simm.s32 @!p1 $0x2B80;
	[sflag:s25] =	ssyncset.done $0x0  }
0x68: {  	s28 =	simm.s32 @!p2 $0x2B00;
	s29 =	sshrl.u32 @!p2 s24, $0x3;
	[sflag:s25] =	ssyncadd.s32 $0xFFFFFFB0  }
0x69: {  	[tilespmem:s1], [sflag:$0x2] =	stream.indirect.gather @!p1 [hbm4b:s5+s31], $0x1, s23, s31, $0xb8;
	[tilespmem:$0x2E80] =	vst v63  }
0x6a: {  	s25 =	sadd.s32 @!p2 s4, s29;
	s29 =	simm.s32 @!p2 $0x0;
	s1 =	simm.s32 @!p1 $0x0  }
0x6b: {  	[tilespmem:s26], [sflag:$0x4] =	stream.linear.gather @!p1 [hbm4b:s0+s1], $0x50, $0x38;
	[tilespmem:$0x2E80] =	vst v63  }
0x6c: {  	s0 =	simm.s32 @!p2 $0x50;
	p1 =	sne.s32 s22, $0x7C  }
0x6d: {  	[tilespmem:s28], [sflag:$0x1] =	stream.indirect.gather @!p2 [hbm4b:s5+s0], $0x1, s23, s0, $0xb8;
	[tilespmem:$0x2E80] =	vst v63  }
0x6e: {  	p0 =	seq.s32 s30, $0x1;
	s0 =	simm.s32 @!p2 $0x2A00  }
0x6f: {  	[tilespmem:s0], [sflag:$0x3] =	stream.linear.gather @!p2 [hbm4b:s25+s29], $0x50, $0x38;
	[tilespmem:$0x2E80] =	vst v63  }
0x70: {  	s0 =	simm.s32 @p0 $0x2;
	s25 =	simm.s32 @!p0 $0x6  }
0x71: {  	_ =	swait.ge @p0 [sflag:s0], $0x50  }
0x72: {  	[sflag:s0] =	ssyncset.done @p0 $0x0  }
0x73: {  	[sflag:s0] =	ssyncadd.s32 @p0 $0xFFFFFFB0;
	s0 =	simm.s32 @p0 $0x4  }
.Ltmp1:
0x74: {  	s23 =	sadd.s32 $0x50, s23;
	_ =	swait.ge @p0 [sflag:s0], $0x50;
	(pc) =	sbr.rel @p1 .LBB2_4-.Ltmp1, $4  }
0x75: {  	s1 =	simm.s32 @p0 $0x2B80;
	s26 =	simm.s32 @!p0 $0x1;
	[sflag:s0] =	ssyncset.done @p0 $0x0  }
0x76: {  	s28 =	simm.s32 @p0 $0x2A80;
	[sflag:s0] =	ssyncadd.s32 @p0 $0xFFFFFFB0;
	s0 =	simm.s32 @p0 $0x50  }
0x77: {  	[spmem:s2] =	stream.indirect.scatter.add.f32 @p0 [tilespmem:s1], [sflag:$0x5], $0x1, s28, s0, $0xb8;
	[tilespmem:$0x2E80] =	vst v63  }
0x78: {  	s24 =	sadd.s32 $0x50, s24;
	s25 =	simm.s32 @p0 $0x5;
	_ =	swait.ge @!p0 [sflag:s26], $0x50  }
0x79: {  	[sflag:s26] =	ssyncset.done @!p0 $0x0  }
0x7a: {  	s0 =	simm.s32 @!p0 $0x3;
	[sflag:s26] =	ssyncadd.s32 @!p0 $0xFFFFFFB0  }
0x7b: {  	_ =	swait.ge @!p0 [sflag:s0], $0x50  }
0x7c: {  	s1 =	simm.s32 @!p0 $0x2A00;
	[sflag:s0] =	ssyncset.done @!p0 $0x0  }
0x7d: {  	s22 =	simm.s32 @!p0 $0x2B00;
	s23 =	simm.s32 @!p0 $0x50;
	[sflag:s0] =	ssyncadd.s32 @!p0 $0xFFFFFFB0  }
0x7e: {  	[spmem:s2] =	stream.indirect.scatter.add.f32 @!p0 [tilespmem:s22], [sflag:$0x6], $0x1, s1, s23, $0xb8;
	[tilespmem:$0x2E80] =	vst v63  }
0x7f: {  	_ =	swait.ge [sflag:s25], $0x50  }
0x80: {  	[sflag:s25] =	ssyncset.done $0x0  }
0x81: {  	[sflag:s25] =	ssyncadd.s32 $0xFFFFFFB0  }
0x82: {  	_ =	swait.ge [sflag:s18], $0x50  }
0x83: {  	[sflag:s18] =	ssyncset.done $0x0  }
0x84: {  	[sflag:s18] =	ssyncadd.s32 $0xFFFFFFB0  }
0x85: {  	_ =	swait.ge [sflag:s19], $0x50  }
0x86: {  	[sflag:s19] =	ssyncset.done $0x0  }
0x87: {  	[sflag:s19] =	ssyncadd.s32 $0xFFFFFFB0  }
0x88: {  	[spmem:s2] =	stream.indirect.scatter.add.f32 [tilespmem:s16], [sflag:$0x6], $0x1, s17, s15, $0xb8;
	[tilespmem:$0x2E80] =	vst v63  }
0x89: {  	_ =	swait.ge [sflag:s20], $0x50  }
0x8a: {  	[sflag:s20] =	ssyncset.done $0x0  }
0x8b: {  	[sflag:s20] =	ssyncadd.s32 $0xFFFFFFB0  }
0x8c: {  	[bflag:$0x0] =	sbarrier.arrive $0xFFFF  }
0x8d: {  	[tilespmem:s12], [sflag:$0x5] =	stream.linear.gather [spmem:s6], $0x280, $0x38;
	[tilespmem:$0x2E80] =	vst v63  }
0x8e: {  	_ =	swait.ge [sflag:s13], $0x280  }
0x8f: {  	[sflag:s13] =	ssyncset.done $0x0  }
0x90: {  	s22 =	simm.s32 $0x0;
	s23 =	simm.s32 $0x40;
	[sflag:s13] =	ssyncadd.s32 $0xFFFFFD80  }
.LBB2_6:
0x91: {  	p0 =	sne.s32 s23, $0x9C0;
	v2 =	vld [tilespmem:s22+$0x2C00];
	_ =	sdelay $0x4  }
0x92: {  	v3 =	vshrl.u32 v2, $0x1;
	v4 =	vmul.f32 $5.000000000e-01, v2  }
0x93: {  	v3 =	vsub.s32 $0x5F3759DF, v3  }
0x94: {  	v5 =	vmul.f32 v3, v4;
	_ =	sdelay $0x1  }
0x95: {  	v5 =	vmul.f32 v3, v5;
	_ =	sdelay $0x1  }
0x96: {  	v5 =	vsub.f32 $1.500000000e+00, v5;
	_ =	sdelay $0x1  }
0x97: {  	v3 =	vmul.f32 v3, v5;
	_ =	sdelay $0x1  }
0x98: {  	v5 =	vmul.f32 v3, v4;
	_ =	sdelay $0x1  }
0x99: {  	v5 =	vmul.f32 v5, v3;
	_ =	sdelay $0x1  }
0x9a: {  	v5 =	vsub.f32 $1.500000000e+00, v5;
	_ =	sdelay $0x1  }
0x9b: {  	v3 =	vmul.f32 v5, v3;
	_ =	sdelay $0x1  }
0x9c: {  	v4 =	vmul.f32 v3, v4;
	_ =	sdelay $0x1  }
0x9d: {  	v4 =	vmul.f32 v4, v3;
	_ =	sdelay $0x1  }
0x9e: {  	v4 =	vsub.f32 $1.500000000e+00, v4;
	_ =	sdelay $0x1  }
0x9f: {  	v3 =	vmul.f32 v4, v3  }
.Ltmp2:
0xa0: {  	(pc) =	sbr.rel @p0 .LBB2_6-.Ltmp2, $4  }
0xa1: {  	v3 =	vmul.f32 v3, v3  }
0xa2: {  	vm0 =	vgt.f32 v2, $0.0e+00  }
0xa3: {  	v2 =	vnsel vm0, $0x0, v3  }
0xa4: {  	[tilespmem:s22+$0x2C00] =	vst v2;
	s22 =	sshra.s32 s23, $0x2;
	s23 =	sadd.s32 $0x40, s23  }
0xa5: {  	v2 =	vld [tilespmem:s22+$0x2C00];
	_ =	sdelay $0x4  }
0xa6: {  	v3 =	vshrl.u32 v2, $0x1;
	v4 =	vmul.f32 $5.000000000e-01, v2  }
0xa7: {  	v3 =	vsub.s32 $0x5F3759DF, v3  }
0xa8: {  	v5 =	vmul.f32 v3, v4;
	_ =	sdelay $0x1  }
0xa9: {  	v5 =	vmul.f32 v3, v5;
	_ =	sdelay $0x1  }
0xaa: {  	v5 =	vsub.f32 $1.500000000e+00, v5;
	_ =	sdelay $0x1  }
0xab: {  	v3 =	vmul.f32 v3, v5;
	_ =	sdelay $0x1  }
0xac: {  	v5 =	vmul.f32 v3, v4;
	_ =	sdelay $0x1  }
0xad: {  	v5 =	vmul.f32 v5, v3;
	_ =	sdelay $0x1  }
0xae: {  	v5 =	vsub.f32 $1.500000000e+00, v5;
	_ =	sdelay $0x1  }
0xaf: {  	v3 =	vmul.f32 v5, v3;
	_ =	sdelay $0x1  }
0xb0: {  	v4 =	vmul.f32 v3, v4;
	_ =	sdelay $0x1  }
0xb1: {  	v4 =	vmul.f32 v4, v3;
	_ =	sdelay $0x1  }
0xb2: {  	v4 =	vsub.f32 $1.500000000e+00, v4;
	_ =	sdelay $0x1  }
0xb3: {  	v3 =	vmul.f32 v4, v3;
	_ =	sdelay $0x1  }
0xb4: {  	v3 =	vmul.f32 v3, v3  }
0xb5: {  	s21 =	sadd.s32 $0x1, s21;
	vm0 =	vgt.f32 v2, $0.0e+00  }
0xb6: {  	p0 =	sne.s32 s21, s10;
	v2 =	vnsel vm0, $0x0, v3  }
.Ltmp3:
0xb7: {  	[tilespmem:s22+$0x2C00] =	vst v2;
	(pc) =	sbr.rel @p0 .LBB2_1-.Ltmp3, $4  }
0xb8: {  	[hbm4b:s9+s3] =	stream.linear.scatter [tilespmem:s12], [sflag:$0x5], $0x280, $0x38;
	[tilespmem:$0x2E80] =	vst v63  }
0xb9: {  	_ =	swait.ge [sflag:s13], $0x280  }
0xba: {  	[sflag:s13] =	ssyncset.done $0x0  }
0xbb: {  	[sflag:s13] =	ssyncadd.s32 $0xFFFFFD80  }
0xbc: {  	_ =	sfence.sel $0x180000  }
0xbd: {  	[bflag:$0x0] =	sbarrier.arrive $0xFFFF  }
0xbe: {  	_ =	strace $0x9000004A  }
0xbf: {  	s0 =	stileid.u32;
	[bflag:$0x2] =	sbarrier.arrive $0xFFFF  }
0xc0: {  	p0 =	sne.s32 s0, $0x0;
	s0 =	rddreg [dreg:$0x2]  }
0xc1: {  	s0 =	sadd.s32 @!p0 $0x100000, s0  }
0xc2: {  	[sflag:s0] =	ssyncadd.tile.s32 @!p0 $0x1;
	_ =	shalt  }
.Lfunc_end2:
_tile_overlayer_lowered:
.L_overlay_start_2:
0xc3: {  	(tag) =	ssettag $0x2  }
0xc4: {  	s0 =	rddreg [dreg:$0x0];
	s2 =	stileid.u32  }
0xc5: {  	s1 =	rddreg [dreg:$0x1];
	p0 =	sne.s32 s2, $0x0  }
0xc6: {  	s3 =	rddreg [dreg:$0x2];
	[bflag:$0x3] =	sbarrier.arrive $0xFFFF;
	s2 =	simm.s32 @!p0 $0x1C05  }
0xc7: {  	[timem:s3], [sflag:s2] =	dma.local @!p0 [hbm:s0], s1  }
0xc8: {  	s0 =	simm.s32 @!p0 $0x5  }
0xc9: {  	_ =	swait.ge @!p0 [sflag:s0], s1  }
0xca: {  	s1 =	ssub.s32 @!p0 $0x0, s1;
	[sflag:s0] =	ssyncset.done @!p0 $0x0  }
0xcb: {  	[sflag:s0] =	ssyncadd.s32 @!p0 s1  }
0xcc: {  	[bflag:$0x3] =	sbarrier.arrive $0xFFFF  }
0xcd: {  	_ =	shalt  }

// kernel: kernel.19.cloned.1.call-start
scs
__scs_entry_jumppad:
0x0: {  	(pc) =	sbr.rel $0x88, $3  }
0x1: {  	(tag) =	ssettag $0x0;
	lr =	simm.s32 $0x1  }
0x2: {  	[smem:$0x3F94] =	sst lr;
	_ =	strace $0xD0000000  }
0x3: {  	_ = 	snop  }
0x4: {  	_ = 	snop  }
0x5: {  	_ = 	snop  }
0x6: {  	_ = 	snop  }
0x7: {  	_ = 	snop  }
__scs_overlays_trampoline_lowered:
0x8: {  	[smem:$0x3FA3] =	sst s0  }
0x9: {  	[smem:$0x3FA4] =	sst s1  }
0xa: {  	[smem:$0x3FA5] =	sst s2  }
0xb: {  	[smem:$0x3FA6] =	sst s3  }
0xc: {  	[smem:$0x3FA7] =	sst s4  }
0xd: {  	[smem:$0x3FA8] =	sst s5  }
0xe: {  	[smem:$0x3FA9] =	sst s6  }
0xf: {  	[smem:$0x3FAA] =	sst s7  }
0x10: {  	[smem:$0x3FAB] =	sst s8  }
0x11: {  	[smem:$0x3FAC] =	sst s9;
	s0 =	simm.s32 @!p0 $0x0  }
0x12: {  	s1 =	sld [smem:$0x3F92];
	s0 =	simm.s32 @p0 $0x1  }
0x13: {  	[smem:$0x3FAD] =	sst s0;
	s0 =	simm.s32 @!p1 $0x0  }
0x14: {  	s2 =	sld [smem:$0x3F91];
	s0 =	simm.s32 @p1 $0x1  }
0x15: {  	[smem:$0x3FAE] =	sst s0;
	s0 =	simm.s32 @!p2 $0x0  }
0x16: {  	s3 =	sld [smem:$0x3FDB];
	s0 =	simm.s32 @p2 $0x1  }
0x17: {  	s4 =	simm.s32 $0x1BF5;
	[smem:$0x3FB0] =	sst s0  }
0x18: {  	s0 =	sld [smem:$0x3F93];
	_ =	swait.ge [sflag:s4], $0x0  }
0x19: {  	s7 =	sld [smem:$0x3F94]  }
0x1a: {  	s8 =	sadd.s32 $0xFFFFE003, lr  }
0x1b: {  	s9 =	sadd.s32 $0xFFFFFEF7, lr;
	s5 =	simm.s32 $0xFFFFFFFF;
	p2 =	slt.u32 s8, $0xFFFFF086  }
0x1c: {  	p1 =	slt.u32 s9, $0xF7A;
	s5 =	simm.s32 @!p2 $0x0  }
0x1d: {  	s5 =	simm.s32 @p1 $0x1;
	p0 =	seq.s32 s7, s2  }
0x1e: {  	s7 =	smul.u32 @!p0 $0xF7A, s2;
	p2 =	seq.s32 @!p0 s5, $0x0  }
0x1f: {  	s9 =	smul.u32 $0xF7A, s1;
	s8 =	simm.s32 @!p0 $0x1BF5;
	p2 =	por !p2, p0  }
0x20: {  	[sflag:s8] =	ssyncset.s32 @!p0 $0xFFFFF086;
	s6 =	sadd.s32 @!p0 s3, s7;
	s7 =	simm.s32 @!p0 $0x108  }
0x21: {  	s3 =	sadd.s32 s3, s9;
	s6 =	sadd.s32 @!p0 $0x88, s6;
	s7 =	simm.s32 @p2 $0x1082  }
0x22: {  	[simem:s7], [sflag:s8] =	dma.local @!p0 [hbm:s6], $0xF7A  }
0x23: {  	s9 =	sor.u32 $0xD0000000, s2;
	s6 =	simm.s32 $0x108;
	_ =	swait.ge @!p0 [sflag:s8], $0x0  }
0x24: {  	s3 =	sadd.s32 $0x88, s3;
	s6 =	simm.s32 @!p1 $0x1082;
	[sflag:s4] =	ssyncset.s32 $0xFFFFF086  }
0x25: {  	[simem:s6], [sflag:s4] =	dma.local [hbm:s3], $0xF7A  }
0x26: {  	[smem:$0x3F94] =	sst s1;
	(tag) =	ssettag s2;
	_ =	strace s9  }
0x27: {  	s1 =	sld [smem:$0x3FA4]  }
0x28: {  	s2 =	sld [smem:$0x3FA5]  }
0x29: {  	s4 =	sld [smem:$0x3FA7]  }
0x2a: {  	p0 =	seq.s32 s5, $0x0;
	s5 =	sld [smem:$0x3FA8]  }
0x2b: {  	s6 =	sld [smem:$0x3FA9]  }
0x2c: {  	s7 =	sld [smem:$0x3FAA]  }
0x2d: {  	s3 =	simm.s32 $0x108;
	s8 =	sld [smem:$0x3FAB]  }
0x2e: {  	s3 =	simm.s32 @!p0 $0x1082;
	s9 =	sld [smem:$0x3FAC]  }
0x2f: {  	lr =	sadd.s32 s0, s3;
	s0 =	sld [smem:$0x3FA3]  }
0x30: {  	s3 =	sld [smem:$0x3FA6]  }
0x31: {  	[smem:$0x3FAF] =	sst s10  }
0x32: {  	s10 =	sld [smem:$0x3FAD];
	_ =	sdelay $0x3  }
0x33: {  	p0 =	seq.s32 s10, $0x1;
	s10 =	sld [smem:$0x3FAF];
	_ =	sdelay $0x3  }
0x34: {  	[smem:$0x3FAF] =	sst s10  }
0x35: {  	s10 =	sld [smem:$0x3FAE];
	_ =	sdelay $0x3  }
0x36: {  	p1 =	seq.s32 s10, $0x1;
	s10 =	sld [smem:$0x3FAF];
	_ =	sdelay $0x3  }
0x37: {  	[smem:$0x3FAF] =	sst s10  }
0x38: {  	s10 =	sld [smem:$0x3FB0]  }
0x39: {  	_ = 	snop;
	(pc) =	sbr.ind lr, $3  }
0x3a: {  	_ = 	snop  }
0x3b: {  	_ = 	snop  }
0x3c: {  	p2 =	seq.s32 s10, $0x1;
	s10 =	sld [smem:$0x3FAF]  }
0x3d: {  	_ =	shalt  }
0x3e: {  	_ =	shalt  }
0x3f: {  	_ =	shalt  }
0x40: {  	_ =	shalt  }
0x41: {  	_ =	shalt  }
0x42: {  	_ =	shalt  }
0x43: {  	_ =	shalt  }
0x44: {  	_ =	shalt  }
0x45: {  	_ =	shalt  }
0x46: {  	_ =	shalt  }
0x47: {  	_ =	shalt  }
0x48: {  	_ =	shalt  }
0x49: {  	_ =	shalt  }
0x4a: {  	_ =	shalt  }
0x4b: {  	_ =	shalt  }
0x4c: {  	_ =	shalt  }
0x4d: {  	_ =	shalt  }
0x4e: {  	_ =	shalt  }
0x4f: {  	_ =	shalt  }
0x50: {  	_ =	shalt  }
0x51: {  	_ =	shalt  }
0x52: {  	_ =	shalt  }
0x53: {  	_ =	shalt  }
0x54: {  	_ =	shalt  }
0x55: {  	_ =	shalt  }
0x56: {  	_ =	shalt  }
0x57: {  	_ =	shalt  }
0x58: {  	_ =	shalt  }
0x59: {  	_ =	shalt  }
0x5a: {  	_ =	shalt  }
0x5b: {  	_ =	shalt  }
0x5c: {  	_ =	shalt  }
0x5d: {  	_ =	shalt  }
0x5e: {  	_ =	shalt  }
0x5f: {  	_ =	shalt  }
0x60: {  	_ =	shalt  }
0x61: {  	_ =	shalt  }
0x62: {  	_ =	shalt  }
0x63: {  	_ =	shalt  }
0x64: {  	_ =	shalt  }
0x65: {  	_ =	shalt  }
0x66: {  	_ =	shalt  }
0x67: {  	_ =	shalt  }
0x68: {  	_ =	shalt  }
0x69: {  	_ =	shalt  }
0x6a: {  	_ =	shalt  }
0x6b: {  	_ =	shalt  }
0x6c: {  	_ =	shalt  }
0x6d: {  	_ =	shalt  }
0x6e: {  	_ =	shalt  }
0x6f: {  	_ =	shalt  }
0x70: {  	_ =	shalt  }
0x71: {  	_ =	shalt  }
0x72: {  	_ =	shalt  }
0x73: {  	_ =	shalt  }
0x74: {  	_ =	shalt  }
0x75: {  	_ =	shalt  }
0x76: {  	_ =	shalt  }
0x77: {  	_ =	shalt  }
0x78: {  	_ =	shalt  }
0x79: {  	_ =	shalt  }
0x7a: {  	_ =	shalt  }
0x7b: {  	_ =	shalt  }
0x7c: {  	_ =	shalt  }
0x7d: {  	_ =	shalt  }
0x7e: {  	_ =	shalt  }
0x7f: {  	_ =	shalt  }
0x80: {  	_ =	shalt  }
0x81: {  	_ =	shalt  }
0x82: {  	_ =	shalt  }
0x83: {  	_ =	shalt  }
0x84: {  	_ =	shalt  }
0x85: {  	_ =	shalt  }
0x86: {  	_ =	shalt  }
0x87: {  	_ =	shalt  }
.Lfunc_end0:
.L_simem_size_0:
called_computation.2_lowered:
.L_overlay_start_0:
0x88: {  	s2 =	sld [smem:$0x3FD9]  }
0x89: {  	s3 =	sld [smem:$0x3FFE];
	_ =	sdelay $0x1  }
0x8a: {  	s1 =	srdreg.scid  }
0x8b: {  	s0 =	sand.u32 $0x1, s1  }
0x8c: {  	s17 =	sshll.u32 s0, $0xA;
	s2 =	sadd.s32 s3, s2  }
0x8d: {  	s2 =	sadd.s32 s2, s17  }
0x8e: {  	[smem:$0x3FBB] =	sst s2  }
0x8f: {  	_ = 	snop  }
0x90: {  	(tm) =	ssettm $0x1  }
0x91: {  	s18 =	sld [smem:$0x3FFB];
	_ =	sdelay $0x3  }
0x92: {  	_ =	strace s18  }
0x93: {  	s2 =	sld [smem:$0x3FFC];
	_ =	sdelay $0x3  }
0x94: {  	_ =	strace s2  }
0x95: {  	s2 =	sld [smem:$0x3FFD];
	_ =	sdelay $0x3  }
0x96: {  	_ =	strace s2  }
0x97: {  	_ =	strace $0x8FFFFFFF  }
0x98: {  	s19 =	sld [smem:$0x3FDB];
	_ =	sdelay $0x1  }
0x99: {  	s20 =	simm.s32 $_scs_section_size  }
0x9a: {  	s4 =	simm.s32 $_size__tile_overlayer_lowered;
	s5 =	simm.s32 $_tile_overlayer_lowered  }
0x9b: {  	s6 =	simm.s32 $0x1BFF;
	s21 =	sshll.u32 s5, $0x1;
	s3 =	sadd.s32 s20, s19  }
0x9c: {  	s22 =	simm.s32 $0x0;
	s4 =	sshll.u32 s4, $0x1;
	s5 =	sadd.s32 s21, s3  }
0x9d: {  	[timem:s22], [sflag:s6] =	dma.local [hbm:s5], s4  }
0x9e: {  	_ =	swait.ge [sflag:s6], s4  }
0x9f: {  	s4 =	ssub.s32 $0x0, s4;
	[sflag:s6] =	ssyncset.done $0x0  }
0xa0: {  	[sflag:s6] =	ssyncadd.s32 s4;
	_ =	sdelay $0x1  }
0xa1: {  	s23 =	simm.s32 $0x1B8B  }
0xa2: {  	_ =	swait.ge [sflag:s23], $0x1  }
0xa3: {  	[sflag:s23] =	ssyncset.done $0x0  }
0xa4: {  	[sflag:s23] =	ssyncadd.s32 $0xFFFFFFFF  }
0xa5: {  	s4 =	sld [smem:$0x0]  }
0xa6: {  	s5 =	sand.u32 $0xFFFFFFFE, s1  }
0xa7: {  	p0 =	sne.s32 s1, s5  }
0xa8: {  	s5 =	sshll.u32 @p0 s5, $0xE  }
0xa9: {  	s5 =	sadd.s32 @p0 $0x11B8D, s5;
	s6 =	sshll.u32 @p0 s4, $0x11  }
0xaa: {  	s5 =	sor.u32 @p0 s6, s5  }
0xab: {  	[sflag:s5] =	ssyncadd.remote.s32 @p0 $0x1;
	_ =	sdelay $0x1  }
0xac: {  	s5 =	simm.s32 @p0 $0x1B8D  }
0xad: {  	_ =	swait.eq @p0 [sflag:s5], $0x1  }
0xae: {  	[sflag:s5] =	ssyncadd.s32 @p0 $0xFFFFFFFF  }
0xaf: {  	s6 =	sshll.u32 @!p0 s1, $0xE  }
0xb0: {  	s6 =	sor.u32 @!p0 $0x4000, s6;
	s5 =	simm.s32 @!p0 $0x1B8D  }
0xb1: {  	s4 =	sshll.u32 @!p0 s4, $0x11;
	s6 =	sadd.s32 @!p0 $0x11B8D, s6;
	_ =	swait.eq @!p0 [sflag:s5], $0x1  }
0xb2: {  	s4 =	sor.u32 @!p0 s4, s6;
	[sflag:s5] =	ssyncadd.s32 @!p0 $0xFFFFFFFF  }
0xb3: {  	s25 =	simm.s32 $0x1B8E;
	s24 =	sld [smem:$0x3FFE];
	[sflag:s4] =	ssyncadd.remote.s32 @!p0 $0x1  }
0xb4: {  	s26 =	simm.s32 $execute0_lowered;
	[smem:$0x3FD2] =	sst s25  }
0xb5: {  	s5 =	sshll.u32 s26, $0x1;
	_ =	strace $0x8000004C;
	[dreg:$0x1] =	wrdreg $0xFFFFFFFF  }
0xb6: {  	s28 =	simm.s32 $_size_execute0_lowered;
	s3 =	sadd.s32 s3, s5;
	[dreg:$0x0] =	wrdreg $0x0  }
0xb7: {  	s5 =	sshll.u32 s28, $0x1;
	[dreg:$0x2] =	wrdreg s3  }
0xb8: {  	[dreg:$0x3] =	wrdreg s5  }
0xb9: {  	[dreg:$0x4] =	wrdreg $0xC0  }
0xba: {  	_ =	task [dreg:s22], $0x5FFFF  }
0xbb: {  	[dreg:$0x1] =	wrdreg $0xFFFFFFFF  }
0xbc: {  	[dreg:$0x0] =	wrdreg $0x60  }
0xbd: {  	[dreg:$0x2] =	wrdreg s24  }
0xbe: {  	[dreg:$0x3] =	wrdreg $0x0  }
0xbf: {  	[dreg:$0x4] =	wrdreg $0xA  }
0xc0: {  	_ =	task.clear_ibuf [dreg:s22], $0x5FFFF;
	_ =	strace $0x9000004C  }
0xc1: {  	s29 =	simm.s32 $0xA;
	_ =	strace $0x8000004E  }
0xc2: {  	_ =	swait.ge [sflag:s29], $0x1  }
0xc3: {  	[sflag:s29] =	ssyncadd.s32 $0xFFFFFFFF  }
0xc4: {  	_ =	strace $0x9000004E  }
0xc5: {  	_ =	sfence  }
0xc6: {  	s30 =	sld [smem:$0x0];
	_ =	sdelay $0x2  }
0xc7: {  	s31 =	sshll.u32 s1, $0xD;
	s1 =	sshrl.u32 s1, $0x2  }
0xc8: {  	s4 =	sand.u32 $0x4000, s31;
	s1 =	sadd.s32 s1, s30  }
0xc9: {  	s0 =	sor.u32 s4, s0;
	s1 =	sshll.u32 s1, $0x11  }
0xca: {  	s0 =	sor.u32 s1, s0  }
0xcb: {  	s0 =	sadd.s32 $0x8F2B, s0  }
0xcc: {  	[sflag:s0] =	ssyncadd.remote.s32 $0x1  }
0xcd: {  	_ =	sfence.sel $0xFFFF  }
0xce: {  	[dreg:$0x0] =	wrdreg $0xFFFFFFFF;
	(pc) =	sbr.abs _section_cstart, $3  }
0xcf: {  	[dreg:$0x1] =	wrdreg $0xFFFFFFFF  }
0xd0: {  	_ =	task.clear_ibuf [dreg:s22], $0x2FFFF;
	_ =	strace $0x9FFFFFFF  }
0xd1: {  	(tm) =	ssettm $0x7FFFFFFF  }
tec
execute0_lowered:
.L_overlay_start_1:
0x0: {  	(tag) =	ssettag $0x1  }
0x1: {  	s0 =	stileid.u32  }
0x2: {  	s1 =	rddreg [dreg:$0x0];
	s4 =	smul.u32 $0x280, s0  }
0x3: {  	s3 =	srdreg.scid;
	s7 =	smul.u32 $0x50000, s0  }
0x4: {  	s2 =	rddreg [dreg:$0x1];
	s10 =	smul.u32 $0x2710, s0  }
0x5: {  	s5 =	sand.u32 $0x1, s3;
	s3 =	simm.s32 $0x0;
	s18 =	smul.u32 $0x4E2, s0  }
0x6: {  	s17 =	sadd.s32 $0x4800, s1;
	s23 =	smul.u32 $0x2800, s5;
	[smem:$0x7FF] =	sst s3  }
0x7: {  	s19 =	ssub.s32 $0x2, s5;
	_ =	strace $0x8000004D;
	s20 =	sshrl.u32 s7, $0x2  }
0x8: {  	s21 =	sshrl.u32 s19, $0x1;
	s11 =	sshrl.u32 s10, $0x3;
	s31 =	sadd.s32 s18, s17  }
0x9: {  	s18 =	simm.s32 $0x16880;
	s6 =	sadd.s32 s4, s23;
	s4 =	sadd.s32 $0xFA00, s1  }
0xa: {  	s5 =	sadd.s32 s20, s2;
	s16 =	ssub.s32 s19, s21;
	s11 =	sadd.s32 s17, s11  }
0xb: {  	s17 =	sadd.s32 $0x4E2A, s31;
	s19 =	simm.s32 $0x5;
	s22 =	sadd.s32 $0x2800, s5  }
0xc: {  	s20 =	simm.s32 $0x14000;
	s24 =	sadd.s32 $0x5000, s5;
	[dreg:$0x3] =	wrdreg s22  }
0xd: {  	s21 =	simm.s32 $0x50;
	s25 =	sadd.s32 $0x7800, s5;
	[dreg:$0x4] =	wrdreg s24  }
0xe: {  	v0 =	vmov s23;
	s23 =	simm.s32 $0x1;
	s26 =	sadd.s32 $0xA000, s5;
	[dreg:$0x5] =	wrdreg s25  }
0xf: {  	s6 =	sshll.u32 s6, $0x4;
	s28 =	sadd.s32 $0xC800, s5;
	[dreg:$0x6] =	wrdreg s26  }
0x10: {  	s29 =	sadd.s32 $0xF000, s5;
	s30 =	sadd.s32 $0x11800, s5;
	[dreg:$0x7] =	wrdreg s28  }
0x11: {  	s14 =	sadd.s32 $0x4E20, s11;
	s16 =	smax.u32 s16, $0x1;
	[dreg:$0x8] =	wrdreg s29  }
0x12: {  	s1 =	sadd.s32 s6, s1;
	[dreg:$0x9] =	wrdreg s30;
	s22 =	simm.s32 $0x16780  }
0x13: {  	v1 =	vimm.f32 $0.0e+00;
	s24 =	simm.s32 $0x3;
	s25 =	simm.s32 $0x6;
	s15 =	sadd.s32 $0x5FA00, s1  }
.LBB2_1:
0x14: {  	s26 =	simm.s32 $0x0;
	s28 =	simm.s32 $0x200  }
.LBB2_2:
0x15: {  	p0 =	sne.s32 s28, $0x9E00;
	[tilespmem:s26+$0x168F0] =	vst v1  }
0x16: {  	[tilespmem:s26+$0x16880] =	vst v1  }
0x17: {  	[tilespmem:s26+$0x16890] =	vst v1  }
.Ltmp0:
0x18: {  	[tilespmem:s26+$0x168A0] =	vst v1;
	(pc) =	sbr.rel @p0 .LBB2_2-.Ltmp0, $4  }
0x19: {  	[tilespmem:s26+$0x168B0] =	vst v1  }
0x1a: {  	[tilespmem:s26+$0x168C0] =	vst v1  }
0x1b: {  	[tilespmem:s26+$0x168D0] =	vst v1  }
0x1c: {  	[tilespmem:s26+$0x168E0] =	vst v1;
	s26 =	sshra.s32 s28, $0x2;
	s28 =	sadd.s32 $0x200, s28  }
0x1d: {  	[tilespmem:s26+$0x168F0] =	vst v1  }
0x1e: {  	[tilespmem:s26+$0x16880] =	vst v1  }
0x1f: {  	[tilespmem:s26+$0x16890] =	vst v1  }
0x20: {  	[tilespmem:s26+$0x168A0] =	vst v1  }
0x21: {  	[tilespmem:s26+$0x168B0] =	vst v1  }
0x22: {  	[tilespmem:s26+$0x168C0] =	vst v1  }
0x23: {  	[tilespmem:s26+$0x168D0] =	vst v1  }
0x24: {  	[tilespmem:s26+$0x168E0] =	vst v1  }
0x25: {  	[spmem:s5] =	stream.linear.scatter [tilespmem:s18], [sflag:$0x5], $0x2800, $0x38;
	[tilespmem:$0x1B880] =	vst v63  }
0x26: {  	_ =	swait.ge [sflag:s19], $0x2800  }
0x27: {  	[sflag:s19] =	ssyncset.done $0x0  }
0x28: {  	s0 =	rddreg [dreg:$0x3];
	[sflag:s19] =	ssyncadd.s32 $0xFFFFD800  }
0x29: {  	[spmem:s0] =	stream.linear.scatter [tilespmem:s18], [sflag:$0x5], $0x2800, $0x38;
	[tilespmem:$0x1B880] =	vst v63  }
0x2a: {  	_ =	swait.ge [sflag:s19], $0x2800  }
0x2b: {  	[sflag:s19] =	ssyncset.done $0x0  }
0x2c: {  	s13 =	rddreg [dreg:$0x4];
	[sflag:s19] =	ssyncadd.s32 $0xFFFFD800  }
0x2d: {  	[spmem:s13] =	stream.linear.scatter [tilespmem:s18], [sflag:$0x5], $0x2800, $0x38;
	[tilespmem:$0x1B880] =	vst v63  }
0x2e: {  	_ =	swait.ge [sflag:s19], $0x2800  }
0x2f: {  	[sflag:s19] =	ssyncset.done $0x0  }
0x30: {  	s26 =	rddreg [dreg:$0x5];
	[sflag:s19] =	ssyncadd.s32 $0xFFFFD800  }
0x31: {  	[spmem:s26] =	stream.linear.scatter [tilespmem:s18], [sflag:$0x5], $0x2800, $0x38;
	[tilespmem:$0x1B880] =	vst v63  }
0x32: {  	_ =	swait.ge [sflag:s19], $0x2800  }
0x33: {  	[sflag:s19] =	ssyncset.done $0x0  }
0x34: {  	s28 =	rddreg [dreg:$0x6];
	[sflag:s19] =	ssyncadd.s32 $0xFFFFD800  }
0x35: {  	[spmem:s28] =	stream.linear.scatter [tilespmem:s18], [sflag:$0x5], $0x2800, $0x38;
	[tilespmem:$0x1B880] =	vst v63  }
0x36: {  	_ =	swait.ge [sflag:s19], $0x2800  }
0x37: {  	[sflag:s19] =	ssyncset.done $0x0  }
0x38: {  	s29 =	rddreg [dreg:$0x7];
	[sflag:s19] =	ssyncadd.s32 $0xFFFFD800  }
0x39: {  	[spmem:s29] =	stream.linear.scatter [tilespmem:s18], [sflag:$0x5], $0x2800, $0x38;
	[tilespmem:$0x1B880] =	vst v63  }
0x3a: {  	_ =	swait.ge [sflag:s19], $0x2800  }
0x3b: {  	[sflag:s19] =	ssyncset.done $0x0  }
0x3c: {  	s30 =	rddreg [dreg:$0x8];
	[sflag:s19] =	ssyncadd.s32 $0xFFFFD800  }
0x3d: {  	[spmem:s30] =	stream.linear.scatter [tilespmem:s18], [sflag:$0x5], $0x2800, $0x38;
	[tilespmem:$0x1B880] =	vst v63  }
0x3e: {  	_ =	swait.ge [sflag:s19], $0x2800  }
0x3f: {  	[sflag:s19] =	ssyncset.done $0x0  }
0x40: {  	s31 =	rddreg [dreg:$0x9];
	[sflag:s19] =	ssyncadd.s32 $0xFFFFD800  }
0x41: {  	[spmem:s31] =	stream.linear.scatter [tilespmem:s18], [sflag:$0x5], $0x2800, $0x38;
	[tilespmem:$0x1B880] =	vst v63  }
0x42: {  	_ =	swait.ge [sflag:s19], $0x2800  }
0x43: {  	[sflag:s19] =	ssyncset.done $0x0  }
0x44: {  	s1 =	simm.s32 $0x0;
	[sflag:s19] =	ssyncadd.s32 $0xFFFFD800  }
0x45: {  	[tilespmem:s20], [sflag:$0x5] =	stream.linear.gather [hbm4b:s11+s1], $0x2710, $0x38;
	[tilespmem:$0x1B880] =	vst v63  }
0x46: {  	_ =	swait.ge [sflag:s19], $0x2710  }
0x47: {  	[sflag:s19] =	ssyncset.done $0x0  }
0x48: {  	s26 =	simm.s32 $0x0;
	s1 =	simm.s32 $0x40;
	[sflag:s19] =	ssyncadd.s32 $0xFFFFD8F0  }
.LBB2_4:
0x49: {  	p0 =	sne.s32 s1, $0x9C00;
	v2 =	vld [tilespmem:s26+$0x14000];
	_ =	sdelay $0x1  }
.Ltmp1:
0x4a: {  	(pc) =	sbr.rel @p0 .LBB2_4-.Ltmp1, $3  }
0x4b: {  	_ =	sdelay $0x1  }
0x4c: {  	v2 =	vadd.s32 v0, v2  }
0x4d: {  	[tilespmem:s26+$0x14000] =	vst v2;
	s26 =	sshra.s32 s1, $0x2;
	s1 =	sadd.s32 $0x40, s1  }
0x4e: {  	v2 =	vld [tilespmem:s26+$0x14000];
	_ =	sdelay $0x4  }
0x4f: {  	v2 =	vadd.s32 v0, v2  }
0x50: {  	[tilespmem:s26+$0x14000] =	vst v2;
	s26 =	simm.s32 $0x1  }
0x51: {  	s1 =	simm.s32 $0x0;
	[bflag:$0x0] =	sbarrier.arrive $0xFFFF;
	s28 =	sand.u32 $0x1, s26  }
0x52: {  	[tilespmem:s18], [sflag:$0x1] =	stream.indirect.gather [hbm4b:s4+s21], $0x80, s20, s21, $0xb8;
	[tilespmem:$0x1B880] =	vst v63  }
0x53: {  	s31 =	smov.u32 s17;
	p0 =	seq.s32 s28, $0x0;
	s28 =	simm.s32 $0x14050  }
0x54: {  	[tilespmem:s22], [sflag:$0x3] =	stream.linear.gather [hbm4b:s14+s1], $0x50, $0x38;
	[tilespmem:$0x1B880] =	vst v63  }
0x55: {  	s29 =	simm.s32 @!p0 $0x50;
	s30 =	simm.s32 @!p0 $0x19080;
	s1 =	sand.u32 $0x1, s1  }
0x56: {  	[tilespmem:s30], [sflag:$0x2] =	stream.indirect.gather @!p0 [hbm4b:s4+s29], $0x80, s28, s29, $0xb8;
	[tilespmem:$0x1B880] =	vst v63  }
0x57: {  	p2 =	seq.s32 s1, $0x0;
	s29 =	simm.s32 @!p0 $0x0;
	s30 =	simm.s32 @!p0 $0x16800  }
0x58: {  	[tilespmem:s30], [sflag:$0x4] =	stream.linear.gather @!p0 [hbm4b:s17+s29], $0x50, $0x38;
	[tilespmem:$0x1B880] =	vst v63  }
0x59: {  	s29 =	simm.s32 @!p2 $0x50;
	s30 =	simm.s32 @!p2 $0x16880;
	p0 =	seq.s32 s1, $0x1  }
0x5a: {  	[tilespmem:s30], [sflag:$0x1] =	stream.indirect.gather @!p2 [hbm4b:s4+s29], $0x80, s28, s29, $0xb8;
	[tilespmem:$0x1B880] =	vst v63  }
0x5b: {  	s1 =	simm.s32 @!p2 $0x0;
	s28 =	sadd.s32 $0xA, s17;
	s29 =	simm.s32 $0x140A0  }
.LBB2_6:
0x5c: {  	s0 =	simm.s32 @!p2 $0x16780;
	s6 =	simm.s32 @p0 $0x2  }
0x5d: {  	s7 =	smov.u32 s26;
	s26 =	sadd.s32 $0x1, s26;
	s30 =	smov.u32 s29  }
0x5e: {  	[tilespmem:s0], [sflag:$0x3] =	stream.linear.gather @!p2 [hbm4b:s31+s1], $0x50, $0x38;
	[tilespmem:$0x1B880] =	vst v63  }
0x5f: {  	s0 =	simm.s32 @p0 $0x4;
	s1 =	simm.s32 @!p0 $0x1;
	_ =	swait.ge @p0 [sflag:s6], $0x2800  }
0x60: {  	s8 =	simm.s32 @p0 $0x16800;
	s9 =	simm.s32 @p0 $0x19080;
	[sflag:s6] =	ssyncset.done @p0 $0x0  }
0x61: {  	s10 =	simm.s32 @!p0 $0x6;
	[sflag:s6] =	ssyncadd.s32 @p0 $0xFFFFD800;
	s6 =	simm.s32 @!p0 $0x3  }
0x62: {  	s13 =	simm.s32 @p0 $0x50;
	s12 =	sand.u32 $0x1, s26;
	_ =	swait.ge @p0 [sflag:s0], $0x50  }
0x63: {  	p1 =	sne.s32 s26, $0x7C;
	s31 =	smov.u32 s28;
	[sflag:s0] =	ssyncset.done @p0 $0x0  }
0x64: {  	[sflag:s0] =	ssyncadd.s32 @p0 $0xFFFFFFB0  }
0x65: {  	[spmem:s2] =	stream.indirect.scatter.add.f32 @p0 [tilespmem:s9], [sflag:$0x5], $0x80, s8, s13, $0xb8;
	[tilespmem:$0x1B880] =	vst v63  }
0x66: {  	_ =	swait.ge @!p0 [sflag:s1], $0x2800  }
0x67: {  	[sflag:s1] =	ssyncset.done @!p0 $0x0  }
0x68: {  	[sflag:s1] =	ssyncadd.s32 @!p0 $0xFFFFD800  }
0x69: {  	s0 =	simm.s32 @!p0 $0x16880;
	_ =	swait.ge @!p0 [sflag:s6], $0x50  }
0x6a: {  	s8 =	simm.s32 @!p0 $0x16780;
	s1 =	simm.s32 @!p0 $0x50;
	[sflag:s6] =	ssyncset.done @!p0 $0x0  }
0x6b: {  	s10 =	simm.s32 @p0 $0x5;
	p2 =	seq.s32 s12, $0x0;
	[sflag:s6] =	ssyncadd.s32 @!p0 $0xFFFFFFB0  }
0x6c: {  	[spmem:s2] =	stream.indirect.scatter.add.f32 @!p0 [tilespmem:s0], [sflag:$0x6], $0x80, s8, s1, $0xb8;
	[tilespmem:$0x1B880] =	vst v63  }
0x6d: {  	s0 =	simm.s32 @!p2 $0x50;
	s1 =	simm.s32 @!p2 $0x19080;
	_ =	swait.ge [sflag:s10], $0x2800  }
0x6e: {  	[sflag:s10] =	ssyncset.done $0x0  }
0x6f: {  	s28 =	sadd.s32 $0xA, s28;
	s6 =	sand.u32 $0x1, s7;
	[sflag:s10] =	ssyncadd.s32 $0xFFFFD800  }
0x70: {  	[tilespmem:s1], [sflag:$0x2] =	stream.indirect.gather @!p2 [hbm4b:s4+s0], $0x80, s29, s0, $0xb8;
	[tilespmem:$0x1B880] =	vst v63  }
.Ltmp2:
0x71: {  	s0 =	simm.s32 @!p2 $0x0;
	s1 =	simm.s32 @!p2 $0x16800;
	(pc) =	sbr.rel @p1 .LBB2_6-.Ltmp2, $4  }
0x72: {  	[tilespmem:s1], [sflag:$0x4] =	stream.linear.gather @!p2 [hbm4b:s31+s0], $0x50, $0x38;
	[tilespmem:$0x1B880] =	vst v63  }
0x73: {  	p0 =	seq.s32 s6, $0x1;
	s29 =	sadd.s32 $0x50, s29;
	p2 =	seq.s32 s6, $0x0  }
0x74: {  	s0 =	simm.s32 @!p2 $0x50;
	s6 =	simm.s32 @!p2 $0x16880;
	s1 =	simm.s32 @!p2 $0x0  }
0x75: {  	[tilespmem:s6], [sflag:$0x1] =	stream.indirect.gather @!p2 [hbm4b:s4+s0], $0x80, s30, s0, $0xb8;
	[tilespmem:$0x1B880] =	vst v63  }
0x76: {  	s0 =	simm.s32 @!p2 $0x16780;
	s6 =	simm.s32 @p0 $0x2  }
0x77: {  	[tilespmem:s0], [sflag:$0x3] =	stream.linear.gather @!p2 [hbm4b:s31+s1], $0x50, $0x38;
	[tilespmem:$0x1B880] =	vst v63  }
0x78: {  	_ =	swait.ge @p0 [sflag:s6], $0x2800  }
0x79: {  	[sflag:s6] =	ssyncset.done @p0 $0x0  }
0x7a: {  	s0 =	simm.s32 @p0 $0x4;
	[sflag:s6] =	ssyncadd.s32 @p0 $0xFFFFD800  }
0x7b: {  	_ =	swait.ge @p0 [sflag:s0], $0x50  }
0x7c: {  	s7 =	simm.s32 @p0 $0x19080;
	s8 =	simm.s32 @p0 $0x50;
	[sflag:s0] =	ssyncset.done @p0 $0x0  }
0x7d: {  	s1 =	simm.s32 @!p0 $0x1;
	s6 =	simm.s32 @p0 $0x16800;
	[sflag:s0] =	ssyncadd.s32 @p0 $0xFFFFFFB0  }
0x7e: {  	[spmem:s2] =	stream.indirect.scatter.add.f32 @p0 [tilespmem:s7], [sflag:$0x5], $0x80, s6, s8, $0xb8;
	[tilespmem:$0x1B880] =	vst v63  }
0x7f: {  	_ =	swait.ge @!p0 [sflag:s1], $0x2800  }
0x80: {  	[sflag:s1] =	ssyncset.done @!p0 $0x0  }
0x81: {  	s0 =	simm.s32 @!p0 $0x3;
	[sflag:s1] =	ssyncadd.s32 @!p0 $0xFFFFD800  }
0x82: {  	s6 =	simm.s32 @!p0 $0x16880;
	_ =	swait.ge @!p0 [sflag:s0], $0x50  }
0x83: {  	s7 =	simm.s32 @!p0 $0x50;
	s1 =	simm.s32 @!p0 $0x6;
	[sflag:s0] =	ssyncset.done @!p0 $0x0  }
0x84: {  	s8 =	simm.s32 @!p0 $0x16780;
	s1 =	simm.s32 @p0 $0x5;
	[sflag:s0] =	ssyncadd.s32 @!p0 $0xFFFFFFB0  }
0x85: {  	[spmem:s2] =	stream.indirect.scatter.add.f32 @!p0 [tilespmem:s6], [sflag:$0x6], $0x80, s8, s7, $0xb8;
	[tilespmem:$0x1B880] =	vst v63  }
0x86: {  	_ =	swait.ge [sflag:s1], $0x2800  }
0x87: {  	[sflag:s1] =	ssyncset.done $0x0  }
0x88: {  	[sflag:s1] =	ssyncadd.s32 $0xFFFFD800  }
0x89: {  	_ =	swait.ge [sflag:s23], $0x2800  }
0x8a: {  	[sflag:s23] =	ssyncset.done $0x0  }
0x8b: {  	[sflag:s23] =	ssyncadd.s32 $0xFFFFD800  }
0x8c: {  	_ =	swait.ge [sflag:s24], $0x50  }
0x8d: {  	[sflag:s24] =	ssyncset.done $0x0  }
0x8e: {  	[sflag:s24] =	ssyncadd.s32 $0xFFFFFFB0  }
0x8f: {  	[spmem:s2] =	stream.indirect.scatter.add.f32 [tilespmem:s18], [sflag:$0x6], $0x80, s22, s21, $0xb8;
	[tilespmem:$0x1B880] =	vst v63  }
0x90: {  	s30 =	stileid.u32;
	_ =	swait.ge [sflag:s25], $0x2800  }
0x91: {  	s3 =	sadd.s32 $0x1, s3;
	s31 =	sshrl.u32 s5, $0x3;
	[sflag:s25] =	ssyncset.done $0x0  }
0x92: {  	s0 =	sshll.u32 s30, $0x6;
	p0 =	sne.s32 s3, s16;
	[sflag:s25] =	ssyncadd.s32 $0xFFFFD800  }
.Ltmp3:
0x93: {  	s0 =	sor.u32 $0x1C05, s0;
	[bflag:$0x0] =	sbarrier.arrive $0xFFFF;
	(pc) =	sbr.rel @p0 .LBB2_1-.Ltmp3, $4  }
0x94: {  	[hbm:s15], [sflag:s0] =	dma.local [spmem:s31], $0x2800  }
0x95: {  	_ =	swait.ge [sflag:s19], $0x2800  }
0x96: {  	[sflag:s19] =	ssyncset.done $0x0  }
0x97: {  	[sflag:s19] =	ssyncadd.s32 $0xFFFFD800  }
0x98: {  	_ =	sfence.sel $0x180000  }
0x99: {  	[bflag:$0x0] =	sbarrier.arrive $0xFFFF  }
0x9a: {  	_ =	strace $0x9000004D  }
0x9b: {  	s0 =	stileid.u32;
	[bflag:$0x2] =	sbarrier.arrive $0xFFFF  }
0x9c: {  	p0 =	sne.s32 s0, $0x0;
	s0 =	rddreg [dreg:$0x2]  }
0x9d: {  	s0 =	sadd.s32 @!p0 $0x100000, s0  }
0x9e: {  	[sflag:s0] =	ssyncadd.tile.s32 @!p0 $0x1;
	_ =	shalt  }
.Lfunc_end2:
_tile_overlayer_lowered:
.L_overlay_start_2:
0x9f: {  	(tag) =	ssettag $0x2  }
0xa0: {  	s0 =	rddreg [dreg:$0x0];
	s2 =	stileid.u32  }
0xa1: {  	s1 =	rddreg [dreg:$0x1];
	p0 =	sne.s32 s2, $0x0  }
0xa2: {  	s3 =	rddreg [dreg:$0x2];
	[bflag:$0x3] =	sbarrier.arrive $0xFFFF;
	s2 =	simm.s32 @!p0 $0x1C05  }
0xa3: {  	[timem:s3], [sflag:s2] =	dma.local @!p0 [hbm:s0], s1  }
0xa4: {  	s0 =	simm.s32 @!p0 $0x5  }
0xa5: {  	_ =	swait.ge @!p0 [sflag:s0], s1  }
0xa6: {  	s1 =	ssub.s32 @!p0 $0x0, s1;
	[sflag:s0] =	ssyncset.done @!p0 $0x0  }
0xa7: {  	[sflag:s0] =	ssyncadd.s32 @!p0 s1  }
0xa8: {  	[bflag:$0x3] =	sbarrier.arrive $0xFFFF  }
0xa9: {  	_ =	shalt  }

// kernel: kernel.22.cloned.1.call-start
scs
__scs_entry_jumppad:
0x0: {  	(pc) =	sbr.rel $0x88, $3  }
0x1: {  	(tag) =	ssettag $0x0;
	lr =	simm.s32 $0x1  }
0x2: {  	[smem:$0x3F94] =	sst lr;
	_ =	strace $0xD0000000  }
0x3: {  	_ = 	snop  }
0x4: {  	_ = 	snop  }
0x5: {  	_ = 	snop  }
0x6: {  	_ = 	snop  }
0x7: {  	_ = 	snop  }
__scs_overlays_trampoline_lowered:
0x8: {  	[smem:$0x3FA3] =	sst s0  }
0x9: {  	[smem:$0x3FA4] =	sst s1  }
0xa: {  	[smem:$0x3FA5] =	sst s2  }
0xb: {  	[smem:$0x3FA6] =	sst s3  }
0xc: {  	[smem:$0x3FA7] =	sst s4  }
0xd: {  	[smem:$0x3FA8] =	sst s5  }
0xe: {  	[smem:$0x3FA9] =	sst s6  }
0xf: {  	[smem:$0x3FAA] =	sst s7  }
0x10: {  	[smem:$0x3FAB] =	sst s8  }
0x11: {  	[smem:$0x3FAC] =	sst s9;
	s0 =	simm.s32 @!p0 $0x0  }
0x12: {  	s1 =	sld [smem:$0x3F92];
	s0 =	simm.s32 @p0 $0x1  }
0x13: {  	[smem:$0x3FAD] =	sst s0;
	s0 =	simm.s32 @!p1 $0x0  }
0x14: {  	s2 =	sld [smem:$0x3F91];
	s0 =	simm.s32 @p1 $0x1  }
0x15: {  	[smem:$0x3FAE] =	sst s0;
	s0 =	simm.s32 @!p2 $0x0  }
0x16: {  	s3 =	sld [smem:$0x3FDB];
	s0 =	simm.s32 @p2 $0x1  }
0x17: {  	s4 =	simm.s32 $0x1BF5;
	[smem:$0x3FB0] =	sst s0  }
0x18: {  	s0 =	sld [smem:$0x3F93];
	_ =	swait.ge [sflag:s4], $0x0  }
0x19: {  	s7 =	sld [smem:$0x3F94]  }
0x1a: {  	s8 =	sadd.s32 $0xFFFFE003, lr  }
0x1b: {  	s9 =	sadd.s32 $0xFFFFFEF7, lr;
	s5 =	simm.s32 $0xFFFFFFFF;
	p2 =	slt.u32 s8, $0xFFFFF086  }
0x1c: {  	p1 =	slt.u32 s9, $0xF7A;
	s5 =	simm.s32 @!p2 $0x0  }
0x1d: {  	s5 =	simm.s32 @p1 $0x1;
	p0 =	seq.s32 s7, s2  }
0x1e: {  	s7 =	smul.u32 @!p0 $0xF7A, s2;
	p2 =	seq.s32 @!p0 s5, $0x0  }
0x1f: {  	s9 =	smul.u32 $0xF7A, s1;
	s8 =	simm.s32 @!p0 $0x1BF5;
	p2 =	por !p2, p0  }
0x20: {  	[sflag:s8] =	ssyncset.s32 @!p0 $0xFFFFF086;
	s6 =	sadd.s32 @!p0 s3, s7;
	s7 =	simm.s32 @!p0 $0x108  }
0x21: {  	s3 =	sadd.s32 s3, s9;
	s6 =	sadd.s32 @!p0 $0x88, s6;
	s7 =	simm.s32 @p2 $0x1082  }
0x22: {  	[simem:s7], [sflag:s8] =	dma.local @!p0 [hbm:s6], $0xF7A  }
0x23: {  	s9 =	sor.u32 $0xD0000000, s2;
	s6 =	simm.s32 $0x108;
	_ =	swait.ge @!p0 [sflag:s8], $0x0  }
0x24: {  	s3 =	sadd.s32 $0x88, s3;
	s6 =	simm.s32 @!p1 $0x1082;
	[sflag:s4] =	ssyncset.s32 $0xFFFFF086  }
0x25: {  	[simem:s6], [sflag:s4] =	dma.local [hbm:s3], $0xF7A  }
0x26: {  	[smem:$0x3F94] =	sst s1;
	(tag) =	ssettag s2;
	_ =	strace s9  }
0x27: {  	s1 =	sld [smem:$0x3FA4]  }
0x28: {  	s2 =	sld [smem:$0x3FA5]  }
0x29: {  	s4 =	sld [smem:$0x3FA7]  }
0x2a: {  	p0 =	seq.s32 s5, $0x0;
	s5 =	sld [smem:$0x3FA8]  }
0x2b: {  	s6 =	sld [smem:$0x3FA9]  }
0x2c: {  	s7 =	sld [smem:$0x3FAA]  }
0x2d: {  	s3 =	simm.s32 $0x108;
	s8 =	sld [smem:$0x3FAB]  }
0x2e: {  	s3 =	simm.s32 @!p0 $0x1082;
	s9 =	sld [smem:$0x3FAC]  }
0x2f: {  	lr =	sadd.s32 s0, s3;
	s0 =	sld [smem:$0x3FA3]  }
0x30: {  	s3 =	sld [smem:$0x3FA6]  }
0x31: {  	[smem:$0x3FAF] =	sst s10  }
0x32: {  	s10 =	sld [smem:$0x3FAD];
	_ =	sdelay $0x3  }
0x33: {  	p0 =	seq.s32 s10, $0x1;
	s10 =	sld [smem:$0x3FAF];
	_ =	sdelay $0x3  }
0x34: {  	[smem:$0x3FAF] =	sst s10  }
0x35: {  	s10 =	sld [smem:$0x3FAE];
	_ =	sdelay $0x3  }
0x36: {  	p1 =	seq.s32 s10, $0x1;
	s10 =	sld [smem:$0x3FAF];
	_ =	sdelay $0x3  }
0x37: {  	[smem:$0x3FAF] =	sst s10  }
0x38: {  	s10 =	sld [smem:$0x3FB0]  }
0x39: {  	_ = 	snop;
	(pc) =	sbr.ind lr, $3  }
0x3a: {  	_ = 	snop  }
0x3b: {  	_ = 	snop  }
0x3c: {  	p2 =	seq.s32 s10, $0x1;
	s10 =	sld [smem:$0x3FAF]  }
0x3d: {  	_ =	shalt  }
0x3e: {  	_ =	shalt  }
0x3f: {  	_ =	shalt  }
0x40: {  	_ =	shalt  }
0x41: {  	_ =	shalt  }
0x42: {  	_ =	shalt  }
0x43: {  	_ =	shalt  }
0x44: {  	_ =	shalt  }
0x45: {  	_ =	shalt  }
0x46: {  	_ =	shalt  }
0x47: {  	_ =	shalt  }
0x48: {  	_ =	shalt  }
0x49: {  	_ =	shalt  }
0x4a: {  	_ =	shalt  }
0x4b: {  	_ =	shalt  }
0x4c: {  	_ =	shalt  }
0x4d: {  	_ =	shalt  }
0x4e: {  	_ =	shalt  }
0x4f: {  	_ =	shalt  }
0x50: {  	_ =	shalt  }
0x51: {  	_ =	shalt  }
0x52: {  	_ =	shalt  }
0x53: {  	_ =	shalt  }
0x54: {  	_ =	shalt  }
0x55: {  	_ =	shalt  }
0x56: {  	_ =	shalt  }
0x57: {  	_ =	shalt  }
0x58: {  	_ =	shalt  }
0x59: {  	_ =	shalt  }
0x5a: {  	_ =	shalt  }
0x5b: {  	_ =	shalt  }
0x5c: {  	_ =	shalt  }
0x5d: {  	_ =	shalt  }
0x5e: {  	_ =	shalt  }
0x5f: {  	_ =	shalt  }
0x60: {  	_ =	shalt  }
0x61: {  	_ =	shalt  }
0x62: {  	_ =	shalt  }
0x63: {  	_ =	shalt  }
0x64: {  	_ =	shalt  }
0x65: {  	_ =	shalt  }
0x66: {  	_ =	shalt  }
0x67: {  	_ =	shalt  }
0x68: {  	_ =	shalt  }
0x69: {  	_ =	shalt  }
0x6a: {  	_ =	shalt  }
0x6b: {  	_ =	shalt  }
0x6c: {  	_ =	shalt  }
0x6d: {  	_ =	shalt  }
0x6e: {  	_ =	shalt  }
0x6f: {  	_ =	shalt  }
0x70: {  	_ =	shalt  }
0x71: {  	_ =	shalt  }
0x72: {  	_ =	shalt  }
0x73: {  	_ =	shalt  }
0x74: {  	_ =	shalt  }
0x75: {  	_ =	shalt  }
0x76: {  	_ =	shalt  }
0x77: {  	_ =	shalt  }
0x78: {  	_ =	shalt  }
0x79: {  	_ =	shalt  }
0x7a: {  	_ =	shalt  }
0x7b: {  	_ =	shalt  }
0x7c: {  	_ =	shalt  }
0x7d: {  	_ =	shalt  }
0x7e: {  	_ =	shalt  }
0x7f: {  	_ =	shalt  }
0x80: {  	_ =	shalt  }
0x81: {  	_ =	shalt  }
0x82: {  	_ =	shalt  }
0x83: {  	_ =	shalt  }
0x84: {  	_ =	shalt  }
0x85: {  	_ =	shalt  }
0x86: {  	_ =	shalt  }
0x87: {  	_ =	shalt  }
.Lfunc_end0:
.L_simem_size_0:
called_computation.3_lowered:
.L_overlay_start_0:
0x88: {  	s2 =	sld [smem:$0x3FD9]  }
0x89: {  	s3 =	sld [smem:$0x3FFE];
	_ =	sdelay $0x1  }
0x8a: {  	s1 =	srdreg.scid  }
0x8b: {  	s0 =	sand.u32 $0x1, s1  }
0x8c: {  	s16 =	sshll.u32 s0, $0xA;
	s2 =	sadd.s32 s3, s2  }
0x8d: {  	s2 =	sadd.s32 s2, s16  }
0x8e: {  	[smem:$0x3FBB] =	sst s2  }
0x8f: {  	_ = 	snop  }
0x90: {  	(tm) =	ssettm $0x1  }
0x91: {  	s17 =	sld [smem:$0x3FFB];
	_ =	sdelay $0x3  }
0x92: {  	_ =	strace s17  }
0x93: {  	s2 =	sld [smem:$0x3FFC];
	_ =	sdelay $0x3  }
0x94: {  	_ =	strace s2  }
0x95: {  	s2 =	sld [smem:$0x3FFD];
	_ =	sdelay $0x3  }
0x96: {  	_ =	strace s2  }
0x97: {  	_ =	strace $0x8FFFFFFF  }
0x98: {  	s18 =	sld [smem:$0x3FDB];
	_ =	sdelay $0x1  }
0x99: {  	s19 =	simm.s32 $_scs_section_size  }
0x9a: {  	s4 =	simm.s32 $_size__tile_overlayer_lowered;
	s5 =	simm.s32 $_tile_overlayer_lowered  }
0x9b: {  	s22 =	simm.s32 $0x1BFF;
	s21 =	sshll.u32 s5, $0x1;
	s2 =	sadd.s32 s19, s18  }
0x9c: {  	s6 =	simm.s32 $0x0;
	s20 =	sshll.u32 s4, $0x1;
	s4 =	sadd.s32 s21, s2  }
0x9d: {  	[timem:s6], [sflag:s22] =	dma.local [hbm:s4], s20  }
0x9e: {  	_ =	swait.ge [sflag:s22], s20  }
0x9f: {  	s3 =	ssub.s32 $0x0, s20;
	[sflag:s22] =	ssyncset.done $0x0  }
0xa0: {  	[sflag:s22] =	ssyncadd.s32 s3;
	_ =	sdelay $0x1  }
0xa1: {  	s23 =	simm.s32 $0x1B8B  }
0xa2: {  	_ =	swait.ge [sflag:s23], $0x1  }
0xa3: {  	[sflag:s23] =	ssyncset.done $0x0  }
0xa4: {  	s25 =	simm.s32 $0x1B8E;
	s24 =	sld [smem:$0x3FFE];
	[sflag:s23] =	ssyncadd.s32 $0xFFFFFFFF  }
0xa5: {  	s26 =	simm.s32 $execute0_lowered;
	[smem:$0x3FD2] =	sst s25  }
0xa6: {  	s4 =	sshll.u32 s26, $0x1;
	_ =	strace $0x8000004F;
	[dreg:$0x1] =	wrdreg $0xFFFFFFFF  }
0xa7: {  	s28 =	simm.s32 $_size_execute0_lowered;
	s2 =	sadd.s32 s2, s4;
	[dreg:$0x0] =	wrdreg $0x0  }
0xa8: {  	s4 =	sshll.u32 s28, $0x1;
	[dreg:$0x2] =	wrdreg s2  }
0xa9: {  	[dreg:$0x3] =	wrdreg s4  }
0xaa: {  	[dreg:$0x4] =	wrdreg $0xC0  }
0xab: {  	_ =	task [dreg:s6], $0x5FFFF  }
0xac: {  	[dreg:$0x1] =	wrdreg $0xFFFFFFFF  }
0xad: {  	[dreg:$0x0] =	wrdreg $0x60  }
0xae: {  	[dreg:$0x2] =	wrdreg s24  }
0xaf: {  	[dreg:$0x3] =	wrdreg $0x0  }
0xb0: {  	[dreg:$0x4] =	wrdreg $0x9  }
0xb1: {  	_ =	task.clear_ibuf [dreg:s6], $0x5FFFF;
	_ =	strace $0x9000004F  }
0xb2: {  	s29 =	simm.s32 $0x9;
	_ =	strace $0x80000051  }
0xb3: {  	_ =	swait.ge [sflag:s29], $0x1  }
0xb4: {  	[sflag:s29] =	ssyncadd.s32 $0xFFFFFFFF  }
0xb5: {  	_ =	strace $0x90000051  }
0xb6: {  	_ =	sfence  }
0xb7: {  	s30 =	sld [smem:$0x0];
	_ =	sdelay $0x2  }
0xb8: {  	s31 =	sshll.u32 s1, $0xD;
	s1 =	sshrl.u32 s1, $0x2  }
0xb9: {  	s3 =	sand.u32 $0x4000, s31;
	s1 =	sadd.s32 s1, s30  }
0xba: {  	s0 =	sor.u32 s3, s0;
	s1 =	sshll.u32 s1, $0x11  }
0xbb: {  	s0 =	sor.u32 s1, s0  }
0xbc: {  	s0 =	sadd.s32 $0x8F2B, s0  }
0xbd: {  	[sflag:s0] =	ssyncadd.remote.s32 $0x1  }
0xbe: {  	_ =	sfence.sel $0xFFFF  }
0xbf: {  	[dreg:$0x0] =	wrdreg $0xFFFFFFFF;
	(pc) =	sbr.abs _section_cstart, $3  }
0xc0: {  	[dreg:$0x1] =	wrdreg $0xFFFFFFFF  }
0xc1: {  	_ =	task.clear_ibuf [dreg:s6], $0x2FFFF;
	_ =	strace $0x9FFFFFFF  }
0xc2: {  	(tm) =	ssettm $0x7FFFFFFF  }
0xc3: {  	_ =	shalt  }
tec
execute0_lowered:
.L_overlay_start_1:
0x0: {  	(tag) =	ssettag $0x1  }
0x1: {  	s0 =	stileid.u32  }
0x2: {  	s1 =	rddreg [dreg:$0x0];
	s4 =	smul.u32 $0x280, s0  }
0x3: {  	s3 =	srdreg.scid;
	s7 =	smul.u32 $0x50000, s0  }
0x4: {  	s2 =	rddreg [dreg:$0x1];
	s10 =	smul.u32 $0x2710, s0  }
0x5: {  	s5 =	sand.u32 $0x1, s3;
	s3 =	simm.s32 $0x0;
	s18 =	smul.u32 $0x4E2, s0  }
0x6: {  	s17 =	sadd.s32 $0x4800, s1;
	s23 =	smul.u32 $0x2800, s5;
	[smem:$0x7FF] =	sst s3  }
0x7: {  	s19 =	ssub.s32 $0x2, s5;
	_ =	strace $0x80000050;
	s20 =	sshrl.u32 s7, $0x2  }
0x8: {  	s21 =	sshrl.u32 s19, $0x1;
	s11 =	sshrl.u32 s10, $0x3;
	s31 =	sadd.s32 s18, s17  }
0x9: {  	s18 =	simm.s32 $0x16880;
	s6 =	sadd.s32 s4, s23;
	s4 =	sadd.s32 $0xE600, s1  }
0xa: {  	s5 =	sadd.s32 s20, s2;
	s16 =	ssub.s32 s19, s21;
	s11 =	sadd.s32 s17, s11  }
0xb: {  	s17 =	sadd.s32 $0xA, s31;
	s19 =	simm.s32 $0x5;
	s22 =	sadd.s32 $0x2800, s5  }
0xc: {  	s20 =	simm.s32 $0x14000;
	s24 =	sadd.s32 $0x5000, s5;
	[dreg:$0x3] =	wrdreg s22  }
0xd: {  	s21 =	simm.s32 $0x50;
	s25 =	sadd.s32 $0x7800, s5;
	[dreg:$0x4] =	wrdreg s24  }
0xe: {  	v0 =	vmov s23;
	s23 =	simm.s32 $0x1;
	s26 =	sadd.s32 $0xA000, s5;
	[dreg:$0x5] =	wrdreg s25  }
0xf: {  	s6 =	sshll.u32 s6, $0x4;
	s28 =	sadd.s32 $0xC800, s5;
	[dreg:$0x6] =	wrdreg s26  }
0x10: {  	s29 =	sadd.s32 $0xF000, s5;
	s30 =	sadd.s32 $0x11800, s5;
	[dreg:$0x7] =	wrdreg s28  }
0x11: {  	s14 =	sadd.s32 $0x4E20, s11;
	s16 =	smax.u32 s16, $0x1;
	[dreg:$0x8] =	wrdreg s29  }
0x12: {  	s1 =	sadd.s32 s6, s1;
	[dreg:$0x9] =	wrdreg s30;
	s22 =	simm.s32 $0x16780  }
0x13: {  	v1 =	vimm.f32 $0.0e+00;
	s24 =	simm.s32 $0x3;
	s25 =	simm.s32 $0x6;
	s15 =	sadd.s32 $0x5E600, s1  }
.LBB2_1:
0x14: {  	s26 =	simm.s32 $0x0;
	s28 =	simm.s32 $0x200  }
.LBB2_2:
0x15: {  	p0 =	sne.s32 s28, $0x9E00;
	[tilespmem:s26+$0x168F0] =	vst v1  }
0x16: {  	[tilespmem:s26+$0x16880] =	vst v1  }
0x17: {  	[tilespmem:s26+$0x16890] =	vst v1  }
.Ltmp0:
0x18: {  	[tilespmem:s26+$0x168A0] =	vst v1;
	(pc) =	sbr.rel @p0 .LBB2_2-.Ltmp0, $4  }
0x19: {  	[tilespmem:s26+$0x168B0] =	vst v1  }
0x1a: {  	[tilespmem:s26+$0x168C0] =	vst v1  }
0x1b: {  	[tilespmem:s26+$0x168D0] =	vst v1  }
0x1c: {  	[tilespmem:s26+$0x168E0] =	vst v1;
	s26 =	sshra.s32 s28, $0x2;
	s28 =	sadd.s32 $0x200, s28  }
0x1d: {  	[tilespmem:s26+$0x168F0] =	vst v1  }
0x1e: {  	[tilespmem:s26+$0x16880] =	vst v1  }
0x1f: {  	[tilespmem:s26+$0x16890] =	vst v1  }
0x20: {  	[tilespmem:s26+$0x168A0] =	vst v1  }
0x21: {  	[tilespmem:s26+$0x168B0] =	vst v1  }
0x22: {  	[tilespmem:s26+$0x168C0] =	vst v1  }
0x23: {  	[tilespmem:s26+$0x168D0] =	vst v1  }
0x24: {  	[tilespmem:s26+$0x168E0] =	vst v1  }
0x25: {  	[spmem:s5] =	stream.linear.scatter [tilespmem:s18], [sflag:$0x5], $0x2800, $0x38;
	[tilespmem:$0x1B880] =	vst v63  }
0x26: {  	_ =	swait.ge [sflag:s19], $0x2800  }
0x27: {  	[sflag:s19] =	ssyncset.done $0x0  }
0x28: {  	s0 =	rddreg [dreg:$0x3];
	[sflag:s19] =	ssyncadd.s32 $0xFFFFD800  }
0x29: {  	[spmem:s0] =	stream.linear.scatter [tilespmem:s18], [sflag:$0x5], $0x2800, $0x38;
	[tilespmem:$0x1B880] =	vst v63  }
0x2a: {  	_ =	swait.ge [sflag:s19], $0x2800  }
0x2b: {  	[sflag:s19] =	ssyncset.done $0x0  }
0x2c: {  	s13 =	rddreg [dreg:$0x4];
	[sflag:s19] =	ssyncadd.s32 $0xFFFFD800  }
0x2d: {  	[spmem:s13] =	stream.linear.scatter [tilespmem:s18], [sflag:$0x5], $0x2800, $0x38;
	[tilespmem:$0x1B880] =	vst v63  }
0x2e: {  	_ =	swait.ge [sflag:s19], $0x2800  }
0x2f: {  	[sflag:s19] =	ssyncset.done $0x0  }
0x30: {  	s26 =	rddreg [dreg:$0x5];
	[sflag:s19] =	ssyncadd.s32 $0xFFFFD800  }
0x31: {  	[spmem:s26] =	stream.linear.scatter [tilespmem:s18], [sflag:$0x5], $0x2800, $0x38;
	[tilespmem:$0x1B880] =	vst v63  }
0x32: {  	_ =	swait.ge [sflag:s19], $0x2800  }
0x33: {  	[sflag:s19] =	ssyncset.done $0x0  }
0x34: {  	s28 =	rddreg [dreg:$0x6];
	[sflag:s19] =	ssyncadd.s32 $0xFFFFD800  }
0x35: {  	[spmem:s28] =	stream.linear.scatter [tilespmem:s18], [sflag:$0x5], $0x2800, $0x38;
	[tilespmem:$0x1B880] =	vst v63  }
0x36: {  	_ =	swait.ge [sflag:s19], $0x2800  }
0x37: {  	[sflag:s19] =	ssyncset.done $0x0  }
0x38: {  	s29 =	rddreg [dreg:$0x7];
	[sflag:s19] =	ssyncadd.s32 $0xFFFFD800  }
0x39: {  	[spmem:s29] =	stream.linear.scatter [tilespmem:s18], [sflag:$0x5], $0x2800, $0x38;
	[tilespmem:$0x1B880] =	vst v63  }
0x3a: {  	_ =	swait.ge [sflag:s19], $0x2800  }
0x3b: {  	[sflag:s19] =	ssyncset.done $0x0  }
0x3c: {  	s30 =	rddreg [dreg:$0x8];
	[sflag:s19] =	ssyncadd.s32 $0xFFFFD800  }
0x3d: {  	[spmem:s30] =	stream.linear.scatter [tilespmem:s18], [sflag:$0x5], $0x2800, $0x38;
	[tilespmem:$0x1B880] =	vst v63  }
0x3e: {  	_ =	swait.ge [sflag:s19], $0x2800  }
0x3f: {  	[sflag:s19] =	ssyncset.done $0x0  }
0x40: {  	s31 =	rddreg [dreg:$0x9];
	[sflag:s19] =	ssyncadd.s32 $0xFFFFD800  }
0x41: {  	[spmem:s31] =	stream.linear.scatter [tilespmem:s18], [sflag:$0x5], $0x2800, $0x38;
	[tilespmem:$0x1B880] =	vst v63  }
0x42: {  	_ =	swait.ge [sflag:s19], $0x2800  }
0x43: {  	[sflag:s19] =	ssyncset.done $0x0  }
0x44: {  	s1 =	simm.s32 $0x0;
	[sflag:s19] =	ssyncadd.s32 $0xFFFFD800  }
0x45: {  	[tilespmem:s20], [sflag:$0x5] =	stream.linear.gather [hbm4b:s14+s1], $0x2710, $0x38;
	[tilespmem:$0x1B880] =	vst v63  }
0x46: {  	_ =	swait.ge [sflag:s19], $0x2710  }
0x47: {  	[sflag:s19] =	ssyncset.done $0x0  }
0x48: {  	s26 =	simm.s32 $0x0;
	s1 =	simm.s32 $0x40;
	[sflag:s19] =	ssyncadd.s32 $0xFFFFD8F0  }
.LBB2_4:
0x49: {  	p0 =	sne.s32 s1, $0x9C00;
	v2 =	vld [tilespmem:s26+$0x14000];
	_ =	sdelay $0x1  }
.Ltmp1:
0x4a: {  	(pc) =	sbr.rel @p0 .LBB2_4-.Ltmp1, $3  }
0x4b: {  	_ =	sdelay $0x1  }
0x4c: {  	v2 =	vadd.s32 v0, v2  }
0x4d: {  	[tilespmem:s26+$0x14000] =	vst v2;
	s26 =	sshra.s32 s1, $0x2;
	s1 =	sadd.s32 $0x40, s1  }
0x4e: {  	v2 =	vld [tilespmem:s26+$0x14000];
	_ =	sdelay $0x4  }
0x4f: {  	v2 =	vadd.s32 v0, v2  }
0x50: {  	[tilespmem:s26+$0x14000] =	vst v2;
	s26 =	simm.s32 $0x1  }
0x51: {  	s1 =	simm.s32 $0x0;
	[bflag:$0x0] =	sbarrier.arrive $0xFFFF;
	s28 =	sand.u32 $0x1, s26  }
0x52: {  	[tilespmem:s18], [sflag:$0x1] =	stream.indirect.gather [hbm4b:s4+s21], $0x80, s20, s21, $0xb8;
	[tilespmem:$0x1B880] =	vst v63  }
0x53: {  	s31 =	smov.u32 s17;
	p0 =	seq.s32 s28, $0x0;
	s28 =	simm.s32 $0x14050  }
0x54: {  	[tilespmem:s22], [sflag:$0x3] =	stream.linear.gather [hbm4b:s11+s1], $0x50, $0x38;
	[tilespmem:$0x1B880] =	vst v63  }
0x55: {  	s29 =	simm.s32 @!p0 $0x50;
	s30 =	simm.s32 @!p0 $0x19080;
	s1 =	sand.u32 $0x1, s1  }
0x56: {  	[tilespmem:s30], [sflag:$0x2] =	stream.indirect.gather @!p0 [hbm4b:s4+s29], $0x80, s28, s29, $0xb8;
	[tilespmem:$0x1B880] =	vst v63  }
0x57: {  	p2 =	seq.s32 s1, $0x0;
	s29 =	simm.s32 @!p0 $0x0;
	s30 =	simm.s32 @!p0 $0x16800  }
0x58: {  	[tilespmem:s30], [sflag:$0x4] =	stream.linear.gather @!p0 [hbm4b:s17+s29], $0x50, $0x38;
	[tilespmem:$0x1B880] =	vst v63  }
0x59: {  	s29 =	simm.s32 @!p2 $0x50;
	s30 =	simm.s32 @!p2 $0x16880;
	p0 =	seq.s32 s1, $0x1  }
0x5a: {  	[tilespmem:s30], [sflag:$0x1] =	stream.indirect.gather @!p2 [hbm4b:s4+s29], $0x80, s28, s29, $0xb8;
	[tilespmem:$0x1B880] =	vst v63  }
0x5b: {  	s1 =	simm.s32 @!p2 $0x0;
	s28 =	sadd.s32 $0xA, s17;
	s29 =	simm.s32 $0x140A0  }
.LBB2_6:
0x5c: {  	s0 =	simm.s32 @!p2 $0x16780;
	s6 =	simm.s32 @p0 $0x2  }
0x5d: {  	s7 =	smov.u32 s26;
	s26 =	sadd.s32 $0x1, s26;
	s30 =	smov.u32 s29  }
0x5e: {  	[tilespmem:s0], [sflag:$0x3] =	stream.linear.gather @!p2 [hbm4b:s31+s1], $0x50, $0x38;
	[tilespmem:$0x1B880] =	vst v63  }
0x5f: {  	s0 =	simm.s32 @p0 $0x4;
	s1 =	simm.s32 @!p0 $0x1;
	_ =	swait.ge @p0 [sflag:s6], $0x2800  }
0x60: {  	s8 =	simm.s32 @p0 $0x16800;
	s9 =	simm.s32 @p0 $0x19080;
	[sflag:s6] =	ssyncset.done @p0 $0x0  }
0x61: {  	s10 =	simm.s32 @!p0 $0x6;
	[sflag:s6] =	ssyncadd.s32 @p0 $0xFFFFD800;
	s6 =	simm.s32 @!p0 $0x3  }
0x62: {  	s13 =	simm.s32 @p0 $0x50;
	s12 =	sand.u32 $0x1, s26;
	_ =	swait.ge @p0 [sflag:s0], $0x50  }
0x63: {  	p1 =	sne.s32 s26, $0x7C;
	s31 =	smov.u32 s28;
	[sflag:s0] =	ssyncset.done @p0 $0x0  }
0x64: {  	[sflag:s0] =	ssyncadd.s32 @p0 $0xFFFFFFB0  }
0x65: {  	[spmem:s2] =	stream.indirect.scatter.add.f32 @p0 [tilespmem:s9], [sflag:$0x5], $0x80, s8, s13, $0xb8;
	[tilespmem:$0x1B880] =	vst v63  }
0x66: {  	_ =	swait.ge @!p0 [sflag:s1], $0x2800  }
0x67: {  	[sflag:s1] =	ssyncset.done @!p0 $0x0  }
0x68: {  	[sflag:s1] =	ssyncadd.s32 @!p0 $0xFFFFD800  }
0x69: {  	s0 =	simm.s32 @!p0 $0x16880;
	_ =	swait.ge @!p0 [sflag:s6], $0x50  }
0x6a: {  	s8 =	simm.s32 @!p0 $0x16780;
	s1 =	simm.s32 @!p0 $0x50;
	[sflag:s6] =	ssyncset.done @!p0 $0x0  }
0x6b: {  	s10 =	simm.s32 @p0 $0x5;
	p2 =	seq.s32 s12, $0x0;
	[sflag:s6] =	ssyncadd.s32 @!p0 $0xFFFFFFB0  }
0x6c: {  	[spmem:s2] =	stream.indirect.scatter.add.f32 @!p0 [tilespmem:s0], [sflag:$0x6], $0x80, s8, s1, $0xb8;
	[tilespmem:$0x1B880] =	vst v63  }
0x6d: {  	s0 =	simm.s32 @!p2 $0x50;
	s1 =	simm.s32 @!p2 $0x19080;
	_ =	swait.ge [sflag:s10], $0x2800  }
0x6e: {  	[sflag:s10] =	ssyncset.done $0x0  }
0x6f: {  	s28 =	sadd.s32 $0xA, s28;
	s6 =	sand.u32 $0x1, s7;
	[sflag:s10] =	ssyncadd.s32 $0xFFFFD800  }
0x70: {  	[tilespmem:s1], [sflag:$0x2] =	stream.indirect.gather @!p2 [hbm4b:s4+s0], $0x80, s29, s0, $0xb8;
	[tilespmem:$0x1B880] =	vst v63  }
.Ltmp2:
0x71: {  	s0 =	simm.s32 @!p2 $0x0;
	s1 =	simm.s32 @!p2 $0x16800;
	(pc) =	sbr.rel @p1 .LBB2_6-.Ltmp2, $4  }
0x72: {  	[tilespmem:s1], [sflag:$0x4] =	stream.linear.gather @!p2 [hbm4b:s31+s0], $0x50, $0x38;
	[tilespmem:$0x1B880] =	vst v63  }
0x73: {  	p0 =	seq.s32 s6, $0x1;
	s29 =	sadd.s32 $0x50, s29;
	p2 =	seq.s32 s6, $0x0  }
0x74: {  	s0 =	simm.s32 @!p2 $0x50;
	s6 =	simm.s32 @!p2 $0x16880;
	s1 =	simm.s32 @!p2 $0x0  }
0x75: {  	[tilespmem:s6], [sflag:$0x1] =	stream.indirect.gather @!p2 [hbm4b:s4+s0], $0x80, s30, s0, $0xb8;
	[tilespmem:$0x1B880] =	vst v63  }
0x76: {  	s0 =	simm.s32 @!p2 $0x16780;
	s6 =	simm.s32 @p0 $0x2  }
0x77: {  	[tilespmem:s0], [sflag:$0x3] =	stream.linear.gather @!p2 [hbm4b:s31+s1], $0x50, $0x38;
	[tilespmem:$0x1B880] =	vst v63  }
0x78: {  	_ =	swait.ge @p0 [sflag:s6], $0x2800  }
0x79: {  	[sflag:s6] =	ssyncset.done @p0 $0x0  }
0x7a: {  	s0 =	simm.s32 @p0 $0x4;
	[sflag:s6] =	ssyncadd.s32 @p0 $0xFFFFD800  }
0x7b: {  	_ =	swait.ge @p0 [sflag:s0], $0x50  }
0x7c: {  	s7 =	simm.s32 @p0 $0x19080;
	s8 =	simm.s32 @p0 $0x50;
	[sflag:s0] =	ssyncset.done @p0 $0x0  }
0x7d: {  	s1 =	simm.s32 @!p0 $0x1;
	s6 =	simm.s32 @p0 $0x16800;
	[sflag:s0] =	ssyncadd.s32 @p0 $0xFFFFFFB0  }
0x7e: {  	[spmem:s2] =	stream.indirect.scatter.add.f32 @p0 [tilespmem:s7], [sflag:$0x5], $0x80, s6, s8, $0xb8;
	[tilespmem:$0x1B880] =	vst v63  }
0x7f: {  	_ =	swait.ge @!p0 [sflag:s1], $0x2800  }
0x80: {  	[sflag:s1] =	ssyncset.done @!p0 $0x0  }
0x81: {  	s0 =	simm.s32 @!p0 $0x3;
	[sflag:s1] =	ssyncadd.s32 @!p0 $0xFFFFD800  }
0x82: {  	s6 =	simm.s32 @!p0 $0x16880;
	_ =	swait.ge @!p0 [sflag:s0], $0x50  }
0x83: {  	s7 =	simm.s32 @!p0 $0x50;
	s1 =	simm.s32 @!p0 $0x6;
	[sflag:s0] =	ssyncset.done @!p0 $0x0  }
0x84: {  	s8 =	simm.s32 @!p0 $0x16780;
	s1 =	simm.s32 @p0 $0x5;
	[sflag:s0] =	ssyncadd.s32 @!p0 $0xFFFFFFB0  }
0x85: {  	[spmem:s2] =	stream.indirect.scatter.add.f32 @!p0 [tilespmem:s6], [sflag:$0x6], $0x80, s8, s7, $0xb8;
	[tilespmem:$0x1B880] =	vst v63  }
0x86: {  	_ =	swait.ge [sflag:s1], $0x2800  }
0x87: {  	[sflag:s1] =	ssyncset.done $0x0  }
0x88: {  	[sflag:s1] =	ssyncadd.s32 $0xFFFFD800  }
0x89: {  	_ =	swait.ge [sflag:s23], $0x2800  }
0x8a: {  	[sflag:s23] =	ssyncset.done $0x0  }
0x8b: {  	[sflag:s23] =	ssyncadd.s32 $0xFFFFD800  }
0x8c: {  	_ =	swait.ge [sflag:s24], $0x50  }
0x8d: {  	[sflag:s24] =	ssyncset.done $0x0  }
0x8e: {  	[sflag:s24] =	ssyncadd.s32 $0xFFFFFFB0  }
0x8f: {  	[spmem:s2] =	stream.indirect.scatter.add.f32 [tilespmem:s18], [sflag:$0x6], $0x80, s22, s21, $0xb8;
	[tilespmem:$0x1B880] =	vst v63  }
0x90: {  	s30 =	stileid.u32;
	_ =	swait.ge [sflag:s25], $0x2800  }
0x91: {  	s3 =	sadd.s32 $0x1, s3;
	s31 =	sshrl.u32 s5, $0x3;
	[sflag:s25] =	ssyncset.done $0x0  }
0x92: {  	s0 =	sshll.u32 s30, $0x6;
	p0 =	sne.s32 s3, s16;
	[sflag:s25] =	ssyncadd.s32 $0xFFFFD800  }
.Ltmp3:
0x93: {  	s0 =	sor.u32 $0x1C05, s0;
	[bflag:$0x0] =	sbarrier.arrive $0xFFFF;
	(pc) =	sbr.rel @p0 .LBB2_1-.Ltmp3, $4  }
0x94: {  	[hbm:s15], [sflag:s0] =	dma.local [spmem:s31], $0x2800  }
0x95: {  	_ =	swait.ge [sflag:s19], $0x2800  }
0x96: {  	[sflag:s19] =	ssyncset.done $0x0  }
0x97: {  	[sflag:s19] =	ssyncadd.s32 $0xFFFFD800  }
0x98: {  	_ =	sfence.sel $0x180000  }
0x99: {  	[bflag:$0x0] =	sbarrier.arrive $0xFFFF  }
0x9a: {  	_ =	strace $0x90000050  }
0x9b: {  	s0 =	stileid.u32;
	[bflag:$0x2] =	sbarrier.arrive $0xFFFF  }
0x9c: {  	p0 =	sne.s32 s0, $0x0;
	s0 =	rddreg [dreg:$0x2]  }
0x9d: {  	s0 =	sadd.s32 @!p0 $0x100000, s0  }
0x9e: {  	[sflag:s0] =	ssyncadd.tile.s32 @!p0 $0x1;
	_ =	shalt  }
.Lfunc_end2:
_tile_overlayer_lowered:
.L_overlay_start_2:
0x9f: {  	(tag) =	ssettag $0x2  }
0xa0: {  	s0 =	rddreg [dreg:$0x0];
	s2 =	stileid.u32  }
0xa1: {  	s1 =	rddreg [dreg:$0x1];
	p0 =	sne.s32 s2, $0x0  }
0xa2: {  	s3 =	rddreg [dreg:$0x2];
	[bflag:$0x3] =	sbarrier.arrive $0xFFFF;
	s2 =	simm.s32 @!p0 $0x1C05  }
0xa3: {  	[timem:s3], [sflag:s2] =	dma.local @!p0 [hbm:s0], s1  }
0xa4: {  	s0 =	simm.s32 @!p0 $0x5  }
0xa5: {  	_ =	swait.ge @!p0 [sflag:s0], s1  }
0xa6: {  	s1 =	ssub.s32 @!p0 $0x0, s1;
	[sflag:s0] =	ssyncset.done @!p0 $0x0  }
0xa7: {  	[sflag:s0] =	ssyncadd.s32 @!p0 s1  }
0xa8: {  	[bflag:$0x3] =	sbarrier.arrive $0xFFFF  }
0xa9: {  	_ =	shalt  }

// kernel: kernel.25.cloned.1.call-start
scs
__scs_entry_jumppad:
0x0: {  	(pc) =	sbr.rel $0x88, $3  }
0x1: {  	(tag) =	ssettag $0x0;
	lr =	simm.s32 $0x1  }
0x2: {  	[smem:$0x3F94] =	sst lr;
	_ =	strace $0xD0000000  }
0x3: {  	_ = 	snop  }
0x4: {  	_ = 	snop  }
0x5: {  	_ = 	snop  }
0x6: {  	_ = 	snop  }
0x7: {  	_ = 	snop  }
__scs_overlays_trampoline_lowered:
0x8: {  	[smem:$0x3FA3] =	sst s0  }
0x9: {  	[smem:$0x3FA4] =	sst s1  }
0xa: {  	[smem:$0x3FA5] =	sst s2  }
0xb: {  	[smem:$0x3FA6] =	sst s3  }
0xc: {  	[smem:$0x3FA7] =	sst s4  }
0xd: {  	[smem:$0x3FA8] =	sst s5  }
0xe: {  	[smem:$0x3FA9] =	sst s6  }
0xf: {  	[smem:$0x3FAA] =	sst s7  }
0x10: {  	[smem:$0x3FAB] =	sst s8  }
0x11: {  	[smem:$0x3FAC] =	sst s9;
	s0 =	simm.s32 @!p0 $0x0  }
0x12: {  	s1 =	sld [smem:$0x3F92];
	s0 =	simm.s32 @p0 $0x1  }
0x13: {  	[smem:$0x3FAD] =	sst s0;
	s0 =	simm.s32 @!p1 $0x0  }
0x14: {  	s2 =	sld [smem:$0x3F91];
	s0 =	simm.s32 @p1 $0x1  }
0x15: {  	[smem:$0x3FAE] =	sst s0;
	s0 =	simm.s32 @!p2 $0x0  }
0x16: {  	s3 =	sld [smem:$0x3FDB];
	s0 =	simm.s32 @p2 $0x1  }
0x17: {  	s4 =	simm.s32 $0x1BF5;
	[smem:$0x3FB0] =	sst s0  }
0x18: {  	s0 =	sld [smem:$0x3F93];
	_ =	swait.ge [sflag:s4], $0x0  }
0x19: {  	s7 =	sld [smem:$0x3F94]  }
0x1a: {  	s8 =	sadd.s32 $0xFFFFE003, lr  }
0x1b: {  	s9 =	sadd.s32 $0xFFFFFEF7, lr;
	s5 =	simm.s32 $0xFFFFFFFF;
	p2 =	slt.u32 s8, $0xFFFFF086  }
0x1c: {  	p1 =	slt.u32 s9, $0xF7A;
	s5 =	simm.s32 @!p2 $0x0  }
0x1d: {  	s5 =	simm.s32 @p1 $0x1;
	p0 =	seq.s32 s7, s2  }
0x1e: {  	s7 =	smul.u32 @!p0 $0xF7A, s2;
	p2 =	seq.s32 @!p0 s5, $0x0  }
0x1f: {  	s9 =	smul.u32 $0xF7A, s1;
	s8 =	simm.s32 @!p0 $0x1BF5;
	p2 =	por !p2, p0  }
0x20: {  	[sflag:s8] =	ssyncset.s32 @!p0 $0xFFFFF086;
	s6 =	sadd.s32 @!p0 s3, s7;
	s7 =	simm.s32 @!p0 $0x108  }
0x21: {  	s3 =	sadd.s32 s3, s9;
	s6 =	sadd.s32 @!p0 $0x88, s6;
	s7 =	simm.s32 @p2 $0x1082  }
0x22: {  	[simem:s7], [sflag:s8] =	dma.local @!p0 [hbm:s6], $0xF7A  }
0x23: {  	s9 =	sor.u32 $0xD0000000, s2;
	s6 =	simm.s32 $0x108;
	_ =	swait.ge @!p0 [sflag:s8], $0x0  }
0x24: {  	s3 =	sadd.s32 $0x88, s3;
	s6 =	simm.s32 @!p1 $0x1082;
	[sflag:s4] =	ssyncset.s32 $0xFFFFF086  }
0x25: {  	[simem:s6], [sflag:s4] =	dma.local [hbm:s3], $0xF7A  }
0x26: {  	[smem:$0x3F94] =	sst s1;
	(tag) =	ssettag s2;
	_ =	strace s9  }
0x27: {  	s1 =	sld [smem:$0x3FA4]  }
0x28: {  	s2 =	sld [smem:$0x3FA5]  }
0x29: {  	s4 =	sld [smem:$0x3FA7]  }
0x2a: {  	p0 =	seq.s32 s5, $0x0;
	s5 =	sld [smem:$0x3FA8]  }
0x2b: {  	s6 =	sld [smem:$0x3FA9]  }
0x2c: {  	s7 =	sld [smem:$0x3FAA]  }
0x2d: {  	s3 =	simm.s32 $0x108;
	s8 =	sld [smem:$0x3FAB]  }
0x2e: {  	s3 =	simm.s32 @!p0 $0x1082;
	s9 =	sld [smem:$0x3FAC]  }
0x2f: {  	lr =	sadd.s32 s0, s3;
	s0 =	sld [smem:$0x3FA3]  }
0x30: {  	s3 =	sld [smem:$0x3FA6]  }
0x31: {  	[smem:$0x3FAF] =	sst s10  }
0x32: {  	s10 =	sld [smem:$0x3FAD];
	_ =	sdelay $0x3  }
0x33: {  	p0 =	seq.s32 s10, $0x1;
	s10 =	sld [smem:$0x3FAF];
	_ =	sdelay $0x3  }
0x34: {  	[smem:$0x3FAF] =	sst s10  }
0x35: {  	s10 =	sld [smem:$0x3FAE];
	_ =	sdelay $0x3  }
0x36: {  	p1 =	seq.s32 s10, $0x1;
	s10 =	sld [smem:$0x3FAF];
	_ =	sdelay $0x3  }
0x37: {  	[smem:$0x3FAF] =	sst s10  }
0x38: {  	s10 =	sld [smem:$0x3FB0]  }
0x39: {  	_ = 	snop;
	(pc) =	sbr.ind lr, $3  }
0x3a: {  	_ = 	snop  }
0x3b: {  	_ = 	snop  }
0x3c: {  	p2 =	seq.s32 s10, $0x1;
	s10 =	sld [smem:$0x3FAF]  }
0x3d: {  	_ =	shalt  }
0x3e: {  	_ =	shalt  }
0x3f: {  	_ =	shalt  }
0x40: {  	_ =	shalt  }
0x41: {  	_ =	shalt  }
0x42: {  	_ =	shalt  }
0x43: {  	_ =	shalt  }
0x44: {  	_ =	shalt  }
0x45: {  	_ =	shalt  }
0x46: {  	_ =	shalt  }
0x47: {  	_ =	shalt  }
0x48: {  	_ =	shalt  }
0x49: {  	_ =	shalt  }
0x4a: {  	_ =	shalt  }
0x4b: {  	_ =	shalt  }
0x4c: {  	_ =	shalt  }
0x4d: {  	_ =	shalt  }
0x4e: {  	_ =	shalt  }
0x4f: {  	_ =	shalt  }
0x50: {  	_ =	shalt  }
0x51: {  	_ =	shalt  }
0x52: {  	_ =	shalt  }
0x53: {  	_ =	shalt  }
0x54: {  	_ =	shalt  }
0x55: {  	_ =	shalt  }
0x56: {  	_ =	shalt  }
0x57: {  	_ =	shalt  }
0x58: {  	_ =	shalt  }
0x59: {  	_ =	shalt  }
0x5a: {  	_ =	shalt  }
0x5b: {  	_ =	shalt  }
0x5c: {  	_ =	shalt  }
0x5d: {  	_ =	shalt  }
0x5e: {  	_ =	shalt  }
0x5f: {  	_ =	shalt  }
0x60: {  	_ =	shalt  }
0x61: {  	_ =	shalt  }
0x62: {  	_ =	shalt  }
0x63: {  	_ =	shalt  }
0x64: {  	_ =	shalt  }
0x65: {  	_ =	shalt  }
0x66: {  	_ =	shalt  }
0x67: {  	_ =	shalt  }
0x68: {  	_ =	shalt  }
0x69: {  	_ =	shalt  }
0x6a: {  	_ =	shalt  }
0x6b: {  	_ =	shalt  }
0x6c: {  	_ =	shalt  }
0x6d: {  	_ =	shalt  }
0x6e: {  	_ =	shalt  }
0x6f: {  	_ =	shalt  }
0x70: {  	_ =	shalt  }
0x71: {  	_ =	shalt  }
0x72: {  	_ =	shalt  }
0x73: {  	_ =	shalt  }
0x74: {  	_ =	shalt  }
0x75: {  	_ =	shalt  }
0x76: {  	_ =	shalt  }
0x77: {  	_ =	shalt  }
0x78: {  	_ =	shalt  }
0x79: {  	_ =	shalt  }
0x7a: {  	_ =	shalt  }
0x7b: {  	_ =	shalt  }
0x7c: {  	_ =	shalt  }
0x7d: {  	_ =	shalt  }
0x7e: {  	_ =	shalt  }
0x7f: {  	_ =	shalt  }
0x80: {  	_ =	shalt  }
0x81: {  	_ =	shalt  }
0x82: {  	_ =	shalt  }
0x83: {  	_ =	shalt  }
0x84: {  	_ =	shalt  }
0x85: {  	_ =	shalt  }
0x86: {  	_ =	shalt  }
0x87: {  	_ =	shalt  }
.Lfunc_end0:
.L_simem_size_0:
called_computation.4_lowered:
.L_overlay_start_0:
0x88: {  	s2 =	sld [smem:$0x3FD9]  }
0x89: {  	s3 =	sld [smem:$0x3FFE];
	_ =	sdelay $0x1  }
0x8a: {  	s1 =	srdreg.scid  }
0x8b: {  	s0 =	sand.u32 $0x1, s1  }
0x8c: {  	s16 =	sshll.u32 s0, $0xA;
	s2 =	sadd.s32 s3, s2  }
0x8d: {  	s2 =	sadd.s32 s2, s16  }
0x8e: {  	[smem:$0x3FBB] =	sst s2  }
0x8f: {  	_ = 	snop  }
0x90: {  	(tm) =	ssettm $0x1  }
0x91: {  	s17 =	sld [smem:$0x3FFB];
	_ =	sdelay $0x3  }
0x92: {  	_ =	strace s17  }
0x93: {  	s2 =	sld [smem:$0x3FFC];
	_ =	sdelay $0x3  }
0x94: {  	_ =	strace s2  }
0x95: {  	s2 =	sld [smem:$0x3FFD];
	_ =	sdelay $0x3  }
0x96: {  	_ =	strace s2  }
0x97: {  	_ =	strace $0x8FFFFFFF  }
0x98: {  	s18 =	sld [smem:$0x3FDB];
	_ =	sdelay $0x1  }
0x99: {  	s19 =	simm.s32 $_scs_section_size  }
0x9a: {  	s4 =	simm.s32 $_size__tile_overlayer_lowered;
	s5 =	simm.s32 $_tile_overlayer_lowered  }
0x9b: {  	s22 =	simm.s32 $0x1BFF;
	s21 =	sshll.u32 s5, $0x1;
	s2 =	sadd.s32 s19, s18  }
0x9c: {  	s6 =	simm.s32 $0x0;
	s20 =	sshll.u32 s4, $0x1;
	s4 =	sadd.s32 s21, s2  }
0x9d: {  	[timem:s6], [sflag:s22] =	dma.local [hbm:s4], s20  }
0x9e: {  	_ =	swait.ge [sflag:s22], s20  }
0x9f: {  	s3 =	ssub.s32 $0x0, s20;
	[sflag:s22] =	ssyncset.done $0x0  }
0xa0: {  	[sflag:s22] =	ssyncadd.s32 s3;
	_ =	sdelay $0x1  }
0xa1: {  	s23 =	simm.s32 $0x1B8B  }
0xa2: {  	_ =	swait.ge [sflag:s23], $0x1  }
0xa3: {  	[sflag:s23] =	ssyncset.done $0x0  }
0xa4: {  	s25 =	simm.s32 $0x1B8E;
	s24 =	sld [smem:$0x3FFE];
	[sflag:s23] =	ssyncadd.s32 $0xFFFFFFFF  }
0xa5: {  	s26 =	simm.s32 $execute0_lowered;
	[smem:$0x3FD2] =	sst s25  }
0xa6: {  	s4 =	sshll.u32 s26, $0x1;
	_ =	strace $0x80000052;
	[dreg:$0x1] =	wrdreg $0xFFFFFFFF  }
0xa7: {  	s28 =	simm.s32 $_size_execute0_lowered;
	s2 =	sadd.s32 s2, s4;
	[dreg:$0x0] =	wrdreg $0x0  }
0xa8: {  	s4 =	sshll.u32 s28, $0x1;
	[dreg:$0x2] =	wrdreg s2  }
0xa9: {  	[dreg:$0x3] =	wrdreg s4  }
0xaa: {  	[dreg:$0x4] =	wrdreg $0xC0  }
0xab: {  	_ =	task [dreg:s6], $0x5FFFF  }
0xac: {  	[dreg:$0x1] =	wrdreg $0xFFFFFFFF  }
0xad: {  	[dreg:$0x0] =	wrdreg $0x60  }
0xae: {  	[dreg:$0x2] =	wrdreg s24  }
0xaf: {  	[dreg:$0x3] =	wrdreg $0x0  }
0xb0: {  	[dreg:$0x4] =	wrdreg $0x9  }
0xb1: {  	_ =	task.clear_ibuf [dreg:s6], $0x5FFFF;
	_ =	strace $0x90000052  }
0xb2: {  	s29 =	simm.s32 $0x9;
	_ =	strace $0x80000054  }
0xb3: {  	_ =	swait.ge [sflag:s29], $0x1  }
0xb4: {  	[sflag:s29] =	ssyncadd.s32 $0xFFFFFFFF  }
0xb5: {  	_ =	strace $0x90000054  }
0xb6: {  	_ =	sfence  }
0xb7: {  	s30 =	sld [smem:$0x0];
	_ =	sdelay $0x2  }
0xb8: {  	s31 =	sshll.u32 s1, $0xD;
	s1 =	sshrl.u32 s1, $0x2  }
0xb9: {  	s3 =	sand.u32 $0x4000, s31;
	s1 =	sadd.s32 s1, s30  }
0xba: {  	s0 =	sor.u32 s3, s0;
	s1 =	sshll.u32 s1, $0x11  }
0xbb: {  	s0 =	sor.u32 s1, s0  }
0xbc: {  	s0 =	sadd.s32 $0x8F2B, s0  }
0xbd: {  	[sflag:s0] =	ssyncadd.remote.s32 $0x1  }
0xbe: {  	_ =	sfence.sel $0xFFFF  }
0xbf: {  	[dreg:$0x0] =	wrdreg $0xFFFFFFFF;
	(pc) =	sbr.abs _section_cstart, $3  }
0xc0: {  	[dreg:$0x1] =	wrdreg $0xFFFFFFFF  }
0xc1: {  	_ =	task.clear_ibuf [dreg:s6], $0x2FFFF;
	_ =	strace $0x9FFFFFFF  }
0xc2: {  	(tm) =	ssettm $0x7FFFFFFF  }
0xc3: {  	_ =	shalt  }
tec
execute0_lowered:
.L_overlay_start_1:
0x0: {  	(tag) =	ssettag $0x1  }
0x1: {  	s0 =	stileid.u32  }
0x2: {  	s1 =	rddreg [dreg:$0x0];
	s4 =	smul.u32 $0x280, s0  }
0x3: {  	s3 =	srdreg.scid;
	s7 =	smul.u32 $0x50000, s0  }
0x4: {  	s2 =	rddreg [dreg:$0x1];
	s10 =	smul.u32 $0x2710, s0  }
0x5: {  	s5 =	sand.u32 $0x1, s3;
	s3 =	simm.s32 $0x0;
	s18 =	smul.u32 $0x4E2, s0  }
0x6: {  	s17 =	sadd.s32 $0x4800, s1;
	s23 =	smul.u32 $0x2800, s5;
	[smem:$0x7FF] =	sst s3  }
0x7: {  	s19 =	ssub.s32 $0x2, s5;
	_ =	strace $0x80000053;
	s20 =	sshrl.u32 s7, $0x2  }
0x8: {  	s21 =	sshrl.u32 s19, $0x1;
	s11 =	sshrl.u32 s10, $0x3;
	s31 =	sadd.s32 s18, s17  }
0x9: {  	s18 =	simm.s32 $0x16880;
	s6 =	sadd.s32 s4, s23;
	s4 =	sadd.s32 $0xE600, s1  }
0xa: {  	s5 =	sadd.s32 s20, s2;
	s16 =	ssub.s32 s19, s21;
	s11 =	sadd.s32 s17, s11  }
0xb: {  	s17 =	sadd.s32 $0x4E2A, s31;
	s19 =	simm.s32 $0x5;
	s22 =	sadd.s32 $0x2800, s5  }
0xc: {  	s20 =	simm.s32 $0x14000;
	s24 =	sadd.s32 $0x5000, s5;
	[dreg:$0x3] =	wrdreg s22  }
0xd: {  	s21 =	simm.s32 $0x50;
	s25 =	sadd.s32 $0x7800, s5;
	[dreg:$0x4] =	wrdreg s24  }
0xe: {  	v0 =	vmov s23;
	s23 =	simm.s32 $0x1;
	s26 =	sadd.s32 $0xA000, s5;
	[dreg:$0x5] =	wrdreg s25  }
0xf: {  	s6 =	sshll.u32 s6, $0x4;
	s28 =	sadd.s32 $0xC800, s5;
	[dreg:$0x6] =	wrdreg s26  }
0x10: {  	s29 =	sadd.s32 $0xF000, s5;
	s30 =	sadd.s32 $0x11800, s5;
	[dreg:$0x7] =	wrdreg s28  }
0x11: {  	s14 =	sadd.s32 $0x4E20, s11;
	s16 =	smax.u32 s16, $0x1;
	[dreg:$0x8] =	wrdreg s29  }
0x12: {  	s1 =	sadd.s32 s6, s1;
	[dreg:$0x9] =	wrdreg s30;
	s22 =	simm.s32 $0x16780  }
0x13: {  	v1 =	vimm.f32 $0.0e+00;
	s24 =	simm.s32 $0x3;
	s25 =	simm.s32 $0x6;
	s15 =	sadd.s32 $0x5E600, s1  }
.LBB2_1:
0x14: {  	s26 =	simm.s32 $0x0;
	s28 =	simm.s32 $0x200  }
.LBB2_2:
0x15: {  	p0 =	sne.s32 s28, $0x9E00;
	[tilespmem:s26+$0x168F0] =	vst v1  }
0x16: {  	[tilespmem:s26+$0x16880] =	vst v1  }
0x17: {  	[tilespmem:s26+$0x16890] =	vst v1  }
.Ltmp0:
0x18: {  	[tilespmem:s26+$0x168A0] =	vst v1;
	(pc) =	sbr.rel @p0 .LBB2_2-.Ltmp0, $4  }
0x19: {  	[tilespmem:s26+$0x168B0] =	vst v1  }
0x1a: {  	[tilespmem:s26+$0x168C0] =	vst v1  }
0x1b: {  	[tilespmem:s26+$0x168D0] =	vst v1  }
0x1c: {  	[tilespmem:s26+$0x168E0] =	vst v1;
	s26 =	sshra.s32 s28, $0x2;
	s28 =	sadd.s32 $0x200, s28  }
0x1d: {  	[tilespmem:s26+$0x168F0] =	vst v1  }
0x1e: {  	[tilespmem:s26+$0x16880] =	vst v1  }
0x1f: {  	[tilespmem:s26+$0x16890] =	vst v1  }
0x20: {  	[tilespmem:s26+$0x168A0] =	vst v1  }
0x21: {  	[tilespmem:s26+$0x168B0] =	vst v1  }
0x22: {  	[tilespmem:s26+$0x168C0] =	vst v1  }
0x23: {  	[tilespmem:s26+$0x168D0] =	vst v1  }
0x24: {  	[tilespmem:s26+$0x168E0] =	vst v1  }
0x25: {  	[spmem:s5] =	stream.linear.scatter [tilespmem:s18], [sflag:$0x5], $0x2800, $0x38;
	[tilespmem:$0x1B880] =	vst v63  }
0x26: {  	_ =	swait.ge [sflag:s19], $0x2800  }
0x27: {  	[sflag:s19] =	ssyncset.done $0x0  }
0x28: {  	s0 =	rddreg [dreg:$0x3];
	[sflag:s19] =	ssyncadd.s32 $0xFFFFD800  }
0x29: {  	[spmem:s0] =	stream.linear.scatter [tilespmem:s18], [sflag:$0x5], $0x2800, $0x38;
	[tilespmem:$0x1B880] =	vst v63  }
0x2a: {  	_ =	swait.ge [sflag:s19], $0x2800  }
0x2b: {  	[sflag:s19] =	ssyncset.done $0x0  }
0x2c: {  	s13 =	rddreg [dreg:$0x4];
	[sflag:s19] =	ssyncadd.s32 $0xFFFFD800  }
0x2d: {  	[spmem:s13] =	stream.linear.scatter [tilespmem:s18], [sflag:$0x5], $0x2800, $0x38;
	[tilespmem:$0x1B880] =	vst v63  }
0x2e: {  	_ =	swait.ge [sflag:s19], $0x2800  }
0x2f: {  	[sflag:s19] =	ssyncset.done $0x0  }
0x30: {  	s26 =	rddreg [dreg:$0x5];
	[sflag:s19] =	ssyncadd.s32 $0xFFFFD800  }
0x31: {  	[spmem:s26] =	stream.linear.scatter [tilespmem:s18], [sflag:$0x5], $0x2800, $0x38;
	[tilespmem:$0x1B880] =	vst v63  }
0x32: {  	_ =	swait.ge [sflag:s19], $0x2800  }
0x33: {  	[sflag:s19] =	ssyncset.done $0x0  }
0x34: {  	s28 =	rddreg [dreg:$0x6];
	[sflag:s19] =	ssyncadd.s32 $0xFFFFD800  }
0x35: {  	[spmem:s28] =	stream.linear.scatter [tilespmem:s18], [sflag:$0x5], $0x2800, $0x38;
	[tilespmem:$0x1B880] =	vst v63  }
0x36: {  	_ =	swait.ge [sflag:s19], $0x2800  }
0x37: {  	[sflag:s19] =	ssyncset.done $0x0  }
0x38: {  	s29 =	rddreg [dreg:$0x7];
	[sflag:s19] =	ssyncadd.s32 $0xFFFFD800  }
0x39: {  	[spmem:s29] =	stream.linear.scatter [tilespmem:s18], [sflag:$0x5], $0x2800, $0x38;
	[tilespmem:$0x1B880] =	vst v63  }
0x3a: {  	_ =	swait.ge [sflag:s19], $0x2800  }
0x3b: {  	[sflag:s19] =	ssyncset.done $0x0  }
0x3c: {  	s30 =	rddreg [dreg:$0x8];
	[sflag:s19] =	ssyncadd.s32 $0xFFFFD800  }
0x3d: {  	[spmem:s30] =	stream.linear.scatter [tilespmem:s18], [sflag:$0x5], $0x2800, $0x38;
	[tilespmem:$0x1B880] =	vst v63  }
0x3e: {  	_ =	swait.ge [sflag:s19], $0x2800  }
0x3f: {  	[sflag:s19] =	ssyncset.done $0x0  }
0x40: {  	s31 =	rddreg [dreg:$0x9];
	[sflag:s19] =	ssyncadd.s32 $0xFFFFD800  }
0x41: {  	[spmem:s31] =	stream.linear.scatter [tilespmem:s18], [sflag:$0x5], $0x2800, $0x38;
	[tilespmem:$0x1B880] =	vst v63  }
0x42: {  	_ =	swait.ge [sflag:s19], $0x2800  }
0x43: {  	[sflag:s19] =	ssyncset.done $0x0  }
0x44: {  	s1 =	simm.s32 $0x0;
	[sflag:s19] =	ssyncadd.s32 $0xFFFFD800  }
0x45: {  	[tilespmem:s20], [sflag:$0x5] =	stream.linear.gather [hbm4b:s11+s1], $0x2710, $0x38;
	[tilespmem:$0x1B880] =	vst v63  }
0x46: {  	_ =	swait.ge [sflag:s19], $0x2710  }
0x47: {  	[sflag:s19] =	ssyncset.done $0x0  }
0x48: {  	s26 =	simm.s32 $0x0;
	s1 =	simm.s32 $0x40;
	[sflag:s19] =	ssyncadd.s32 $0xFFFFD8F0  }
.LBB2_4:
0x49: {  	p0 =	sne.s32 s1, $0x9C00;
	v2 =	vld [tilespmem:s26+$0x14000];
	_ =	sdelay $0x1  }
.Ltmp1:
0x4a: {  	(pc) =	sbr.rel @p0 .LBB2_4-.Ltmp1, $3  }
0x4b: {  	_ =	sdelay $0x1  }
0x4c: {  	v2 =	vadd.s32 v0, v2  }
0x4d: {  	[tilespmem:s26+$0x14000] =	vst v2;
	s26 =	sshra.s32 s1, $0x2;
	s1 =	sadd.s32 $0x40, s1  }
0x4e: {  	v2 =	vld [tilespmem:s26+$0x14000];
	_ =	sdelay $0x4  }
0x4f: {  	v2 =	vadd.s32 v0, v2  }
0x50: {  	[tilespmem:s26+$0x14000] =	vst v2;
	s26 =	simm.s32 $0x1  }
0x51: {  	s1 =	simm.s32 $0x0;
	[bflag:$0x0] =	sbarrier.arrive $0xFFFF;
	s28 =	sand.u32 $0x1, s26  }
0x52: {  	[tilespmem:s18], [sflag:$0x1] =	stream.indirect.gather [hbm4b:s4+s21], $0x80, s20, s21, $0xb8;
	[tilespmem:$0x1B880] =	vst v63  }
0x53: {  	s31 =	smov.u32 s17;
	p0 =	seq.s32 s28, $0x0;
	s28 =	simm.s32 $0x14050  }
0x54: {  	[tilespmem:s22], [sflag:$0x3] =	stream.linear.gather [hbm4b:s14+s1], $0x50, $0x38;
	[tilespmem:$0x1B880] =	vst v63  }
0x55: {  	s29 =	simm.s32 @!p0 $0x50;
	s30 =	simm.s32 @!p0 $0x19080;
	s1 =	sand.u32 $0x1, s1  }
0x56: {  	[tilespmem:s30], [sflag:$0x2] =	stream.indirect.gather @!p0 [hbm4b:s4+s29], $0x80, s28, s29, $0xb8;
	[tilespmem:$0x1B880] =	vst v63  }
0x57: {  	p2 =	seq.s32 s1, $0x0;
	s29 =	simm.s32 @!p0 $0x0;
	s30 =	simm.s32 @!p0 $0x16800  }
0x58: {  	[tilespmem:s30], [sflag:$0x4] =	stream.linear.gather @!p0 [hbm4b:s17+s29], $0x50, $0x38;
	[tilespmem:$0x1B880] =	vst v63  }
0x59: {  	s29 =	simm.s32 @!p2 $0x50;
	s30 =	simm.s32 @!p2 $0x16880;
	p0 =	seq.s32 s1, $0x1  }
0x5a: {  	[tilespmem:s30], [sflag:$0x1] =	stream.indirect.gather @!p2 [hbm4b:s4+s29], $0x80, s28, s29, $0xb8;
	[tilespmem:$0x1B880] =	vst v63  }
0x5b: {  	s1 =	simm.s32 @!p2 $0x0;
	s28 =	sadd.s32 $0xA, s17;
	s29 =	simm.s32 $0x140A0  }
.LBB2_6:
0x5c: {  	s0 =	simm.s32 @!p2 $0x16780;
	s6 =	simm.s32 @p0 $0x2  }
0x5d: {  	s7 =	smov.u32 s26;
	s26 =	sadd.s32 $0x1, s26;
	s30 =	smov.u32 s29  }
0x5e: {  	[tilespmem:s0], [sflag:$0x3] =	stream.linear.gather @!p2 [hbm4b:s31+s1], $0x50, $0x38;
	[tilespmem:$0x1B880] =	vst v63  }
0x5f: {  	s0 =	simm.s32 @p0 $0x4;
	s1 =	simm.s32 @!p0 $0x1;
	_ =	swait.ge @p0 [sflag:s6], $0x2800  }
0x60: {  	s8 =	simm.s32 @p0 $0x16800;
	s9 =	simm.s32 @p0 $0x19080;
	[sflag:s6] =	ssyncset.done @p0 $0x0  }
0x61: {  	s10 =	simm.s32 @!p0 $0x6;
	[sflag:s6] =	ssyncadd.s32 @p0 $0xFFFFD800;
	s6 =	simm.s32 @!p0 $0x3  }
0x62: {  	s13 =	simm.s32 @p0 $0x50;
	s12 =	sand.u32 $0x1, s26;
	_ =	swait.ge @p0 [sflag:s0], $0x50  }
0x63: {  	p1 =	sne.s32 s26, $0x7C;
	s31 =	smov.u32 s28;
	[sflag:s0] =	ssyncset.done @p0 $0x0  }
0x64: {  	[sflag:s0] =	ssyncadd.s32 @p0 $0xFFFFFFB0  }
0x65: {  	[spmem:s2] =	stream.indirect.scatter.add.f32 @p0 [tilespmem:s9], [sflag:$0x5], $0x80, s8, s13, $0xb8;
	[tilespmem:$0x1B880] =	vst v63  }
0x66: {  	_ =	swait.ge @!p0 [sflag:s1], $0x2800  }
0x67: {  	[sflag:s1] =	ssyncset.done @!p0 $0x0  }
0x68: {  	[sflag:s1] =	ssyncadd.s32 @!p0 $0xFFFFD800  }
0x69: {  	s0 =	simm.s32 @!p0 $0x16880;
	_ =	swait.ge @!p0 [sflag:s6], $0x50  }
0x6a: {  	s8 =	simm.s32 @!p0 $0x16780;
	s1 =	simm.s32 @!p0 $0x50;
	[sflag:s6] =	ssyncset.done @!p0 $0x0  }
0x6b: {  	s10 =	simm.s32 @p0 $0x5;
	p2 =	seq.s32 s12, $0x0;
	[sflag:s6] =	ssyncadd.s32 @!p0 $0xFFFFFFB0  }
0x6c: {  	[spmem:s2] =	stream.indirect.scatter.add.f32 @!p0 [tilespmem:s0], [sflag:$0x6], $0x80, s8, s1, $0xb8;
	[tilespmem:$0x1B880] =	vst v63  }
0x6d: {  	s0 =	simm.s32 @!p2 $0x50;
	s1 =	simm.s32 @!p2 $0x19080;
	_ =	swait.ge [sflag:s10], $0x2800  }
0x6e: {  	[sflag:s10] =	ssyncset.done $0x0  }
0x6f: {  	s28 =	sadd.s32 $0xA, s28;
	s6 =	sand.u32 $0x1, s7;
	[sflag:s10] =	ssyncadd.s32 $0xFFFFD800  }
0x70: {  	[tilespmem:s1], [sflag:$0x2] =	stream.indirect.gather @!p2 [hbm4b:s4+s0], $0x80, s29, s0, $0xb8;
	[tilespmem:$0x1B880] =	vst v63  }
.Ltmp2:
0x71: {  	s0 =	simm.s32 @!p2 $0x0;
	s1 =	simm.s32 @!p2 $0x16800;
	(pc) =	sbr.rel @p1 .LBB2_6-.Ltmp2, $4  }
0x72: {  	[tilespmem:s1], [sflag:$0x4] =	stream.linear.gather @!p2 [hbm4b:s31+s0], $0x50, $0x38;
	[tilespmem:$0x1B880] =	vst v63  }
0x73: {  	p0 =	seq.s32 s6, $0x1;
	s29 =	sadd.s32 $0x50, s29;
	p2 =	seq.s32 s6, $0x0  }
0x74: {  	s0 =	simm.s32 @!p2 $0x50;
	s6 =	simm.s32 @!p2 $0x16880;
	s1 =	simm.s32 @!p2 $0x0  }
0x75: {  	[tilespmem:s6], [sflag:$0x1] =	stream.indirect.gather @!p2 [hbm4b:s4+s0], $0x80, s30, s0, $0xb8;
	[tilespmem:$0x1B880] =	vst v63  }
0x76: {  	s0 =	simm.s32 @!p2 $0x16780;
	s6 =	simm.s32 @p0 $0x2  }
0x77: {  	[tilespmem:s0], [sflag:$0x3] =	stream.linear.gather @!p2 [hbm4b:s31+s1], $0x50, $0x38;
	[tilespmem:$0x1B880] =	vst v63  }
0x78: {  	_ =	swait.ge @p0 [sflag:s6], $0x2800  }
0x79: {  	[sflag:s6] =	ssyncset.done @p0 $0x0  }
0x7a: {  	s0 =	simm.s32 @p0 $0x4;
	[sflag:s6] =	ssyncadd.s32 @p0 $0xFFFFD800  }
0x7b: {  	_ =	swait.ge @p0 [sflag:s0], $0x50  }
0x7c: {  	s7 =	simm.s32 @p0 $0x19080;
	s8 =	simm.s32 @p0 $0x50;
	[sflag:s0] =	ssyncset.done @p0 $0x0  }
0x7d: {  	s1 =	simm.s32 @!p0 $0x1;
	s6 =	simm.s32 @p0 $0x16800;
	[sflag:s0] =	ssyncadd.s32 @p0 $0xFFFFFFB0  }
0x7e: {  	[spmem:s2] =	stream.indirect.scatter.add.f32 @p0 [tilespmem:s7], [sflag:$0x5], $0x80, s6, s8, $0xb8;
	[tilespmem:$0x1B880] =	vst v63  }
0x7f: {  	_ =	swait.ge @!p0 [sflag:s1], $0x2800  }
0x80: {  	[sflag:s1] =	ssyncset.done @!p0 $0x0  }
0x81: {  	s0 =	simm.s32 @!p0 $0x3;
	[sflag:s1] =	ssyncadd.s32 @!p0 $0xFFFFD800  }
0x82: {  	s6 =	simm.s32 @!p0 $0x16880;
	_ =	swait.ge @!p0 [sflag:s0], $0x50  }
0x83: {  	s7 =	simm.s32 @!p0 $0x50;
	s1 =	simm.s32 @!p0 $0x6;
	[sflag:s0] =	ssyncset.done @!p0 $0x0  }
0x84: {  	s8 =	simm.s32 @!p0 $0x16780;
	s1 =	simm.s32 @p0 $0x5;
	[sflag:s0] =	ssyncadd.s32 @!p0 $0xFFFFFFB0  }
0x85: {  	[spmem:s2] =	stream.indirect.scatter.add.f32 @!p0 [tilespmem:s6], [sflag:$0x6], $0x80, s8, s7, $0xb8;
	[tilespmem:$0x1B880] =	vst v63  }
0x86: {  	_ =	swait.ge [sflag:s1], $0x2800  }
0x87: {  	[sflag:s1] =	ssyncset.done $0x0  }
0x88: {  	[sflag:s1] =	ssyncadd.s32 $0xFFFFD800  }
0x89: {  	_ =	swait.ge [sflag:s23], $0x2800  }
0x8a: {  	[sflag:s23] =	ssyncset.done $0x0  }
0x8b: {  	[sflag:s23] =	ssyncadd.s32 $0xFFFFD800  }
0x8c: {  	_ =	swait.ge [sflag:s24], $0x50  }
0x8d: {  	[sflag:s24] =	ssyncset.done $0x0  }
0x8e: {  	[sflag:s24] =	ssyncadd.s32 $0xFFFFFFB0  }
0x8f: {  	[spmem:s2] =	stream.indirect.scatter.add.f32 [tilespmem:s18], [sflag:$0x6], $0x80, s22, s21, $0xb8;
	[tilespmem:$0x1B880] =	vst v63  }
0x90: {  	s30 =	stileid.u32;
	_ =	swait.ge [sflag:s25], $0x2800  }
0x91: {  	s3 =	sadd.s32 $0x1, s3;
	s31 =	sshrl.u32 s5, $0x3;
	[sflag:s25] =	ssyncset.done $0x0  }
0x92: {  	s0 =	sshll.u32 s30, $0x6;
	p0 =	sne.s32 s3, s16;
	[sflag:s25] =	ssyncadd.s32 $0xFFFFD800  }
.Ltmp3:
0x93: {  	s0 =	sor.u32 $0x1C05, s0;
	[bflag:$0x0] =	sbarrier.arrive $0xFFFF;
	(pc) =	sbr.rel @p0 .LBB2_1-.Ltmp3, $4  }
0x94: {  	[hbm:s15], [sflag:s0] =	dma.local [spmem:s31], $0x2800  }
0x95: {  	_ =	swait.ge [sflag:s19], $0x2800  }
0x96: {  	[sflag:s19] =	ssyncset.done $0x0  }
0x97: {  	[sflag:s19] =	ssyncadd.s32 $0xFFFFD800  }
0x98: {  	_ =	sfence.sel $0x180000  }
0x99: {  	[bflag:$0x0] =	sbarrier.arrive $0xFFFF  }
0x9a: {  	_ =	strace $0x90000053  }
0x9b: {  	s0 =	stileid.u32;
	[bflag:$0x2] =	sbarrier.arrive $0xFFFF  }
0x9c: {  	p0 =	sne.s32 s0, $0x0;
	s0 =	rddreg [dreg:$0x2]  }
0x9d: {  	s0 =	sadd.s32 @!p0 $0x100000, s0  }
0x9e: {  	[sflag:s0] =	ssyncadd.tile.s32 @!p0 $0x1;
	_ =	shalt  }
.Lfunc_end2:
_tile_overlayer_lowered:
.L_overlay_start_2:
0x9f: {  	(tag) =	ssettag $0x2  }
0xa0: {  	s0 =	rddreg [dreg:$0x0];
	s2 =	stileid.u32  }
0xa1: {  	s1 =	rddreg [dreg:$0x1];
	p0 =	sne.s32 s2, $0x0  }
0xa2: {  	s3 =	rddreg [dreg:$0x2];
	[bflag:$0x3] =	sbarrier.arrive $0xFFFF;
	s2 =	simm.s32 @!p0 $0x1C05  }
0xa3: {  	[timem:s3], [sflag:s2] =	dma.local @!p0 [hbm:s0], s1  }
0xa4: {  	s0 =	simm.s32 @!p0 $0x5  }
0xa5: {  	_ =	swait.ge @!p0 [sflag:s0], s1  }
0xa6: {  	s1 =	ssub.s32 @!p0 $0x0, s1;
	[sflag:s0] =	ssyncset.done @!p0 $0x0  }
0xa7: {  	[sflag:s0] =	ssyncadd.s32 @!p0 s1  }
0xa8: {  	[bflag:$0x3] =	sbarrier.arrive $0xFFFF  }
0xa9: {  	_ =	shalt  }

// kernel: kernel.28.cloned.1.call-start
scs
__scs_entry_jumppad:
0x0: {  	(pc) =	sbr.rel $0x88, $3  }
0x1: {  	(tag) =	ssettag $0x0;
	lr =	simm.s32 $0x1  }
0x2: {  	[smem:$0x3F94] =	sst lr;
	_ =	strace $0xD0000000  }
0x3: {  	_ = 	snop  }
0x4: {  	_ = 	snop  }
0x5: {  	_ = 	snop  }
0x6: {  	_ = 	snop  }
0x7: {  	_ = 	snop  }
__scs_overlays_trampoline_lowered:
0x8: {  	[smem:$0x3FA3] =	sst s0  }
0x9: {  	[smem:$0x3FA4] =	sst s1  }
0xa: {  	[smem:$0x3FA5] =	sst s2  }
0xb: {  	[smem:$0x3FA6] =	sst s3  }
0xc: {  	[smem:$0x3FA7] =	sst s4  }
0xd: {  	[smem:$0x3FA8] =	sst s5  }
0xe: {  	[smem:$0x3FA9] =	sst s6  }
0xf: {  	[smem:$0x3FAA] =	sst s7  }
0x10: {  	[smem:$0x3FAB] =	sst s8  }
0x11: {  	[smem:$0x3FAC] =	sst s9;
	s0 =	simm.s32 @!p0 $0x0  }
0x12: {  	s1 =	sld [smem:$0x3F92];
	s0 =	simm.s32 @p0 $0x1  }
0x13: {  	[smem:$0x3FAD] =	sst s0;
	s0 =	simm.s32 @!p1 $0x0  }
0x14: {  	s2 =	sld [smem:$0x3F91];
	s0 =	simm.s32 @p1 $0x1  }
0x15: {  	[smem:$0x3FAE] =	sst s0;
	s0 =	simm.s32 @!p2 $0x0  }
0x16: {  	s3 =	sld [smem:$0x3FDB];
	s0 =	simm.s32 @p2 $0x1  }
0x17: {  	s4 =	simm.s32 $0x1BF5;
	[smem:$0x3FB0] =	sst s0  }
0x18: {  	s0 =	sld [smem:$0x3F93];
	_ =	swait.ge [sflag:s4], $0x0  }
0x19: {  	s7 =	sld [smem:$0x3F94]  }
0x1a: {  	s8 =	sadd.s32 $0xFFFFE003, lr  }
0x1b: {  	s9 =	sadd.s32 $0xFFFFFEF7, lr;
	s5 =	simm.s32 $0xFFFFFFFF;
	p2 =	slt.u32 s8, $0xFFFFF086  }
0x1c: {  	p1 =	slt.u32 s9, $0xF7A;
	s5 =	simm.s32 @!p2 $0x0  }
0x1d: {  	s5 =	simm.s32 @p1 $0x1;
	p0 =	seq.s32 s7, s2  }
0x1e: {  	s7 =	smul.u32 @!p0 $0xF7A, s2;
	p2 =	seq.s32 @!p0 s5, $0x0  }
0x1f: {  	s9 =	smul.u32 $0xF7A, s1;
	s8 =	simm.s32 @!p0 $0x1BF5;
	p2 =	por !p2, p0  }
0x20: {  	[sflag:s8] =	ssyncset.s32 @!p0 $0xFFFFF086;
	s6 =	sadd.s32 @!p0 s3, s7;
	s7 =	simm.s32 @!p0 $0x108  }
0x21: {  	s3 =	sadd.s32 s3, s9;
	s6 =	sadd.s32 @!p0 $0x88, s6;
	s7 =	simm.s32 @p2 $0x1082  }
0x22: {  	[simem:s7], [sflag:s8] =	dma.local @!p0 [hbm:s6], $0xF7A  }
0x23: {  	s9 =	sor.u32 $0xD0000000, s2;
	s6 =	simm.s32 $0x108;
	_ =	swait.ge @!p0 [sflag:s8], $0x0  }
0x24: {  	s3 =	sadd.s32 $0x88, s3;
	s6 =	simm.s32 @!p1 $0x1082;
	[sflag:s4] =	ssyncset.s32 $0xFFFFF086  }
0x25: {  	[simem:s6], [sflag:s4] =	dma.local [hbm:s3], $0xF7A  }
0x26: {  	[smem:$0x3F94] =	sst s1;
	(tag) =	ssettag s2;
	_ =	strace s9  }
0x27: {  	s1 =	sld [smem:$0x3FA4]  }
0x28: {  	s2 =	sld [smem:$0x3FA5]  }
0x29: {  	s4 =	sld [smem:$0x3FA7]  }
0x2a: {  	p0 =	seq.s32 s5, $0x0;
	s5 =	sld [smem:$0x3FA8]  }
0x2b: {  	s6 =	sld [smem:$0x3FA9]  }
0x2c: {  	s7 =	sld [smem:$0x3FAA]  }
0x2d: {  	s3 =	simm.s32 $0x108;
	s8 =	sld [smem:$0x3FAB]  }
0x2e: {  	s3 =	simm.s32 @!p0 $0x1082;
	s9 =	sld [smem:$0x3FAC]  }
0x2f: {  	lr =	sadd.s32 s0, s3;
	s0 =	sld [smem:$0x3FA3]  }
0x30: {  	s3 =	sld [smem:$0x3FA6]  }
0x31: {  	[smem:$0x3FAF] =	sst s10  }
0x32: {  	s10 =	sld [smem:$0x3FAD];
	_ =	sdelay $0x3  }
0x33: {  	p0 =	seq.s32 s10, $0x1;
	s10 =	sld [smem:$0x3FAF];
	_ =	sdelay $0x3  }
0x34: {  	[smem:$0x3FAF] =	sst s10  }
0x35: {  	s10 =	sld [smem:$0x3FAE];
	_ =	sdelay $0x3  }
0x36: {  	p1 =	seq.s32 s10, $0x1;
	s10 =	sld [smem:$0x3FAF];
	_ =	sdelay $0x3  }
0x37: {  	[smem:$0x3FAF] =	sst s10  }
0x38: {  	s10 =	sld [smem:$0x3FB0]  }
0x39: {  	_ = 	snop;
	(pc) =	sbr.ind lr, $3  }
0x3a: {  	_ = 	snop  }
0x3b: {  	_ = 	snop  }
0x3c: {  	p2 =	seq.s32 s10, $0x1;
	s10 =	sld [smem:$0x3FAF]  }
0x3d: {  	_ =	shalt  }
0x3e: {  	_ =	shalt  }
0x3f: {  	_ =	shalt  }
0x40: {  	_ =	shalt  }
0x41: {  	_ =	shalt  }
0x42: {  	_ =	shalt  }
0x43: {  	_ =	shalt  }
0x44: {  	_ =	shalt  }
0x45: {  	_ =	shalt  }
0x46: {  	_ =	shalt  }
0x47: {  	_ =	shalt  }
0x48: {  	_ =	shalt  }
0x49: {  	_ =	shalt  }
0x4a: {  	_ =	shalt  }
0x4b: {  	_ =	shalt  }
0x4c: {  	_ =	shalt  }
0x4d: {  	_ =	shalt  }
0x4e: {  	_ =	shalt  }
0x4f: {  	_ =	shalt  }
0x50: {  	_ =	shalt  }
0x51: {  	_ =	shalt  }
0x52: {  	_ =	shalt  }
0x53: {  	_ =	shalt  }
0x54: {  	_ =	shalt  }
0x55: {  	_ =	shalt  }
0x56: {  	_ =	shalt  }
0x57: {  	_ =	shalt  }
0x58: {  	_ =	shalt  }
0x59: {  	_ =	shalt  }
0x5a: {  	_ =	shalt  }
0x5b: {  	_ =	shalt  }
0x5c: {  	_ =	shalt  }
0x5d: {  	_ =	shalt  }
0x5e: {  	_ =	shalt  }
0x5f: {  	_ =	shalt  }
0x60: {  	_ =	shalt  }
0x61: {  	_ =	shalt  }
0x62: {  	_ =	shalt  }
0x63: {  	_ =	shalt  }
0x64: {  	_ =	shalt  }
0x65: {  	_ =	shalt  }
0x66: {  	_ =	shalt  }
0x67: {  	_ =	shalt  }
0x68: {  	_ =	shalt  }
0x69: {  	_ =	shalt  }
0x6a: {  	_ =	shalt  }
0x6b: {  	_ =	shalt  }
0x6c: {  	_ =	shalt  }
0x6d: {  	_ =	shalt  }
0x6e: {  	_ =	shalt  }
0x6f: {  	_ =	shalt  }
0x70: {  	_ =	shalt  }
0x71: {  	_ =	shalt  }
0x72: {  	_ =	shalt  }
0x73: {  	_ =	shalt  }
0x74: {  	_ =	shalt  }
0x75: {  	_ =	shalt  }
0x76: {  	_ =	shalt  }
0x77: {  	_ =	shalt  }
0x78: {  	_ =	shalt  }
0x79: {  	_ =	shalt  }
0x7a: {  	_ =	shalt  }
0x7b: {  	_ =	shalt  }
0x7c: {  	_ =	shalt  }
0x7d: {  	_ =	shalt  }
0x7e: {  	_ =	shalt  }
0x7f: {  	_ =	shalt  }
0x80: {  	_ =	shalt  }
0x81: {  	_ =	shalt  }
0x82: {  	_ =	shalt  }
0x83: {  	_ =	shalt  }
0x84: {  	_ =	shalt  }
0x85: {  	_ =	shalt  }
0x86: {  	_ =	shalt  }
0x87: {  	_ =	shalt  }
.Lfunc_end0:
.L_simem_size_0:
called_computation.5_lowered:
.L_overlay_start_0:
0x88: {  	s2 =	sld [smem:$0x3FD9]  }
0x89: {  	s3 =	sld [smem:$0x3FFE];
	_ =	sdelay $0x1  }
0x8a: {  	s1 =	srdreg.scid  }
0x8b: {  	s0 =	sand.u32 $0x1, s1  }
0x8c: {  	s16 =	sshll.u32 s0, $0xA;
	s2 =	sadd.s32 s3, s2  }
0x8d: {  	s2 =	sadd.s32 s2, s16  }
0x8e: {  	[smem:$0x3FBB] =	sst s2  }
0x8f: {  	_ = 	snop  }
0x90: {  	(tm) =	ssettm $0x1  }
0x91: {  	s17 =	sld [smem:$0x3FFB];
	_ =	sdelay $0x3  }
0x92: {  	_ =	strace s17  }
0x93: {  	s2 =	sld [smem:$0x3FFC];
	_ =	sdelay $0x3  }
0x94: {  	_ =	strace s2  }
0x95: {  	s2 =	sld [smem:$0x3FFD];
	_ =	sdelay $0x3  }
0x96: {  	_ =	strace s2  }
0x97: {  	_ =	strace $0x8FFFFFFF  }
0x98: {  	s18 =	sld [smem:$0x3FDB];
	_ =	sdelay $0x1  }
0x99: {  	s19 =	simm.s32 $_scs_section_size  }
0x9a: {  	s4 =	simm.s32 $_size__tile_overlayer_lowered;
	s5 =	simm.s32 $_tile_overlayer_lowered  }
0x9b: {  	s22 =	simm.s32 $0x1BFF;
	s21 =	sshll.u32 s5, $0x1;
	s2 =	sadd.s32 s19, s18  }
0x9c: {  	s6 =	simm.s32 $0x0;
	s20 =	sshll.u32 s4, $0x1;
	s4 =	sadd.s32 s21, s2  }
0x9d: {  	[timem:s6], [sflag:s22] =	dma.local [hbm:s4], s20  }
0x9e: {  	_ =	swait.ge [sflag:s22], s20  }
0x9f: {  	s3 =	ssub.s32 $0x0, s20;
	[sflag:s22] =	ssyncset.done $0x0  }
0xa0: {  	[sflag:s22] =	ssyncadd.s32 s3;
	_ =	sdelay $0x1  }
0xa1: {  	s23 =	simm.s32 $0x1B8B  }
0xa2: {  	_ =	swait.ge [sflag:s23], $0x1  }
0xa3: {  	[sflag:s23] =	ssyncset.done $0x0  }
0xa4: {  	s25 =	simm.s32 $0x1B8E;
	s24 =	sld [smem:$0x3FFE];
	[sflag:s23] =	ssyncadd.s32 $0xFFFFFFFF  }
0xa5: {  	s26 =	simm.s32 $execute0_lowered;
	[smem:$0x3FD2] =	sst s25  }
0xa6: {  	s4 =	sshll.u32 s26, $0x1;
	_ =	strace $0x80000055;
	[dreg:$0x1] =	wrdreg $0xFFFFFFFF  }
0xa7: {  	s28 =	simm.s32 $_size_execute0_lowered;
	s2 =	sadd.s32 s2, s4;
	[dreg:$0x0] =	wrdreg $0x0  }
0xa8: {  	s4 =	sshll.u32 s28, $0x1;
	[dreg:$0x2] =	wrdreg s2  }
0xa9: {  	[dreg:$0x3] =	wrdreg s4  }
0xaa: {  	[dreg:$0x4] =	wrdreg $0xC0  }
0xab: {  	_ =	task [dreg:s6], $0x5FFFF  }
0xac: {  	[dreg:$0x1] =	wrdreg $0xFFFFFFFF  }
0xad: {  	[dreg:$0x0] =	wrdreg $0x60  }
0xae: {  	[dreg:$0x2] =	wrdreg s24  }
0xaf: {  	[dreg:$0x3] =	wrdreg $0x0  }
0xb0: {  	[dreg:$0x4] =	wrdreg $0x9  }
0xb1: {  	_ =	task.clear_ibuf [dreg:s6], $0x5FFFF;
	_ =	strace $0x90000055  }
0xb2: {  	s29 =	simm.s32 $0x9;
	_ =	strace $0x80000057  }
0xb3: {  	_ =	swait.ge [sflag:s29], $0x1  }
0xb4: {  	[sflag:s29] =	ssyncadd.s32 $0xFFFFFFFF  }
0xb5: {  	_ =	strace $0x90000057  }
0xb6: {  	_ =	sfence  }
0xb7: {  	s30 =	sld [smem:$0x0];
	_ =	sdelay $0x2  }
0xb8: {  	s31 =	sshll.u32 s1, $0xD;
	s1 =	sshrl.u32 s1, $0x2  }
0xb9: {  	s3 =	sand.u32 $0x4000, s31;
	s1 =	sadd.s32 s1, s30  }
0xba: {  	s0 =	sor.u32 s3, s0;
	s1 =	sshll.u32 s1, $0x11  }
0xbb: {  	s0 =	sor.u32 s1, s0  }
0xbc: {  	s0 =	sadd.s32 $0x8F2B, s0  }
0xbd: {  	[sflag:s0] =	ssyncadd.remote.s32 $0x1  }
0xbe: {  	_ =	sfence.sel $0xFFFF  }
0xbf: {  	[dreg:$0x0] =	wrdreg $0xFFFFFFFF;
	(pc) =	sbr.abs _section_cstart, $3  }
0xc0: {  	[dreg:$0x1] =	wrdreg $0xFFFFFFFF  }
0xc1: {  	_ =	task.clear_ibuf [dreg:s6], $0x2FFFF;
	_ =	strace $0x9FFFFFFF  }
0xc2: {  	(tm) =	ssettm $0x7FFFFFFF  }
0xc3: {  	_ =	shalt  }
tec
execute0_lowered:
.L_overlay_start_1:
0x0: {  	(tag) =	ssettag $0x1  }
0x1: {  	s0 =	stileid.u32  }
0x2: {  	s1 =	rddreg [dreg:$0x0];
	s4 =	smul.u32 $0x280, s0  }
0x3: {  	s3 =	srdreg.scid;
	s7 =	smul.u32 $0x50000, s0  }
0x4: {  	s2 =	rddreg [dreg:$0x1];
	s10 =	smul.u32 $0x2710, s0  }
0x5: {  	s5 =	sand.u32 $0x1, s3;
	s3 =	simm.s32 $0x0;
	s18 =	smul.u32 $0x4E2, s0  }
0x6: {  	s17 =	sadd.s32 $0x4800, s1;
	s23 =	smul.u32 $0x2800, s5;
	[smem:$0x7FF] =	sst s3  }
0x7: {  	s19 =	ssub.s32 $0x2, s5;
	_ =	strace $0x80000056;
	s20 =	sshrl.u32 s7, $0x2  }
0x8: {  	s21 =	sshrl.u32 s19, $0x1;
	s11 =	sshrl.u32 s10, $0x3;
	s31 =	sadd.s32 s18, s17  }
0x9: {  	s18 =	simm.s32 $0x16880;
	s6 =	sadd.s32 s4, s23;
	s4 =	sadd.s32 $0xE600, s1  }
0xa: {  	s5 =	sadd.s32 s20, s2;
	s16 =	ssub.s32 s19, s21;
	s11 =	sadd.s32 s17, s11  }
0xb: {  	s17 =	sadd.s32 $0xA, s31;
	s19 =	simm.s32 $0x5;
	s22 =	sadd.s32 $0x2800, s5  }
0xc: {  	s20 =	simm.s32 $0x14000;
	s24 =	sadd.s32 $0x5000, s5;
	[dreg:$0x3] =	wrdreg s22  }
0xd: {  	s21 =	simm.s32 $0x50;
	s25 =	sadd.s32 $0x7800, s5;
	[dreg:$0x4] =	wrdreg s24  }
0xe: {  	v0 =	vmov s23;
	s23 =	simm.s32 $0x1;
	s26 =	sadd.s32 $0xA000, s5;
	[dreg:$0x5] =	wrdreg s25  }
0xf: {  	s6 =	sshll.u32 s6, $0x4;
	s28 =	sadd.s32 $0xC800, s5;
	[dreg:$0x6] =	wrdreg s26  }
0x10: {  	s29 =	sadd.s32 $0xF000, s5;
	s30 =	sadd.s32 $0x11800, s5;
	[dreg:$0x7] =	wrdreg s28  }
0x11: {  	s14 =	sadd.s32 $0x4E20, s11;
	s16 =	smax.u32 s16, $0x1;
	[dreg:$0x8] =	wrdreg s29  }
0x12: {  	s1 =	sadd.s32 s6, s1;
	[dreg:$0x9] =	wrdreg s30;
	s22 =	simm.s32 $0x16780  }
0x13: {  	v1 =	vimm.f32 $0.0e+00;
	s24 =	simm.s32 $0x3;
	s25 =	simm.s32 $0x6;
	s15 =	sadd.s32 $0x5E600, s1  }
.LBB2_1:
0x14: {  	s26 =	simm.s32 $0x0;
	s28 =	simm.s32 $0x200  }
.LBB2_2:
0x15: {  	p0 =	sne.s32 s28, $0x9E00;
	[tilespmem:s26+$0x168F0] =	vst v1  }
0x16: {  	[tilespmem:s26+$0x16880] =	vst v1  }
0x17: {  	[tilespmem:s26+$0x16890] =	vst v1  }
.Ltmp0:
0x18: {  	[tilespmem:s26+$0x168A0] =	vst v1;
	(pc) =	sbr.rel @p0 .LBB2_2-.Ltmp0, $4  }
0x19: {  	[tilespmem:s26+$0x168B0] =	vst v1  }
0x1a: {  	[tilespmem:s26+$0x168C0] =	vst v1  }
0x1b: {  	[tilespmem:s26+$0x168D0] =	vst v1  }
0x1c: {  	[tilespmem:s26+$0x168E0] =	vst v1;
	s26 =	sshra.s32 s28, $0x2;
	s28 =	sadd.s32 $0x200, s28  }
0x1d: {  	[tilespmem:s26+$0x168F0] =	vst v1  }
0x1e: {  	[tilespmem:s26+$0x16880] =	vst v1  }
0x1f: {  	[tilespmem:s26+$0x16890] =	vst v1  }
0x20: {  	[tilespmem:s26+$0x168A0] =	vst v1  }
0x21: {  	[tilespmem:s26+$0x168B0] =	vst v1  }
0x22: {  	[tilespmem:s26+$0x168C0] =	vst v1  }
0x23: {  	[tilespmem:s26+$0x168D0] =	vst v1  }
0x24: {  	[tilespmem:s26+$0x168E0] =	vst v1  }
0x25: {  	[spmem:s5] =	stream.linear.scatter [tilespmem:s18], [sflag:$0x5], $0x2800, $0x38;
	[tilespmem:$0x1B880] =	vst v63  }
0x26: {  	_ =	swait.ge [sflag:s19], $0x2800  }
0x27: {  	[sflag:s19] =	ssyncset.done $0x0  }
0x28: {  	s0 =	rddreg [dreg:$0x3];
	[sflag:s19] =	ssyncadd.s32 $0xFFFFD800  }
0x29: {  	[spmem:s0] =	stream.linear.scatter [tilespmem:s18], [sflag:$0x5], $0x2800, $0x38;
	[tilespmem:$0x1B880] =	vst v63  }
0x2a: {  	_ =	swait.ge [sflag:s19], $0x2800  }
0x2b: {  	[sflag:s19] =	ssyncset.done $0x0  }
0x2c: {  	s13 =	rddreg [dreg:$0x4];
	[sflag:s19] =	ssyncadd.s32 $0xFFFFD800  }
0x2d: {  	[spmem:s13] =	stream.linear.scatter [tilespmem:s18], [sflag:$0x5], $0x2800, $0x38;
	[tilespmem:$0x1B880] =	vst v63  }
0x2e: {  	_ =	swait.ge [sflag:s19], $0x2800  }
0x2f: {  	[sflag:s19] =	ssyncset.done $0x0  }
0x30: {  	s26 =	rddreg [dreg:$0x5];
	[sflag:s19] =	ssyncadd.s32 $0xFFFFD800  }
0x31: {  	[spmem:s26] =	stream.linear.scatter [tilespmem:s18], [sflag:$0x5], $0x2800, $0x38;
	[tilespmem:$0x1B880] =	vst v63  }
0x32: {  	_ =	swait.ge [sflag:s19], $0x2800  }
0x33: {  	[sflag:s19] =	ssyncset.done $0x0  }
0x34: {  	s28 =	rddreg [dreg:$0x6];
	[sflag:s19] =	ssyncadd.s32 $0xFFFFD800  }
0x35: {  	[spmem:s28] =	stream.linear.scatter [tilespmem:s18], [sflag:$0x5], $0x2800, $0x38;
	[tilespmem:$0x1B880] =	vst v63  }
0x36: {  	_ =	swait.ge [sflag:s19], $0x2800  }
0x37: {  	[sflag:s19] =	ssyncset.done $0x0  }
0x38: {  	s29 =	rddreg [dreg:$0x7];
	[sflag:s19] =	ssyncadd.s32 $0xFFFFD800  }
0x39: {  	[spmem:s29] =	stream.linear.scatter [tilespmem:s18], [sflag:$0x5], $0x2800, $0x38;
	[tilespmem:$0x1B880] =	vst v63  }
0x3a: {  	_ =	swait.ge [sflag:s19], $0x2800  }
0x3b: {  	[sflag:s19] =	ssyncset.done $0x0  }
0x3c: {  	s30 =	rddreg [dreg:$0x8];
	[sflag:s19] =	ssyncadd.s32 $0xFFFFD800  }
0x3d: {  	[spmem:s30] =	stream.linear.scatter [tilespmem:s18], [sflag:$0x5], $0x2800, $0x38;
	[tilespmem:$0x1B880] =	vst v63  }
0x3e: {  	_ =	swait.ge [sflag:s19], $0x2800  }
0x3f: {  	[sflag:s19] =	ssyncset.done $0x0  }
0x40: {  	s31 =	rddreg [dreg:$0x9];
	[sflag:s19] =	ssyncadd.s32 $0xFFFFD800  }
0x41: {  	[spmem:s31] =	stream.linear.scatter [tilespmem:s18], [sflag:$0x5], $0x2800, $0x38;
	[tilespmem:$0x1B880] =	vst v63  }
0x42: {  	_ =	swait.ge [sflag:s19], $0x2800  }
0x43: {  	[sflag:s19] =	ssyncset.done $0x0  }
0x44: {  	s1 =	simm.s32 $0x0;
	[sflag:s19] =	ssyncadd.s32 $0xFFFFD800  }
0x45: {  	[tilespmem:s20], [sflag:$0x5] =	stream.linear.gather [hbm4b:s14+s1], $0x2710, $0x38;
	[tilespmem:$0x1B880] =	vst v63  }
0x46: {  	_ =	swait.ge [sflag:s19], $0x2710  }
0x47: {  	[sflag:s19] =	ssyncset.done $0x0  }
0x48: {  	s26 =	simm.s32 $0x0;
	s1 =	simm.s32 $0x40;
	[sflag:s19] =	ssyncadd.s32 $0xFFFFD8F0  }
.LBB2_4:
0x49: {  	p0 =	sne.s32 s1, $0x9C00;
	v2 =	vld [tilespmem:s26+$0x14000];
	_ =	sdelay $0x1  }
.Ltmp1:
0x4a: {  	(pc) =	sbr.rel @p0 .LBB2_4-.Ltmp1, $3  }
0x4b: {  	_ =	sdelay $0x1  }
0x4c: {  	v2 =	vadd.s32 v0, v2  }
0x4d: {  	[tilespmem:s26+$0x14000] =	vst v2;
	s26 =	sshra.s32 s1, $0x2;
	s1 =	sadd.s32 $0x40, s1  }
0x4e: {  	v2 =	vld [tilespmem:s26+$0x14000];
	_ =	sdelay $0x4  }
0x4f: {  	v2 =	vadd.s32 v0, v2  }
0x50: {  	[tilespmem:s26+$0x14000] =	vst v2;
	s26 =	simm.s32 $0x1  }
0x51: {  	s1 =	simm.s32 $0x0;
	[bflag:$0x0] =	sbarrier.arrive $0xFFFF;
	s28 =	sand.u32 $0x1, s26  }
0x52: {  	[tilespmem:s18], [sflag:$0x1] =	stream.indirect.gather [hbm4b:s4+s21], $0x80, s20, s21, $0xb8;
	[tilespmem:$0x1B880] =	vst v63  }
0x53: {  	s31 =	smov.u32 s17;
	p0 =	seq.s32 s28, $0x0;
	s28 =	simm.s32 $0x14050  }
0x54: {  	[tilespmem:s22], [sflag:$0x3] =	stream.linear.gather [hbm4b:s11+s1], $0x50, $0x38;
	[tilespmem:$0x1B880] =	vst v63  }
0x55: {  	s29 =	simm.s32 @!p0 $0x50;
	s30 =	simm.s32 @!p0 $0x19080;
	s1 =	sand.u32 $0x1, s1  }
0x56: {  	[tilespmem:s30], [sflag:$0x2] =	stream.indirect.gather @!p0 [hbm4b:s4+s29], $0x80, s28, s29, $0xb8;
	[tilespmem:$0x1B880] =	vst v63  }
0x57: {  	p2 =	seq.s32 s1, $0x0;
	s29 =	simm.s32 @!p0 $0x0;
	s30 =	simm.s32 @!p0 $0x16800  }
0x58: {  	[tilespmem:s30], [sflag:$0x4] =	stream.linear.gather @!p0 [hbm4b:s17+s29], $0x50, $0x38;
	[tilespmem:$0x1B880] =	vst v63  }
0x59: {  	s29 =	simm.s32 @!p2 $0x50;
	s30 =	simm.s32 @!p2 $0x16880;
	p0 =	seq.s32 s1, $0x1  }
0x5a: {  	[tilespmem:s30], [sflag:$0x1] =	stream.indirect.gather @!p2 [hbm4b:s4+s29], $0x80, s28, s29, $0xb8;
	[tilespmem:$0x1B880] =	vst v63  }
0x5b: {  	s1 =	simm.s32 @!p2 $0x0;
	s28 =	sadd.s32 $0xA, s17;
	s29 =	simm.s32 $0x140A0  }
.LBB2_6:
0x5c: {  	s0 =	simm.s32 @!p2 $0x16780;
	s6 =	simm.s32 @p0 $0x2  }
0x5d: {  	s7 =	smov.u32 s26;
	s26 =	sadd.s32 $0x1, s26;
	s30 =	smov.u32 s29  }
0x5e: {  	[tilespmem:s0], [sflag:$0x3] =	stream.linear.gather @!p2 [hbm4b:s31+s1], $0x50, $0x38;
	[tilespmem:$0x1B880] =	vst v63  }
0x5f: {  	s0 =	simm.s32 @p0 $0x4;
	s1 =	simm.s32 @!p0 $0x1;
	_ =	swait.ge @p0 [sflag:s6], $0x2800  }
0x60: {  	s8 =	simm.s32 @p0 $0x16800;
	s9 =	simm.s32 @p0 $0x19080;
	[sflag:s6] =	ssyncset.done @p0 $0x0  }
0x61: {  	s10 =	simm.s32 @!p0 $0x6;
	[sflag:s6] =	ssyncadd.s32 @p0 $0xFFFFD800;
	s6 =	simm.s32 @!p0 $0x3  }
0x62: {  	s13 =	simm.s32 @p0 $0x50;
	s12 =	sand.u32 $0x1, s26;
	_ =	swait.ge @p0 [sflag:s0], $0x50  }
0x63: {  	p1 =	sne.s32 s26, $0x7C;
	s31 =	smov.u32 s28;
	[sflag:s0] =	ssyncset.done @p0 $0x0  }
0x64: {  	[sflag:s0] =	ssyncadd.s32 @p0 $0xFFFFFFB0  }
0x65: {  	[spmem:s2] =	stream.indirect.scatter.add.f32 @p0 [tilespmem:s9], [sflag:$0x5], $0x80, s8, s13, $0xb8;
	[tilespmem:$0x1B880] =	vst v63  }
0x66: {  	_ =	swait.ge @!p0 [sflag:s1], $0x2800  }
0x67: {  	[sflag:s1] =	ssyncset.done @!p0 $0x0  }
0x68: {  	[sflag:s1] =	ssyncadd.s32 @!p0 $0xFFFFD800  }
0x69: {  	s0 =	simm.s32 @!p0 $0x16880;
	_ =	swait.ge @!p0 [sflag:s6], $0x50  }
0x6a: {  	s8 =	simm.s32 @!p0 $0x16780;
	s1 =	simm.s32 @!p0 $0x50;
	[sflag:s6] =	ssyncset.done @!p0 $0x0  }
0x6b: {  	s10 =	simm.s32 @p0 $0x5;
	p2 =	seq.s32 s12, $0x0;
	[sflag:s6] =	ssyncadd.s32 @!p0 $0xFFFFFFB0  }
0x6c: {  	[spmem:s2] =	stream.indirect.scatter.add.f32 @!p0 [tilespmem:s0], [sflag:$0x6], $0x80, s8, s1, $0xb8;
	[tilespmem:$0x1B880] =	vst v63  }
0x6d: {  	s0 =	simm.s32 @!p2 $0x50;
	s1 =	simm.s32 @!p2 $0x19080;
	_ =	swait.ge [sflag:s10], $0x2800  }
0x6e: {  	[sflag:s10] =	ssyncset.done $0x0  }
0x6f: {  	s28 =	sadd.s32 $0xA, s28;
	s6 =	sand.u32 $0x1, s7;
	[sflag:s10] =	ssyncadd.s32 $0xFFFFD800  }
0x70: {  	[tilespmem:s1], [sflag:$0x2] =	stream.indirect.gather @!p2 [hbm4b:s4+s0], $0x80, s29, s0, $0xb8;
	[tilespmem:$0x1B880] =	vst v63  }
.Ltmp2:
0x71: {  	s0 =	simm.s32 @!p2 $0x0;
	s1 =	simm.s32 @!p2 $0x16800;
	(pc) =	sbr.rel @p1 .LBB2_6-.Ltmp2, $4  }
0x72: {  	[tilespmem:s1], [sflag:$0x4] =	stream.linear.gather @!p2 [hbm4b:s31+s0], $0x50, $0x38;
	[tilespmem:$0x1B880] =	vst v63  }
0x73: {  	p0 =	seq.s32 s6, $0x1;
	s29 =	sadd.s32 $0x50, s29;
	p2 =	seq.s32 s6, $0x0  }
0x74: {  	s0 =	simm.s32 @!p2 $0x50;
	s6 =	simm.s32 @!p2 $0x16880;
	s1 =	simm.s32 @!p2 $0x0  }
0x75: {  	[tilespmem:s6], [sflag:$0x1] =	stream.indirect.gather @!p2 [hbm4b:s4+s0], $0x80, s30, s0, $0xb8;
	[tilespmem:$0x1B880] =	vst v63  }
0x76: {  	s0 =	simm.s32 @!p2 $0x16780;
	s6 =	simm.s32 @p0 $0x2  }
0x77: {  	[tilespmem:s0], [sflag:$0x3] =	stream.linear.gather @!p2 [hbm4b:s31+s1], $0x50, $0x38;
	[tilespmem:$0x1B880] =	vst v63  }
0x78: {  	_ =	swait.ge @p0 [sflag:s6], $0x2800  }
0x79: {  	[sflag:s6] =	ssyncset.done @p0 $0x0  }
0x7a: {  	s0 =	simm.s32 @p0 $0x4;
	[sflag:s6] =	ssyncadd.s32 @p0 $0xFFFFD800  }
0x7b: {  	_ =	swait.ge @p0 [sflag:s0], $0x50  }
0x7c: {  	s7 =	simm.s32 @p0 $0x19080;
	s8 =	simm.s32 @p0 $0x50;
	[sflag:s0] =	ssyncset.done @p0 $0x0  }
0x7d: {  	s1 =	simm.s32 @!p0 $0x1;
	s6 =	simm.s32 @p0 $0x16800;
	[sflag:s0] =	ssyncadd.s32 @p0 $0xFFFFFFB0  }
0x7e: {  	[spmem:s2] =	stream.indirect.scatter.add.f32 @p0 [tilespmem:s7], [sflag:$0x5], $0x80, s6, s8, $0xb8;
	[tilespmem:$0x1B880] =	vst v63  }
0x7f: {  	_ =	swait.ge @!p0 [sflag:s1], $0x2800  }
0x80: {  	[sflag:s1] =	ssyncset.done @!p0 $0x0  }
0x81: {  	s0 =	simm.s32 @!p0 $0x3;
	[sflag:s1] =	ssyncadd.s32 @!p0 $0xFFFFD800  }
0x82: {  	s6 =	simm.s32 @!p0 $0x16880;
	_ =	swait.ge @!p0 [sflag:s0], $0x50  }
0x83: {  	s7 =	simm.s32 @!p0 $0x50;
	s1 =	simm.s32 @!p0 $0x6;
	[sflag:s0] =	ssyncset.done @!p0 $0x0  }
0x84: {  	s8 =	simm.s32 @!p0 $0x16780;
	s1 =	simm.s32 @p0 $0x5;
	[sflag:s0] =	ssyncadd.s32 @!p0 $0xFFFFFFB0  }
0x85: {  	[spmem:s2] =	stream.indirect.scatter.add.f32 @!p0 [tilespmem:s6], [sflag:$0x6], $0x80, s8, s7, $0xb8;
	[tilespmem:$0x1B880] =	vst v63  }
0x86: {  	_ =	swait.ge [sflag:s1], $0x2800  }
0x87: {  	[sflag:s1] =	ssyncset.done $0x0  }
0x88: {  	[sflag:s1] =	ssyncadd.s32 $0xFFFFD800  }
0x89: {  	_ =	swait.ge [sflag:s23], $0x2800  }
0x8a: {  	[sflag:s23] =	ssyncset.done $0x0  }
0x8b: {  	[sflag:s23] =	ssyncadd.s32 $0xFFFFD800  }
0x8c: {  	_ =	swait.ge [sflag:s24], $0x50  }
0x8d: {  	[sflag:s24] =	ssyncset.done $0x0  }
0x8e: {  	[sflag:s24] =	ssyncadd.s32 $0xFFFFFFB0  }
0x8f: {  	[spmem:s2] =	stream.indirect.scatter.add.f32 [tilespmem:s18], [sflag:$0x6], $0x80, s22, s21, $0xb8;
	[tilespmem:$0x1B880] =	vst v63  }
0x90: {  	s30 =	stileid.u32;
	_ =	swait.ge [sflag:s25], $0x2800  }
0x91: {  	s3 =	sadd.s32 $0x1, s3;
	s31 =	sshrl.u32 s5, $0x3;
	[sflag:s25] =	ssyncset.done $0x0  }
0x92: {  	s0 =	sshll.u32 s30, $0x6;
	p0 =	sne.s32 s3, s16;
	[sflag:s25] =	ssyncadd.s32 $0xFFFFD800  }
.Ltmp3:
0x93: {  	s0 =	sor.u32 $0x1C05, s0;
	[bflag:$0x0] =	sbarrier.arrive $0xFFFF;
	(pc) =	sbr.rel @p0 .LBB2_1-.Ltmp3, $4  }
0x94: {  	[hbm:s15], [sflag:s0] =	dma.local [spmem:s31], $0x2800  }
0x95: {  	_ =	swait.ge [sflag:s19], $0x2800  }
0x96: {  	[sflag:s19] =	ssyncset.done $0x0  }
0x97: {  	[sflag:s19] =	ssyncadd.s32 $0xFFFFD800  }
0x98: {  	_ =	sfence.sel $0x180000  }
0x99: {  	[bflag:$0x0] =	sbarrier.arrive $0xFFFF  }
0x9a: {  	_ =	strace $0x90000056  }
0x9b: {  	s0 =	stileid.u32;
	[bflag:$0x2] =	sbarrier.arrive $0xFFFF  }
0x9c: {  	p0 =	sne.s32 s0, $0x0;
	s0 =	rddreg [dreg:$0x2]  }
0x9d: {  	s0 =	sadd.s32 @!p0 $0x100000, s0  }
0x9e: {  	[sflag:s0] =	ssyncadd.tile.s32 @!p0 $0x1;
	_ =	shalt  }
.Lfunc_end2:
_tile_overlayer_lowered:
.L_overlay_start_2:
0x9f: {  	(tag) =	ssettag $0x2  }
0xa0: {  	s0 =	rddreg [dreg:$0x0];
	s2 =	stileid.u32  }
0xa1: {  	s1 =	rddreg [dreg:$0x1];
	p0 =	sne.s32 s2, $0x0  }
0xa2: {  	s3 =	rddreg [dreg:$0x2];
	[bflag:$0x3] =	sbarrier.arrive $0xFFFF;
	s2 =	simm.s32 @!p0 $0x1C05  }
0xa3: {  	[timem:s3], [sflag:s2] =	dma.local @!p0 [hbm:s0], s1  }
0xa4: {  	s0 =	simm.s32 @!p0 $0x5  }
0xa5: {  	_ =	swait.ge @!p0 [sflag:s0], s1  }
0xa6: {  	s1 =	ssub.s32 @!p0 $0x0, s1;
	[sflag:s0] =	ssyncset.done @!p0 $0x0  }
0xa7: {  	[sflag:s0] =	ssyncadd.s32 @!p0 s1  }
0xa8: {  	[bflag:$0x3] =	sbarrier.arrive $0xFFFF  }
0xa9: {  	_ =	shalt  }

</sc_bundles>
